<compile_context>
chip_gen: v7x
topology: tpu7x:2x2x1
jax: 0.10.2.dev20260603
libtpu: 0.0.44.dev20260713+nightly
codegen_flags: <defaults>
</compile_context>

<pallas_src>
import functools

import jax
import jax.numpy as jnp
import numpy as np
from jax import lax
from jax.experimental import pallas as pl
from jax.experimental.pallas import tpu as pltpu
from jax.experimental.pallas import tpu_sc as plsc

EPS_GIN = 0.1
BN_EPS = 1e-5
LN_EPS = 1e-5

NC = 2
NS = 16
CHUNK = 80


NBUF = 3


def _sc_pass(table, dst, n_pad, nchunk, gather):

  hd = table.shape[1]
  ept = nchunk * CHUNK
  rows_per_tile = n_pad // NS

  mesh = plsc.VectorSubcoreMesh(core_axis_name="c", subcore_axis_name="s")

  scratch = []
  scratch += [pltpu.VMEM((CHUNK,), jnp.int32)] * (NBUF if gather else 0)
  scratch += [pltpu.VMEM((CHUNK,), jnp.int32)] * NBUF
  scratch += [pltpu.VMEM((CHUNK,), jnp.int32)] * NBUF
  scratch += [pltpu.VMEM((CHUNK, hd), jnp.float32)] * NBUF
  scratch += [pltpu.VMEM_SHARED((n_pad, hd), jnp.float32)]
  scratch += [pltpu.SemaphoreType.DMA] * (3 * NBUF + 1)

  @functools.partial(
      pl.kernel,
      out_type=jax.ShapeDtypeStruct((NC, n_pad, hd), jnp.float32),
      mesh=mesh,
      scratch_types=scratch,
  )
  def pass_kernel(*refs):
    (src_hbm, dst_hbm, table_hbm, out_hbm), rest = refs[:4], list(refs[4:])
    if gather:
      sidx = [rest.pop(0) for _ in range(NBUF)]
    didx = [rest.pop(0) for _ in range(NBUF)]
    dscat = [rest.pop(0) for _ in range(NBUF)]
    rows = [rest.pop(0) for _ in range(NBUF)]
    aggsh = rest.pop(0)
    isem = [rest.pop(0) for _ in range(NBUF)]
    gsem = [rest.pop(0) for _ in range(NBUF)]
    ssem = [rest.pop(0) for _ in range(NBUF)]
    zsem = rest.pop(0)

    c = lax.axis_index("c")
    s = lax.axis_index("s")
    wid = c * NS + s
    base_e = wid * ept

    def issue_idx(k, b):
      if gather:
        pltpu.async_copy(src_hbm.at[pl.ds(base_e + k * CHUNK, CHUNK)],
                         sidx[b], isem[b])
      pltpu.async_copy(dst_hbm.at[pl.ds(base_e + k * CHUNK, CHUNK)],
                       didx[b], isem[b])

    def wait_idx(k, b):
      if gather:
        pltpu.make_async_copy(src_hbm.at[pl.ds(base_e + k * CHUNK, CHUNK)],
                              sidx[b], isem[b]).wait()
      pltpu.make_async_copy(dst_hbm.at[pl.ds(base_e + k * CHUNK, CHUNK)],
                            didx[b], isem[b]).wait()

    def rows_src(k, b):
      if gather:
        return table_hbm.at[sidx[b]]
      return table_hbm.at[pl.ds(base_e + k * CHUNK, CHUNK)]

    def issue_rows(k, b):
      pltpu.async_copy(rows_src(k, b), rows[b], gsem[b])

    def wait_rows(k, b):
      pltpu.make_async_copy(rows_src(k, b), rows[b], gsem[b]).wait()

    issue_idx(0, 0)

    def zfill(i, _):
      for j in range(hd // 16):
        rows[1][i, pl.ds(j * 16, 16)] = jnp.zeros((16,), jnp.float32)
      return _
    lax.fori_loop(0, CHUNK, zfill, None)

    nz = rows_per_tile // CHUNK

    def zissue(k, _):
      pltpu.async_copy(
          rows[1], aggsh.at[pl.ds(s * rows_per_tile + k * CHUNK, CHUNK)],
          zsem)
      return _
    lax.fori_loop(0, nz, zissue, None)

    def zwait(k, _):
      pltpu.make_async_copy(
          rows[1], aggsh.at[pl.ds(s * rows_per_tile + k * CHUNK, CHUNK)],
          zsem).wait()
      return _
    lax.fori_loop(0, nz, zwait, None)

    wait_idx(0, 0)
    issue_rows(0, 0)
    issue_idx(1, 1)
    plsc.subcore_barrier()

    def step(k, b, b1, b2):
      nk = jnp.minimum(k + 1, nchunk - 1)
      nk2 = jnp.minimum(k + 2, nchunk - 1)
      wait_idx(nk, b1)

      @pl.when(k >= NBUF - 1)
      def _():
        pltpu.make_async_copy(rows[b1], aggsh.at[dscat[b1]],
                              ssem[b1]).wait()
      issue_rows(nk, b1)
      wait_rows(k, b)
      for j in range(CHUNK // 16):
        dscat[b][pl.ds(j * 16, 16)] = didx[b][pl.ds(j * 16, 16)]
      pltpu.async_copy(rows[b], aggsh.at[dscat[b]], ssem[b], add=True)
      issue_idx(nk2, b2)

    def chunk_iter(k, _):
      r = lax.rem(k, NBUF)
      for b in range(NBUF):
        @pl.when(r == b)
        def _(b=b):
          step(k, b, (b + 1) % NBUF, (b + 2) % NBUF)
      return _
    lax.fori_loop(0, nchunk, chunk_iter, None)

    gb = nchunk % NBUF
    ib = (nchunk + 1) % NBUF
    wait_rows(nchunk - 1, gb)
    wait_idx(nchunk - 1, ib)
    for kk in range(nchunk - NBUF + 1, nchunk):
      b = kk % NBUF
      pltpu.make_async_copy(rows[b], aggsh.at[dscat[b]], ssem[b]).wait()
    plsc.subcore_barrier()

    pltpu.sync_copy(aggsh.at[pl.ds(s * rows_per_tile, rows_per_tile)],
                    out_hbm.at[c].at[pl.ds(s * rows_per_tile, rows_per_tile)])

  return pass_kernel


def _sc_agg(src, dst, table, n_pad, nchunk, gather):
  k = _sc_pass(table, dst, n_pad, nchunk, gather)
  return k(src, dst, table)


def _encode2_kernel(ea_ref, we_ref, be_ref, x_ref, wn_ref, bn_ref,
                    he_ref, h_ref, *, ne_blocks):
  i = pl.program_id(0)

  @pl.when(i < ne_blocks)
  def _():
    he_ref[...] = jnp.maximum(
        jnp.dot(ea_ref[...], we_ref[...], preferred_element_type=jnp.float32)
        + be_ref[...], 0.0)

  @pl.when(i >= ne_blocks)
  def _():
    h_ref[...] = jnp.maximum(
        jnp.dot(x_ref[...], wn_ref[...], preferred_element_type=jnp.float32)
        + bn_ref[...], 0.0)


def _encode2(edge_attr, we_t, be, x, wn_t, bn, eblk, nblk):
  e = edge_attr.shape[0]
  n = x.shape[0]
  hd = we_t.shape[1]
  ne_blocks = e // eblk
  nn_blocks = n // nblk
  full = lambda a: pl.BlockSpec(a.shape, lambda i: (0, 0))
  kern = functools.partial(_encode2_kernel, ne_blocks=ne_blocks)
  return pl.pallas_call(
      kern,
      grid=(ne_blocks + nn_blocks,),
      in_specs=[
          pl.BlockSpec((eblk, edge_attr.shape[1]),
                       lambda i: (jnp.minimum(i, ne_blocks - 1), 0)),
          full(we_t), full(be),
          pl.BlockSpec((nblk, x.shape[1]),
                       lambda i: (jnp.maximum(i - ne_blocks, 0), 0)),
          full(wn_t), full(bn),
      ],
      out_specs=[
          pl.BlockSpec((eblk, hd), lambda i: (jnp.minimum(i, ne_blocks - 1),
                                              0)),
          pl.BlockSpec((nblk, hd), lambda i: (jnp.maximum(i - ne_blocks, 0),
                                              0)),
      ],
      out_shape=[
          jax.ShapeDtypeStruct((e, hd), jnp.float32),
          jax.ShapeDtypeStruct((n, hd), jnp.float32),
      ],
  )(edge_attr, we_t, be, x, wn_t, bn)


def _layer_kernel(h_ref, a0_ref, a1_ref, a2_ref, a3_ref, w1_ref, b1_ref,
                  w2_ref, b2_ref, o_ref):
  z = ((1.0 + EPS_GIN) * h_ref[...] + a0_ref[...] + a1_ref[...]
       + a2_ref[...] + a3_ref[...])
  z = jnp.maximum(
      jnp.dot(z, w1_ref[...], preferred_element_type=jnp.float32)
      + b1_ref[...], 0.0)
  o_ref[...] = jnp.maximum(
      jnp.dot(z, w2_ref[...], preferred_element_type=jnp.float32)
      + b2_ref[...], 0.0)


def _layer_mlp(h, a0, a1, a2, a3, w1_t, b1, w2_t, b2, blk):
  n, hd = h.shape
  full = lambda a: pl.BlockSpec(a.shape, lambda i: (0, 0))
  rows = pl.BlockSpec((blk, hd), lambda i: (i, 0))
  return pl.pallas_call(
      _layer_kernel,
      grid=(n // blk,),
      in_specs=[rows, rows, rows, rows, rows,
                full(w1_t), full(b1), full(w2_t), full(b2)],
      out_specs=rows,
      out_shape=jax.ShapeDtypeStruct((n, hd), jnp.float32),
  )(h, a0, a1, a2, a3, w1_t, b1, w2_t, b2)


def _final_kernel(h_ref, batch_ref, lng_ref, lnb_ref, ow_ref, ob_ref,
                  p1w_ref, p1b_ref, p2w_ref, p2b_ref,
                  ho_ref, perf_ref, sums_ref, cnts_ref, *, num_groups,
                  nblocks):
  i = pl.program_id(0)
  hv = h_ref[...]
  mu = jnp.mean(hv, axis=1, keepdims=True)
  var = jnp.mean(jnp.square(hv), axis=1, keepdims=True) - jnp.square(mu)
  hn = (hv - mu) * lax.rsqrt(var + LN_EPS) * lng_ref[...] + lnb_ref[...]
  ho = jnp.maximum(
      jnp.dot(hn, ow_ref[...], preferred_element_type=jnp.float32)
      + ob_ref[...], 0.0)
  ho_ref[...] = ho

  bb = batch_ref[0]
  gi = lax.broadcasted_iota(jnp.int32, (num_groups, bb.shape[1]), 0)
  oh = (gi == bb).astype(jnp.float32)

  @pl.when(i == 0)
  def _():
    sums_ref[...] = jnp.zeros_like(sums_ref)
    cnts_ref[...] = jnp.zeros_like(cnts_ref)

  sums_ref[...] += jnp.dot(oh, ho, preferred_element_type=jnp.float32)
  cnts_ref[...] += jnp.sum(oh, axis=1, keepdims=True)

  @pl.when(i == nblocks - 1)
  def _():
    emb = sums_ref[...] / jnp.maximum(cnts_ref[...], 1.0)
    p = jnp.maximum(
        jnp.dot(emb, p1w_ref[...], preferred_element_type=jnp.float32)
        + p1b_ref[...], 0.0)
    perf_ref[...] = (jnp.dot(p, p2w_ref[...],
                             preferred_element_type=jnp.float32)
                     + p2b_ref[...])


def _final(h, batch2d, ln_g, ln_b, ow_t, ob, p1w_t, p1b, p2w_t, p2b, blk):
  n, hd = h.shape
  out_d = ow_t.shape[1]
  num_groups = 64
  nblocks = n // blk
  full = lambda a: pl.BlockSpec(a.shape, lambda i: (0, 0))
  kern = functools.partial(_final_kernel, num_groups=num_groups,
                           nblocks=nblocks)
  return pl.pallas_call(
      kern,
      grid=(nblocks,),
      in_specs=[
          pl.BlockSpec((blk, hd), lambda i: (i, 0)),
          pl.BlockSpec((1, 1, blk), lambda i: (i, 0, 0)),
          full(ln_g), full(ln_b), full(ow_t), full(ob),
          full(p1w_t), full(p1b), full(p2w_t), full(p2b),
      ],
      out_specs=[
          pl.BlockSpec((blk, out_d), lambda i: (i, 0)),
          pl.BlockSpec((num_groups, 1), lambda i: (0, 0)),
      ],
      out_shape=[
          jax.ShapeDtypeStruct((n, out_d), jnp.float32),
          jax.ShapeDtypeStruct((num_groups, 1), jnp.float32),
      ],
      scratch_shapes=[
          pltpu.VMEM((num_groups, out_d), jnp.float32),
          pltpu.VMEM((num_groups, 1), jnp.float32),
      ],
  )(h, batch2d, ln_g, ln_b, ow_t, ob, p1w_t, p1b, p2w_t, p2b)


def kernel(x, edge_index, edge_attr, batch, node_W, node_b, edge_W, edge_b,
           lin1_W, lin1_b, bn_g, bn_b, lin2_W, lin2_b, ln_g, ln_b,
           out_W, out_b, p1_W, p1_b, p2_W, p2_b):
  n, d_node = x.shape
  e = edge_attr.shape[0]
  hd = node_W.shape[0]
  num_layers = lin1_W.shape[0]
  num_groups = 64
  out_d = out_W.shape[0]

  blk = 2048
  n_pad = ((n + blk - 1) // blk) * blk

  x_p = jnp.pad(x, ((0, n_pad - n), (0, 0)))
  batch_p = jnp.pad(batch, (0, n_pad - n), constant_values=num_groups)
  batch2d = batch_p.reshape(n_pad // blk, 1, blk)

  nchunk = e // (NC * NS) // CHUNK
  src = edge_index[0]
  dst = edge_index[1]

  h_edge, h = _encode2(edge_attr, edge_W.T, edge_b.reshape(1, hd),
                       x_p, node_W.T, node_b.reshape(1, hd), 2560, blk)

  bn_scale = bn_g / jnp.sqrt(1.0 + BN_EPS)
  eff_w1 = jnp.transpose(lin1_W, (0, 2, 1)) * bn_scale[:, None, :]
  eff_b1 = lin1_b * bn_scale + bn_b

  eagg = _sc_agg(src, dst, h_edge, n_pad, nchunk, gather=False)

  for l in range(num_layers):
    agg = _sc_agg(src, dst, h, n_pad, nchunk, gather=True)
    h = _layer_mlp(h, agg[0], agg[1], eagg[0], eagg[1],
                   eff_w1[l], eff_b1[l].reshape(1, hd),
                   lin2_W[l].T, lin2_b[l].reshape(1, hd), blk)

  h_out, perf = _final(h, batch2d, ln_g.reshape(1, hd), ln_b.reshape(1, hd),
                       out_W.T, out_b.reshape(1, out_d),
                       p1_W.T, p1_b.reshape(1, p1_b.shape[0]),
                       p2_W.T, p2_b.reshape(1, 1), blk)
  return h_out[:n], perf.reshape(num_groups)

# --- scband reference (transcript-rebuilt; emitter-appended) ---
"""Pipeline reference for scband-graph-embedding-model-32796370272399 (READ-ONLY COPY).

The authoritative reference and input builder live on the scoring server;
editing this copy changes nothing except your own understanding.
"""

import jax, jax.numpy as jnp
import numpy as np

N = 10000
E = 320000
D_NODE = 128
D_EDGE = 16
H = 128
OUT = 32
L = 3
G = 64
EPS_GIN = 0.1
BN_EPS = 1e-5
LN_EPS = 1e-5


def setup_inputs(seed: int = 0) -> dict:
    key = jax.random.key(seed)
    ks = jax.random.split(key, 24)
    s = 0.05
    inp = {}
    inp['x'] = jax.random.normal(ks[0], (N, D_NODE), jnp.float32)
    inp['edge_index'] = jax.random.randint(ks[1], (2, E), 0, N, dtype=jnp.int32)
    inp['edge_attr'] = jax.random.normal(ks[2], (E, D_EDGE), jnp.float32)
    inp['batch'] = jnp.sort(jax.random.randint(ks[3], (N,), 0, G, dtype=jnp.int32))
    inp['node_W'] = jax.random.normal(ks[4], (H, D_NODE), jnp.float32) * s
    inp['node_b'] = jnp.zeros((H,), jnp.float32)
    inp['edge_W'] = jax.random.normal(ks[5], (H, D_EDGE), jnp.float32) * s
    inp['edge_b'] = jnp.zeros((H,), jnp.float32)
    inp['lin1_W'] = jax.random.normal(ks[6], (L, H, H), jnp.float32) * s
    inp['lin1_b'] = jnp.zeros((L, H), jnp.float32)
    inp['bn_g'] = jnp.ones((L, H), jnp.float32)
    inp['bn_b'] = jnp.zeros((L, H), jnp.float32)
    inp['lin2_W'] = jax.random.normal(ks[7], (L, H, H), jnp.float32) * s
    inp['lin2_b'] = jnp.zeros((L, H), jnp.float32)
    inp['ln_g'] = jnp.ones((H,), jnp.float32)
    inp['ln_b'] = jnp.zeros((H,), jnp.float32)
    inp['out_W'] = jax.random.normal(ks[8], (OUT, H), jnp.float32) * s
    inp['out_b'] = jnp.zeros((OUT,), jnp.float32)
    inp['p1_W'] = jax.random.normal(ks[9], (16, OUT), jnp.float32) * s
    inp['p1_b'] = jnp.zeros((16,), jnp.float32)
    inp['p2_W'] = jax.random.normal(ks[10], (1, 16), jnp.float32) * s
    inp['p2_b'] = jnp.zeros((1,), jnp.float32)
    return inp


def reference(x, edge_index, edge_attr, batch, node_W, node_b, edge_W, edge_b,
              lin1_W, lin1_b, bn_g, bn_b, lin2_W, lin2_b, ln_g, ln_b,
              out_W, out_b, p1_W, p1_b, p2_W, p2_b):
    src = edge_index[0]
    dst = edge_index[1]
    h = jax.nn.relu(x @ node_W.T + node_b)
    h_edge = jax.nn.relu(edge_attr @ edge_W.T + edge_b)
    for l in range(L):
        # GINEConv: out = nn((1+eps)*x_i + sum_j relu(x_j + e_ji))
        msg = jax.nn.relu(h[src] + h_edge)
        agg = jax.ops.segment_sum(msg, dst, num_segments=N)
        z = (1.0 + EPS_GIN) * h + agg
        z = z @ lin1_W[l].T + lin1_b[l]
        # BatchNorm1d in eval mode: running_mean=0, running_var=1
        z = (z - 0.0) / jnp.sqrt(1.0 + BN_EPS) * bn_g[l] + bn_b[l]
        z = jax.nn.relu(z)
        z = z @ lin2_W[l].T + lin2_b[l]
        h = jax.nn.relu(z)  # outer relu; dropout is identity in eval
    mu = jnp.mean(h, axis=-1, keepdims=True)
    var = jnp.var(h, axis=-1, keepdims=True)
    h_out = (h - mu) / jnp.sqrt(var + LN_EPS) * ln_g + ln_b
    h_out = jax.nn.relu(h_out @ out_W.T + out_b)
    sums = jax.ops.segment_sum(h_out, batch, num_segments=G)
    cnts = jax.ops.segment_sum(jnp.ones((N,), jnp.float32), batch, num_segments=G)
    graph_emb = sums / jnp.maximum(cnts, 1.0)[:, None]
    p = jax.nn.relu(graph_emb @ p1_W.T + p1_b)
    performance = (p @ p2_W.T + p2_b)[:, 0]
    return (h_out, performance)

if __name__ == "__main__":
    import jax
    _d = setup_inputs()
    print(jax.jit(kernel)(*tuple(_d.values())))

</pallas_src>

<mosaic_0001>
#map = affine_map<(d0, d1) -> (0)>
#map1 = affine_map<(d0, d1) -> (0, 0)>
#map2 = affine_map<(d0, d1) -> (0, 0, 0)>
module attributes {stable_mosaic.version = 14 : i64} {
  func.func @pass_kernel(%arg0: i32, %arg1: i32, %arg2: memref<320000xi32, #tpu.memory_space<hbm>>, %arg3: memref<320000xi32, #tpu.memory_space<hbm>>, %arg4: memref<10240x128xf32, #tpu.memory_space<hbm>>, %arg5: memref<2x10240x128xf32, #tpu.memory_space<hbm>>, %arg6: memref<80xi32, #tpu.memory_space<vmem>>, %arg7: memref<80xi32, #tpu.memory_space<vmem>>, %arg8: memref<80xi32, #tpu.memory_space<vmem>>, %arg9: memref<80xi32, #tpu.memory_space<vmem>>, %arg10: memref<80xi32, #tpu.memory_space<vmem>>, %arg11: memref<80xi32, #tpu.memory_space<vmem>>, %arg12: memref<80xi32, #tpu.memory_space<vmem>>, %arg13: memref<80xi32, #tpu.memory_space<vmem>>, %arg14: memref<80xi32, #tpu.memory_space<vmem>>, %arg15: memref<80x128xf32, #tpu.memory_space<vmem>>, %arg16: memref<80x128xf32, #tpu.memory_space<vmem>>, %arg17: memref<80x128xf32, #tpu.memory_space<vmem>>, %arg18: memref<10240x128xf32, #tpu.memory_space<vmem_shared>>, %arg19: memref<!tpu.dma_semaphore, #tpu.memory_space<semaphore_mem>>, %arg20: memref<!tpu.dma_semaphore, #tpu.memory_space<semaphore_mem>>, %arg21: memref<!tpu.dma_semaphore, #tpu.memory_space<semaphore_mem>>, %arg22: memref<!tpu.dma_semaphore, #tpu.memory_space<semaphore_mem>>, %arg23: memref<!tpu.dma_semaphore, #tpu.memory_space<semaphore_mem>>, %arg24: memref<!tpu.dma_semaphore, #tpu.memory_space<semaphore_mem>>, %arg25: memref<!tpu.dma_semaphore, #tpu.memory_space<semaphore_mem>>, %arg26: memref<!tpu.dma_semaphore, #tpu.memory_space<semaphore_mem>>, %arg27: memref<!tpu.dma_semaphore, #tpu.memory_space<semaphore_mem>>, %arg28: memref<!tpu.dma_semaphore, #tpu.memory_space<semaphore_mem>>) attributes {dimension_semantics = [#tpu.dimension_semantics<core_parallel>, #tpu.dimension_semantics<subcore_parallel>], iteration_bounds = array<i64: 2, 16>, scalar_prefetch = 0 : i64, scratch_operands = 23 : i64, tpu.core_type = #tpu.core_type<sc_vector_subcore>, window_params = [{transform_indices = #map}, {transform_indices = #map}, {transform_indices = #map1}, {transform_indices = #map2}]} {
    %mul3A = arith.constant 16 : i32
    %mul3A_0 = arith.muli %arg0, %mul3A : i32
    %add3A = arith.addi %mul3A_0, %arg1 : i32
    %mul3A_1 = arith.constant 10000 : i32
    %mul3A_2 = arith.muli %add3A, %mul3A_1 : i32
    %add3A_3 = arith.constant 0 : i32
    %add3A_4 = arith.addi %mul3A_2, %add3A_3 : i32
    %dma_start3A = tpu.memref_slice %arg2[%add3A_4] : memref<320000xi32, #tpu.memory_space<hbm>> -> memref<80xi32, #tpu.memory_space<hbm>>
    %dma_start3A_5 = tpu.memref_slice %arg2[%add3A_4] : memref<320000xi32, #tpu.memory_space<hbm>> -> memref<80xi32, #tpu.memory_space<hbm>>
    tpu.enqueue_dma source(%dma_start3A_5 : memref<80xi32, #tpu.memory_space<hbm>>) target(%arg6 : memref<80xi32, #tpu.memory_space<vmem>>) target_semaphore(%arg19 : memref<!tpu.dma_semaphore, #tpu.memory_space<semaphore_mem>>)
    %add3A_6 = arith.constant 0 : i32
    %add3A_7 = arith.addi %mul3A_2, %add3A_6 : i32
    %dma_start3A_8 = tpu.memref_slice %arg3[%add3A_7] : memref<320000xi32, #tpu.memory_space<hbm>> -> memref<80xi32, #tpu.memory_space<hbm>>
    %dma_start3A_9 = tpu.memref_slice %arg3[%add3A_7] : memref<320000xi32, #tpu.memory_space<hbm>> -> memref<80xi32, #tpu.memory_space<hbm>>
    tpu.enqueue_dma source(%dma_start3A_9 : memref<80xi32, #tpu.memory_space<hbm>>) target(%arg9 : memref<80xi32, #tpu.memory_space<vmem>>) target_semaphore(%arg19 : memref<!tpu.dma_semaphore, #tpu.memory_space<semaphore_mem>>)
    %scan3A = arith.constant 0 : i32
    %scan3A_10 = arith.constant 80 : i32
    %scan3A_11 = arith.addi %scan3A, %scan3A_10 : i32
    %scan3A_12 = arith.constant 1 : i32
    scf.for %scan3A_69 = %scan3A to %scan3A_11 step %scan3A_12  : i32 {
      %broadcast_in_dim3A = arith.constant 0.000000e+00 : f32
      %broadcast_in_dim3A_70 = vector.broadcast %broadcast_in_dim3A : f32 to vector<16xf32>
      %swap3A = arith.index_cast %scan3A_69 : i32 to index
      %swap3A_71 = arith.constant 0 : index
      %swap3A_72 = tpu.vector_load %arg16[%swap3A, %swap3A_71] {strides = array<i32>} : memref<80x128xf32, #tpu.memory_space<vmem>>, vector<1x16xf32>,
      %swap3A_73 = vector.shape_cast %swap3A_72 : vector<1x16xf32> to vector<16xf32>
      %swap3A_74 = vector.shape_cast %broadcast_in_dim3A_70 : vector<16xf32> to vector<1x16xf32>
      tpu.vector_store %arg16[%swap3A, %swap3A_71], %swap3A_74 {strides = array<i32>} : memref<80x128xf32, #tpu.memory_space<vmem>>, vector<1x16xf32>,
      %broadcast_in_dim3A_75 = arith.constant 0.000000e+00 : f32
      %broadcast_in_dim3A_76 = vector.broadcast %broadcast_in_dim3A_75 : f32 to vector<16xf32>
      %swap3A_77 = arith.index_cast %scan3A_69 : i32 to index
      %swap3A_78 = arith.constant 16 : index
      %swap3A_79 = tpu.vector_load %arg16[%swap3A_77, %swap3A_78] {strides = array<i32>} : memref<80x128xf32, #tpu.memory_space<vmem>>, vector<1x16xf32>,
      %swap3A_80 = vector.shape_cast %swap3A_79 : vector<1x16xf32> to vector<16xf32>
      %swap3A_81 = vector.shape_cast %broadcast_in_dim3A_76 : vector<16xf32> to vector<1x16xf32>
      tpu.vector_store %arg16[%swap3A_77, %swap3A_78], %swap3A_81 {strides = array<i32>} : memref<80x128xf32, #tpu.memory_space<vmem>>, vector<1x16xf32>,
      %broadcast_in_dim3A_82 = arith.constant 0.000000e+00 : f32
      %broadcast_in_dim3A_83 = vector.broadcast %broadcast_in_dim3A_82 : f32 to vector<16xf32>
      %swap3A_84 = arith.index_cast %scan3A_69 : i32 to index
      %swap3A_85 = arith.constant 32 : index
      %swap3A_86 = tpu.vector_load %arg16[%swap3A_84, %swap3A_85] {strides = array<i32>} : memref<80x128xf32, #tpu.memory_space<vmem>>, vector<1x16xf32>,
      %swap3A_87 = vector.shape_cast %swap3A_86 : vector<1x16xf32> to vector<16xf32>
      %swap3A_88 = vector.shape_cast %broadcast_in_dim3A_83 : vector<16xf32> to vector<1x16xf32>
      tpu.vector_store %arg16[%swap3A_84, %swap3A_85], %swap3A_88 {strides = array<i32>} : memref<80x128xf32, #tpu.memory_space<vmem>>, vector<1x16xf32>,
      %broadcast_in_dim3A_89 = arith.constant 0.000000e+00 : f32
      %broadcast_in_dim3A_90 = vector.broadcast %broadcast_in_dim3A_89 : f32 to vector<16xf32>
      %swap3A_91 = arith.index_cast %scan3A_69 : i32 to index
      %swap3A_92 = arith.constant 48 : index
      %swap3A_93 = tpu.vector_load %arg16[%swap3A_91, %swap3A_92] {strides = array<i32>} : memref<80x128xf32, #tpu.memory_space<vmem>>, vector<1x16xf32>,
      %swap3A_94 = vector.shape_cast %swap3A_93 : vector<1x16xf32> to vector<16xf32>
      %swap3A_95 = vector.shape_cast %broadcast_in_dim3A_90 : vector<16xf32> to vector<1x16xf32>
      tpu.vector_store %arg16[%swap3A_91, %swap3A_92], %swap3A_95 {strides = array<i32>} : memref<80x128xf32, #tpu.memory_space<vmem>>, vector<1x16xf32>,
      %broadcast_in_dim3A_96 = arith.constant 0.000000e+00 : f32
      %broadcast_in_dim3A_97 = vector.broadcast %broadcast_in_dim3A_96 : f32 to vector<16xf32>
      %swap3A_98 = arith.index_cast %scan3A_69 : i32 to index
      %swap3A_99 = arith.constant 64 : index
      %swap3A_100 = tpu.vector_load %arg16[%swap3A_98, %swap3A_99] {strides = array<i32>} : memref<80x128xf32, #tpu.memory_space<vmem>>, vector<1x16xf32>,
      %swap3A_101 = vector.shape_cast %swap3A_100 : vector<1x16xf32> to vector<16xf32>
      %swap3A_102 = vector.shape_cast %broadcast_in_dim3A_97 : vector<16xf32> to vector<1x16xf32>
      tpu.vector_store %arg16[%swap3A_98, %swap3A_99], %swap3A_102 {strides = array<i32>} : memref<80x128xf32, #tpu.memory_space<vmem>>, vector<1x16xf32>,
      %broadcast_in_dim3A_103 = arith.constant 0.000000e+00 : f32
      %broadcast_in_dim3A_104 = vector.broadcast %broadcast_in_dim3A_103 : f32 to vector<16xf32>
      %swap3A_105 = arith.index_cast %scan3A_69 : i32 to index
      %swap3A_106 = arith.constant 80 : index
      %swap3A_107 = tpu.vector_load %arg16[%swap3A_105, %swap3A_106] {strides = array<i32>} : memref<80x128xf32, #tpu.memory_space<vmem>>, vector<1x16xf32>,
      %swap3A_108 = vector.shape_cast %swap3A_107 : vector<1x16xf32> to vector<16xf32>
      %swap3A_109 = vector.shape_cast %broadcast_in_dim3A_104 : vector<16xf32> to vector<1x16xf32>
      tpu.vector_store %arg16[%swap3A_105, %swap3A_106], %swap3A_109 {strides = array<i32>} : memref<80x128xf32, #tpu.memory_space<vmem>>, vector<1x16xf32>,
      %broadcast_in_dim3A_110 = arith.constant 0.000000e+00 : f32
      %broadcast_in_dim3A_111 = vector.broadcast %broadcast_in_dim3A_110 : f32 to vector<16xf32>
      %swap3A_112 = arith.index_cast %scan3A_69 : i32 to index
      %swap3A_113 = arith.constant 96 : index
      %swap3A_114 = tpu.vector_load %arg16[%swap3A_112, %swap3A_113] {strides = array<i32>} : memref<80x128xf32, #tpu.memory_space<vmem>>, vector<1x16xf32>,
      %swap3A_115 = vector.shape_cast %swap3A_114 : vector<1x16xf32> to vector<16xf32>
      %swap3A_116 = vector.shape_cast %broadcast_in_dim3A_111 : vector<16xf32> to vector<1x16xf32>
      tpu.vector_store %arg16[%swap3A_112, %swap3A_113], %swap3A_116 {strides = array<i32>} : memref<80x128xf32, #tpu.memory_space<vmem>>, vector<1x16xf32>,
      %broadcast_in_dim3A_117 = arith.constant 0.000000e+00 : f32
      %broadcast_in_dim3A_118 = vector.broadcast %broadcast_in_dim3A_117 : f32 to vector<16xf32>
      %swap3A_119 = arith.index_cast %scan3A_69 : i32 to index
      %swap3A_120 = arith.constant 112 : index
      %swap3A_121 = tpu.vector_load %arg16[%swap3A_119, %swap3A_120] {strides = array<i32>} : memref<80x128xf32, #tpu.memory_space<vmem>>, vector<1x16xf32>,
      %swap3A_122 = vector.shape_cast %swap3A_121 : vector<1x16xf32> to vector<16xf32>
      %swap3A_123 = vector.shape_cast %broadcast_in_dim3A_118 : vector<16xf32> to vector<1x16xf32>
      tpu.vector_store %arg16[%swap3A_119, %swap3A_120], %swap3A_123 {strides = array<i32>} : memref<80x128xf32, #tpu.memory_space<vmem>>, vector<1x16xf32>,
    }
    %scan3A_13 = arith.constant 80 : i32
    %scan3A_14 = arith.constant 0 : i32
    %scan3A_15 = arith.constant 8 : i32
    %scan3A_16 = arith.addi %scan3A_14, %scan3A_15 : i32
    %scan3A_17 = arith.constant 1 : i32
    scf.for %scan3A_69 = %scan3A_14 to %scan3A_16 step %scan3A_17  : i32 {
      %mul3A_70 = arith.constant 640 : i32
      %mul3A_71 = arith.muli %arg1, %mul3A_70 : i32
      %mul3A_72 = arith.constant 80 : i32
      %mul3A_73 = arith.muli %scan3A_69, %mul3A_72 : i32
      %add3A_74 = arith.addi %mul3A_71, %mul3A_73 : i32
      %dma_start3A_75 = arith.constant 0 : i32
      %dma_start3A_76 = tpu.memref_slice %arg18[%add3A_74, %dma_start3A_75] : memref<10240x128xf32, #tpu.memory_space<vmem_shared>> -> memref<80x128xf32, #tpu.memory_space<vmem_shared>>
      %dma_start3A_77 = arith.constant 0 : i32
      %dma_start3A_78 = tpu.memref_slice %arg18[%add3A_74, %dma_start3A_77] : memref<10240x128xf32, #tpu.memory_space<vmem_shared>> -> memref<80x128xf32, #tpu.memory_space<vmem_shared>>
      tpu.enqueue_dma source(%arg16 : memref<80x128xf32, #tpu.memory_space<vmem>>) target(%dma_start3A_78 : memref<80x128xf32, #tpu.memory_space<vmem_shared>>) target_semaphore(%arg28 : memref<!tpu.dma_semaphore, #tpu.memory_space<semaphore_mem>>)
    }
    %scan3A_18 = arith.constant 8 : i32
    %scan3A_19 = arith.constant 0 : i32
    %scan3A_20 = arith.constant 8 : i32
    %scan3A_21 = arith.addi %scan3A_19, %scan3A_20 : i32
    %scan3A_22 = arith.constant 1 : i32
    scf.for %scan3A_69 = %scan3A_19 to %scan3A_21 step %scan3A_22  : i32 {
      %mul3A_70 = arith.constant 640 : i32
      %mul3A_71 = arith.muli %arg1, %mul3A_70 : i32
      %mul3A_72 = arith.constant 80 : i32
      %mul3A_73 = arith.muli %scan3A_69, %mul3A_72 : i32
      %add3A_74 = arith.addi %mul3A_71, %mul3A_73 : i32
      %dma_wait3A_75 = arith.constant 0 : i32
      %dma_wait3A_76 = tpu.memref_slice %arg18[%add3A_74, %dma_wait3A_75] : memref<10240x128xf32, #tpu.memory_space<vmem_shared>> -> memref<80x128xf32, #tpu.memory_space<vmem_shared>>
      %dma_wait3A_77 = arith.constant 0 : i32
      %dma_wait3A_78 = tpu.memref_slice %arg18[%add3A_74, %dma_wait3A_77] : memref<10240x128xf32, #tpu.memory_space<vmem_shared>> -> memref<80x128xf32, #tpu.memory_space<vmem_shared>>
      tpu.wait_dma2 semaphore(%arg28 : memref<!tpu.dma_semaphore, #tpu.memory_space<semaphore_mem>>) src(%arg16 : memref<80x128xf32, #tpu.memory_space<vmem>>) dst(%dma_wait3A_78 : memref<80x128xf32, #tpu.memory_space<vmem_shared>>)
    }
    %scan3A_23 = arith.constant 8 : i32
    %add3A_24 = arith.constant 0 : i32
    %add3A_25 = arith.addi %mul3A_2, %add3A_24 : i32
    %dma_wait3A = tpu.memref_slice %arg2[%add3A_25] : memref<320000xi32, #tpu.memory_space<hbm>> -> memref<80xi32, #tpu.memory_space<hbm>>
    %dma_wait3A_26 = tpu.memref_slice %arg2[%add3A_25] : memref<320000xi32, #tpu.memory_space<hbm>> -> memref<80xi32, #tpu.memory_space<hbm>>
    tpu.wait_dma2 semaphore(%arg19 : memref<!tpu.dma_semaphore, #tpu.memory_space<semaphore_mem>>) src(%dma_wait3A_26 : memref<80xi32, #tpu.memory_space<hbm>>) dst(%arg6 : memref<80xi32, #tpu.memory_space<vmem>>)
    %add3A_27 = arith.constant 0 : i32
    %add3A_28 = arith.addi %mul3A_2, %add3A_27 : i32
    %dma_wait3A_29 = tpu.memref_slice %arg3[%add3A_28] : memref<320000xi32, #tpu.memory_space<hbm>> -> memref<80xi32, #tpu.memory_space<hbm>>
    %dma_wait3A_30 = tpu.memref_slice %arg3[%add3A_28] : memref<320000xi32, #tpu.memory_space<hbm>> -> memref<80xi32, #tpu.memory_space<hbm>>
    tpu.wait_dma2 semaphore(%arg19 : memref<!tpu.dma_semaphore, #tpu.memory_space<semaphore_mem>>) src(%dma_wait3A_30 : memref<80xi32, #tpu.memory_space<hbm>>) dst(%arg9 : memref<80xi32, #tpu.memory_space<vmem>>)
    %dma_start3A_31 = arith.constant 0 : i32
    %dma_start3A_32 = arith.constant 0 : i32
    %dma_start3A_33 = tpu.memref_slice %arg4[%dma_start3A_31, %dma_start3A_32] : memref<10240x128xf32, #tpu.memory_space<hbm>> -> memref<10240x128xf32, #tpu.memory_space<hbm>>
    tpu.enqueue_indirect_dma source(%dma_start3A_33 : memref<10240x128xf32, #tpu.memory_space<hbm>>) target(%arg15 : memref<80x128xf32, #tpu.memory_space<vmem>>) offsets(%arg6 : memref<80xi32, #tpu.memory_space<vmem>>) semaphore(%arg22 : memref<!tpu.dma_semaphore, #tpu.memory_space<semaphore_mem>>)
    %add3A_34 = arith.constant 80 : i32
    %add3A_35 = arith.addi %mul3A_2, %add3A_34 : i32
    %dma_start3A_36 = tpu.memref_slice %arg2[%add3A_35] : memref<320000xi32, #tpu.memory_space<hbm>> -> memref<80xi32, #tpu.memory_space<hbm>>
    %dma_start3A_37 = tpu.memref_slice %arg2[%add3A_35] : memref<320000xi32, #tpu.memory_space<hbm>> -> memref<80xi32, #tpu.memory_space<hbm>>
    tpu.enqueue_dma source(%dma_start3A_37 : memref<80xi32, #tpu.memory_space<hbm>>) target(%arg7 : memref<80xi32, #tpu.memory_space<vmem>>) target_semaphore(%arg20 : memref<!tpu.dma_semaphore, #tpu.memory_space<semaphore_mem>>)
    %add3A_38 = arith.constant 80 : i32
    %add3A_39 = arith.addi %mul3A_2, %add3A_38 : i32
    %dma_start3A_40 = tpu.memref_slice %arg3[%add3A_39] : memref<320000xi32, #tpu.memory_space<hbm>> -> memref<80xi32, #tpu.memory_space<hbm>>
    %dma_start3A_41 = tpu.memref_slice %arg3[%add3A_39] : memref<320000xi32, #tpu.memory_space<hbm>> -> memref<80xi32, #tpu.memory_space<hbm>>
    tpu.enqueue_dma source(%dma_start3A_41 : memref<80xi32, #tpu.memory_space<hbm>>) target(%arg10 : memref<80xi32, #tpu.memory_space<vmem>>) target_semaphore(%arg20 : memref<!tpu.dma_semaphore, #tpu.memory_space<semaphore_mem>>)
    %barrier3A = arith.constant 0 : index
    tpu.barrier barrier_id(%barrier3A)
    %scan3A_42 = arith.constant 0 : i32
    %scan3A_43 = arith.constant 125 : i32
    %scan3A_44 = arith.addi %scan3A_42, %scan3A_43 : i32
    %scan3A_45 = arith.constant 1 : i32
    scf.for %scan3A_69 = %scan3A_42 to %scan3A_44 step %scan3A_45  : i32 {
      %rem3A = arith.constant 3 : i32
      %rem3A_70 = arith.remsi %scan3A_69, %rem3A : i32
      %eq3A = arith.constant 0 : i32
      %eq3A_71 = arith.cmpi eq, %rem3A_70, %eq3A : i32
      %convert_element_type3A = arith.extui %eq3A_71 : i1 to i32
      %cond3A = arith.constant 0 : i32
      %cond3A_72 = arith.cmpi ne, %convert_element_type3A, %cond3A : i32
      scf.if %cond3A_72 {
        %add3A_83 = arith.constant 1 : i32
        %add3A_84 = arith.addi %scan3A_69, %add3A_83 : i32
        %min3A = arith.constant 124 : i32
        %min3A_85 = arith.minsi %add3A_84, %min3A : i32
        %add3A_86 = arith.constant 2 : i32
        %add3A_87 = arith.addi %scan3A_69, %add3A_86 : i32
        %min3A_88 = arith.constant 124 : i32
        %min3A_89 = arith.minsi %add3A_87, %min3A_88 : i32
        %mul3A_90 = arith.constant 80 : i32
        %mul3A_91 = arith.muli %min3A_85, %mul3A_90 : i32
        %add3A_92 = arith.addi %mul3A_2, %mul3A_91 : i32
        %dma_wait3A_93 = tpu.memref_slice %arg2[%add3A_92] : memref<320000xi32, #tpu.memory_space<hbm>> -> memref<80xi32, #tpu.memory_space<hbm>>
        %dma_wait3A_94 = tpu.memref_slice %arg2[%add3A_92] : memref<320000xi32, #tpu.memory_space<hbm>> -> memref<80xi32, #tpu.memory_space<hbm>>
        tpu.wait_dma2 semaphore(%arg20 : memref<!tpu.dma_semaphore, #tpu.memory_space<semaphore_mem>>) src(%dma_wait3A_94 : memref<80xi32, #tpu.memory_space<hbm>>) dst(%arg7 : memref<80xi32, #tpu.memory_space<vmem>>)
        %mul3A_95 = arith.constant 80 : i32
        %mul3A_96 = arith.muli %min3A_85, %mul3A_95 : i32
        %add3A_97 = arith.addi %mul3A_2, %mul3A_96 : i32
        %dma_wait3A_98 = tpu.memref_slice %arg3[%add3A_97] : memref<320000xi32, #tpu.memory_space<hbm>> -> memref<80xi32, #tpu.memory_space<hbm>>
        %dma_wait3A_99 = tpu.memref_slice %arg3[%add3A_97] : memref<320000xi32, #tpu.memory_space<hbm>> -> memref<80xi32, #tpu.memory_space<hbm>>
        tpu.wait_dma2 semaphore(%arg20 : memref<!tpu.dma_semaphore, #tpu.memory_space<semaphore_mem>>) src(%dma_wait3A_99 : memref<80xi32, #tpu.memory_space<hbm>>) dst(%arg10 : memref<80xi32, #tpu.memory_space<vmem>>)
        %ge3A = arith.constant 2 : i32
        %ge3A_100 = arith.cmpi sge, %scan3A_69, %ge3A : i32
        %convert_element_type3A_101 = arith.extui %ge3A_100 : i1 to i32
        %cond3A_102 = arith.constant 0 : i32
        %cond3A_103 = arith.cmpi ne, %convert_element_type3A_101, %cond3A_102 : i32
        scf.if %cond3A_103 {
          %dma_wait3A_156 = arith.constant 0 : i32
          %dma_wait3A_157 = arith.constant 0 : i32
          %dma_wait3A_158 = tpu.memref_slice %arg18[%dma_wait3A_156, %dma_wait3A_157] : memref<10240x128xf32, #tpu.memory_space<vmem_shared>> -> memref<10240x128xf32, #tpu.memory_space<vmem_shared>>
          tpu.wait_indirect_dma semaphore(%arg26 : memref<!tpu.dma_semaphore, #tpu.memory_space<semaphore_mem>>) src(%arg16 : memref<80x128xf32, #tpu.memory_space<vmem>>) dst(%dma_wait3A_158 : memref<10240x128xf32, #tpu.memory_space<vmem_shared>>)
        } else {
        }
        %dma_start3A_104 = arith.constant 0 : i32
        %dma_start3A_105 = arith.constant 0 : i32
        %dma_start3A_106 = tpu.memref_slice %arg4[%dma_start3A_104, %dma_start3A_105] : memref<10240x128xf32, #tpu.memory_space<hbm>> -> memref<10240x128xf32, #tpu.memory_space<hbm>>
        tpu.enqueue_indirect_dma source(%dma_start3A_106 : memref<10240x128xf32, #tpu.memory_space<hbm>>) target(%arg16 : memref<80x128xf32, #tpu.memory_space<vmem>>) offsets(%arg7 : memref<80xi32, #tpu.memory_space<vmem>>) semaphore(%arg23 : memref<!tpu.dma_semaphore, #tpu.memory_space<semaphore_mem>>)
        %dma_wait3A_107 = arith.constant 0 : i32
        %dma_wait3A_108 = arith.constant 0 : i32
        %dma_wait3A_109 = tpu.memref_slice %arg4[%dma_wait3A_107, %dma_wait3A_108] : memref<10240x128xf32, #tpu.memory_space<hbm>> -> memref<10240x128xf32, #tpu.memory_space<hbm>>
        tpu.wait_indirect_dma semaphore(%arg22 : memref<!tpu.dma_semaphore, #tpu.memory_space<semaphore_mem>>) src(%dma_wait3A_109 : memref<10240x128xf32, #tpu.memory_space<hbm>>) dst(%arg15 : memref<80x128xf32, #tpu.memory_space<vmem>>)
        %get3A = arith.constant 0 : index
        %get3A_110 = tpu.vector_load %arg9[%get3A] {strides = array<i32>} : memref<80xi32, #tpu.memory_space<vmem>>, vector<16xi32>,
        %get3A_111 = vector.shape_cast %get3A_110 : vector<16xi32> to vector<16xi32>
        %swap3A = arith.constant 0 : index
        %swap3A_112 = tpu.vector_load %arg12[%swap3A] {strides = array<i32>} : memref<80xi32, #tpu.memory_space<vmem>>, vector<16xi32>,
        %swap3A_113 = vector.shape_cast %swap3A_112 : vector<16xi32> to vector<16xi32>
        %swap3A_114 = vector.shape_cast %get3A_111 : vector<16xi32> to vector<16xi32>
        tpu.vector_store %arg12[%swap3A], %swap3A_114 {strides = array<i32>} : memref<80xi32, #tpu.memory_space<vmem>>, vector<16xi32>,
        %get3A_115 = arith.constant 16 : index
        %get3A_116 = tpu.vector_load %arg9[%get3A_115] {strides = array<i32>} : memref<80xi32, #tpu.memory_space<vmem>>, vector<16xi32>,
        %get3A_117 = vector.shape_cast %get3A_116 : vector<16xi32> to vector<16xi32>
        %swap3A_118 = arith.constant 16 : index
        %swap3A_119 = tpu.vector_load %arg12[%swap3A_118] {strides = array<i32>} : memref<80xi32, #tpu.memory_space<vmem>>, vector<16xi32>,
        %swap3A_120 = vector.shape_cast %swap3A_119 : vector<16xi32> to vector<16xi32>
        %swap3A_121 = vector.shape_cast %get3A_117 : vector<16xi32> to vector<16xi32>
        tpu.vector_store %arg12[%swap3A_118], %swap3A_121 {strides = array<i32>} : memref<80xi32, #tpu.memory_space<vmem>>, vector<16xi32>,
        %get3A_122 = arith.constant 32 : index
        %get3A_123 = tpu.vector_load %arg9[%get3A_122] {strides = array<i32>} : memref<80xi32, #tpu.memory_space<vmem>>, vector<16xi32>,
        %get3A_124 = vector.shape_cast %get3A_123 : vector<16xi32> to vector<16xi32>
        %swap3A_125 = arith.constant 32 : index
        %swap3A_126 = tpu.vector_load %arg12[%swap3A_125] {strides = array<i32>} : memref<80xi32, #tpu.memory_space<vmem>>, vector<16xi32>,
        %swap3A_127 = vector.shape_cast %swap3A_126 : vector<16xi32> to vector<16xi32>
        %swap3A_128 = vector.shape_cast %get3A_124 : vector<16xi32> to vector<16xi32>
        tpu.vector_store %arg12[%swap3A_125], %swap3A_128 {strides = array<i32>} : memref<80xi32, #tpu.memory_space<vmem>>, vector<16xi32>,
        %get3A_129 = arith.constant 48 : index
        %get3A_130 = tpu.vector_load %arg9[%get3A_129] {strides = array<i32>} : memref<80xi32, #tpu.memory_space<vmem>>, vector<16xi32>,
        %get3A_131 = vector.shape_cast %get3A_130 : vector<16xi32> to vector<16xi32>
        %swap3A_132 = arith.constant 48 : index
        %swap3A_133 = tpu.vector_load %arg12[%swap3A_132] {strides = array<i32>} : memref<80xi32, #tpu.memory_space<vmem>>, vector<16xi32>,
        %swap3A_134 = vector.shape_cast %swap3A_133 : vector<16xi32> to vector<16xi32>
        %swap3A_135 = vector.shape_cast %get3A_131 : vector<16xi32> to vector<16xi32>
        tpu.vector_store %arg12[%swap3A_132], %swap3A_135 {strides = array<i32>} : memref<80xi32, #tpu.memory_space<vmem>>, vector<16xi32>,
        %get3A_136 = arith.constant 64 : index
        %get3A_137 = tpu.vector_load %arg9[%get3A_136] {strides = array<i32>} : memref<80xi32, #tpu.memory_space<vmem>>, vector<16xi32>,
        %get3A_138 = vector.shape_cast %get3A_137 : vector<16xi32> to vector<16xi32>
        %swap3A_139 = arith.constant 64 : index
        %swap3A_140 = tpu.vector_load %arg12[%swap3A_139] {strides = array<i32>} : memref<80xi32, #tpu.memory_space<vmem>>, vector<16xi32>,
        %swap3A_141 = vector.shape_cast %swap3A_140 : vector<16xi32> to vector<16xi32>
        %swap3A_142 = vector.shape_cast %get3A_138 : vector<16xi32> to vector<16xi32>
        tpu.vector_store %arg12[%swap3A_139], %swap3A_142 {strides = array<i32>} : memref<80xi32, #tpu.memory_space<vmem>>, vector<16xi32>,
        %dma_start3A_143 = arith.constant 0 : i32
        %dma_start3A_144 = arith.constant 0 : i32
        %dma_start3A_145 = tpu.memref_slice %arg18[%dma_start3A_143, %dma_start3A_144] : memref<10240x128xf32, #tpu.memory_space<vmem_shared>> -> memref<10240x128xf32, #tpu.memory_space<vmem_shared>>
        tpu.enqueue_indirect_dma source(%arg15 : memref<80x128xf32, #tpu.memory_space<vmem>>) target(%dma_start3A_145 : memref<10240x128xf32, #tpu.memory_space<vmem_shared>>) offsets(%arg12 : memref<80xi32, #tpu.memory_space<vmem>>) semaphore(%arg25 : memref<!tpu.dma_semaphore, #tpu.memory_space<semaphore_mem>>) {add = true}
        %mul3A_146 = arith.constant 80 : i32
        %mul3A_147 = arith.muli %min3A_89, %mul3A_146 : i32
        %add3A_148 = arith.addi %mul3A_2, %mul3A_147 : i32
        %dma_start3A_149 = tpu.memref_slice %arg2[%add3A_148] : memref<320000xi32, #tpu.memory_space<hbm>> -> memref<80xi32, #tpu.memory_space<hbm>>
        %dma_start3A_150 = tpu.memref_slice %arg2[%add3A_148] : memref<320000xi32, #tpu.memory_space<hbm>> -> memref<80xi32, #tpu.memory_space<hbm>>
        tpu.enqueue_dma source(%dma_start3A_150 : memref<80xi32, #tpu.memory_space<hbm>>) target(%arg8 : memref<80xi32, #tpu.memory_space<vmem>>) target_semaphore(%arg21 : memref<!tpu.dma_semaphore, #tpu.memory_space<semaphore_mem>>)
        %mul3A_151 = arith.constant 80 : i32
        %mul3A_152 = arith.muli %min3A_89, %mul3A_151 : i32
        %add3A_153 = arith.addi %mul3A_2, %mul3A_152 : i32
        %dma_start3A_154 = tpu.memref_slice %arg3[%add3A_153] : memref<320000xi32, #tpu.memory_space<hbm>> -> memref<80xi32, #tpu.memory_space<hbm>>
        %dma_start3A_155 = tpu.memref_slice %arg3[%add3A_153] : memref<320000xi32, #tpu.memory_space<hbm>> -> memref<80xi32, #tpu.memory_space<hbm>>
        tpu.enqueue_dma source(%dma_start3A_155 : memref<80xi32, #tpu.memory_space<hbm>>) target(%arg11 : memref<80xi32, #tpu.memory_space<vmem>>) target_semaphore(%arg21 : memref<!tpu.dma_semaphore, #tpu.memory_space<semaphore_mem>>)
      } else {
      }
      %eq3A_73 = arith.constant 1 : i32
      %eq3A_74 = arith.cmpi eq, %rem3A_70, %eq3A_73 : i32
      %convert_element_type3A_75 = arith.extui %eq3A_74 : i1 to i32
      %cond3A_76 = arith.constant 0 : i32
      %cond3A_77 = arith.cmpi ne, %convert_element_type3A_75, %cond3A_76 : i32
      scf.if %cond3A_77 {
        %add3A_83 = arith.constant 1 : i32
        %add3A_84 = arith.addi %scan3A_69, %add3A_83 : i32
        %min3A = arith.constant 124 : i32
        %min3A_85 = arith.minsi %add3A_84, %min3A : i32
        %add3A_86 = arith.constant 2 : i32
        %add3A_87 = arith.addi %scan3A_69, %add3A_86 : i32
        %min3A_88 = arith.constant 124 : i32
        %min3A_89 = arith.minsi %add3A_87, %min3A_88 : i32
        %mul3A_90 = arith.constant 80 : i32
        %mul3A_91 = arith.muli %min3A_85, %mul3A_90 : i32
        %add3A_92 = arith.addi %mul3A_2, %mul3A_91 : i32
        %dma_wait3A_93 = tpu.memref_slice %arg2[%add3A_92] : memref<320000xi32, #tpu.memory_space<hbm>> -> memref<80xi32, #tpu.memory_space<hbm>>
        %dma_wait3A_94 = tpu.memref_slice %arg2[%add3A_92] : memref<320000xi32, #tpu.memory_space<hbm>> -> memref<80xi32, #tpu.memory_space<hbm>>
        tpu.wait_dma2 semaphore(%arg21 : memref<!tpu.dma_semaphore, #tpu.memory_space<semaphore_mem>>) src(%dma_wait3A_94 : memref<80xi32, #tpu.memory_space<hbm>>) dst(%arg8 : memref<80xi32, #tpu.memory_space<vmem>>)
        %mul3A_95 = arith.constant 80 : i32
        %mul3A_96 = arith.muli %min3A_85, %mul3A_95 : i32
        %add3A_97 = arith.addi %mul3A_2, %mul3A_96 : i32
        %dma_wait3A_98 = tpu.memref_slice %arg3[%add3A_97] : memref<320000xi32, #tpu.memory_space<hbm>> -> memref<80xi32, #tpu.memory_space<hbm>>
        %dma_wait3A_99 = tpu.memref_slice %arg3[%add3A_97] : memref<320000xi32, #tpu.memory_space<hbm>> -> memref<80xi32, #tpu.memory_space<hbm>>
        tpu.wait_dma2 semaphore(%arg21 : memref<!tpu.dma_semaphore, #tpu.memory_space<semaphore_mem>>) src(%dma_wait3A_99 : memref<80xi32, #tpu.memory_space<hbm>>) dst(%arg11 : memref<80xi32, #tpu.memory_space<vmem>>)
        %ge3A = arith.constant 2 : i32
        %ge3A_100 = arith.cmpi sge, %scan3A_69, %ge3A : i32
        %convert_element_type3A_101 = arith.extui %ge3A_100 : i1 to i32
        %cond3A_102 = arith.constant 0 : i32
        %cond3A_103 = arith.cmpi ne, %convert_element_type3A_101, %cond3A_102 : i32
        scf.if %cond3A_103 {
          %dma_wait3A_156 = arith.constant 0 : i32
          %dma_wait3A_157 = arith.constant 0 : i32
          %dma_wait3A_158 = tpu.memref_slice %arg18[%dma_wait3A_156, %dma_wait3A_157] : memref<10240x128xf32, #tpu.memory_space<vmem_shared>> -> memref<10240x128xf32, #tpu.memory_space<vmem_shared>>
          tpu.wait_indirect_dma semaphore(%arg27 : memref<!tpu.dma_semaphore, #tpu.memory_space<semaphore_mem>>) src(%arg17 : memref<80x128xf32, #tpu.memory_space<vmem>>) dst(%dma_wait3A_158 : memref<10240x128xf32, #tpu.memory_space<vmem_shared>>)
        } else {
        }
        %dma_start3A_104 = arith.constant 0 : i32
        %dma_start3A_105 = arith.constant 0 : i32
        %dma_start3A_106 = tpu.memref_slice %arg4[%dma_start3A_104, %dma_start3A_105] : memref<10240x128xf32, #tpu.memory_space<hbm>> -> memref<10240x128xf32, #tpu.memory_space<hbm>>
        tpu.enqueue_indirect_dma source(%dma_start3A_106 : memref<10240x128xf32, #tpu.memory_space<hbm>>) target(%arg17 : memref<80x128xf32, #tpu.memory_space<vmem>>) offsets(%arg8 : memref<80xi32, #tpu.memory_space<vmem>>) semaphore(%arg24 : memref<!tpu.dma_semaphore, #tpu.memory_space<semaphore_mem>>)
        %dma_wait3A_107 = arith.constant 0 : i32
        %dma_wait3A_108 = arith.constant 0 : i32
        %dma_wait3A_109 = tpu.memref_slice %arg4[%dma_wait3A_107, %dma_wait3A_108] : memref<10240x128xf32, #tpu.memory_space<hbm>> -> memref<10240x128xf32, #tpu.memory_space<hbm>>
        tpu.wait_indirect_dma semaphore(%arg23 : memref<!tpu.dma_semaphore, #tpu.memory_space<semaphore_mem>>) src(%dma_wait3A_109 : memref<10240x128xf32, #tpu.memory_space<hbm>>) dst(%arg16 : memref<80x128xf32, #tpu.memory_space<vmem>>)
        %get3A = arith.constant 0 : index
        %get3A_110 = tpu.vector_load %arg10[%get3A] {strides = array<i32>} : memref<80xi32, #tpu.memory_space<vmem>>, vector<16xi32>,
        %get3A_111 = vector.shape_cast %get3A_110 : vector<16xi32> to vector<16xi32>
        %swap3A = arith.constant 0 : index
        %swap3A_112 = tpu.vector_load %arg13[%swap3A] {strides = array<i32>} : memref<80xi32, #tpu.memory_space<vmem>>, vector<16xi32>,
        %swap3A_113 = vector.shape_cast %swap3A_112 : vector<16xi32> to vector<16xi32>
        %swap3A_114 = vector.shape_cast %get3A_111 : vector<16xi32> to vector<16xi32>
        tpu.vector_store %arg13[%swap3A], %swap3A_114 {strides = array<i32>} : memref<80xi32, #tpu.memory_space<vmem>>, vector<16xi32>,
        %get3A_115 = arith.constant 16 : index
        %get3A_116 = tpu.vector_load %arg10[%get3A_115] {strides = array<i32>} : memref<80xi32, #tpu.memory_space<vmem>>, vector<16xi32>,
        %get3A_117 = vector.shape_cast %get3A_116 : vector<16xi32> to vector<16xi32>
        %swap3A_118 = arith.constant 16 : index
        %swap3A_119 = tpu.vector_load %arg13[%swap3A_118] {strides = array<i32>} : memref<80xi32, #tpu.memory_space<vmem>>, vector<16xi32>,
        %swap3A_120 = vector.shape_cast %swap3A_119 : vector<16xi32> to vector<16xi32>
        %swap3A_121 = vector.shape_cast %get3A_117 : vector<16xi32> to vector<16xi32>
        tpu.vector_store %arg13[%swap3A_118], %swap3A_121 {strides = array<i32>} : memref<80xi32, #tpu.memory_space<vmem>>, vector<16xi32>,
        %get3A_122 = arith.constant 32 : index
        %get3A_123 = tpu.vector_load %arg10[%get3A_122] {strides = array<i32>} : memref<80xi32, #tpu.memory_space<vmem>>, vector<16xi32>,
        %get3A_124 = vector.shape_cast %get3A_123 : vector<16xi32> to vector<16xi32>
        %swap3A_125 = arith.constant 32 : index
        %swap3A_126 = tpu.vector_load %arg13[%swap3A_125] {strides = array<i32>} : memref<80xi32, #tpu.memory_space<vmem>>, vector<16xi32>,
        %swap3A_127 = vector.shape_cast %swap3A_126 : vector<16xi32> to vector<16xi32>
        %swap3A_128 = vector.shape_cast %get3A_124 : vector<16xi32> to vector<16xi32>
        tpu.vector_store %arg13[%swap3A_125], %swap3A_128 {strides = array<i32>} : memref<80xi32, #tpu.memory_space<vmem>>, vector<16xi32>,
        %get3A_129 = arith.constant 48 : index
        %get3A_130 = tpu.vector_load %arg10[%get3A_129] {strides = array<i32>} : memref<80xi32, #tpu.memory_space<vmem>>, vector<16xi32>,
        %get3A_131 = vector.shape_cast %get3A_130 : vector<16xi32> to vector<16xi32>
        %swap3A_132 = arith.constant 48 : index
        %swap3A_133 = tpu.vector_load %arg13[%swap3A_132] {strides = array<i32>} : memref<80xi32, #tpu.memory_space<vmem>>, vector<16xi32>,
        %swap3A_134 = vector.shape_cast %swap3A_133 : vector<16xi32> to vector<16xi32>
        %swap3A_135 = vector.shape_cast %get3A_131 : vector<16xi32> to vector<16xi32>
        tpu.vector_store %arg13[%swap3A_132], %swap3A_135 {strides = array<i32>} : memref<80xi32, #tpu.memory_space<vmem>>, vector<16xi32>,
        %get3A_136 = arith.constant 64 : index
        %get3A_137 = tpu.vector_load %arg10[%get3A_136] {strides = array<i32>} : memref<80xi32, #tpu.memory_space<vmem>>, vector<16xi32>,
        %get3A_138 = vector.shape_cast %get3A_137 : vector<16xi32> to vector<16xi32>
        %swap3A_139 = arith.constant 64 : index
        %swap3A_140 = tpu.vector_load %arg13[%swap3A_139] {strides = array<i32>} : memref<80xi32, #tpu.memory_space<vmem>>, vector<16xi32>,
        %swap3A_141 = vector.shape_cast %swap3A_140 : vector<16xi32> to vector<16xi32>
        %swap3A_142 = vector.shape_cast %get3A_138 : vector<16xi32> to vector<16xi32>
        tpu.vector_store %arg13[%swap3A_139], %swap3A_142 {strides = array<i32>} : memref<80xi32, #tpu.memory_space<vmem>>, vector<16xi32>,
        %dma_start3A_143 = arith.constant 0 : i32
        %dma_start3A_144 = arith.constant 0 : i32
        %dma_start3A_145 = tpu.memref_slice %arg18[%dma_start3A_143, %dma_start3A_144] : memref<10240x128xf32, #tpu.memory_space<vmem_shared>> -> memref<10240x128xf32, #tpu.memory_space<vmem_shared>>
        tpu.enqueue_indirect_dma source(%arg16 : memref<80x128xf32, #tpu.memory_space<vmem>>) target(%dma_start3A_145 : memref<10240x128xf32, #tpu.memory_space<vmem_shared>>) offsets(%arg13 : memref<80xi32, #tpu.memory_space<vmem>>) semaphore(%arg26 : memref<!tpu.dma_semaphore, #tpu.memory_space<semaphore_mem>>) {add = true}
        %mul3A_146 = arith.constant 80 : i32
        %mul3A_147 = arith.muli %min3A_89, %mul3A_146 : i32
        %add3A_148 = arith.addi %mul3A_2, %mul3A_147 : i32
        %dma_start3A_149 = tpu.memref_slice %arg2[%add3A_148] : memref<320000xi32, #tpu.memory_space<hbm>> -> memref<80xi32, #tpu.memory_space<hbm>>
        %dma_start3A_150 = tpu.memref_slice %arg2[%add3A_148] : memref<320000xi32, #tpu.memory_space<hbm>> -> memref<80xi32, #tpu.memory_space<hbm>>
        tpu.enqueue_dma source(%dma_start3A_150 : memref<80xi32, #tpu.memory_space<hbm>>) target(%arg6 : memref<80xi32, #tpu.memory_space<vmem>>) target_semaphore(%arg19 : memref<!tpu.dma_semaphore, #tpu.memory_space<semaphore_mem>>)
        %mul3A_151 = arith.constant 80 : i32
        %mul3A_152 = arith.muli %min3A_89, %mul3A_151 : i32
        %add3A_153 = arith.addi %mul3A_2, %mul3A_152 : i32
        %dma_start3A_154 = tpu.memref_slice %arg3[%add3A_153] : memref<320000xi32, #tpu.memory_space<hbm>> -> memref<80xi32, #tpu.memory_space<hbm>>
        %dma_start3A_155 = tpu.memref_slice %arg3[%add3A_153] : memref<320000xi32, #tpu.memory_space<hbm>> -> memref<80xi32, #tpu.memory_space<hbm>>
        tpu.enqueue_dma source(%dma_start3A_155 : memref<80xi32, #tpu.memory_space<hbm>>) target(%arg9 : memref<80xi32, #tpu.memory_space<vmem>>) target_semaphore(%arg19 : memref<!tpu.dma_semaphore, #tpu.memory_space<semaphore_mem>>)
      } else {
      }
      %eq3A_78 = arith.constant 2 : i32
      %eq3A_79 = arith.cmpi eq, %rem3A_70, %eq3A_78 : i32
      %convert_element_type3A_80 = arith.extui %eq3A_79 : i1 to i32
      %cond3A_81 = arith.constant 0 : i32
      %cond3A_82 = arith.cmpi ne, %convert_element_type3A_80, %cond3A_81 : i32
      scf.if %cond3A_82 {
        %add3A_83 = arith.constant 1 : i32
        %add3A_84 = arith.addi %scan3A_69, %add3A_83 : i32
        %min3A = arith.constant 124 : i32
        %min3A_85 = arith.minsi %add3A_84, %min3A : i32
        %add3A_86 = arith.constant 2 : i32
        %add3A_87 = arith.addi %scan3A_69, %add3A_86 : i32
        %min3A_88 = arith.constant 124 : i32
        %min3A_89 = arith.minsi %add3A_87, %min3A_88 : i32
        %mul3A_90 = arith.constant 80 : i32
        %mul3A_91 = arith.muli %min3A_85, %mul3A_90 : i32
        %add3A_92 = arith.addi %mul3A_2, %mul3A_91 : i32
        %dma_wait3A_93 = tpu.memref_slice %arg2[%add3A_92] : memref<320000xi32, #tpu.memory_space<hbm>> -> memref<80xi32, #tpu.memory_space<hbm>>
        %dma_wait3A_94 = tpu.memref_slice %arg2[%add3A_92] : memref<320000xi32, #tpu.memory_space<hbm>> -> memref<80xi32, #tpu.memory_space<hbm>>
        tpu.wait_dma2 semaphore(%arg19 : memref<!tpu.dma_semaphore, #tpu.memory_space<semaphore_mem>>) src(%dma_wait3A_94 : memref<80xi32, #tpu.memory_space<hbm>>) dst(%arg6 : memref<80xi32, #tpu.memory_space<vmem>>)
        %mul3A_95 = arith.constant 80 : i32
        %mul3A_96 = arith.muli %min3A_85, %mul3A_95 : i32
        %add3A_97 = arith.addi %mul3A_2, %mul3A_96 : i32
        %dma_wait3A_98 = tpu.memref_slice %arg3[%add3A_97] : memref<320000xi32, #tpu.memory_space<hbm>> -> memref<80xi32, #tpu.memory_space<hbm>>
        %dma_wait3A_99 = tpu.memref_slice %arg3[%add3A_97] : memref<320000xi32, #tpu.memory_space<hbm>> -> memref<80xi32, #tpu.memory_space<hbm>>
        tpu.wait_dma2 semaphore(%arg19 : memref<!tpu.dma_semaphore, #tpu.memory_space<semaphore_mem>>) src(%dma_wait3A_99 : memref<80xi32, #tpu.memory_space<hbm>>) dst(%arg9 : memref<80xi32, #tpu.memory_space<vmem>>)
        %ge3A = arith.constant 2 : i32
        %ge3A_100 = arith.cmpi sge, %scan3A_69, %ge3A : i32
        %convert_element_type3A_101 = arith.extui %ge3A_100 : i1 to i32
        %cond3A_102 = arith.constant 0 : i32
        %cond3A_103 = arith.cmpi ne, %convert_element_type3A_101, %cond3A_102 : i32
        scf.if %cond3A_103 {
          %dma_wait3A_156 = arith.constant 0 : i32
          %dma_wait3A_157 = arith.constant 0 : i32
          %dma_wait3A_158 = tpu.memref_slice %arg18[%dma_wait3A_156, %dma_wait3A_157] : memref<10240x128xf32, #tpu.memory_space<vmem_shared>> -> memref<10240x128xf32, #tpu.memory_space<vmem_shared>>
          tpu.wait_indirect_dma semaphore(%arg25 : memref<!tpu.dma_semaphore, #tpu.memory_space<semaphore_mem>>) src(%arg15 : memref<80x128xf32, #tpu.memory_space<vmem>>) dst(%dma_wait3A_158 : memref<10240x128xf32, #tpu.memory_space<vmem_shared>>)
        } else {
        }
        %dma_start3A_104 = arith.constant 0 : i32
        %dma_start3A_105 = arith.constant 0 : i32
        %dma_start3A_106 = tpu.memref_slice %arg4[%dma_start3A_104, %dma_start3A_105] : memref<10240x128xf32, #tpu.memory_space<hbm>> -> memref<10240x128xf32, #tpu.memory_space<hbm>>
        tpu.enqueue_indirect_dma source(%dma_start3A_106 : memref<10240x128xf32, #tpu.memory_space<hbm>>) target(%arg15 : memref<80x128xf32, #tpu.memory_space<vmem>>) offsets(%arg6 : memref<80xi32, #tpu.memory_space<vmem>>) semaphore(%arg22 : memref<!tpu.dma_semaphore, #tpu.memory_space<semaphore_mem>>)
        %dma_wait3A_107 = arith.constant 0 : i32
        %dma_wait3A_108 = arith.constant 0 : i32
        %dma_wait3A_109 = tpu.memref_slice %arg4[%dma_wait3A_107, %dma_wait3A_108] : memref<10240x128xf32, #tpu.memory_space<hbm>> -> memref<10240x128xf32, #tpu.memory_space<hbm>>
        tpu.wait_indirect_dma semaphore(%arg24 : memref<!tpu.dma_semaphore, #tpu.memory_space<semaphore_mem>>) src(%dma_wait3A_109 : memref<10240x128xf32, #tpu.memory_space<hbm>>) dst(%arg17 : memref<80x128xf32, #tpu.memory_space<vmem>>)
        %get3A = arith.constant 0 : index
        %get3A_110 = tpu.vector_load %arg11[%get3A] {strides = array<i32>} : memref<80xi32, #tpu.memory_space<vmem>>, vector<16xi32>,
        %get3A_111 = vector.shape_cast %get3A_110 : vector<16xi32> to vector<16xi32>
        %swap3A = arith.constant 0 : index
        %swap3A_112 = tpu.vector_load %arg14[%swap3A] {strides = array<i32>} : memref<80xi32, #tpu.memory_space<vmem>>, vector<16xi32>,
        %swap3A_113 = vector.shape_cast %swap3A_112 : vector<16xi32> to vector<16xi32>
        %swap3A_114 = vector.shape_cast %get3A_111 : vector<16xi32> to vector<16xi32>
        tpu.vector_store %arg14[%swap3A], %swap3A_114 {strides = array<i32>} : memref<80xi32, #tpu.memory_space<vmem>>, vector<16xi32>,
        %get3A_115 = arith.constant 16 : index
        %get3A_116 = tpu.vector_load %arg11[%get3A_115] {strides = array<i32>} : memref<80xi32, #tpu.memory_space<vmem>>, vector<16xi32>,
        %get3A_117 = vector.shape_cast %get3A_116 : vector<16xi32> to vector<16xi32>
        %swap3A_118 = arith.constant 16 : index
        %swap3A_119 = tpu.vector_load %arg14[%swap3A_118] {strides = array<i32>} : memref<80xi32, #tpu.memory_space<vmem>>, vector<16xi32>,
        %swap3A_120 = vector.shape_cast %swap3A_119 : vector<16xi32> to vector<16xi32>
        %swap3A_121 = vector.shape_cast %get3A_117 : vector<16xi32> to vector<16xi32>
        tpu.vector_store %arg14[%swap3A_118], %swap3A_121 {strides = array<i32>} : memref<80xi32, #tpu.memory_space<vmem>>, vector<16xi32>,
        %get3A_122 = arith.constant 32 : index
        %get3A_123 = tpu.vector_load %arg11[%get3A_122] {strides = array<i32>} : memref<80xi32, #tpu.memory_space<vmem>>, vector<16xi32>,
        %get3A_124 = vector.shape_cast %get3A_123 : vector<16xi32> to vector<16xi32>
        %swap3A_125 = arith.constant 32 : index
        %swap3A_126 = tpu.vector_load %arg14[%swap3A_125] {strides = array<i32>} : memref<80xi32, #tpu.memory_space<vmem>>, vector<16xi32>,
        %swap3A_127 = vector.shape_cast %swap3A_126 : vector<16xi32> to vector<16xi32>
        %swap3A_128 = vector.shape_cast %get3A_124 : vector<16xi32> to vector<16xi32>
        tpu.vector_store %arg14[%swap3A_125], %swap3A_128 {strides = array<i32>} : memref<80xi32, #tpu.memory_space<vmem>>, vector<16xi32>,
        %get3A_129 = arith.constant 48 : index
        %get3A_130 = tpu.vector_load %arg11[%get3A_129] {strides = array<i32>} : memref<80xi32, #tpu.memory_space<vmem>>, vector<16xi32>,
        %get3A_131 = vector.shape_cast %get3A_130 : vector<16xi32> to vector<16xi32>
        %swap3A_132 = arith.constant 48 : index
        %swap3A_133 = tpu.vector_load %arg14[%swap3A_132] {strides = array<i32>} : memref<80xi32, #tpu.memory_space<vmem>>, vector<16xi32>,
        %swap3A_134 = vector.shape_cast %swap3A_133 : vector<16xi32> to vector<16xi32>
        %swap3A_135 = vector.shape_cast %get3A_131 : vector<16xi32> to vector<16xi32>
        tpu.vector_store %arg14[%swap3A_132], %swap3A_135 {strides = array<i32>} : memref<80xi32, #tpu.memory_space<vmem>>, vector<16xi32>,
        %get3A_136 = arith.constant 64 : index
        %get3A_137 = tpu.vector_load %arg11[%get3A_136] {strides = array<i32>} : memref<80xi32, #tpu.memory_space<vmem>>, vector<16xi32>,
        %get3A_138 = vector.shape_cast %get3A_137 : vector<16xi32> to vector<16xi32>
        %swap3A_139 = arith.constant 64 : index
        %swap3A_140 = tpu.vector_load %arg14[%swap3A_139] {strides = array<i32>} : memref<80xi32, #tpu.memory_space<vmem>>, vector<16xi32>,
        %swap3A_141 = vector.shape_cast %swap3A_140 : vector<16xi32> to vector<16xi32>
        %swap3A_142 = vector.shape_cast %get3A_138 : vector<16xi32> to vector<16xi32>
        tpu.vector_store %arg14[%swap3A_139], %swap3A_142 {strides = array<i32>} : memref<80xi32, #tpu.memory_space<vmem>>, vector<16xi32>,
        %dma_start3A_143 = arith.constant 0 : i32
        %dma_start3A_144 = arith.constant 0 : i32
        %dma_start3A_145 = tpu.memref_slice %arg18[%dma_start3A_143, %dma_start3A_144] : memref<10240x128xf32, #tpu.memory_space<vmem_shared>> -> memref<10240x128xf32, #tpu.memory_space<vmem_shared>>
        tpu.enqueue_indirect_dma source(%arg17 : memref<80x128xf32, #tpu.memory_space<vmem>>) target(%dma_start3A_145 : memref<10240x128xf32, #tpu.memory_space<vmem_shared>>) offsets(%arg14 : memref<80xi32, #tpu.memory_space<vmem>>) semaphore(%arg27 : memref<!tpu.dma_semaphore, #tpu.memory_space<semaphore_mem>>) {add = true}
        %mul3A_146 = arith.constant 80 : i32
        %mul3A_147 = arith.muli %min3A_89, %mul3A_146 : i32
        %add3A_148 = arith.addi %mul3A_2, %mul3A_147 : i32
        %dma_start3A_149 = tpu.memref_slice %arg2[%add3A_148] : memref<320000xi32, #tpu.memory_space<hbm>> -> memref<80xi32, #tpu.memory_space<hbm>>
        %dma_start3A_150 = tpu.memref_slice %arg2[%add3A_148] : memref<320000xi32, #tpu.memory_space<hbm>> -> memref<80xi32, #tpu.memory_space<hbm>>
        tpu.enqueue_dma source(%dma_start3A_150 : memref<80xi32, #tpu.memory_space<hbm>>) target(%arg7 : memref<80xi32, #tpu.memory_space<vmem>>) target_semaphore(%arg20 : memref<!tpu.dma_semaphore, #tpu.memory_space<semaphore_mem>>)
        %mul3A_151 = arith.constant 80 : i32
        %mul3A_152 = arith.muli %min3A_89, %mul3A_151 : i32
        %add3A_153 = arith.addi %mul3A_2, %mul3A_152 : i32
        %dma_start3A_154 = tpu.memref_slice %arg3[%add3A_153] : memref<320000xi32, #tpu.memory_space<hbm>> -> memref<80xi32, #tpu.memory_space<hbm>>
        %dma_start3A_155 = tpu.memref_slice %arg3[%add3A_153] : memref<320000xi32, #tpu.memory_space<hbm>> -> memref<80xi32, #tpu.memory_space<hbm>>
        tpu.enqueue_dma source(%dma_start3A_155 : memref<80xi32, #tpu.memory_space<hbm>>) target(%arg10 : memref<80xi32, #tpu.memory_space<vmem>>) target_semaphore(%arg20 : memref<!tpu.dma_semaphore, #tpu.memory_space<semaphore_mem>>)
      } else {
      }
    }
    %scan3A_46 = arith.constant 125 : i32
    %dma_wait3A_47 = arith.constant 0 : i32
    %dma_wait3A_48 = arith.constant 0 : i32
    %dma_wait3A_49 = tpu.memref_slice %arg4[%dma_wait3A_47, %dma_wait3A_48] : memref<10240x128xf32, #tpu.memory_space<hbm>> -> memref<10240x128xf32, #tpu.memory_space<hbm>>
    tpu.wait_indirect_dma semaphore(%arg24 : memref<!tpu.dma_semaphore, #tpu.memory_space<semaphore_mem>>) src(%dma_wait3A_49 : memref<10240x128xf32, #tpu.memory_space<hbm>>) dst(%arg17 : memref<80x128xf32, #tpu.memory_space<vmem>>)
    %add3A_50 = arith.constant 9920 : i32
    %add3A_51 = arith.addi %mul3A_2, %add3A_50 : i32
    %dma_wait3A_52 = tpu.memref_slice %arg2[%add3A_51] : memref<320000xi32, #tpu.memory_space<hbm>> -> memref<80xi32, #tpu.memory_space<hbm>>
    %dma_wait3A_53 = tpu.memref_slice %arg2[%add3A_51] : memref<320000xi32, #tpu.memory_space<hbm>> -> memref<80xi32, #tpu.memory_space<hbm>>
    tpu.wait_dma2 semaphore(%arg19 : memref<!tpu.dma_semaphore, #tpu.memory_space<semaphore_mem>>) src(%dma_wait3A_53 : memref<80xi32, #tpu.memory_space<hbm>>) dst(%arg6 : memref<80xi32, #tpu.memory_space<vmem>>)
    %add3A_54 = arith.constant 9920 : i32
    %add3A_55 = arith.addi %mul3A_2, %add3A_54 : i32
    %dma_wait3A_56 = tpu.memref_slice %arg3[%add3A_55] : memref<320000xi32, #tpu.memory_space<hbm>> -> memref<80xi32, #tpu.memory_space<hbm>>
    %dma_wait3A_57 = tpu.memref_slice %arg3[%add3A_55] : memref<320000xi32, #tpu.memory_space<hbm>> -> memref<80xi32, #tpu.memory_space<hbm>>
    tpu.wait_dma2 semaphore(%arg19 : memref<!tpu.dma_semaphore, #tpu.memory_space<semaphore_mem>>) src(%dma_wait3A_57 : memref<80xi32, #tpu.memory_space<hbm>>) dst(%arg9 : memref<80xi32, #tpu.memory_space<vmem>>)
    %dma_wait3A_58 = arith.constant 0 : i32
    %dma_wait3A_59 = arith.constant 0 : i32
    %dma_wait3A_60 = tpu.memref_slice %arg18[%dma_wait3A_58, %dma_wait3A_59] : memref<10240x128xf32, #tpu.memory_space<vmem_shared>> -> memref<10240x128xf32, #tpu.memory_space<vmem_shared>>
    tpu.wait_indirect_dma semaphore(%arg25 : memref<!tpu.dma_semaphore, #tpu.memory_space<semaphore_mem>>) src(%arg15 : memref<80x128xf32, #tpu.memory_space<vmem>>) dst(%dma_wait3A_60 : memref<10240x128xf32, #tpu.memory_space<vmem_shared>>)
    %dma_wait3A_61 = arith.constant 0 : i32
    %dma_wait3A_62 = arith.constant 0 : i32
    %dma_wait3A_63 = tpu.memref_slice %arg18[%dma_wait3A_61, %dma_wait3A_62] : memref<10240x128xf32, #tpu.memory_space<vmem_shared>> -> memref<10240x128xf32, #tpu.memory_space<vmem_shared>>
    tpu.wait_indirect_dma semaphore(%arg26 : memref<!tpu.dma_semaphore, #tpu.memory_space<semaphore_mem>>) src(%arg16 : memref<80x128xf32, #tpu.memory_space<vmem>>) dst(%dma_wait3A_63 : memref<10240x128xf32, #tpu.memory_space<vmem_shared>>)
    %barrier3A_64 = arith.constant 0 : index
    tpu.barrier barrier_id(%barrier3A_64)
    %mul3A_65 = arith.constant 640 : i32
    %mul3A_66 = arith.muli %arg1, %mul3A_65 : i32
    %mul3A_67 = arith.constant 640 : i32
    %mul3A_68 = arith.muli %arg1, %mul3A_67 : i32
    "tpu.region"() ({
      %run_scoped3A = tpu.sem_alloc : memref<!tpu.dma_semaphore, #tpu.memory_space<semaphore_mem>>
      %dma_start3A_69 = arith.constant 0 : i32
      %dma_start3A_70 = arith.constant 0 : i32
      %dma_start3A_71 = tpu.memref_slice %arg5[%arg0, %dma_start3A_69, %dma_start3A_70] : memref<2x10240x128xf32, #tpu.memory_space<hbm>> -> memref<1x10240x128xf32, #tpu.memory_space<hbm>>
      %dma_start3A_72 = tpu.memref_squeeze %dma_start3A_71 : memref<1x10240x128xf32, #tpu.memory_space<hbm>> -> memref<10240x128xf32, #tpu.memory_space<hbm>>
      %dma_start3A_73 = arith.constant 0 : i32
      %dma_start3A_74 = tpu.memref_slice %dma_start3A_72[%mul3A_68, %dma_start3A_73] : memref<10240x128xf32, #tpu.memory_space<hbm>> -> memref<640x128xf32, #tpu.memory_space<hbm>>
      %dma_start3A_75 = arith.constant 0 : i32
      %dma_start3A_76 = tpu.memref_slice %arg18[%mul3A_66, %dma_start3A_75] : memref<10240x128xf32, #tpu.memory_space<vmem_shared>> -> memref<640x128xf32, #tpu.memory_space<vmem_shared>>
      tpu.enqueue_dma source(%dma_start3A_76 : memref<640x128xf32, #tpu.memory_space<vmem_shared>>) target(%dma_start3A_74 : memref<640x128xf32, #tpu.memory_space<hbm>>) target_semaphore(%run_scoped3A : memref<!tpu.dma_semaphore, #tpu.memory_space<semaphore_mem>>)
      %dma_wait3A_77 = arith.constant 0 : i32
      %dma_wait3A_78 = arith.constant 0 : i32
      %dma_wait3A_79 = tpu.memref_slice %arg5[%arg0, %dma_wait3A_77, %dma_wait3A_78] : memref<2x10240x128xf32, #tpu.memory_space<hbm>> -> memref<1x10240x128xf32, #tpu.memory_space<hbm>>
      %dma_wait3A_80 = tpu.memref_squeeze %dma_wait3A_79 : memref<1x10240x128xf32, #tpu.memory_space<hbm>> -> memref<10240x128xf32, #tpu.memory_space<hbm>>
      %dma_wait3A_81 = arith.constant 0 : i32
      %dma_wait3A_82 = tpu.memref_slice %dma_wait3A_80[%mul3A_68, %dma_wait3A_81] : memref<10240x128xf32, #tpu.memory_space<hbm>> -> memref<640x128xf32, #tpu.memory_space<hbm>>
      %dma_wait3A_83 = arith.constant 0 : i32
      %dma_wait3A_84 = tpu.memref_slice %arg18[%mul3A_66, %dma_wait3A_83] : memref<10240x128xf32, #tpu.memory_space<vmem_shared>> -> memref<640x128xf32, #tpu.memory_space<vmem_shared>>
      tpu.wait_dma2 semaphore(%run_scoped3A : memref<!tpu.dma_semaphore, #tpu.memory_space<semaphore_mem>>) src(%dma_wait3A_84 : memref<640x128xf32, #tpu.memory_space<vmem_shared>>) dst(%dma_wait3A_82 : memref<640x128xf32, #tpu.memory_space<hbm>>)
      tpu.yield
    }) : () -> ()
    return
  }
}

#map = affine_map<(d0, d1) -> (0)>
#map1 = affine_map<(d0, d1) -> (0, 0)>
#map2 = affine_map<(d0, d1) -> (0, 0, 0)>
module attributes {stable_mosaic.version = 14 : i64} {
  func.func @pass_kernel(%arg0: i32, %arg1: i32, %arg2: memref<320000xi32, #tpu.memory_space<hbm>>, %arg3: memref<320000xi32, #tpu.memory_space<hbm>>, %arg4: memref<320000x128xf32, #tpu.memory_space<hbm>>, %arg5: memref<2x10240x128xf32, #tpu.memory_space<hbm>>, %arg6: memref<80xi32, #tpu.memory_space<vmem>>, %arg7: memref<80xi32, #tpu.memory_space<vmem>>, %arg8: memref<80xi32, #tpu.memory_space<vmem>>, %arg9: memref<80xi32, #tpu.memory_space<vmem>>, %arg10: memref<80xi32, #tpu.memory_space<vmem>>, %arg11: memref<80xi32, #tpu.memory_space<vmem>>, %arg12: memref<80x128xf32, #tpu.memory_space<vmem>>, %arg13: memref<80x128xf32, #tpu.memory_space<vmem>>, %arg14: memref<80x128xf32, #tpu.memory_space<vmem>>, %arg15: memref<10240x128xf32, #tpu.memory_space<vmem_shared>>, %arg16: memref<!tpu.dma_semaphore, #tpu.memory_space<semaphore_mem>>, %arg17: memref<!tpu.dma_semaphore, #tpu.memory_space<semaphore_mem>>, %arg18: memref<!tpu.dma_semaphore, #tpu.memory_space<semaphore_mem>>, %arg19: memref<!tpu.dma_semaphore, #tpu.memory_space<semaphore_mem>>, %arg20: memref<!tpu.dma_semaphore, #tpu.memory_space<semaphore_mem>>, %arg21: memref<!tpu.dma_semaphore, #tpu.memory_space<semaphore_mem>>, %arg22: memref<!tpu.dma_semaphore, #tpu.memory_space<semaphore_mem>>, %arg23: memref<!tpu.dma_semaphore, #tpu.memory_space<semaphore_mem>>, %arg24: memref<!tpu.dma_semaphore, #tpu.memory_space<semaphore_mem>>, %arg25: memref<!tpu.dma_semaphore, #tpu.memory_space<semaphore_mem>>) attributes {dimension_semantics = [#tpu.dimension_semantics<core_parallel>, #tpu.dimension_semantics<subcore_parallel>], iteration_bounds = array<i64: 2, 16>, scalar_prefetch = 0 : i64, scratch_operands = 20 : i64, tpu.core_type = #tpu.core_type<sc_vector_subcore>, window_params = [{transform_indices = #map}, {transform_indices = #map}, {transform_indices = #map1}, {transform_indices = #map2}]} {
    %mul3A = arith.constant 16 : i32
    %mul3A_0 = arith.muli %arg0, %mul3A : i32
    %add3A = arith.addi %mul3A_0, %arg1 : i32
    %mul3A_1 = arith.constant 10000 : i32
    %mul3A_2 = arith.muli %add3A, %mul3A_1 : i32
    %add3A_3 = arith.constant 0 : i32
    %add3A_4 = arith.addi %mul3A_2, %add3A_3 : i32
    %dma_start3A = tpu.memref_slice %arg3[%add3A_4] : memref<320000xi32, #tpu.memory_space<hbm>> -> memref<80xi32, #tpu.memory_space<hbm>>
    %dma_start3A_5 = tpu.memref_slice %arg3[%add3A_4] : memref<320000xi32, #tpu.memory_space<hbm>> -> memref<80xi32, #tpu.memory_space<hbm>>
    tpu.enqueue_dma source(%dma_start3A_5 : memref<80xi32, #tpu.memory_space<hbm>>) target(%arg6 : memref<80xi32, #tpu.memory_space<vmem>>) target_semaphore(%arg16 : memref<!tpu.dma_semaphore, #tpu.memory_space<semaphore_mem>>)
    %scan3A = arith.constant 0 : i32
    %scan3A_6 = arith.constant 80 : i32
    %scan3A_7 = arith.addi %scan3A, %scan3A_6 : i32
    %scan3A_8 = arith.constant 1 : i32
    scf.for %scan3A_59 = %scan3A to %scan3A_7 step %scan3A_8  : i32 {
      %broadcast_in_dim3A = arith.constant 0.000000e+00 : f32
      %broadcast_in_dim3A_60 = vector.broadcast %broadcast_in_dim3A : f32 to vector<16xf32>
      %swap3A = arith.index_cast %scan3A_59 : i32 to index
      %swap3A_61 = arith.constant 0 : index
      %swap3A_62 = tpu.vector_load %arg13[%swap3A, %swap3A_61] {strides = array<i32>} : memref<80x128xf32, #tpu.memory_space<vmem>>, vector<1x16xf32>,
      %swap3A_63 = vector.shape_cast %swap3A_62 : vector<1x16xf32> to vector<16xf32>
      %swap3A_64 = vector.shape_cast %broadcast_in_dim3A_60 : vector<16xf32> to vector<1x16xf32>
      tpu.vector_store %arg13[%swap3A, %swap3A_61], %swap3A_64 {strides = array<i32>} : memref<80x128xf32, #tpu.memory_space<vmem>>, vector<1x16xf32>,
      %broadcast_in_dim3A_65 = arith.constant 0.000000e+00 : f32
      %broadcast_in_dim3A_66 = vector.broadcast %broadcast_in_dim3A_65 : f32 to vector<16xf32>
      %swap3A_67 = arith.index_cast %scan3A_59 : i32 to index
      %swap3A_68 = arith.constant 16 : index
      %swap3A_69 = tpu.vector_load %arg13[%swap3A_67, %swap3A_68] {strides = array<i32>} : memref<80x128xf32, #tpu.memory_space<vmem>>, vector<1x16xf32>,
      %swap3A_70 = vector.shape_cast %swap3A_69 : vector<1x16xf32> to vector<16xf32>
      %swap3A_71 = vector.shape_cast %broadcast_in_dim3A_66 : vector<16xf32> to vector<1x16xf32>
      tpu.vector_store %arg13[%swap3A_67, %swap3A_68], %swap3A_71 {strides = array<i32>} : memref<80x128xf32, #tpu.memory_space<vmem>>, vector<1x16xf32>,
      %broadcast_in_dim3A_72 = arith.constant 0.000000e+00 : f32
      %broadcast_in_dim3A_73 = vector.broadcast %broadcast_in_dim3A_72 : f32 to vector<16xf32>
      %swap3A_74 = arith.index_cast %scan3A_59 : i32 to index
      %swap3A_75 = arith.constant 32 : index
      %swap3A_76 = tpu.vector_load %arg13[%swap3A_74, %swap3A_75] {strides = array<i32>} : memref<80x128xf32, #tpu.memory_space<vmem>>, vector<1x16xf32>,
      %swap3A_77 = vector.shape_cast %swap3A_76 : vector<1x16xf32> to vector<16xf32>
      %swap3A_78 = vector.shape_cast %broadcast_in_dim3A_73 : vector<16xf32> to vector<1x16xf32>
      tpu.vector_store %arg13[%swap3A_74, %swap3A_75], %swap3A_78 {strides = array<i32>} : memref<80x128xf32, #tpu.memory_space<vmem>>, vector<1x16xf32>,
      %broadcast_in_dim3A_79 = arith.constant 0.000000e+00 : f32
      %broadcast_in_dim3A_80 = vector.broadcast %broadcast_in_dim3A_79 : f32 to vector<16xf32>
      %swap3A_81 = arith.index_cast %scan3A_59 : i32 to index
      %swap3A_82 = arith.constant 48 : index
      %swap3A_83 = tpu.vector_load %arg13[%swap3A_81, %swap3A_82] {strides = array<i32>} : memref<80x128xf32, #tpu.memory_space<vmem>>, vector<1x16xf32>,
      %swap3A_84 = vector.shape_cast %swap3A_83 : vector<1x16xf32> to vector<16xf32>
      %swap3A_85 = vector.shape_cast %broadcast_in_dim3A_80 : vector<16xf32> to vector<1x16xf32>
      tpu.vector_store %arg13[%swap3A_81, %swap3A_82], %swap3A_85 {strides = array<i32>} : memref<80x128xf32, #tpu.memory_space<vmem>>, vector<1x16xf32>,
      %broadcast_in_dim3A_86 = arith.constant 0.000000e+00 : f32
      %broadcast_in_dim3A_87 = vector.broadcast %broadcast_in_dim3A_86 : f32 to vector<16xf32>
      %swap3A_88 = arith.index_cast %scan3A_59 : i32 to index
      %swap3A_89 = arith.constant 64 : index
      %swap3A_90 = tpu.vector_load %arg13[%swap3A_88, %swap3A_89] {strides = array<i32>} : memref<80x128xf32, #tpu.memory_space<vmem>>, vector<1x16xf32>,
      %swap3A_91 = vector.shape_cast %swap3A_90 : vector<1x16xf32> to vector<16xf32>
      %swap3A_92 = vector.shape_cast %broadcast_in_dim3A_87 : vector<16xf32> to vector<1x16xf32>
      tpu.vector_store %arg13[%swap3A_88, %swap3A_89], %swap3A_92 {strides = array<i32>} : memref<80x128xf32, #tpu.memory_space<vmem>>, vector<1x16xf32>,
      %broadcast_in_dim3A_93 = arith.constant 0.000000e+00 : f32
      %broadcast_in_dim3A_94 = vector.broadcast %broadcast_in_dim3A_93 : f32 to vector<16xf32>
      %swap3A_95 = arith.index_cast %scan3A_59 : i32 to index
      %swap3A_96 = arith.constant 80 : index
      %swap3A_97 = tpu.vector_load %arg13[%swap3A_95, %swap3A_96] {strides = array<i32>} : memref<80x128xf32, #tpu.memory_space<vmem>>, vector<1x16xf32>,
      %swap3A_98 = vector.shape_cast %swap3A_97 : vector<1x16xf32> to vector<16xf32>
      %swap3A_99 = vector.shape_cast %broadcast_in_dim3A_94 : vector<16xf32> to vector<1x16xf32>
      tpu.vector_store %arg13[%swap3A_95, %swap3A_96], %swap3A_99 {strides = array<i32>} : memref<80x128xf32, #tpu.memory_space<vmem>>, vector<1x16xf32>,
      %broadcast_in_dim3A_100 = arith.constant 0.000000e+00 : f32
      %broadcast_in_dim3A_101 = vector.broadcast %broadcast_in_dim3A_100 : f32 to vector<16xf32>
      %swap3A_102 = arith.index_cast %scan3A_59 : i32 to index
      %swap3A_103 = arith.constant 96 : index
      %swap3A_104 = tpu.vector_load %arg13[%swap3A_102, %swap3A_103] {strides = array<i32>} : memref<80x128xf32, #tpu.memory_space<vmem>>, vector<1x16xf32>,
      %swap3A_105 = vector.shape_cast %swap3A_104 : vector<1x16xf32> to vector<16xf32>
      %swap3A_106 = vector.shape_cast %broadcast_in_dim3A_101 : vector<16xf32> to vector<1x16xf32>
      tpu.vector_store %arg13[%swap3A_102, %swap3A_103], %swap3A_106 {strides = array<i32>} : memref<80x128xf32, #tpu.memory_space<vmem>>, vector<1x16xf32>,
      %broadcast_in_dim3A_107 = arith.constant 0.000000e+00 : f32
      %broadcast_in_dim3A_108 = vector.broadcast %broadcast_in_dim3A_107 : f32 to vector<16xf32>
      %swap3A_109 = arith.index_cast %scan3A_59 : i32 to index
      %swap3A_110 = arith.constant 112 : index
      %swap3A_111 = tpu.vector_load %arg13[%swap3A_109, %swap3A_110] {strides = array<i32>} : memref<80x128xf32, #tpu.memory_space<vmem>>, vector<1x16xf32>,
      %swap3A_112 = vector.shape_cast %swap3A_111 : vector<1x16xf32> to vector<16xf32>
      %swap3A_113 = vector.shape_cast %broadcast_in_dim3A_108 : vector<16xf32> to vector<1x16xf32>
      tpu.vector_store %arg13[%swap3A_109, %swap3A_110], %swap3A_113 {strides = array<i32>} : memref<80x128xf32, #tpu.memory_space<vmem>>, vector<1x16xf32>,
    }
    %scan3A_9 = arith.constant 80 : i32
    %scan3A_10 = arith.constant 0 : i32
    %scan3A_11 = arith.constant 8 : i32
    %scan3A_12 = arith.addi %scan3A_10, %scan3A_11 : i32
    %scan3A_13 = arith.constant 1 : i32
    scf.for %scan3A_59 = %scan3A_10 to %scan3A_12 step %scan3A_13  : i32 {
      %mul3A_60 = arith.constant 640 : i32
      %mul3A_61 = arith.muli %arg1, %mul3A_60 : i32
      %mul3A_62 = arith.constant 80 : i32
      %mul3A_63 = arith.muli %scan3A_59, %mul3A_62 : i32
      %add3A_64 = arith.addi %mul3A_61, %mul3A_63 : i32
      %dma_start3A_65 = arith.constant 0 : i32
      %dma_start3A_66 = tpu.memref_slice %arg15[%add3A_64, %dma_start3A_65] : memref<10240x128xf32, #tpu.memory_space<vmem_shared>> -> memref<80x128xf32, #tpu.memory_space<vmem_shared>>
      %dma_start3A_67 = arith.constant 0 : i32
      %dma_start3A_68 = tpu.memref_slice %arg15[%add3A_64, %dma_start3A_67] : memref<10240x128xf32, #tpu.memory_space<vmem_shared>> -> memref<80x128xf32, #tpu.memory_space<vmem_shared>>
      tpu.enqueue_dma source(%arg13 : memref<80x128xf32, #tpu.memory_space<vmem>>) target(%dma_start3A_68 : memref<80x128xf32, #tpu.memory_space<vmem_shared>>) target_semaphore(%arg25 : memref<!tpu.dma_semaphore, #tpu.memory_space<semaphore_mem>>)
    }
    %scan3A_14 = arith.constant 8 : i32
    %scan3A_15 = arith.constant 0 : i32
    %scan3A_16 = arith.constant 8 : i32
    %scan3A_17 = arith.addi %scan3A_15, %scan3A_16 : i32
    %scan3A_18 = arith.constant 1 : i32
    scf.for %scan3A_59 = %scan3A_15 to %scan3A_17 step %scan3A_18  : i32 {
      %mul3A_60 = arith.constant 640 : i32
      %mul3A_61 = arith.muli %arg1, %mul3A_60 : i32
      %mul3A_62 = arith.constant 80 : i32
      %mul3A_63 = arith.muli %scan3A_59, %mul3A_62 : i32
      %add3A_64 = arith.addi %mul3A_61, %mul3A_63 : i32
      %dma_wait3A_65 = arith.constant 0 : i32
      %dma_wait3A_66 = tpu.memref_slice %arg15[%add3A_64, %dma_wait3A_65] : memref<10240x128xf32, #tpu.memory_space<vmem_shared>> -> memref<80x128xf32, #tpu.memory_space<vmem_shared>>
      %dma_wait3A_67 = arith.constant 0 : i32
      %dma_wait3A_68 = tpu.memref_slice %arg15[%add3A_64, %dma_wait3A_67] : memref<10240x128xf32, #tpu.memory_space<vmem_shared>> -> memref<80x128xf32, #tpu.memory_space<vmem_shared>>
      tpu.wait_dma2 semaphore(%arg25 : memref<!tpu.dma_semaphore, #tpu.memory_space<semaphore_mem>>) src(%arg13 : memref<80x128xf32, #tpu.memory_space<vmem>>) dst(%dma_wait3A_68 : memref<80x128xf32, #tpu.memory_space<vmem_shared>>)
    }
    %scan3A_19 = arith.constant 8 : i32
    %add3A_20 = arith.constant 0 : i32
    %add3A_21 = arith.addi %mul3A_2, %add3A_20 : i32
    %dma_wait3A = tpu.memref_slice %arg3[%add3A_21] : memref<320000xi32, #tpu.memory_space<hbm>> -> memref<80xi32, #tpu.memory_space<hbm>>
    %dma_wait3A_22 = tpu.memref_slice %arg3[%add3A_21] : memref<320000xi32, #tpu.memory_space<hbm>> -> memref<80xi32, #tpu.memory_space<hbm>>
    tpu.wait_dma2 semaphore(%arg16 : memref<!tpu.dma_semaphore, #tpu.memory_space<semaphore_mem>>) src(%dma_wait3A_22 : memref<80xi32, #tpu.memory_space<hbm>>) dst(%arg6 : memref<80xi32, #tpu.memory_space<vmem>>)
    %add3A_23 = arith.constant 0 : i32
    %add3A_24 = arith.addi %mul3A_2, %add3A_23 : i32
    %dma_start3A_25 = arith.constant 0 : i32
    %dma_start3A_26 = tpu.memref_slice %arg4[%add3A_24, %dma_start3A_25] : memref<320000x128xf32, #tpu.memory_space<hbm>> -> memref<80x128xf32, #tpu.memory_space<hbm>>
    %dma_start3A_27 = arith.constant 0 : i32
    %dma_start3A_28 = tpu.memref_slice %arg4[%add3A_24, %dma_start3A_27] : memref<320000x128xf32, #tpu.memory_space<hbm>> -> memref<80x128xf32, #tpu.memory_space<hbm>>
    tpu.enqueue_dma source(%dma_start3A_28 : memref<80x128xf32, #tpu.memory_space<hbm>>) target(%arg12 : memref<80x128xf32, #tpu.memory_space<vmem>>) target_semaphore(%arg19 : memref<!tpu.dma_semaphore, #tpu.memory_space<semaphore_mem>>)
    %add3A_29 = arith.constant 80 : i32
    %add3A_30 = arith.addi %mul3A_2, %add3A_29 : i32
    %dma_start3A_31 = tpu.memref_slice %arg3[%add3A_30] : memref<320000xi32, #tpu.memory_space<hbm>> -> memref<80xi32, #tpu.memory_space<hbm>>
    %dma_start3A_32 = tpu.memref_slice %arg3[%add3A_30] : memref<320000xi32, #tpu.memory_space<hbm>> -> memref<80xi32, #tpu.memory_space<hbm>>
    tpu.enqueue_dma source(%dma_start3A_32 : memref<80xi32, #tpu.memory_space<hbm>>) target(%arg7 : memref<80xi32, #tpu.memory_space<vmem>>) target_semaphore(%arg17 : memref<!tpu.dma_semaphore, #tpu.memory_space<semaphore_mem>>)
    %barrier3A = arith.constant 0 : index
    tpu.barrier barrier_id(%barrier3A)
    %scan3A_33 = arith.constant 0 : i32
    %scan3A_34 = arith.constant 125 : i32
    %scan3A_35 = arith.addi %scan3A_33, %scan3A_34 : i32
    %scan3A_36 = arith.constant 1 : i32
    scf.for %scan3A_59 = %scan3A_33 to %scan3A_35 step %scan3A_36  : i32 {
      %rem3A = arith.constant 3 : i32
      %rem3A_60 = arith.remsi %scan3A_59, %rem3A : i32
      %eq3A = arith.constant 0 : i32
      %eq3A_61 = arith.cmpi eq, %rem3A_60, %eq3A : i32
      %convert_element_type3A = arith.extui %eq3A_61 : i1 to i32
      %cond3A = arith.constant 0 : i32
      %cond3A_62 = arith.cmpi ne, %convert_element_type3A, %cond3A : i32
      scf.if %cond3A_62 {
        %add3A_73 = arith.constant 1 : i32
        %add3A_74 = arith.addi %scan3A_59, %add3A_73 : i32
        %min3A = arith.constant 124 : i32
        %min3A_75 = arith.minsi %add3A_74, %min3A : i32
        %add3A_76 = arith.constant 2 : i32
        %add3A_77 = arith.addi %scan3A_59, %add3A_76 : i32
        %min3A_78 = arith.constant 124 : i32
        %min3A_79 = arith.minsi %add3A_77, %min3A_78 : i32
        %mul3A_80 = arith.constant 80 : i32
        %mul3A_81 = arith.muli %min3A_75, %mul3A_80 : i32
        %add3A_82 = arith.addi %mul3A_2, %mul3A_81 : i32
        %dma_wait3A_83 = tpu.memref_slice %arg3[%add3A_82] : memref<320000xi32, #tpu.memory_space<hbm>> -> memref<80xi32, #tpu.memory_space<hbm>>
        %dma_wait3A_84 = tpu.memref_slice %arg3[%add3A_82] : memref<320000xi32, #tpu.memory_space<hbm>> -> memref<80xi32, #tpu.memory_space<hbm>>
        tpu.wait_dma2 semaphore(%arg17 : memref<!tpu.dma_semaphore, #tpu.memory_space<semaphore_mem>>) src(%dma_wait3A_84 : memref<80xi32, #tpu.memory_space<hbm>>) dst(%arg7 : memref<80xi32, #tpu.memory_space<vmem>>)
        %ge3A = arith.constant 2 : i32
        %ge3A_85 = arith.cmpi sge, %scan3A_59, %ge3A : i32
        %convert_element_type3A_86 = arith.extui %ge3A_85 : i1 to i32
        %cond3A_87 = arith.constant 0 : i32
        %cond3A_88 = arith.cmpi ne, %convert_element_type3A_86, %cond3A_87 : i32
        scf.if %cond3A_88 {
          %dma_wait3A_144 = arith.constant 0 : i32
          %dma_wait3A_145 = arith.constant 0 : i32
          %dma_wait3A_146 = tpu.memref_slice %arg15[%dma_wait3A_144, %dma_wait3A_145] : memref<10240x128xf32, #tpu.memory_space<vmem_shared>> -> memref<10240x128xf32, #tpu.memory_space<vmem_shared>>
          tpu.wait_indirect_dma semaphore(%arg23 : memref<!tpu.dma_semaphore, #tpu.memory_space<semaphore_mem>>) src(%arg13 : memref<80x128xf32, #tpu.memory_space<vmem>>) dst(%dma_wait3A_146 : memref<10240x128xf32, #tpu.memory_space<vmem_shared>>)
        } else {
        }
        %mul3A_89 = arith.constant 80 : i32
        %mul3A_90 = arith.muli %min3A_75, %mul3A_89 : i32
        %add3A_91 = arith.addi %mul3A_2, %mul3A_90 : i32
        %dma_start3A_92 = arith.constant 0 : i32
        %dma_start3A_93 = tpu.memref_slice %arg4[%add3A_91, %dma_start3A_92] : memref<320000x128xf32, #tpu.memory_space<hbm>> -> memref<80x128xf32, #tpu.memory_space<hbm>>
        %dma_start3A_94 = arith.constant 0 : i32
        %dma_start3A_95 = tpu.memref_slice %arg4[%add3A_91, %dma_start3A_94] : memref<320000x128xf32, #tpu.memory_space<hbm>> -> memref<80x128xf32, #tpu.memory_space<hbm>>
        tpu.enqueue_dma source(%dma_start3A_95 : memref<80x128xf32, #tpu.memory_space<hbm>>) target(%arg13 : memref<80x128xf32, #tpu.memory_space<vmem>>) target_semaphore(%arg20 : memref<!tpu.dma_semaphore, #tpu.memory_space<semaphore_mem>>)
        %mul3A_96 = arith.constant 80 : i32
        %mul3A_97 = arith.muli %scan3A_59, %mul3A_96 : i32
        %add3A_98 = arith.addi %mul3A_2, %mul3A_97 : i32
        %dma_wait3A_99 = arith.constant 0 : i32
        %dma_wait3A_100 = tpu.memref_slice %arg4[%add3A_98, %dma_wait3A_99] : memref<320000x128xf32, #tpu.memory_space<hbm>> -> memref<80x128xf32, #tpu.memory_space<hbm>>
        %dma_wait3A_101 = arith.constant 0 : i32
        %dma_wait3A_102 = tpu.memref_slice %arg4[%add3A_98, %dma_wait3A_101] : memref<320000x128xf32, #tpu.memory_space<hbm>> -> memref<80x128xf32, #tpu.memory_space<hbm>>
        tpu.wait_dma2 semaphore(%arg19 : memref<!tpu.dma_semaphore, #tpu.memory_space<semaphore_mem>>) src(%dma_wait3A_102 : memref<80x128xf32, #tpu.memory_space<hbm>>) dst(%arg12 : memref<80x128xf32, #tpu.memory_space<vmem>>)
        %get3A = arith.constant 0 : index
        %get3A_103 = tpu.vector_load %arg6[%get3A] {strides = array<i32>} : memref<80xi32, #tpu.memory_space<vmem>>, vector<16xi32>,
        %get3A_104 = vector.shape_cast %get3A_103 : vector<16xi32> to vector<16xi32>
        %swap3A = arith.constant 0 : index
        %swap3A_105 = tpu.vector_load %arg9[%swap3A] {strides = array<i32>} : memref<80xi32, #tpu.memory_space<vmem>>, vector<16xi32>,
        %swap3A_106 = vector.shape_cast %swap3A_105 : vector<16xi32> to vector<16xi32>
        %swap3A_107 = vector.shape_cast %get3A_104 : vector<16xi32> to vector<16xi32>
        tpu.vector_store %arg9[%swap3A], %swap3A_107 {strides = array<i32>} : memref<80xi32, #tpu.memory_space<vmem>>, vector<16xi32>,
        %get3A_108 = arith.constant 16 : index
        %get3A_109 = tpu.vector_load %arg6[%get3A_108] {strides = array<i32>} : memref<80xi32, #tpu.memory_space<vmem>>, vector<16xi32>,
        %get3A_110 = vector.shape_cast %get3A_109 : vector<16xi32> to vector<16xi32>
        %swap3A_111 = arith.constant 16 : index
        %swap3A_112 = tpu.vector_load %arg9[%swap3A_111] {strides = array<i32>} : memref<80xi32, #tpu.memory_space<vmem>>, vector<16xi32>,
        %swap3A_113 = vector.shape_cast %swap3A_112 : vector<16xi32> to vector<16xi32>
        %swap3A_114 = vector.shape_cast %get3A_110 : vector<16xi32> to vector<16xi32>
        tpu.vector_store %arg9[%swap3A_111], %swap3A_114 {strides = array<i32>} : memref<80xi32, #tpu.memory_space<vmem>>, vector<16xi32>,
        %get3A_115 = arith.constant 32 : index
        %get3A_116 = tpu.vector_load %arg6[%get3A_115] {strides = array<i32>} : memref<80xi32, #tpu.memory_space<vmem>>, vector<16xi32>,
        %get3A_117 = vector.shape_cast %get3A_116 : vector<16xi32> to vector<16xi32>
        %swap3A_118 = arith.constant 32 : index
        %swap3A_119 = tpu.vector_load %arg9[%swap3A_118] {strides = array<i32>} : memref<80xi32, #tpu.memory_space<vmem>>, vector<16xi32>,
        %swap3A_120 = vector.shape_cast %swap3A_119 : vector<16xi32> to vector<16xi32>
        %swap3A_121 = vector.shape_cast %get3A_117 : vector<16xi32> to vector<16xi32>
        tpu.vector_store %arg9[%swap3A_118], %swap3A_121 {strides = array<i32>} : memref<80xi32, #tpu.memory_space<vmem>>, vector<16xi32>,
        %get3A_122 = arith.constant 48 : index
        %get3A_123 = tpu.vector_load %arg6[%get3A_122] {strides = array<i32>} : memref<80xi32, #tpu.memory_space<vmem>>, vector<16xi32>,
        %get3A_124 = vector.shape_cast %get3A_123 : vector<16xi32> to vector<16xi32>
        %swap3A_125 = arith.constant 48 : index
        %swap3A_126 = tpu.vector_load %arg9[%swap3A_125] {strides = array<i32>} : memref<80xi32, #tpu.memory_space<vmem>>, vector<16xi32>,
        %swap3A_127 = vector.shape_cast %swap3A_126 : vector<16xi32> to vector<16xi32>
        %swap3A_128 = vector.shape_cast %get3A_124 : vector<16xi32> to vector<16xi32>
        tpu.vector_store %arg9[%swap3A_125], %swap3A_128 {strides = array<i32>} : memref<80xi32, #tpu.memory_space<vmem>>, vector<16xi32>,
        %get3A_129 = arith.constant 64 : index
        %get3A_130 = tpu.vector_load %arg6[%get3A_129] {strides = array<i32>} : memref<80xi32, #tpu.memory_space<vmem>>, vector<16xi32>,
        %get3A_131 = vector.shape_cast %get3A_130 : vector<16xi32> to vector<16xi32>
        %swap3A_132 = arith.constant 64 : index
        %swap3A_133 = tpu.vector_load %arg9[%swap3A_132] {strides = array<i32>} : memref<80xi32, #tpu.memory_space<vmem>>, vector<16xi32>,
        %swap3A_134 = vector.shape_cast %swap3A_133 : vector<16xi32> to vector<16xi32>
        %swap3A_135 = vector.shape_cast %get3A_131 : vector<16xi32> to vector<16xi32>
        tpu.vector_store %arg9[%swap3A_132], %swap3A_135 {strides = array<i32>} : memref<80xi32, #tpu.memory_space<vmem>>, vector<16xi32>,
        %dma_start3A_136 = arith.constant 0 : i32
        %dma_start3A_137 = arith.constant 0 : i32
        %dma_start3A_138 = tpu.memref_slice %arg15[%dma_start3A_136, %dma_start3A_137] : memref<10240x128xf32, #tpu.memory_space<vmem_shared>> -> memref<10240x128xf32, #tpu.memory_space<vmem_shared>>
        tpu.enqueue_indirect_dma source(%arg12 : memref<80x128xf32, #tpu.memory_space<vmem>>) target(%dma_start3A_138 : memref<10240x128xf32, #tpu.memory_space<vmem_shared>>) offsets(%arg9 : memref<80xi32, #tpu.memory_space<vmem>>) semaphore(%arg22 : memref<!tpu.dma_semaphore, #tpu.memory_space<semaphore_mem>>) {add = true}
        %mul3A_139 = arith.constant 80 : i32
        %mul3A_140 = arith.muli %min3A_79, %mul3A_139 : i32
        %add3A_141 = arith.addi %mul3A_2, %mul3A_140 : i32
        %dma_start3A_142 = tpu.memref_slice %arg3[%add3A_141] : memref<320000xi32, #tpu.memory_space<hbm>> -> memref<80xi32, #tpu.memory_space<hbm>>
        %dma_start3A_143 = tpu.memref_slice %arg3[%add3A_141] : memref<320000xi32, #tpu.memory_space<hbm>> -> memref<80xi32, #tpu.memory_space<hbm>>
        tpu.enqueue_dma source(%dma_start3A_143 : memref<80xi32, #tpu.memory_space<hbm>>) target(%arg8 : memref<80xi32, #tpu.memory_space<vmem>>) target_semaphore(%arg18 : memref<!tpu.dma_semaphore, #tpu.memory_space<semaphore_mem>>)
      } else {
      }
      %eq3A_63 = arith.constant 1 : i32
      %eq3A_64 = arith.cmpi eq, %rem3A_60, %eq3A_63 : i32
      %convert_element_type3A_65 = arith.extui %eq3A_64 : i1 to i32
      %cond3A_66 = arith.constant 0 : i32
      %cond3A_67 = arith.cmpi ne, %convert_element_type3A_65, %cond3A_66 : i32
      scf.if %cond3A_67 {
        %add3A_73 = arith.constant 1 : i32
        %add3A_74 = arith.addi %scan3A_59, %add3A_73 : i32
        %min3A = arith.constant 124 : i32
        %min3A_75 = arith.minsi %add3A_74, %min3A : i32
        %add3A_76 = arith.constant 2 : i32
        %add3A_77 = arith.addi %scan3A_59, %add3A_76 : i32
        %min3A_78 = arith.constant 124 : i32
        %min3A_79 = arith.minsi %add3A_77, %min3A_78 : i32
        %mul3A_80 = arith.constant 80 : i32
        %mul3A_81 = arith.muli %min3A_75, %mul3A_80 : i32
        %add3A_82 = arith.addi %mul3A_2, %mul3A_81 : i32
        %dma_wait3A_83 = tpu.memref_slice %arg3[%add3A_82] : memref<320000xi32, #tpu.memory_space<hbm>> -> memref<80xi32, #tpu.memory_space<hbm>>
        %dma_wait3A_84 = tpu.memref_slice %arg3[%add3A_82] : memref<320000xi32, #tpu.memory_space<hbm>> -> memref<80xi32, #tpu.memory_space<hbm>>
        tpu.wait_dma2 semaphore(%arg18 : memref<!tpu.dma_semaphore, #tpu.memory_space<semaphore_mem>>) src(%dma_wait3A_84 : memref<80xi32, #tpu.memory_space<hbm>>) dst(%arg8 : memref<80xi32, #tpu.memory_space<vmem>>)
        %ge3A = arith.constant 2 : i32
        %ge3A_85 = arith.cmpi sge, %scan3A_59, %ge3A : i32
        %convert_element_type3A_86 = arith.extui %ge3A_85 : i1 to i32
        %cond3A_87 = arith.constant 0 : i32
        %cond3A_88 = arith.cmpi ne, %convert_element_type3A_86, %cond3A_87 : i32
        scf.if %cond3A_88 {
          %dma_wait3A_144 = arith.constant 0 : i32
          %dma_wait3A_145 = arith.constant 0 : i32
          %dma_wait3A_146 = tpu.memref_slice %arg15[%dma_wait3A_144, %dma_wait3A_145] : memref<10240x128xf32, #tpu.memory_space<vmem_shared>> -> memref<10240x128xf32, #tpu.memory_space<vmem_shared>>
          tpu.wait_indirect_dma semaphore(%arg24 : memref<!tpu.dma_semaphore, #tpu.memory_space<semaphore_mem>>) src(%arg14 : memref<80x128xf32, #tpu.memory_space<vmem>>) dst(%dma_wait3A_146 : memref<10240x128xf32, #tpu.memory_space<vmem_shared>>)
        } else {
        }
        %mul3A_89 = arith.constant 80 : i32
        %mul3A_90 = arith.muli %min3A_75, %mul3A_89 : i32
        %add3A_91 = arith.addi %mul3A_2, %mul3A_90 : i32
        %dma_start3A_92 = arith.constant 0 : i32
        %dma_start3A_93 = tpu.memref_slice %arg4[%add3A_91, %dma_start3A_92] : memref<320000x128xf32, #tpu.memory_space<hbm>> -> memref<80x128xf32, #tpu.memory_space<hbm>>
        %dma_start3A_94 = arith.constant 0 : i32
        %dma_start3A_95 = tpu.memref_slice %arg4[%add3A_91, %dma_start3A_94] : memref<320000x128xf32, #tpu.memory_space<hbm>> -> memref<80x128xf32, #tpu.memory_space<hbm>>
        tpu.enqueue_dma source(%dma_start3A_95 : memref<80x128xf32, #tpu.memory_space<hbm>>) target(%arg14 : memref<80x128xf32, #tpu.memory_space<vmem>>) target_semaphore(%arg21 : memref<!tpu.dma_semaphore, #tpu.memory_space<semaphore_mem>>)
        %mul3A_96 = arith.constant 80 : i32
        %mul3A_97 = arith.muli %scan3A_59, %mul3A_96 : i32
        %add3A_98 = arith.addi %mul3A_2, %mul3A_97 : i32
        %dma_wait3A_99 = arith.constant 0 : i32
        %dma_wait3A_100 = tpu.memref_slice %arg4[%add3A_98, %dma_wait3A_99] : memref<320000x128xf32, #tpu.memory_space<hbm>> -> memref<80x128xf32, #tpu.memory_space<hbm>>
        %dma_wait3A_101 = arith.constant 0 : i32
        %dma_wait3A_102 = tpu.memref_slice %arg4[%add3A_98, %dma_wait3A_101] : memref<320000x128xf32, #tpu.memory_space<hbm>> -> memref<80x128xf32, #tpu.memory_space<hbm>>
        tpu.wait_dma2 semaphore(%arg20 : memref<!tpu.dma_semaphore, #tpu.memory_space<semaphore_mem>>) src(%dma_wait3A_102 : memref<80x128xf32, #tpu.memory_space<hbm>>) dst(%arg13 : memref<80x128xf32, #tpu.memory_space<vmem>>)
        %get3A = arith.constant 0 : index
        %get3A_103 = tpu.vector_load %arg7[%get3A] {strides = array<i32>} : memref<80xi32, #tpu.memory_space<vmem>>, vector<16xi32>,
        %get3A_104 = vector.shape_cast %get3A_103 : vector<16xi32> to vector<16xi32>
        %swap3A = arith.constant 0 : index
        %swap3A_105 = tpu.vector_load %arg10[%swap3A] {strides = array<i32>} : memref<80xi32, #tpu.memory_space<vmem>>, vector<16xi32>,
        %swap3A_106 = vector.shape_cast %swap3A_105 : vector<16xi32> to vector<16xi32>
        %swap3A_107 = vector.shape_cast %get3A_104 : vector<16xi32> to vector<16xi32>
        tpu.vector_store %arg10[%swap3A], %swap3A_107 {strides = array<i32>} : memref<80xi32, #tpu.memory_space<vmem>>, vector<16xi32>,
        %get3A_108 = arith.constant 16 : index
        %get3A_109 = tpu.vector_load %arg7[%get3A_108] {strides = array<i32>} : memref<80xi32, #tpu.memory_space<vmem>>, vector<16xi32>,
        %get3A_110 = vector.shape_cast %get3A_109 : vector<16xi32> to vector<16xi32>
        %swap3A_111 = arith.constant 16 : index
        %swap3A_112 = tpu.vector_load %arg10[%swap3A_111] {strides = array<i32>} : memref<80xi32, #tpu.memory_space<vmem>>, vector<16xi32>,
        %swap3A_113 = vector.shape_cast %swap3A_112 : vector<16xi32> to vector<16xi32>
        %swap3A_114 = vector.shape_cast %get3A_110 : vector<16xi32> to vector<16xi32>
        tpu.vector_store %arg10[%swap3A_111], %swap3A_114 {strides = array<i32>} : memref<80xi32, #tpu.memory_space<vmem>>, vector<16xi32>,
        %get3A_115 = arith.constant 32 : index
        %get3A_116 = tpu.vector_load %arg7[%get3A_115] {strides = array<i32>} : memref<80xi32, #tpu.memory_space<vmem>>, vector<16xi32>,
        %get3A_117 = vector.shape_cast %get3A_116 : vector<16xi32> to vector<16xi32>
        %swap3A_118 = arith.constant 32 : index
        %swap3A_119 = tpu.vector_load %arg10[%swap3A_118] {strides = array<i32>} : memref<80xi32, #tpu.memory_space<vmem>>, vector<16xi32>,
        %swap3A_120 = vector.shape_cast %swap3A_119 : vector<16xi32> to vector<16xi32>
        %swap3A_121 = vector.shape_cast %get3A_117 : vector<16xi32> to vector<16xi32>
        tpu.vector_store %arg10[%swap3A_118], %swap3A_121 {strides = array<i32>} : memref<80xi32, #tpu.memory_space<vmem>>, vector<16xi32>,
        %get3A_122 = arith.constant 48 : index
        %get3A_123 = tpu.vector_load %arg7[%get3A_122] {strides = array<i32>} : memref<80xi32, #tpu.memory_space<vmem>>, vector<16xi32>,
        %get3A_124 = vector.shape_cast %get3A_123 : vector<16xi32> to vector<16xi32>
        %swap3A_125 = arith.constant 48 : index
        %swap3A_126 = tpu.vector_load %arg10[%swap3A_125] {strides = array<i32>} : memref<80xi32, #tpu.memory_space<vmem>>, vector<16xi32>,
        %swap3A_127 = vector.shape_cast %swap3A_126 : vector<16xi32> to vector<16xi32>
        %swap3A_128 = vector.shape_cast %get3A_124 : vector<16xi32> to vector<16xi32>
        tpu.vector_store %arg10[%swap3A_125], %swap3A_128 {strides = array<i32>} : memref<80xi32, #tpu.memory_space<vmem>>, vector<16xi32>,
        %get3A_129 = arith.constant 64 : index
        %get3A_130 = tpu.vector_load %arg7[%get3A_129] {strides = array<i32>} : memref<80xi32, #tpu.memory_space<vmem>>, vector<16xi32>,
        %get3A_131 = vector.shape_cast %get3A_130 : vector<16xi32> to vector<16xi32>
        %swap3A_132 = arith.constant 64 : index
        %swap3A_133 = tpu.vector_load %arg10[%swap3A_132] {strides = array<i32>} : memref<80xi32, #tpu.memory_space<vmem>>, vector<16xi32>,
        %swap3A_134 = vector.shape_cast %swap3A_133 : vector<16xi32> to vector<16xi32>
        %swap3A_135 = vector.shape_cast %get3A_131 : vector<16xi32> to vector<16xi32>
        tpu.vector_store %arg10[%swap3A_132], %swap3A_135 {strides = array<i32>} : memref<80xi32, #tpu.memory_space<vmem>>, vector<16xi32>,
        %dma_start3A_136 = arith.constant 0 : i32
        %dma_start3A_137 = arith.constant 0 : i32
        %dma_start3A_138 = tpu.memref_slice %arg15[%dma_start3A_136, %dma_start3A_137] : memref<10240x128xf32, #tpu.memory_space<vmem_shared>> -> memref<10240x128xf32, #tpu.memory_space<vmem_shared>>
        tpu.enqueue_indirect_dma source(%arg13 : memref<80x128xf32, #tpu.memory_space<vmem>>) target(%dma_start3A_138 : memref<10240x128xf32, #tpu.memory_space<vmem_shared>>) offsets(%arg10 : memref<80xi32, #tpu.memory_space<vmem>>) semaphore(%arg23 : memref<!tpu.dma_semaphore, #tpu.memory_space<semaphore_mem>>) {add = true}
        %mul3A_139 = arith.constant 80 : i32
        %mul3A_140 = arith.muli %min3A_79, %mul3A_139 : i32
        %add3A_141 = arith.addi %mul3A_2, %mul3A_140 : i32
        %dma_start3A_142 = tpu.memref_slice %arg3[%add3A_141] : memref<320000xi32, #tpu.memory_space<hbm>> -> memref<80xi32, #tpu.memory_space<hbm>>
        %dma_start3A_143 = tpu.memref_slice %arg3[%add3A_141] : memref<320000xi32, #tpu.memory_space<hbm>> -> memref<80xi32, #tpu.memory_space<hbm>>
        tpu.enqueue_dma source(%dma_start3A_143 : memref<80xi32, #tpu.memory_space<hbm>>) target(%arg6 : memref<80xi32, #tpu.memory_space<vmem>>) target_semaphore(%arg16 : memref<!tpu.dma_semaphore, #tpu.memory_space<semaphore_mem>>)
      } else {
      }
      %eq3A_68 = arith.constant 2 : i32
      %eq3A_69 = arith.cmpi eq, %rem3A_60, %eq3A_68 : i32
      %convert_element_type3A_70 = arith.extui %eq3A_69 : i1 to i32
      %cond3A_71 = arith.constant 0 : i32
      %cond3A_72 = arith.cmpi ne, %convert_element_type3A_70, %cond3A_71 : i32
      scf.if %cond3A_72 {
        %add3A_73 = arith.constant 1 : i32
        %add3A_74 = arith.addi %scan3A_59, %add3A_73 : i32
        %min3A = arith.constant 124 : i32
        %min3A_75 = arith.minsi %add3A_74, %min3A : i32
        %add3A_76 = arith.constant 2 : i32
        %add3A_77 = arith.addi %scan3A_59, %add3A_76 : i32
        %min3A_78 = arith.constant 124 : i32
        %min3A_79 = arith.minsi %add3A_77, %min3A_78 : i32
        %mul3A_80 = arith.constant 80 : i32
        %mul3A_81 = arith.muli %min3A_75, %mul3A_80 : i32
        %add3A_82 = arith.addi %mul3A_2, %mul3A_81 : i32
        %dma_wait3A_83 = tpu.memref_slice %arg3[%add3A_82] : memref<320000xi32, #tpu.memory_space<hbm>> -> memref<80xi32, #tpu.memory_space<hbm>>
        %dma_wait3A_84 = tpu.memref_slice %arg3[%add3A_82] : memref<320000xi32, #tpu.memory_space<hbm>> -> memref<80xi32, #tpu.memory_space<hbm>>
        tpu.wait_dma2 semaphore(%arg16 : memref<!tpu.dma_semaphore, #tpu.memory_space<semaphore_mem>>) src(%dma_wait3A_84 : memref<80xi32, #tpu.memory_space<hbm>>) dst(%arg6 : memref<80xi32, #tpu.memory_space<vmem>>)
        %ge3A = arith.constant 2 : i32
        %ge3A_85 = arith.cmpi sge, %scan3A_59, %ge3A : i32
        %convert_element_type3A_86 = arith.extui %ge3A_85 : i1 to i32
        %cond3A_87 = arith.constant 0 : i32
        %cond3A_88 = arith.cmpi ne, %convert_element_type3A_86, %cond3A_87 : i32
        scf.if %cond3A_88 {
          %dma_wait3A_144 = arith.constant 0 : i32
          %dma_wait3A_145 = arith.constant 0 : i32
          %dma_wait3A_146 = tpu.memref_slice %arg15[%dma_wait3A_144, %dma_wait3A_145] : memref<10240x128xf32, #tpu.memory_space<vmem_shared>> -> memref<10240x128xf32, #tpu.memory_space<vmem_shared>>
          tpu.wait_indirect_dma semaphore(%arg22 : memref<!tpu.dma_semaphore, #tpu.memory_space<semaphore_mem>>) src(%arg12 : memref<80x128xf32, #tpu.memory_space<vmem>>) dst(%dma_wait3A_146 : memref<10240x128xf32, #tpu.memory_space<vmem_shared>>)
        } else {
        }
        %mul3A_89 = arith.constant 80 : i32
        %mul3A_90 = arith.muli %min3A_75, %mul3A_89 : i32
        %add3A_91 = arith.addi %mul3A_2, %mul3A_90 : i32
        %dma_start3A_92 = arith.constant 0 : i32
        %dma_start3A_93 = tpu.memref_slice %arg4[%add3A_91, %dma_start3A_92] : memref<320000x128xf32, #tpu.memory_space<hbm>> -> memref<80x128xf32, #tpu.memory_space<hbm>>
        %dma_start3A_94 = arith.constant 0 : i32
        %dma_start3A_95 = tpu.memref_slice %arg4[%add3A_91, %dma_start3A_94] : memref<320000x128xf32, #tpu.memory_space<hbm>> -> memref<80x128xf32, #tpu.memory_space<hbm>>
        tpu.enqueue_dma source(%dma_start3A_95 : memref<80x128xf32, #tpu.memory_space<hbm>>) target(%arg12 : memref<80x128xf32, #tpu.memory_space<vmem>>) target_semaphore(%arg19 : memref<!tpu.dma_semaphore, #tpu.memory_space<semaphore_mem>>)
        %mul3A_96 = arith.constant 80 : i32
        %mul3A_97 = arith.muli %scan3A_59, %mul3A_96 : i32
        %add3A_98 = arith.addi %mul3A_2, %mul3A_97 : i32
        %dma_wait3A_99 = arith.constant 0 : i32
        %dma_wait3A_100 = tpu.memref_slice %arg4[%add3A_98, %dma_wait3A_99] : memref<320000x128xf32, #tpu.memory_space<hbm>> -> memref<80x128xf32, #tpu.memory_space<hbm>>
        %dma_wait3A_101 = arith.constant 0 : i32
        %dma_wait3A_102 = tpu.memref_slice %arg4[%add3A_98, %dma_wait3A_101] : memref<320000x128xf32, #tpu.memory_space<hbm>> -> memref<80x128xf32, #tpu.memory_space<hbm>>
        tpu.wait_dma2 semaphore(%arg21 : memref<!tpu.dma_semaphore, #tpu.memory_space<semaphore_mem>>) src(%dma_wait3A_102 : memref<80x128xf32, #tpu.memory_space<hbm>>) dst(%arg14 : memref<80x128xf32, #tpu.memory_space<vmem>>)
        %get3A = arith.constant 0 : index
        %get3A_103 = tpu.vector_load %arg8[%get3A] {strides = array<i32>} : memref<80xi32, #tpu.memory_space<vmem>>, vector<16xi32>,
        %get3A_104 = vector.shape_cast %get3A_103 : vector<16xi32> to vector<16xi32>
        %swap3A = arith.constant 0 : index
        %swap3A_105 = tpu.vector_load %arg11[%swap3A] {strides = array<i32>} : memref<80xi32, #tpu.memory_space<vmem>>, vector<16xi32>,
        %swap3A_106 = vector.shape_cast %swap3A_105 : vector<16xi32> to vector<16xi32>
        %swap3A_107 = vector.shape_cast %get3A_104 : vector<16xi32> to vector<16xi32>
        tpu.vector_store %arg11[%swap3A], %swap3A_107 {strides = array<i32>} : memref<80xi32, #tpu.memory_space<vmem>>, vector<16xi32>,
        %get3A_108 = arith.constant 16 : index
        %get3A_109 = tpu.vector_load %arg8[%get3A_108] {strides = array<i32>} : memref<80xi32, #tpu.memory_space<vmem>>, vector<16xi32>,
        %get3A_110 = vector.shape_cast %get3A_109 : vector<16xi32> to vector<16xi32>
        %swap3A_111 = arith.constant 16 : index
        %swap3A_112 = tpu.vector_load %arg11[%swap3A_111] {strides = array<i32>} : memref<80xi32, #tpu.memory_space<vmem>>, vector<16xi32>,
        %swap3A_113 = vector.shape_cast %swap3A_112 : vector<16xi32> to vector<16xi32>
        %swap3A_114 = vector.shape_cast %get3A_110 : vector<16xi32> to vector<16xi32>
        tpu.vector_store %arg11[%swap3A_111], %swap3A_114 {strides = array<i32>} : memref<80xi32, #tpu.memory_space<vmem>>, vector<16xi32>,
        %get3A_115 = arith.constant 32 : index
        %get3A_116 = tpu.vector_load %arg8[%get3A_115] {strides = array<i32>} : memref<80xi32, #tpu.memory_space<vmem>>, vector<16xi32>,
        %get3A_117 = vector.shape_cast %get3A_116 : vector<16xi32> to vector<16xi32>
        %swap3A_118 = arith.constant 32 : index
        %swap3A_119 = tpu.vector_load %arg11[%swap3A_118] {strides = array<i32>} : memref<80xi32, #tpu.memory_space<vmem>>, vector<16xi32>,
        %swap3A_120 = vector.shape_cast %swap3A_119 : vector<16xi32> to vector<16xi32>
        %swap3A_121 = vector.shape_cast %get3A_117 : vector<16xi32> to vector<16xi32>
        tpu.vector_store %arg11[%swap3A_118], %swap3A_121 {strides = array<i32>} : memref<80xi32, #tpu.memory_space<vmem>>, vector<16xi32>,
        %get3A_122 = arith.constant 48 : index
        %get3A_123 = tpu.vector_load %arg8[%get3A_122] {strides = array<i32>} : memref<80xi32, #tpu.memory_space<vmem>>, vector<16xi32>,
        %get3A_124 = vector.shape_cast %get3A_123 : vector<16xi32> to vector<16xi32>
        %swap3A_125 = arith.constant 48 : index
        %swap3A_126 = tpu.vector_load %arg11[%swap3A_125] {strides = array<i32>} : memref<80xi32, #tpu.memory_space<vmem>>, vector<16xi32>,
        %swap3A_127 = vector.shape_cast %swap3A_126 : vector<16xi32> to vector<16xi32>
        %swap3A_128 = vector.shape_cast %get3A_124 : vector<16xi32> to vector<16xi32>
        tpu.vector_store %arg11[%swap3A_125], %swap3A_128 {strides = array<i32>} : memref<80xi32, #tpu.memory_space<vmem>>, vector<16xi32>,
        %get3A_129 = arith.constant 64 : index
        %get3A_130 = tpu.vector_load %arg8[%get3A_129] {strides = array<i32>} : memref<80xi32, #tpu.memory_space<vmem>>, vector<16xi32>,
        %get3A_131 = vector.shape_cast %get3A_130 : vector<16xi32> to vector<16xi32>
        %swap3A_132 = arith.constant 64 : index
        %swap3A_133 = tpu.vector_load %arg11[%swap3A_132] {strides = array<i32>} : memref<80xi32, #tpu.memory_space<vmem>>, vector<16xi32>,
        %swap3A_134 = vector.shape_cast %swap3A_133 : vector<16xi32> to vector<16xi32>
        %swap3A_135 = vector.shape_cast %get3A_131 : vector<16xi32> to vector<16xi32>
        tpu.vector_store %arg11[%swap3A_132], %swap3A_135 {strides = array<i32>} : memref<80xi32, #tpu.memory_space<vmem>>, vector<16xi32>,
        %dma_start3A_136 = arith.constant 0 : i32
        %dma_start3A_137 = arith.constant 0 : i32
        %dma_start3A_138 = tpu.memref_slice %arg15[%dma_start3A_136, %dma_start3A_137] : memref<10240x128xf32, #tpu.memory_space<vmem_shared>> -> memref<10240x128xf32, #tpu.memory_space<vmem_shared>>
        tpu.enqueue_indirect_dma source(%arg14 : memref<80x128xf32, #tpu.memory_space<vmem>>) target(%dma_start3A_138 : memref<10240x128xf32, #tpu.memory_space<vmem_shared>>) offsets(%arg11 : memref<80xi32, #tpu.memory_space<vmem>>) semaphore(%arg24 : memref<!tpu.dma_semaphore, #tpu.memory_space<semaphore_mem>>) {add = true}
        %mul3A_139 = arith.constant 80 : i32
        %mul3A_140 = arith.muli %min3A_79, %mul3A_139 : i32
        %add3A_141 = arith.addi %mul3A_2, %mul3A_140 : i32
        %dma_start3A_142 = tpu.memref_slice %arg3[%add3A_141] : memref<320000xi32, #tpu.memory_space<hbm>> -> memref<80xi32, #tpu.memory_space<hbm>>
        %dma_start3A_143 = tpu.memref_slice %arg3[%add3A_141] : memref<320000xi32, #tpu.memory_space<hbm>> -> memref<80xi32, #tpu.memory_space<hbm>>
        tpu.enqueue_dma source(%dma_start3A_143 : memref<80xi32, #tpu.memory_space<hbm>>) target(%arg7 : memref<80xi32, #tpu.memory_space<vmem>>) target_semaphore(%arg17 : memref<!tpu.dma_semaphore, #tpu.memory_space<semaphore_mem>>)
      } else {
      }
    }
    %scan3A_37 = arith.constant 125 : i32
    %add3A_38 = arith.constant 9920 : i32
    %add3A_39 = arith.addi %mul3A_2, %add3A_38 : i32
    %dma_wait3A_40 = arith.constant 0 : i32
    %dma_wait3A_41 = tpu.memref_slice %arg4[%add3A_39, %dma_wait3A_40] : memref<320000x128xf32, #tpu.memory_space<hbm>> -> memref<80x128xf32, #tpu.memory_space<hbm>>
    %dma_wait3A_42 = arith.constant 0 : i32
    %dma_wait3A_43 = tpu.memref_slice %arg4[%add3A_39, %dma_wait3A_42] : memref<320000x128xf32, #tpu.memory_space<hbm>> -> memref<80x128xf32, #tpu.memory_space<hbm>>
    tpu.wait_dma2 semaphore(%arg21 : memref<!tpu.dma_semaphore, #tpu.memory_space<semaphore_mem>>) src(%dma_wait3A_43 : memref<80x128xf32, #tpu.memory_space<hbm>>) dst(%arg14 : memref<80x128xf32, #tpu.memory_space<vmem>>)
    %add3A_44 = arith.constant 9920 : i32
    %add3A_45 = arith.addi %mul3A_2, %add3A_44 : i32
    %dma_wait3A_46 = tpu.memref_slice %arg3[%add3A_45] : memref<320000xi32, #tpu.memory_space<hbm>> -> memref<80xi32, #tpu.memory_space<hbm>>
    %dma_wait3A_47 = tpu.memref_slice %arg3[%add3A_45] : memref<320000xi32, #tpu.memory_space<hbm>> -> memref<80xi32, #tpu.memory_space<hbm>>
    tpu.wait_dma2 semaphore(%arg16 : memref<!tpu.dma_semaphore, #tpu.memory_space<semaphore_mem>>) src(%dma_wait3A_47 : memref<80xi32, #tpu.memory_space<hbm>>) dst(%arg6 : memref<80xi32, #tpu.memory_space<vmem>>)
    %dma_wait3A_48 = arith.constant 0 : i32
    %dma_wait3A_49 = arith.constant 0 : i32
    %dma_wait3A_50 = tpu.memref_slice %arg15[%dma_wait3A_48, %dma_wait3A_49] : memref<10240x128xf32, #tpu.memory_space<vmem_shared>> -> memref<10240x128xf32, #tpu.memory_space<vmem_shared>>
    tpu.wait_indirect_dma semaphore(%arg22 : memref<!tpu.dma_semaphore, #tpu.memory_space<semaphore_mem>>) src(%arg12 : memref<80x128xf32, #tpu.memory_space<vmem>>) dst(%dma_wait3A_50 : memref<10240x128xf32, #tpu.memory_space<vmem_shared>>)
    %dma_wait3A_51 = arith.constant 0 : i32
    %dma_wait3A_52 = arith.constant 0 : i32
    %dma_wait3A_53 = tpu.memref_slice %arg15[%dma_wait3A_51, %dma_wait3A_52] : memref<10240x128xf32, #tpu.memory_space<vmem_shared>> -> memref<10240x128xf32, #tpu.memory_space<vmem_shared>>
    tpu.wait_indirect_dma semaphore(%arg23 : memref<!tpu.dma_semaphore, #tpu.memory_space<semaphore_mem>>) src(%arg13 : memref<80x128xf32, #tpu.memory_space<vmem>>) dst(%dma_wait3A_53 : memref<10240x128xf32, #tpu.memory_space<vmem_shared>>)
    %barrier3A_54 = arith.constant 0 : index
    tpu.barrier barrier_id(%barrier3A_54)
    %mul3A_55 = arith.constant 640 : i32
    %mul3A_56 = arith.muli %arg1, %mul3A_55 : i32
    %mul3A_57 = arith.constant 640 : i32
    %mul3A_58 = arith.muli %arg1, %mul3A_57 : i32
    "tpu.region"() ({
      %run_scoped3A = tpu.sem_alloc : memref<!tpu.dma_semaphore, #tpu.memory_space<semaphore_mem>>
      %dma_start3A_59 = arith.constant 0 : i32
      %dma_start3A_60 = arith.constant 0 : i32
      %dma_start3A_61 = tpu.memref_slice %arg5[%arg0, %dma_start3A_59, %dma_start3A_60] : memref<2x10240x128xf32, #tpu.memory_space<hbm>> -> memref<1x10240x128xf32, #tpu.memory_space<hbm>>
      %dma_start3A_62 = tpu.memref_squeeze %dma_start3A_61 : memref<1x10240x128xf32, #tpu.memory_space<hbm>> -> memref<10240x128xf32, #tpu.memory_space<hbm>>
      %dma_start3A_63 = arith.constant 0 : i32
      %dma_start3A_64 = tpu.memref_slice %dma_start3A_62[%mul3A_58, %dma_start3A_63] : memref<10240x128xf32, #tpu.memory_space<hbm>> -> memref<640x128xf32, #tpu.memory_space<hbm>>
      %dma_start3A_65 = arith.constant 0 : i32
      %dma_start3A_66 = tpu.memref_slice %arg15[%mul3A_56, %dma_start3A_65] : memref<10240x128xf32, #tpu.memory_space<vmem_shared>> -> memref<640x128xf32, #tpu.memory_space<vmem_shared>>
      tpu.enqueue_dma source(%dma_start3A_66 : memref<640x128xf32, #tpu.memory_space<vmem_shared>>) target(%dma_start3A_64 : memref<640x128xf32, #tpu.memory_space<hbm>>) target_semaphore(%run_scoped3A : memref<!tpu.dma_semaphore, #tpu.memory_space<semaphore_mem>>)
      %dma_wait3A_67 = arith.constant 0 : i32
      %dma_wait3A_68 = arith.constant 0 : i32
      %dma_wait3A_69 = tpu.memref_slice %arg5[%arg0, %dma_wait3A_67, %dma_wait3A_68] : memref<2x10240x128xf32, #tpu.memory_space<hbm>> -> memref<1x10240x128xf32, #tpu.memory_space<hbm>>
      %dma_wait3A_70 = tpu.memref_squeeze %dma_wait3A_69 : memref<1x10240x128xf32, #tpu.memory_space<hbm>> -> memref<10240x128xf32, #tpu.memory_space<hbm>>
      %dma_wait3A_71 = arith.constant 0 : i32
      %dma_wait3A_72 = tpu.memref_slice %dma_wait3A_70[%mul3A_58, %dma_wait3A_71] : memref<10240x128xf32, #tpu.memory_space<hbm>> -> memref<640x128xf32, #tpu.memory_space<hbm>>
      %dma_wait3A_73 = arith.constant 0 : i32
      %dma_wait3A_74 = tpu.memref_slice %arg15[%mul3A_56, %dma_wait3A_73] : memref<10240x128xf32, #tpu.memory_space<vmem_shared>> -> memref<640x128xf32, #tpu.memory_space<vmem_shared>>
      tpu.wait_dma2 semaphore(%run_scoped3A : memref<!tpu.dma_semaphore, #tpu.memory_space<semaphore_mem>>) src(%dma_wait3A_74 : memref<640x128xf32, #tpu.memory_space<vmem_shared>>) dst(%dma_wait3A_72 : memref<640x128xf32, #tpu.memory_space<hbm>>)
      tpu.yield
    }) : () -> ()
    return
  }
}

#map = affine_map<(d0, d1) -> (0)>
#map1 = affine_map<(d0, d1) -> (0, 0)>
#map2 = affine_map<(d0, d1) -> (0, 0, 0)>
module attributes {stable_mosaic.version = 14 : i64} {
  func.func @pass_kernel(%arg0: i32, %arg1: i32, %arg2: memref<320000xi32, #tpu.memory_space<hbm>>, %arg3: memref<320000xi32, #tpu.memory_space<hbm>>, %arg4: memref<10240x128xf32, #tpu.memory_space<hbm>>, %arg5: memref<2x10240x128xf32, #tpu.memory_space<hbm>>, %arg6: memref<80xi32, #tpu.memory_space<vmem>>, %arg7: memref<80xi32, #tpu.memory_space<vmem>>, %arg8: memref<80xi32, #tpu.memory_space<vmem>>, %arg9: memref<80xi32, #tpu.memory_space<vmem>>, %arg10: memref<80xi32, #tpu.memory_space<vmem>>, %arg11: memref<80xi32, #tpu.memory_space<vmem>>, %arg12: memref<80xi32, #tpu.memory_space<vmem>>, %arg13: memref<80xi32, #tpu.memory_space<vmem>>, %arg14: memref<80xi32, #tpu.memory_space<vmem>>, %arg15: memref<80x128xf32, #tpu.memory_space<vmem>>, %arg16: memref<80x128xf32, #tpu.memory_space<vmem>>, %arg17: memref<80x128xf32, #tpu.memory_space<vmem>>, %arg18: memref<10240x128xf32, #tpu.memory_space<vmem_shared>>, %arg19: memref<!tpu.dma_semaphore, #tpu.memory_space<semaphore_mem>>, %arg20: memref<!tpu.dma_semaphore, #tpu.memory_space<semaphore_mem>>, %arg21: memref<!tpu.dma_semaphore, #tpu.memory_space<semaphore_mem>>, %arg22: memref<!tpu.dma_semaphore, #tpu.memory_space<semaphore_mem>>, %arg23: memref<!tpu.dma_semaphore, #tpu.memory_space<semaphore_mem>>, %arg24: memref<!tpu.dma_semaphore, #tpu.memory_space<semaphore_mem>>, %arg25: memref<!tpu.dma_semaphore, #tpu.memory_space<semaphore_mem>>, %arg26: memref<!tpu.dma_semaphore, #tpu.memory_space<semaphore_mem>>, %arg27: memref<!tpu.dma_semaphore, #tpu.memory_space<semaphore_mem>>, %arg28: memref<!tpu.dma_semaphore, #tpu.memory_space<semaphore_mem>>) attributes {dimension_semantics = [#tpu.dimension_semantics<core_parallel>, #tpu.dimension_semantics<subcore_parallel>], iteration_bounds = array<i64: 2, 16>, scalar_prefetch = 0 : i64, scratch_operands = 23 : i64, tpu.core_type = #tpu.core_type<sc_vector_subcore>, window_params = [{transform_indices = #map}, {transform_indices = #map}, {transform_indices = #map1}, {transform_indices = #map2}]} {
    %mul3A = arith.constant 16 : i32
    %mul3A_0 = arith.muli %arg0, %mul3A : i32
    %add3A = arith.addi %mul3A_0, %arg1 : i32
    %mul3A_1 = arith.constant 10000 : i32
    %mul3A_2 = arith.muli %add3A, %mul3A_1 : i32
    %add3A_3 = arith.constant 0 : i32
    %add3A_4 = arith.addi %mul3A_2, %add3A_3 : i32
    %dma_start3A = tpu.memref_slice %arg2[%add3A_4] : memref<320000xi32, #tpu.memory_space<hbm>> -> memref<80xi32, #tpu.memory_space<hbm>>
    %dma_start3A_5 = tpu.memref_slice %arg2[%add3A_4] : memref<320000xi32, #tpu.memory_space<hbm>> -> memref<80xi32, #tpu.memory_space<hbm>>
    tpu.enqueue_dma source(%dma_start3A_5 : memref<80xi32, #tpu.memory_space<hbm>>) target(%arg6 : memref<80xi32, #tpu.memory_space<vmem>>) target_semaphore(%arg19 : memref<!tpu.dma_semaphore, #tpu.memory_space<semaphore_mem>>)
    %add3A_6 = arith.constant 0 : i32
    %add3A_7 = arith.addi %mul3A_2, %add3A_6 : i32
    %dma_start3A_8 = tpu.memref_slice %arg3[%add3A_7] : memref<320000xi32, #tpu.memory_space<hbm>> -> memref<80xi32, #tpu.memory_space<hbm>>
    %dma_start3A_9 = tpu.memref_slice %arg3[%add3A_7] : memref<320000xi32, #tpu.memory_space<hbm>> -> memref<80xi32, #tpu.memory_space<hbm>>
    tpu.enqueue_dma source(%dma_start3A_9 : memref<80xi32, #tpu.memory_space<hbm>>) target(%arg9 : memref<80xi32, #tpu.memory_space<vmem>>) target_semaphore(%arg19 : memref<!tpu.dma_semaphore, #tpu.memory_space<semaphore_mem>>)
    %scan3A = arith.constant 0 : i32
    %scan3A_10 = arith.constant 80 : i32
    %scan3A_11 = arith.addi %scan3A, %scan3A_10 : i32
    %scan3A_12 = arith.constant 1 : i32
    scf.for %scan3A_69 = %scan3A to %scan3A_11 step %scan3A_12  : i32 {
      %broadcast_in_dim3A = arith.constant 0.000000e+00 : f32
      %broadcast_in_dim3A_70 = vector.broadcast %broadcast_in_dim3A : f32 to vector<16xf32>
      %swap3A = arith.index_cast %scan3A_69 : i32 to index
      %swap3A_71 = arith.constant 0 : index
      %swap3A_72 = tpu.vector_load %arg16[%swap3A, %swap3A_71] {strides = array<i32>} : memref<80x128xf32, #tpu.memory_space<vmem>>, vector<1x16xf32>,
      %swap3A_73 = vector.shape_cast %swap3A_72 : vector<1x16xf32> to vector<16xf32>
      %swap3A_74 = vector.shape_cast %broadcast_in_dim3A_70 : vector<16xf32> to vector<1x16xf32>
      tpu.vector_store %arg16[%swap3A, %swap3A_71], %swap3A_74 {strides = array<i32>} : memref<80x128xf32, #tpu.memory_space<vmem>>, vector<1x16xf32>,
      %broadcast_in_dim3A_75 = arith.constant 0.000000e+00 : f32
      %broadcast_in_dim3A_76 = vector.broadcast %broadcast_in_dim3A_75 : f32 to vector<16xf32>
      %swap3A_77 = arith.index_cast %scan3A_69 : i32 to index
      %swap3A_78 = arith.constant 16 : index
      %swap3A_79 = tpu.vector_load %arg16[%swap3A_77, %swap3A_78] {strides = array<i32>} : memref<80x128xf32, #tpu.memory_space<vmem>>, vector<1x16xf32>,
      %swap3A_80 = vector.shape_cast %swap3A_79 : vector<1x16xf32> to vector<16xf32>
      %swap3A_81 = vector.shape_cast %broadcast_in_dim3A_76 : vector<16xf32> to vector<1x16xf32>
      tpu.vector_store %arg16[%swap3A_77, %swap3A_78], %swap3A_81 {strides = array<i32>} : memref<80x128xf32, #tpu.memory_space<vmem>>, vector<1x16xf32>,
      %broadcast_in_dim3A_82 = arith.constant 0.000000e+00 : f32
      %broadcast_in_dim3A_83 = vector.broadcast %broadcast_in_dim3A_82 : f32 to vector<16xf32>
      %swap3A_84 = arith.index_cast %scan3A_69 : i32 to index
      %swap3A_85 = arith.constant 32 : index
      %swap3A_86 = tpu.vector_load %arg16[%swap3A_84, %swap3A_85] {strides = array<i32>} : memref<80x128xf32, #tpu.memory_space<vmem>>, vector<1x16xf32>,
      %swap3A_87 = vector.shape_cast %swap3A_86 : vector<1x16xf32> to vector<16xf32>
      %swap3A_88 = vector.shape_cast %broadcast_in_dim3A_83 : vector<16xf32> to vector<1x16xf32>
      tpu.vector_store %arg16[%swap3A_84, %swap3A_85], %swap3A_88 {strides = array<i32>} : memref<80x128xf32, #tpu.memory_space<vmem>>, vector<1x16xf32>,
      %broadcast_in_dim3A_89 = arith.constant 0.000000e+00 : f32
      %broadcast_in_dim3A_90 = vector.broadcast %broadcast_in_dim3A_89 : f32 to vector<16xf32>
      %swap3A_91 = arith.index_cast %scan3A_69 : i32 to index
      %swap3A_92 = arith.constant 48 : index
      %swap3A_93 = tpu.vector_load %arg16[%swap3A_91, %swap3A_92] {strides = array<i32>} : memref<80x128xf32, #tpu.memory_space<vmem>>, vector<1x16xf32>,
      %swap3A_94 = vector.shape_cast %swap3A_93 : vector<1x16xf32> to vector<16xf32>
      %swap3A_95 = vector.shape_cast %broadcast_in_dim3A_90 : vector<16xf32> to vector<1x16xf32>
      tpu.vector_store %arg16[%swap3A_91, %swap3A_92], %swap3A_95 {strides = array<i32>} : memref<80x128xf32, #tpu.memory_space<vmem>>, vector<1x16xf32>,
      %broadcast_in_dim3A_96 = arith.constant 0.000000e+00 : f32
      %broadcast_in_dim3A_97 = vector.broadcast %broadcast_in_dim3A_96 : f32 to vector<16xf32>
      %swap3A_98 = arith.index_cast %scan3A_69 : i32 to index
      %swap3A_99 = arith.constant 64 : index
      %swap3A_100 = tpu.vector_load %arg16[%swap3A_98, %swap3A_99] {strides = array<i32>} : memref<80x128xf32, #tpu.memory_space<vmem>>, vector<1x16xf32>,
      %swap3A_101 = vector.shape_cast %swap3A_100 : vector<1x16xf32> to vector<16xf32>
      %swap3A_102 = vector.shape_cast %broadcast_in_dim3A_97 : vector<16xf32> to vector<1x16xf32>
      tpu.vector_store %arg16[%swap3A_98, %swap3A_99], %swap3A_102 {strides = array<i32>} : memref<80x128xf32, #tpu.memory_space<vmem>>, vector<1x16xf32>,
      %broadcast_in_dim3A_103 = arith.constant 0.000000e+00 : f32
      %broadcast_in_dim3A_104 = vector.broadcast %broadcast_in_dim3A_103 : f32 to vector<16xf32>
      %swap3A_105 = arith.index_cast %scan3A_69 : i32 to index
      %swap3A_106 = arith.constant 80 : index
      %swap3A_107 = tpu.vector_load %arg16[%swap3A_105, %swap3A_106] {strides = array<i32>} : memref<80x128xf32, #tpu.memory_space<vmem>>, vector<1x16xf32>,
      %swap3A_108 = vector.shape_cast %swap3A_107 : vector<1x16xf32> to vector<16xf32>
      %swap3A_109 = vector.shape_cast %broadcast_in_dim3A_104 : vector<16xf32> to vector<1x16xf32>
      tpu.vector_store %arg16[%swap3A_105, %swap3A_106], %swap3A_109 {strides = array<i32>} : memref<80x128xf32, #tpu.memory_space<vmem>>, vector<1x16xf32>,
      %broadcast_in_dim3A_110 = arith.constant 0.000000e+00 : f32
      %broadcast_in_dim3A_111 = vector.broadcast %broadcast_in_dim3A_110 : f32 to vector<16xf32>
      %swap3A_112 = arith.index_cast %scan3A_69 : i32 to index
      %swap3A_113 = arith.constant 96 : index
      %swap3A_114 = tpu.vector_load %arg16[%swap3A_112, %swap3A_113] {strides = array<i32>} : memref<80x128xf32, #tpu.memory_space<vmem>>, vector<1x16xf32>,
      %swap3A_115 = vector.shape_cast %swap3A_114 : vector<1x16xf32> to vector<16xf32>
      %swap3A_116 = vector.shape_cast %broadcast_in_dim3A_111 : vector<16xf32> to vector<1x16xf32>
      tpu.vector_store %arg16[%swap3A_112, %swap3A_113], %swap3A_116 {strides = array<i32>} : memref<80x128xf32, #tpu.memory_space<vmem>>, vector<1x16xf32>,
      %broadcast_in_dim3A_117 = arith.constant 0.000000e+00 : f32
      %broadcast_in_dim3A_118 = vector.broadcast %broadcast_in_dim3A_117 : f32 to vector<16xf32>
      %swap3A_119 = arith.index_cast %scan3A_69 : i32 to index
      %swap3A_120 = arith.constant 112 : index
      %swap3A_121 = tpu.vector_load %arg16[%swap3A_119, %swap3A_120] {strides = array<i32>} : memref<80x128xf32, #tpu.memory_space<vmem>>, vector<1x16xf32>,
      %swap3A_122 = vector.shape_cast %swap3A_121 : vector<1x16xf32> to vector<16xf32>
      %swap3A_123 = vector.shape_cast %broadcast_in_dim3A_118 : vector<16xf32> to vector<1x16xf32>
      tpu.vector_store %arg16[%swap3A_119, %swap3A_120], %swap3A_123 {strides = array<i32>} : memref<80x128xf32, #tpu.memory_space<vmem>>, vector<1x16xf32>,
    }
    %scan3A_13 = arith.constant 80 : i32
    %scan3A_14 = arith.constant 0 : i32
    %scan3A_15 = arith.constant 8 : i32
    %scan3A_16 = arith.addi %scan3A_14, %scan3A_15 : i32
    %scan3A_17 = arith.constant 1 : i32
    scf.for %scan3A_69 = %scan3A_14 to %scan3A_16 step %scan3A_17  : i32 {
      %mul3A_70 = arith.constant 640 : i32
      %mul3A_71 = arith.muli %arg1, %mul3A_70 : i32
      %mul3A_72 = arith.constant 80 : i32
      %mul3A_73 = arith.muli %scan3A_69, %mul3A_72 : i32
      %add3A_74 = arith.addi %mul3A_71, %mul3A_73 : i32
      %dma_start3A_75 = arith.constant 0 : i32
      %dma_start3A_76 = tpu.memref_slice %arg18[%add3A_74, %dma_start3A_75] : memref<10240x128xf32, #tpu.memory_space<vmem_shared>> -> memref<80x128xf32, #tpu.memory_space<vmem_shared>>
      %dma_start3A_77 = arith.constant 0 : i32
      %dma_start3A_78 = tpu.memref_slice %arg18[%add3A_74, %dma_start3A_77] : memref<10240x128xf32, #tpu.memory_space<vmem_shared>> -> memref<80x128xf32, #tpu.memory_space<vmem_shared>>
      tpu.enqueue_dma source(%arg16 : memref<80x128xf32, #tpu.memory_space<vmem>>) target(%dma_start3A_78 : memref<80x128xf32, #tpu.memory_space<vmem_shared>>) target_semaphore(%arg28 : memref<!tpu.dma_semaphore, #tpu.memory_space<semaphore_mem>>)
    }
    %scan3A_18 = arith.constant 8 : i32
    %scan3A_19 = arith.constant 0 : i32
    %scan3A_20 = arith.constant 8 : i32
    %scan3A_21 = arith.addi %scan3A_19, %scan3A_20 : i32
    %scan3A_22 = arith.constant 1 : i32
    scf.for %scan3A_69 = %scan3A_19 to %scan3A_21 step %scan3A_22  : i32 {
      %mul3A_70 = arith.constant 640 : i32
      %mul3A_71 = arith.muli %arg1, %mul3A_70 : i32
      %mul3A_72 = arith.constant 80 : i32
      %mul3A_73 = arith.muli %scan3A_69, %mul3A_72 : i32
      %add3A_74 = arith.addi %mul3A_71, %mul3A_73 : i32
      %dma_wait3A_75 = arith.constant 0 : i32
      %dma_wait3A_76 = tpu.memref_slice %arg18[%add3A_74, %dma_wait3A_75] : memref<10240x128xf32, #tpu.memory_space<vmem_shared>> -> memref<80x128xf32, #tpu.memory_space<vmem_shared>>
      %dma_wait3A_77 = arith.constant 0 : i32
      %dma_wait3A_78 = tpu.memref_slice %arg18[%add3A_74, %dma_wait3A_77] : memref<10240x128xf32, #tpu.memory_space<vmem_shared>> -> memref<80x128xf32, #tpu.memory_space<vmem_shared>>
      tpu.wait_dma2 semaphore(%arg28 : memref<!tpu.dma_semaphore, #tpu.memory_space<semaphore_mem>>) src(%arg16 : memref<80x128xf32, #tpu.memory_space<vmem>>) dst(%dma_wait3A_78 : memref<80x128xf32, #tpu.memory_space<vmem_shared>>)
    }
    %scan3A_23 = arith.constant 8 : i32
    %add3A_24 = arith.constant 0 : i32
    %add3A_25 = arith.addi %mul3A_2, %add3A_24 : i32
    %dma_wait3A = tpu.memref_slice %arg2[%add3A_25] : memref<320000xi32, #tpu.memory_space<hbm>> -> memref<80xi32, #tpu.memory_space<hbm>>
    %dma_wait3A_26 = tpu.memref_slice %arg2[%add3A_25] : memref<320000xi32, #tpu.memory_space<hbm>> -> memref<80xi32, #tpu.memory_space<hbm>>
    tpu.wait_dma2 semaphore(%arg19 : memref<!tpu.dma_semaphore, #tpu.memory_space<semaphore_mem>>) src(%dma_wait3A_26 : memref<80xi32, #tpu.memory_space<hbm>>) dst(%arg6 : memref<80xi32, #tpu.memory_space<vmem>>)
    %add3A_27 = arith.constant 0 : i32
    %add3A_28 = arith.addi %mul3A_2, %add3A_27 : i32
    %dma_wait3A_29 = tpu.memref_slice %arg3[%add3A_28] : memref<320000xi32, #tpu.memory_space<hbm>> -> memref<80xi32, #tpu.memory_space<hbm>>
    %dma_wait3A_30 = tpu.memref_slice %arg3[%add3A_28] : memref<320000xi32, #tpu.memory_space<hbm>> -> memref<80xi32, #tpu.memory_space<hbm>>
    tpu.wait_dma2 semaphore(%arg19 : memref<!tpu.dma_semaphore, #tpu.memory_space<semaphore_mem>>) src(%dma_wait3A_30 : memref<80xi32, #tpu.memory_space<hbm>>) dst(%arg9 : memref<80xi32, #tpu.memory_space<vmem>>)
    %dma_start3A_31 = arith.constant 0 : i32
    %dma_start3A_32 = arith.constant 0 : i32
    %dma_start3A_33 = tpu.memref_slice %arg4[%dma_start3A_31, %dma_start3A_32] : memref<10240x128xf32, #tpu.memory_space<hbm>> -> memref<10240x128xf32, #tpu.memory_space<hbm>>
    tpu.enqueue_indirect_dma source(%dma_start3A_33 : memref<10240x128xf32, #tpu.memory_space<hbm>>) target(%arg15 : memref<80x128xf32, #tpu.memory_space<vmem>>) offsets(%arg6 : memref<80xi32, #tpu.memory_space<vmem>>) semaphore(%arg22 : memref<!tpu.dma_semaphore, #tpu.memory_space<semaphore_mem>>)
    %add3A_34 = arith.constant 80 : i32
    %add3A_35 = arith.addi %mul3A_2, %add3A_34 : i32
    %dma_start3A_36 = tpu.memref_slice %arg2[%add3A_35] : memref<320000xi32, #tpu.memory_space<hbm>> -> memref<80xi32, #tpu.memory_space<hbm>>
    %dma_start3A_37 = tpu.memref_slice %arg2[%add3A_35] : memref<320000xi32, #tpu.memory_space<hbm>> -> memref<80xi32, #tpu.memory_space<hbm>>
    tpu.enqueue_dma source(%dma_start3A_37 : memref<80xi32, #tpu.memory_space<hbm>>) target(%arg7 : memref<80xi32, #tpu.memory_space<vmem>>) target_semaphore(%arg20 : memref<!tpu.dma_semaphore, #tpu.memory_space<semaphore_mem>>)
    %add3A_38 = arith.constant 80 : i32
    %add3A_39 = arith.addi %mul3A_2, %add3A_38 : i32
    %dma_start3A_40 = tpu.memref_slice %arg3[%add3A_39] : memref<320000xi32, #tpu.memory_space<hbm>> -> memref<80xi32, #tpu.memory_space<hbm>>
    %dma_start3A_41 = tpu.memref_slice %arg3[%add3A_39] : memref<320000xi32, #tpu.memory_space<hbm>> -> memref<80xi32, #tpu.memory_space<hbm>>
    tpu.enqueue_dma source(%dma_start3A_41 : memref<80xi32, #tpu.memory_space<hbm>>) target(%arg10 : memref<80xi32, #tpu.memory_space<vmem>>) target_semaphore(%arg20 : memref<!tpu.dma_semaphore, #tpu.memory_space<semaphore_mem>>)
    %barrier3A = arith.constant 0 : index
    tpu.barrier barrier_id(%barrier3A)
    %scan3A_42 = arith.constant 0 : i32
    %scan3A_43 = arith.constant 125 : i32
    %scan3A_44 = arith.addi %scan3A_42, %scan3A_43 : i32
    %scan3A_45 = arith.constant 1 : i32
    scf.for %scan3A_69 = %scan3A_42 to %scan3A_44 step %scan3A_45  : i32 {
      %rem3A = arith.constant 3 : i32
      %rem3A_70 = arith.remsi %scan3A_69, %rem3A : i32
      %eq3A = arith.constant 0 : i32
      %eq3A_71 = arith.cmpi eq, %rem3A_70, %eq3A : i32
      %convert_element_type3A = arith.extui %eq3A_71 : i1 to i32
      %cond3A = arith.constant 0 : i32
      %cond3A_72 = arith.cmpi ne, %convert_element_type3A, %cond3A : i32
      scf.if %cond3A_72 {
        %add3A_83 = arith.constant 1 : i32
        %add3A_84 = arith.addi %scan3A_69, %add3A_83 : i32
        %min3A = arith.constant 124 : i32
        %min3A_85 = arith.minsi %add3A_84, %min3A : i32
        %add3A_86 = arith.constant 2 : i32
        %add3A_87 = arith.addi %scan3A_69, %add3A_86 : i32
        %min3A_88 = arith.constant 124 : i32
        %min3A_89 = arith.minsi %add3A_87, %min3A_88 : i32
        %mul3A_90 = arith.constant 80 : i32
        %mul3A_91 = arith.muli %min3A_85, %mul3A_90 : i32
        %add3A_92 = arith.addi %mul3A_2, %mul3A_91 : i32
        %dma_wait3A_93 = tpu.memref_slice %arg2[%add3A_92] : memref<320000xi32, #tpu.memory_space<hbm>> -> memref<80xi32, #tpu.memory_space<hbm>>
        %dma_wait3A_94 = tpu.memref_slice %arg2[%add3A_92] : memref<320000xi32, #tpu.memory_space<hbm>> -> memref<80xi32, #tpu.memory_space<hbm>>
        tpu.wait_dma2 semaphore(%arg20 : memref<!tpu.dma_semaphore, #tpu.memory_space<semaphore_mem>>) src(%dma_wait3A_94 : memref<80xi32, #tpu.memory_space<hbm>>) dst(%arg7 : memref<80xi32, #tpu.memory_space<vmem>>)
        %mul3A_95 = arith.constant 80 : i32
        %mul3A_96 = arith.muli %min3A_85, %mul3A_95 : i32
        %add3A_97 = arith.addi %mul3A_2, %mul3A_96 : i32
        %dma_wait3A_98 = tpu.memref_slice %arg3[%add3A_97] : memref<320000xi32, #tpu.memory_space<hbm>> -> memref<80xi32, #tpu.memory_space<hbm>>
        %dma_wait3A_99 = tpu.memref_slice %arg3[%add3A_97] : memref<320000xi32, #tpu.memory_space<hbm>> -> memref<80xi32, #tpu.memory_space<hbm>>
        tpu.wait_dma2 semaphore(%arg20 : memref<!tpu.dma_semaphore, #tpu.memory_space<semaphore_mem>>) src(%dma_wait3A_99 : memref<80xi32, #tpu.memory_space<hbm>>) dst(%arg10 : memref<80xi32, #tpu.memory_space<vmem>>)
        %ge3A = arith.constant 2 : i32
        %ge3A_100 = arith.cmpi sge, %scan3A_69, %ge3A : i32
        %convert_element_type3A_101 = arith.extui %ge3A_100 : i1 to i32
        %cond3A_102 = arith.constant 0 : i32
        %cond3A_103 = arith.cmpi ne, %convert_element_type3A_101, %cond3A_102 : i32
        scf.if %cond3A_103 {
          %dma_wait3A_156 = arith.constant 0 : i32
          %dma_wait3A_157 = arith.constant 0 : i32
          %dma_wait3A_158 = tpu.memref_slice %arg18[%dma_wait3A_156, %dma_wait3A_157] : memref<10240x128xf32, #tpu.memory_space<vmem_shared>> -> memref<10240x128xf32, #tpu.memory_space<vmem_shared>>
          tpu.wait_indirect_dma semaphore(%arg26 : memref<!tpu.dma_semaphore, #tpu.memory_space<semaphore_mem>>) src(%arg16 : memref<80x128xf32, #tpu.memory_space<vmem>>) dst(%dma_wait3A_158 : memref<10240x128xf32, #tpu.memory_space<vmem_shared>>)
        } else {
        }
        %dma_start3A_104 = arith.constant 0 : i32
        %dma_start3A_105 = arith.constant 0 : i32
        %dma_start3A_106 = tpu.memref_slice %arg4[%dma_start3A_104, %dma_start3A_105] : memref<10240x128xf32, #tpu.memory_space<hbm>> -> memref<10240x128xf32, #tpu.memory_space<hbm>>
        tpu.enqueue_indirect_dma source(%dma_start3A_106 : memref<10240x128xf32, #tpu.memory_space<hbm>>) target(%arg16 : memref<80x128xf32, #tpu.memory_space<vmem>>) offsets(%arg7 : memref<80xi32, #tpu.memory_space<vmem>>) semaphore(%arg23 : memref<!tpu.dma_semaphore, #tpu.memory_space<semaphore_mem>>)
        %dma_wait3A_107 = arith.constant 0 : i32
        %dma_wait3A_108 = arith.constant 0 : i32
        %dma_wait3A_109 = tpu.memref_slice %arg4[%dma_wait3A_107, %dma_wait3A_108] : memref<10240x128xf32, #tpu.memory_space<hbm>> -> memref<10240x128xf32, #tpu.memory_space<hbm>>
        tpu.wait_indirect_dma semaphore(%arg22 : memref<!tpu.dma_semaphore, #tpu.memory_space<semaphore_mem>>) src(%dma_wait3A_109 : memref<10240x128xf32, #tpu.memory_space<hbm>>) dst(%arg15 : memref<80x128xf32, #tpu.memory_space<vmem>>)
        %get3A = arith.constant 0 : index
        %get3A_110 = tpu.vector_load %arg9[%get3A] {strides = array<i32>} : memref<80xi32, #tpu.memory_space<vmem>>, vector<16xi32>,
        %get3A_111 = vector.shape_cast %get3A_110 : vector<16xi32> to vector<16xi32>
        %swap3A = arith.constant 0 : index
        %swap3A_112 = tpu.vector_load %arg12[%swap3A] {strides = array<i32>} : memref<80xi32, #tpu.memory_space<vmem>>, vector<16xi32>,
        %swap3A_113 = vector.shape_cast %swap3A_112 : vector<16xi32> to vector<16xi32>
        %swap3A_114 = vector.shape_cast %get3A_111 : vector<16xi32> to vector<16xi32>
        tpu.vector_store %arg12[%swap3A], %swap3A_114 {strides = array<i32>} : memref<80xi32, #tpu.memory_space<vmem>>, vector<16xi32>,
        %get3A_115 = arith.constant 16 : index
        %get3A_116 = tpu.vector_load %arg9[%get3A_115] {strides = array<i32>} : memref<80xi32, #tpu.memory_space<vmem>>, vector<16xi32>,
        %get3A_117 = vector.shape_cast %get3A_116 : vector<16xi32> to vector<16xi32>
        %swap3A_118 = arith.constant 16 : index
        %swap3A_119 = tpu.vector_load %arg12[%swap3A_118] {strides = array<i32>} : memref<80xi32, #tpu.memory_space<vmem>>, vector<16xi32>,
        %swap3A_120 = vector.shape_cast %swap3A_119 : vector<16xi32> to vector<16xi32>
        %swap3A_121 = vector.shape_cast %get3A_117 : vector<16xi32> to vector<16xi32>
        tpu.vector_store %arg12[%swap3A_118], %swap3A_121 {strides = array<i32>} : memref<80xi32, #tpu.memory_space<vmem>>, vector<16xi32>,
        %get3A_122 = arith.constant 32 : index
        %get3A_123 = tpu.vector_load %arg9[%get3A_122] {strides = array<i32>} : memref<80xi32, #tpu.memory_space<vmem>>, vector<16xi32>,
        %get3A_124 = vector.shape_cast %get3A_123 : vector<16xi32> to vector<16xi32>
        %swap3A_125 = arith.constant 32 : index
        %swap3A_126 = tpu.vector_load %arg12[%swap3A_125] {strides = array<i32>} : memref<80xi32, #tpu.memory_space<vmem>>, vector<16xi32>,
        %swap3A_127 = vector.shape_cast %swap3A_126 : vector<16xi32> to vector<16xi32>
        %swap3A_128 = vector.shape_cast %get3A_124 : vector<16xi32> to vector<16xi32>
        tpu.vector_store %arg12[%swap3A_125], %swap3A_128 {strides = array<i32>} : memref<80xi32, #tpu.memory_space<vmem>>, vector<16xi32>,
        %get3A_129 = arith.constant 48 : index
        %get3A_130 = tpu.vector_load %arg9[%get3A_129] {strides = array<i32>} : memref<80xi32, #tpu.memory_space<vmem>>, vector<16xi32>,
        %get3A_131 = vector.shape_cast %get3A_130 : vector<16xi32> to vector<16xi32>
        %swap3A_132 = arith.constant 48 : index
        %swap3A_133 = tpu.vector_load %arg12[%swap3A_132] {strides = array<i32>} : memref<80xi32, #tpu.memory_space<vmem>>, vector<16xi32>,
        %swap3A_134 = vector.shape_cast %swap3A_133 : vector<16xi32> to vector<16xi32>
        %swap3A_135 = vector.shape_cast %get3A_131 : vector<16xi32> to vector<16xi32>
        tpu.vector_store %arg12[%swap3A_132], %swap3A_135 {strides = array<i32>} : memref<80xi32, #tpu.memory_space<vmem>>, vector<16xi32>,
        %get3A_136 = arith.constant 64 : index
        %get3A_137 = tpu.vector_load %arg9[%get3A_136] {strides = array<i32>} : memref<80xi32, #tpu.memory_space<vmem>>, vector<16xi32>,
        %get3A_138 = vector.shape_cast %get3A_137 : vector<16xi32> to vector<16xi32>
        %swap3A_139 = arith.constant 64 : index
        %swap3A_140 = tpu.vector_load %arg12[%swap3A_139] {strides = array<i32>} : memref<80xi32, #tpu.memory_space<vmem>>, vector<16xi32>,
        %swap3A_141 = vector.shape_cast %swap3A_140 : vector<16xi32> to vector<16xi32>
        %swap3A_142 = vector.shape_cast %get3A_138 : vector<16xi32> to vector<16xi32>
        tpu.vector_store %arg12[%swap3A_139], %swap3A_142 {strides = array<i32>} : memref<80xi32, #tpu.memory_space<vmem>>, vector<16xi32>,
        %dma_start3A_143 = arith.constant 0 : i32
        %dma_start3A_144 = arith.constant 0 : i32
        %dma_start3A_145 = tpu.memref_slice %arg18[%dma_start3A_143, %dma_start3A_144] : memref<10240x128xf32, #tpu.memory_space<vmem_shared>> -> memref<10240x128xf32, #tpu.memory_space<vmem_shared>>
        tpu.enqueue_indirect_dma source(%arg15 : memref<80x128xf32, #tpu.memory_space<vmem>>) target(%dma_start3A_145 : memref<10240x128xf32, #tpu.memory_space<vmem_shared>>) offsets(%arg12 : memref<80xi32, #tpu.memory_space<vmem>>) semaphore(%arg25 : memref<!tpu.dma_semaphore, #tpu.memory_space<semaphore_mem>>) {add = true}
        %mul3A_146 = arith.constant 80 : i32
        %mul3A_147 = arith.muli %min3A_89, %mul3A_146 : i32
        %add3A_148 = arith.addi %mul3A_2, %mul3A_147 : i32
        %dma_start3A_149 = tpu.memref_slice %arg2[%add3A_148] : memref<320000xi32, #tpu.memory_space<hbm>> -> memref<80xi32, #tpu.memory_space<hbm>>
        %dma_start3A_150 = tpu.memref_slice %arg2[%add3A_148] : memref<320000xi32, #tpu.memory_space<hbm>> -> memref<80xi32, #tpu.memory_space<hbm>>
        tpu.enqueue_dma source(%dma_start3A_150 : memref<80xi32, #tpu.memory_space<hbm>>) target(%arg8 : memref<80xi32, #tpu.memory_space<vmem>>) target_semaphore(%arg21 : memref<!tpu.dma_semaphore, #tpu.memory_space<semaphore_mem>>)
        %mul3A_151 = arith.constant 80 : i32
        %mul3A_152 = arith.muli %min3A_89, %mul3A_151 : i32
        %add3A_153 = arith.addi %mul3A_2, %mul3A_152 : i32
        %dma_start3A_154 = tpu.memref_slice %arg3[%add3A_153] : memref<320000xi32, #tpu.memory_space<hbm>> -> memref<80xi32, #tpu.memory_space<hbm>>
        %dma_start3A_155 = tpu.memref_slice %arg3[%add3A_153] : memref<320000xi32, #tpu.memory_space<hbm>> -> memref<80xi32, #tpu.memory_space<hbm>>
        tpu.enqueue_dma source(%dma_start3A_155 : memref<80xi32, #tpu.memory_space<hbm>>) target(%arg11 : memref<80xi32, #tpu.memory_space<vmem>>) target_semaphore(%arg21 : memref<!tpu.dma_semaphore, #tpu.memory_space<semaphore_mem>>)
      } else {
      }
      %eq3A_73 = arith.constant 1 : i32
      %eq3A_74 = arith.cmpi eq, %rem3A_70, %eq3A_73 : i32
      %convert_element_type3A_75 = arith.extui %eq3A_74 : i1 to i32
      %cond3A_76 = arith.constant 0 : i32
      %cond3A_77 = arith.cmpi ne, %convert_element_type3A_75, %cond3A_76 : i32
      scf.if %cond3A_77 {
        %add3A_83 = arith.constant 1 : i32
        %add3A_84 = arith.addi %scan3A_69, %add3A_83 : i32
        %min3A = arith.constant 124 : i32
        %min3A_85 = arith.minsi %add3A_84, %min3A : i32
        %add3A_86 = arith.constant 2 : i32
        %add3A_87 = arith.addi %scan3A_69, %add3A_86 : i32
        %min3A_88 = arith.constant 124 : i32
        %min3A_89 = arith.minsi %add3A_87, %min3A_88 : i32
        %mul3A_90 = arith.constant 80 : i32
        %mul3A_91 = arith.muli %min3A_85, %mul3A_90 : i32
        %add3A_92 = arith.addi %mul3A_2, %mul3A_91 : i32
        %dma_wait3A_93 = tpu.memref_slice %arg2[%add3A_92] : memref<320000xi32, #tpu.memory_space<hbm>> -> memref<80xi32, #tpu.memory_space<hbm>>
        %dma_wait3A_94 = tpu.memref_slice %arg2[%add3A_92] : memref<320000xi32, #tpu.memory_space<hbm>> -> memref<80xi32, #tpu.memory_space<hbm>>
        tpu.wait_dma2 semaphore(%arg21 : memref<!tpu.dma_semaphore, #tpu.memory_space<semaphore_mem>>) src(%dma_wait3A_94 : memref<80xi32, #tpu.memory_space<hbm>>) dst(%arg8 : memref<80xi32, #tpu.memory_space<vmem>>)
        %mul3A_95 = arith.constant 80 : i32
        %mul3A_96 = arith.muli %min3A_85, %mul3A_95 : i32
        %add3A_97 = arith.addi %mul3A_2, %mul3A_96 : i32
        %dma_wait3A_98 = tpu.memref_slice %arg3[%add3A_97] : memref<320000xi32, #tpu.memory_space<hbm>> -> memref<80xi32, #tpu.memory_space<hbm>>
        %dma_wait3A_99 = tpu.memref_slice %arg3[%add3A_97] : memref<320000xi32, #tpu.memory_space<hbm>> -> memref<80xi32, #tpu.memory_space<hbm>>
        tpu.wait_dma2 semaphore(%arg21 : memref<!tpu.dma_semaphore, #tpu.memory_space<semaphore_mem>>) src(%dma_wait3A_99 : memref<80xi32, #tpu.memory_space<hbm>>) dst(%arg11 : memref<80xi32, #tpu.memory_space<vmem>>)
        %ge3A = arith.constant 2 : i32
        %ge3A_100 = arith.cmpi sge, %scan3A_69, %ge3A : i32
        %convert_element_type3A_101 = arith.extui %ge3A_100 : i1 to i32
        %cond3A_102 = arith.constant 0 : i32
        %cond3A_103 = arith.cmpi ne, %convert_element_type3A_101, %cond3A_102 : i32
        scf.if %cond3A_103 {
          %dma_wait3A_156 = arith.constant 0 : i32
          %dma_wait3A_157 = arith.constant 0 : i32
          %dma_wait3A_158 = tpu.memref_slice %arg18[%dma_wait3A_156, %dma_wait3A_157] : memref<10240x128xf32, #tpu.memory_space<vmem_shared>> -> memref<10240x128xf32, #tpu.memory_space<vmem_shared>>
          tpu.wait_indirect_dma semaphore(%arg27 : memref<!tpu.dma_semaphore, #tpu.memory_space<semaphore_mem>>) src(%arg17 : memref<80x128xf32, #tpu.memory_space<vmem>>) dst(%dma_wait3A_158 : memref<10240x128xf32, #tpu.memory_space<vmem_shared>>)
        } else {
        }
        %dma_start3A_104 = arith.constant 0 : i32
        %dma_start3A_105 = arith.constant 0 : i32
        %dma_start3A_106 = tpu.memref_slice %arg4[%dma_start3A_104, %dma_start3A_105] : memref<10240x128xf32, #tpu.memory_space<hbm>> -> memref<10240x128xf32, #tpu.memory_space<hbm>>
        tpu.enqueue_indirect_dma source(%dma_start3A_106 : memref<10240x128xf32, #tpu.memory_space<hbm>>) target(%arg17 : memref<80x128xf32, #tpu.memory_space<vmem>>) offsets(%arg8 : memref<80xi32, #tpu.memory_space<vmem>>) semaphore(%arg24 : memref<!tpu.dma_semaphore, #tpu.memory_space<semaphore_mem>>)
        %dma_wait3A_107 = arith.constant 0 : i32
        %dma_wait3A_108 = arith.constant 0 : i32
        %dma_wait3A_109 = tpu.memref_slice %arg4[%dma_wait3A_107, %dma_wait3A_108] : memref<10240x128xf32, #tpu.memory_space<hbm>> -> memref<10240x128xf32, #tpu.memory_space<hbm>>
        tpu.wait_indirect_dma semaphore(%arg23 : memref<!tpu.dma_semaphore, #tpu.memory_space<semaphore_mem>>) src(%dma_wait3A_109 : memref<10240x128xf32, #tpu.memory_space<hbm>>) dst(%arg16 : memref<80x128xf32, #tpu.memory_space<vmem>>)
        %get3A = arith.constant 0 : index
        %get3A_110 = tpu.vector_load %arg10[%get3A] {strides = array<i32>} : memref<80xi32, #tpu.memory_space<vmem>>, vector<16xi32>,
        %get3A_111 = vector.shape_cast %get3A_110 : vector<16xi32> to vector<16xi32>
        %swap3A = arith.constant 0 : index
        %swap3A_112 = tpu.vector_load %arg13[%swap3A] {strides = array<i32>} : memref<80xi32, #tpu.memory_space<vmem>>, vector<16xi32>,
        %swap3A_113 = vector.shape_cast %swap3A_112 : vector<16xi32> to vector<16xi32>
        %swap3A_114 = vector.shape_cast %get3A_111 : vector<16xi32> to vector<16xi32>
        tpu.vector_store %arg13[%swap3A], %swap3A_114 {strides = array<i32>} : memref<80xi32, #tpu.memory_space<vmem>>, vector<16xi32>,
        %get3A_115 = arith.constant 16 : index
        %get3A_116 = tpu.vector_load %arg10[%get3A_115] {strides = array<i32>} : memref<80xi32, #tpu.memory_space<vmem>>, vector<16xi32>,
        %get3A_117 = vector.shape_cast %get3A_116 : vector<16xi32> to vector<16xi32>
        %swap3A_118 = arith.constant 16 : index
        %swap3A_119 = tpu.vector_load %arg13[%swap3A_118] {strides = array<i32>} : memref<80xi32, #tpu.memory_space<vmem>>, vector<16xi32>,
        %swap3A_120 = vector.shape_cast %swap3A_119 : vector<16xi32> to vector<16xi32>
        %swap3A_121 = vector.shape_cast %get3A_117 : vector<16xi32> to vector<16xi32>
        tpu.vector_store %arg13[%swap3A_118], %swap3A_121 {strides = array<i32>} : memref<80xi32, #tpu.memory_space<vmem>>, vector<16xi32>,
        %get3A_122 = arith.constant 32 : index
        %get3A_123 = tpu.vector_load %arg10[%get3A_122] {strides = array<i32>} : memref<80xi32, #tpu.memory_space<vmem>>, vector<16xi32>,
        %get3A_124 = vector.shape_cast %get3A_123 : vector<16xi32> to vector<16xi32>
        %swap3A_125 = arith.constant 32 : index
        %swap3A_126 = tpu.vector_load %arg13[%swap3A_125] {strides = array<i32>} : memref<80xi32, #tpu.memory_space<vmem>>, vector<16xi32>,
        %swap3A_127 = vector.shape_cast %swap3A_126 : vector<16xi32> to vector<16xi32>
        %swap3A_128 = vector.shape_cast %get3A_124 : vector<16xi32> to vector<16xi32>
        tpu.vector_store %arg13[%swap3A_125], %swap3A_128 {strides = array<i32>} : memref<80xi32, #tpu.memory_space<vmem>>, vector<16xi32>,
        %get3A_129 = arith.constant 48 : index
        %get3A_130 = tpu.vector_load %arg10[%get3A_129] {strides = array<i32>} : memref<80xi32, #tpu.memory_space<vmem>>, vector<16xi32>,
        %get3A_131 = vector.shape_cast %get3A_130 : vector<16xi32> to vector<16xi32>
        %swap3A_132 = arith.constant 48 : index
        %swap3A_133 = tpu.vector_load %arg13[%swap3A_132] {strides = array<i32>} : memref<80xi32, #tpu.memory_space<vmem>>, vector<16xi32>,
        %swap3A_134 = vector.shape_cast %swap3A_133 : vector<16xi32> to vector<16xi32>
        %swap3A_135 = vector.shape_cast %get3A_131 : vector<16xi32> to vector<16xi32>
        tpu.vector_store %arg13[%swap3A_132], %swap3A_135 {strides = array<i32>} : memref<80xi32, #tpu.memory_space<vmem>>, vector<16xi32>,
        %get3A_136 = arith.constant 64 : index
        %get3A_137 = tpu.vector_load %arg10[%get3A_136] {strides = array<i32>} : memref<80xi32, #tpu.memory_space<vmem>>, vector<16xi32>,
        %get3A_138 = vector.shape_cast %get3A_137 : vector<16xi32> to vector<16xi32>
        %swap3A_139 = arith.constant 64 : index
        %swap3A_140 = tpu.vector_load %arg13[%swap3A_139] {strides = array<i32>} : memref<80xi32, #tpu.memory_space<vmem>>, vector<16xi32>,
        %swap3A_141 = vector.shape_cast %swap3A_140 : vector<16xi32> to vector<16xi32>
        %swap3A_142 = vector.shape_cast %get3A_138 : vector<16xi32> to vector<16xi32>
        tpu.vector_store %arg13[%swap3A_139], %swap3A_142 {strides = array<i32>} : memref<80xi32, #tpu.memory_space<vmem>>, vector<16xi32>,
        %dma_start3A_143 = arith.constant 0 : i32
        %dma_start3A_144 = arith.constant 0 : i32
        %dma_start3A_145 = tpu.memref_slice %arg18[%dma_start3A_143, %dma_start3A_144] : memref<10240x128xf32, #tpu.memory_space<vmem_shared>> -> memref<10240x128xf32, #tpu.memory_space<vmem_shared>>
        tpu.enqueue_indirect_dma source(%arg16 : memref<80x128xf32, #tpu.memory_space<vmem>>) target(%dma_start3A_145 : memref<10240x128xf32, #tpu.memory_space<vmem_shared>>) offsets(%arg13 : memref<80xi32, #tpu.memory_space<vmem>>) semaphore(%arg26 : memref<!tpu.dma_semaphore, #tpu.memory_space<semaphore_mem>>) {add = true}
        %mul3A_146 = arith.constant 80 : i32
        %mul3A_147 = arith.muli %min3A_89, %mul3A_146 : i32
        %add3A_148 = arith.addi %mul3A_2, %mul3A_147 : i32
        %dma_start3A_149 = tpu.memref_slice %arg2[%add3A_148] : memref<320000xi32, #tpu.memory_space<hbm>> -> memref<80xi32, #tpu.memory_space<hbm>>
        %dma_start3A_150 = tpu.memref_slice %arg2[%add3A_148] : memref<320000xi32, #tpu.memory_space<hbm>> -> memref<80xi32, #tpu.memory_space<hbm>>
        tpu.enqueue_dma source(%dma_start3A_150 : memref<80xi32, #tpu.memory_space<hbm>>) target(%arg6 : memref<80xi32, #tpu.memory_space<vmem>>) target_semaphore(%arg19 : memref<!tpu.dma_semaphore, #tpu.memory_space<semaphore_mem>>)
        %mul3A_151 = arith.constant 80 : i32
        %mul3A_152 = arith.muli %min3A_89, %mul3A_151 : i32
        %add3A_153 = arith.addi %mul3A_2, %mul3A_152 : i32
        %dma_start3A_154 = tpu.memref_slice %arg3[%add3A_153] : memref<320000xi32, #tpu.memory_space<hbm>> -> memref<80xi32, #tpu.memory_space<hbm>>
        %dma_start3A_155 = tpu.memref_slice %arg3[%add3A_153] : memref<320000xi32, #tpu.memory_space<hbm>> -> memref<80xi32, #tpu.memory_space<hbm>>
        tpu.enqueue_dma source(%dma_start3A_155 : memref<80xi32, #tpu.memory_space<hbm>>) target(%arg9 : memref<80xi32, #tpu.memory_space<vmem>>) target_semaphore(%arg19 : memref<!tpu.dma_semaphore, #tpu.memory_space<semaphore_mem>>)
      } else {
      }
      %eq3A_78 = arith.constant 2 : i32
      %eq3A_79 = arith.cmpi eq, %rem3A_70, %eq3A_78 : i32
      %convert_element_type3A_80 = arith.extui %eq3A_79 : i1 to i32
      %cond3A_81 = arith.constant 0 : i32
      %cond3A_82 = arith.cmpi ne, %convert_element_type3A_80, %cond3A_81 : i32
      scf.if %cond3A_82 {
        %add3A_83 = arith.constant 1 : i32
        %add3A_84 = arith.addi %scan3A_69, %add3A_83 : i32
        %min3A = arith.constant 124 : i32
        %min3A_85 = arith.minsi %add3A_84, %min3A : i32
        %add3A_86 = arith.constant 2 : i32
        %add3A_87 = arith.addi %scan3A_69, %add3A_86 : i32
        %min3A_88 = arith.constant 124 : i32
        %min3A_89 = arith.minsi %add3A_87, %min3A_88 : i32
        %mul3A_90 = arith.constant 80 : i32
        %mul3A_91 = arith.muli %min3A_85, %mul3A_90 : i32
        %add3A_92 = arith.addi %mul3A_2, %mul3A_91 : i32
        %dma_wait3A_93 = tpu.memref_slice %arg2[%add3A_92] : memref<320000xi32, #tpu.memory_space<hbm>> -> memref<80xi32, #tpu.memory_space<hbm>>
        %dma_wait3A_94 = tpu.memref_slice %arg2[%add3A_92] : memref<320000xi32, #tpu.memory_space<hbm>> -> memref<80xi32, #tpu.memory_space<hbm>>
        tpu.wait_dma2 semaphore(%arg19 : memref<!tpu.dma_semaphore, #tpu.memory_space<semaphore_mem>>) src(%dma_wait3A_94 : memref<80xi32, #tpu.memory_space<hbm>>) dst(%arg6 : memref<80xi32, #tpu.memory_space<vmem>>)
        %mul3A_95 = arith.constant 80 : i32
        %mul3A_96 = arith.muli %min3A_85, %mul3A_95 : i32
        %add3A_97 = arith.addi %mul3A_2, %mul3A_96 : i32
        %dma_wait3A_98 = tpu.memref_slice %arg3[%add3A_97] : memref<320000xi32, #tpu.memory_space<hbm>> -> memref<80xi32, #tpu.memory_space<hbm>>
        %dma_wait3A_99 = tpu.memref_slice %arg3[%add3A_97] : memref<320000xi32, #tpu.memory_space<hbm>> -> memref<80xi32, #tpu.memory_space<hbm>>
        tpu.wait_dma2 semaphore(%arg19 : memref<!tpu.dma_semaphore, #tpu.memory_space<semaphore_mem>>) src(%dma_wait3A_99 : memref<80xi32, #tpu.memory_space<hbm>>) dst(%arg9 : memref<80xi32, #tpu.memory_space<vmem>>)
        %ge3A = arith.constant 2 : i32
        %ge3A_100 = arith.cmpi sge, %scan3A_69, %ge3A : i32
        %convert_element_type3A_101 = arith.extui %ge3A_100 : i1 to i32
        %cond3A_102 = arith.constant 0 : i32
        %cond3A_103 = arith.cmpi ne, %convert_element_type3A_101, %cond3A_102 : i32
        scf.if %cond3A_103 {
          %dma_wait3A_156 = arith.constant 0 : i32
          %dma_wait3A_157 = arith.constant 0 : i32
          %dma_wait3A_158 = tpu.memref_slice %arg18[%dma_wait3A_156, %dma_wait3A_157] : memref<10240x128xf32, #tpu.memory_space<vmem_shared>> -> memref<10240x128xf32, #tpu.memory_space<vmem_shared>>
          tpu.wait_indirect_dma semaphore(%arg25 : memref<!tpu.dma_semaphore, #tpu.memory_space<semaphore_mem>>) src(%arg15 : memref<80x128xf32, #tpu.memory_space<vmem>>) dst(%dma_wait3A_158 : memref<10240x128xf32, #tpu.memory_space<vmem_shared>>)
        } else {
        }
        %dma_start3A_104 = arith.constant 0 : i32
        %dma_start3A_105 = arith.constant 0 : i32
        %dma_start3A_106 = tpu.memref_slice %arg4[%dma_start3A_104, %dma_start3A_105] : memref<10240x128xf32, #tpu.memory_space<hbm>> -> memref<10240x128xf32, #tpu.memory_space<hbm>>
        tpu.enqueue_indirect_dma source(%dma_start3A_106 : memref<10240x128xf32, #tpu.memory_space<hbm>>) target(%arg15 : memref<80x128xf32, #tpu.memory_space<vmem>>) offsets(%arg6 : memref<80xi32, #tpu.memory_space<vmem>>) semaphore(%arg22 : memref<!tpu.dma_semaphore, #tpu.memory_space<semaphore_mem>>)
        %dma_wait3A_107 = arith.constant 0 : i32
        %dma_wait3A_108 = arith.constant 0 : i32
        %dma_wait3A_109 = tpu.memref_slice %arg4[%dma_wait3A_107, %dma_wait3A_108] : memref<10240x128xf32, #tpu.memory_space<hbm>> -> memref<10240x128xf32, #tpu.memory_space<hbm>>
        tpu.wait_indirect_dma semaphore(%arg24 : memref<!tpu.dma_semaphore, #tpu.memory_space<semaphore_mem>>) src(%dma_wait3A_109 : memref<10240x128xf32, #tpu.memory_space<hbm>>) dst(%arg17 : memref<80x128xf32, #tpu.memory_space<vmem>>)
        %get3A = arith.constant 0 : index
        %get3A_110 = tpu.vector_load %arg11[%get3A] {strides = array<i32>} : memref<80xi32, #tpu.memory_space<vmem>>, vector<16xi32>,
        %get3A_111 = vector.shape_cast %get3A_110 : vector<16xi32> to vector<16xi32>
        %swap3A = arith.constant 0 : index
        %swap3A_112 = tpu.vector_load %arg14[%swap3A] {strides = array<i32>} : memref<80xi32, #tpu.memory_space<vmem>>, vector<16xi32>,
        %swap3A_113 = vector.shape_cast %swap3A_112 : vector<16xi32> to vector<16xi32>
        %swap3A_114 = vector.shape_cast %get3A_111 : vector<16xi32> to vector<16xi32>
        tpu.vector_store %arg14[%swap3A], %swap3A_114 {strides = array<i32>} : memref<80xi32, #tpu.memory_space<vmem>>, vector<16xi32>,
        %get3A_115 = arith.constant 16 : index
        %get3A_116 = tpu.vector_load %arg11[%get3A_115] {strides = array<i32>} : memref<80xi32, #tpu.memory_space<vmem>>, vector<16xi32>,
        %get3A_117 = vector.shape_cast %get3A_116 : vector<16xi32> to vector<16xi32>
        %swap3A_118 = arith.constant 16 : index
        %swap3A_119 = tpu.vector_load %arg14[%swap3A_118] {strides = array<i32>} : memref<80xi32, #tpu.memory_space<vmem>>, vector<16xi32>,
        %swap3A_120 = vector.shape_cast %swap3A_119 : vector<16xi32> to vector<16xi32>
        %swap3A_121 = vector.shape_cast %get3A_117 : vector<16xi32> to vector<16xi32>
        tpu.vector_store %arg14[%swap3A_118], %swap3A_121 {strides = array<i32>} : memref<80xi32, #tpu.memory_space<vmem>>, vector<16xi32>,
        %get3A_122 = arith.constant 32 : index
        %get3A_123 = tpu.vector_load %arg11[%get3A_122] {strides = array<i32>} : memref<80xi32, #tpu.memory_space<vmem>>, vector<16xi32>,
        %get3A_124 = vector.shape_cast %get3A_123 : vector<16xi32> to vector<16xi32>
        %swap3A_125 = arith.constant 32 : index
        %swap3A_126 = tpu.vector_load %arg14[%swap3A_125] {strides = array<i32>} : memref<80xi32, #tpu.memory_space<vmem>>, vector<16xi32>,
        %swap3A_127 = vector.shape_cast %swap3A_126 : vector<16xi32> to vector<16xi32>
        %swap3A_128 = vector.shape_cast %get3A_124 : vector<16xi32> to vector<16xi32>
        tpu.vector_store %arg14[%swap3A_125], %swap3A_128 {strides = array<i32>} : memref<80xi32, #tpu.memory_space<vmem>>, vector<16xi32>,
        %get3A_129 = arith.constant 48 : index
        %get3A_130 = tpu.vector_load %arg11[%get3A_129] {strides = array<i32>} : memref<80xi32, #tpu.memory_space<vmem>>, vector<16xi32>,
        %get3A_131 = vector.shape_cast %get3A_130 : vector<16xi32> to vector<16xi32>
        %swap3A_132 = arith.constant 48 : index
        %swap3A_133 = tpu.vector_load %arg14[%swap3A_132] {strides = array<i32>} : memref<80xi32, #tpu.memory_space<vmem>>, vector<16xi32>,
        %swap3A_134 = vector.shape_cast %swap3A_133 : vector<16xi32> to vector<16xi32>
        %swap3A_135 = vector.shape_cast %get3A_131 : vector<16xi32> to vector<16xi32>
        tpu.vector_store %arg14[%swap3A_132], %swap3A_135 {strides = array<i32>} : memref<80xi32, #tpu.memory_space<vmem>>, vector<16xi32>,
        %get3A_136 = arith.constant 64 : index
        %get3A_137 = tpu.vector_load %arg11[%get3A_136] {strides = array<i32>} : memref<80xi32, #tpu.memory_space<vmem>>, vector<16xi32>,
        %get3A_138 = vector.shape_cast %get3A_137 : vector<16xi32> to vector<16xi32>
        %swap3A_139 = arith.constant 64 : index
        %swap3A_140 = tpu.vector_load %arg14[%swap3A_139] {strides = array<i32>} : memref<80xi32, #tpu.memory_space<vmem>>, vector<16xi32>,
        %swap3A_141 = vector.shape_cast %swap3A_140 : vector<16xi32> to vector<16xi32>
        %swap3A_142 = vector.shape_cast %get3A_138 : vector<16xi32> to vector<16xi32>
        tpu.vector_store %arg14[%swap3A_139], %swap3A_142 {strides = array<i32>} : memref<80xi32, #tpu.memory_space<vmem>>, vector<16xi32>,
        %dma_start3A_143 = arith.constant 0 : i32
        %dma_start3A_144 = arith.constant 0 : i32
        %dma_start3A_145 = tpu.memref_slice %arg18[%dma_start3A_143, %dma_start3A_144] : memref<10240x128xf32, #tpu.memory_space<vmem_shared>> -> memref<10240x128xf32, #tpu.memory_space<vmem_shared>>
        tpu.enqueue_indirect_dma source(%arg17 : memref<80x128xf32, #tpu.memory_space<vmem>>) target(%dma_start3A_145 : memref<10240x128xf32, #tpu.memory_space<vmem_shared>>) offsets(%arg14 : memref<80xi32, #tpu.memory_space<vmem>>) semaphore(%arg27 : memref<!tpu.dma_semaphore, #tpu.memory_space<semaphore_mem>>) {add = true}
        %mul3A_146 = arith.constant 80 : i32
        %mul3A_147 = arith.muli %min3A_89, %mul3A_146 : i32
        %add3A_148 = arith.addi %mul3A_2, %mul3A_147 : i32
        %dma_start3A_149 = tpu.memref_slice %arg2[%add3A_148] : memref<320000xi32, #tpu.memory_space<hbm>> -> memref<80xi32, #tpu.memory_space<hbm>>
        %dma_start3A_150 = tpu.memref_slice %arg2[%add3A_148] : memref<320000xi32, #tpu.memory_space<hbm>> -> memref<80xi32, #tpu.memory_space<hbm>>
        tpu.enqueue_dma source(%dma_start3A_150 : memref<80xi32, #tpu.memory_space<hbm>>) target(%arg7 : memref<80xi32, #tpu.memory_space<vmem>>) target_semaphore(%arg20 : memref<!tpu.dma_semaphore, #tpu.memory_space<semaphore_mem>>)
        %mul3A_151 = arith.constant 80 : i32
        %mul3A_152 = arith.muli %min3A_89, %mul3A_151 : i32
        %add3A_153 = arith.addi %mul3A_2, %mul3A_152 : i32
        %dma_start3A_154 = tpu.memref_slice %arg3[%add3A_153] : memref<320000xi32, #tpu.memory_space<hbm>> -> memref<80xi32, #tpu.memory_space<hbm>>
        %dma_start3A_155 = tpu.memref_slice %arg3[%add3A_153] : memref<320000xi32, #tpu.memory_space<hbm>> -> memref<80xi32, #tpu.memory_space<hbm>>
        tpu.enqueue_dma source(%dma_start3A_155 : memref<80xi32, #tpu.memory_space<hbm>>) target(%arg10 : memref<80xi32, #tpu.memory_space<vmem>>) target_semaphore(%arg20 : memref<!tpu.dma_semaphore, #tpu.memory_space<semaphore_mem>>)
      } else {
      }
    }
    %scan3A_46 = arith.constant 125 : i32
    %dma_wait3A_47 = arith.constant 0 : i32
    %dma_wait3A_48 = arith.constant 0 : i32
    %dma_wait3A_49 = tpu.memref_slice %arg4[%dma_wait3A_47, %dma_wait3A_48] : memref<10240x128xf32, #tpu.memory_space<hbm>> -> memref<10240x128xf32, #tpu.memory_space<hbm>>
    tpu.wait_indirect_dma semaphore(%arg24 : memref<!tpu.dma_semaphore, #tpu.memory_space<semaphore_mem>>) src(%dma_wait3A_49 : memref<10240x128xf32, #tpu.memory_space<hbm>>) dst(%arg17 : memref<80x128xf32, #tpu.memory_space<vmem>>)
    %add3A_50 = arith.constant 9920 : i32
    %add3A_51 = arith.addi %mul3A_2, %add3A_50 : i32
    %dma_wait3A_52 = tpu.memref_slice %arg2[%add3A_51] : memref<320000xi32, #tpu.memory_space<hbm>> -> memref<80xi32, #tpu.memory_space<hbm>>
    %dma_wait3A_53 = tpu.memref_slice %arg2[%add3A_51] : memref<320000xi32, #tpu.memory_space<hbm>> -> memref<80xi32, #tpu.memory_space<hbm>>
    tpu.wait_dma2 semaphore(%arg19 : memref<!tpu.dma_semaphore, #tpu.memory_space<semaphore_mem>>) src(%dma_wait3A_53 : memref<80xi32, #tpu.memory_space<hbm>>) dst(%arg6 : memref<80xi32, #tpu.memory_space<vmem>>)
    %add3A_54 = arith.constant 9920 : i32
    %add3A_55 = arith.addi %mul3A_2, %add3A_54 : i32
    %dma_wait3A_56 = tpu.memref_slice %arg3[%add3A_55] : memref<320000xi32, #tpu.memory_space<hbm>> -> memref<80xi32, #tpu.memory_space<hbm>>
    %dma_wait3A_57 = tpu.memref_slice %arg3[%add3A_55] : memref<320000xi32, #tpu.memory_space<hbm>> -> memref<80xi32, #tpu.memory_space<hbm>>
    tpu.wait_dma2 semaphore(%arg19 : memref<!tpu.dma_semaphore, #tpu.memory_space<semaphore_mem>>) src(%dma_wait3A_57 : memref<80xi32, #tpu.memory_space<hbm>>) dst(%arg9 : memref<80xi32, #tpu.memory_space<vmem>>)
    %dma_wait3A_58 = arith.constant 0 : i32
    %dma_wait3A_59 = arith.constant 0 : i32
    %dma_wait3A_60 = tpu.memref_slice %arg18[%dma_wait3A_58, %dma_wait3A_59] : memref<10240x128xf32, #tpu.memory_space<vmem_shared>> -> memref<10240x128xf32, #tpu.memory_space<vmem_shared>>
    tpu.wait_indirect_dma semaphore(%arg25 : memref<!tpu.dma_semaphore, #tpu.memory_space<semaphore_mem>>) src(%arg15 : memref<80x128xf32, #tpu.memory_space<vmem>>) dst(%dma_wait3A_60 : memref<10240x128xf32, #tpu.memory_space<vmem_shared>>)
    %dma_wait3A_61 = arith.constant 0 : i32
    %dma_wait3A_62 = arith.constant 0 : i32
    %dma_wait3A_63 = tpu.memref_slice %arg18[%dma_wait3A_61, %dma_wait3A_62] : memref<10240x128xf32, #tpu.memory_space<vmem_shared>> -> memref<10240x128xf32, #tpu.memory_space<vmem_shared>>
    tpu.wait_indirect_dma semaphore(%arg26 : memref<!tpu.dma_semaphore, #tpu.memory_space<semaphore_mem>>) src(%arg16 : memref<80x128xf32, #tpu.memory_space<vmem>>) dst(%dma_wait3A_63 : memref<10240x128xf32, #tpu.memory_space<vmem_shared>>)
    %barrier3A_64 = arith.constant 0 : index
    tpu.barrier barrier_id(%barrier3A_64)
    %mul3A_65 = arith.constant 640 : i32
    %mul3A_66 = arith.muli %arg1, %mul3A_65 : i32
    %mul3A_67 = arith.constant 640 : i32
    %mul3A_68 = arith.muli %arg1, %mul3A_67 : i32
    "tpu.region"() ({
      %run_scoped3A = tpu.sem_alloc : memref<!tpu.dma_semaphore, #tpu.memory_space<semaphore_mem>>
      %dma_start3A_69 = arith.constant 0 : i32
      %dma_start3A_70 = arith.constant 0 : i32
      %dma_start3A_71 = tpu.memref_slice %arg5[%arg0, %dma_start3A_69, %dma_start3A_70] : memref<2x10240x128xf32, #tpu.memory_space<hbm>> -> memref<1x10240x128xf32, #tpu.memory_space<hbm>>
      %dma_start3A_72 = tpu.memref_squeeze %dma_start3A_71 : memref<1x10240x128xf32, #tpu.memory_space<hbm>> -> memref<10240x128xf32, #tpu.memory_space<hbm>>
      %dma_start3A_73 = arith.constant 0 : i32
      %dma_start3A_74 = tpu.memref_slice %dma_start3A_72[%mul3A_68, %dma_start3A_73] : memref<10240x128xf32, #tpu.memory_space<hbm>> -> memref<640x128xf32, #tpu.memory_space<hbm>>
      %dma_start3A_75 = arith.constant 0 : i32
      %dma_start3A_76 = tpu.memref_slice %arg18[%mul3A_66, %dma_start3A_75] : memref<10240x128xf32, #tpu.memory_space<vmem_shared>> -> memref<640x128xf32, #tpu.memory_space<vmem_shared>>
      tpu.enqueue_dma source(%dma_start3A_76 : memref<640x128xf32, #tpu.memory_space<vmem_shared>>) target(%dma_start3A_74 : memref<640x128xf32, #tpu.memory_space<hbm>>) target_semaphore(%run_scoped3A : memref<!tpu.dma_semaphore, #tpu.memory_space<semaphore_mem>>)
      %dma_wait3A_77 = arith.constant 0 : i32
      %dma_wait3A_78 = arith.constant 0 : i32
      %dma_wait3A_79 = tpu.memref_slice %arg5[%arg0, %dma_wait3A_77, %dma_wait3A_78] : memref<2x10240x128xf32, #tpu.memory_space<hbm>> -> memref<1x10240x128xf32, #tpu.memory_space<hbm>>
      %dma_wait3A_80 = tpu.memref_squeeze %dma_wait3A_79 : memref<1x10240x128xf32, #tpu.memory_space<hbm>> -> memref<10240x128xf32, #tpu.memory_space<hbm>>
      %dma_wait3A_81 = arith.constant 0 : i32
      %dma_wait3A_82 = tpu.memref_slice %dma_wait3A_80[%mul3A_68, %dma_wait3A_81] : memref<10240x128xf32, #tpu.memory_space<hbm>> -> memref<640x128xf32, #tpu.memory_space<hbm>>
      %dma_wait3A_83 = arith.constant 0 : i32
      %dma_wait3A_84 = tpu.memref_slice %arg18[%mul3A_66, %dma_wait3A_83] : memref<10240x128xf32, #tpu.memory_space<vmem_shared>> -> memref<640x128xf32, #tpu.memory_space<vmem_shared>>
      tpu.wait_dma2 semaphore(%run_scoped3A : memref<!tpu.dma_semaphore, #tpu.memory_space<semaphore_mem>>) src(%dma_wait3A_84 : memref<640x128xf32, #tpu.memory_space<vmem_shared>>) dst(%dma_wait3A_82 : memref<640x128xf32, #tpu.memory_space<hbm>>)
      tpu.yield
    }) : () -> ()
    return
  }
}

#map = affine_map<(d0, d1) -> (0)>
#map1 = affine_map<(d0, d1) -> (0, 0)>
#map2 = affine_map<(d0, d1) -> (0, 0, 0)>
module attributes {stable_mosaic.version = 14 : i64} {
  func.func @pass_kernel(%arg0: i32, %arg1: i32, %arg2: memref<320000xi32, #tpu.memory_space<hbm>>, %arg3: memref<320000xi32, #tpu.memory_space<hbm>>, %arg4: memref<10240x128xf32, #tpu.memory_space<hbm>>, %arg5: memref<2x10240x128xf32, #tpu.memory_space<hbm>>, %arg6: memref<80xi32, #tpu.memory_space<vmem>>, %arg7: memref<80xi32, #tpu.memory_space<vmem>>, %arg8: memref<80xi32, #tpu.memory_space<vmem>>, %arg9: memref<80xi32, #tpu.memory_space<vmem>>, %arg10: memref<80xi32, #tpu.memory_space<vmem>>, %arg11: memref<80xi32, #tpu.memory_space<vmem>>, %arg12: memref<80xi32, #tpu.memory_space<vmem>>, %arg13: memref<80xi32, #tpu.memory_space<vmem>>, %arg14: memref<80xi32, #tpu.memory_space<vmem>>, %arg15: memref<80x128xf32, #tpu.memory_space<vmem>>, %arg16: memref<80x128xf32, #tpu.memory_space<vmem>>, %arg17: memref<80x128xf32, #tpu.memory_space<vmem>>, %arg18: memref<10240x128xf32, #tpu.memory_space<vmem_shared>>, %arg19: memref<!tpu.dma_semaphore, #tpu.memory_space<semaphore_mem>>, %arg20: memref<!tpu.dma_semaphore, #tpu.memory_space<semaphore_mem>>, %arg21: memref<!tpu.dma_semaphore, #tpu.memory_space<semaphore_mem>>, %arg22: memref<!tpu.dma_semaphore, #tpu.memory_space<semaphore_mem>>, %arg23: memref<!tpu.dma_semaphore, #tpu.memory_space<semaphore_mem>>, %arg24: memref<!tpu.dma_semaphore, #tpu.memory_space<semaphore_mem>>, %arg25: memref<!tpu.dma_semaphore, #tpu.memory_space<semaphore_mem>>, %arg26: memref<!tpu.dma_semaphore, #tpu.memory_space<semaphore_mem>>, %arg27: memref<!tpu.dma_semaphore, #tpu.memory_space<semaphore_mem>>, %arg28: memref<!tpu.dma_semaphore, #tpu.memory_space<semaphore_mem>>) attributes {dimension_semantics = [#tpu.dimension_semantics<core_parallel>, #tpu.dimension_semantics<subcore_parallel>], iteration_bounds = array<i64: 2, 16>, scalar_prefetch = 0 : i64, scratch_operands = 23 : i64, tpu.core_type = #tpu.core_type<sc_vector_subcore>, window_params = [{transform_indices = #map}, {transform_indices = #map}, {transform_indices = #map1}, {transform_indices = #map2}]} {
    %mul3A = arith.constant 16 : i32
    %mul3A_0 = arith.muli %arg0, %mul3A : i32
    %add3A = arith.addi %mul3A_0, %arg1 : i32
    %mul3A_1 = arith.constant 10000 : i32
    %mul3A_2 = arith.muli %add3A, %mul3A_1 : i32
    %add3A_3 = arith.constant 0 : i32
    %add3A_4 = arith.addi %mul3A_2, %add3A_3 : i32
    %dma_start3A = tpu.memref_slice %arg2[%add3A_4] : memref<320000xi32, #tpu.memory_space<hbm>> -> memref<80xi32, #tpu.memory_space<hbm>>
    %dma_start3A_5 = tpu.memref_slice %arg2[%add3A_4] : memref<320000xi32, #tpu.memory_space<hbm>> -> memref<80xi32, #tpu.memory_space<hbm>>
    tpu.enqueue_dma source(%dma_start3A_5 : memref<80xi32, #tpu.memory_space<hbm>>) target(%arg6 : memref<80xi32, #tpu.memory_space<vmem>>) target_semaphore(%arg19 : memref<!tpu.dma_semaphore, #tpu.memory_space<semaphore_mem>>)
    %add3A_6 = arith.constant 0 : i32
    %add3A_7 = arith.addi %mul3A_2, %add3A_6 : i32
    %dma_start3A_8 = tpu.memref_slice %arg3[%add3A_7] : memref<320000xi32, #tpu.memory_space<hbm>> -> memref<80xi32, #tpu.memory_space<hbm>>
    %dma_start3A_9 = tpu.memref_slice %arg3[%add3A_7] : memref<320000xi32, #tpu.memory_space<hbm>> -> memref<80xi32, #tpu.memory_space<hbm>>
    tpu.enqueue_dma source(%dma_start3A_9 : memref<80xi32, #tpu.memory_space<hbm>>) target(%arg9 : memref<80xi32, #tpu.memory_space<vmem>>) target_semaphore(%arg19 : memref<!tpu.dma_semaphore, #tpu.memory_space<semaphore_mem>>)
    %scan3A = arith.constant 0 : i32
    %scan3A_10 = arith.constant 80 : i32
    %scan3A_11 = arith.addi %scan3A, %scan3A_10 : i32
    %scan3A_12 = arith.constant 1 : i32
    scf.for %scan3A_69 = %scan3A to %scan3A_11 step %scan3A_12  : i32 {
      %broadcast_in_dim3A = arith.constant 0.000000e+00 : f32
      %broadcast_in_dim3A_70 = vector.broadcast %broadcast_in_dim3A : f32 to vector<16xf32>
      %swap3A = arith.index_cast %scan3A_69 : i32 to index
      %swap3A_71 = arith.constant 0 : index
      %swap3A_72 = tpu.vector_load %arg16[%swap3A, %swap3A_71] {strides = array<i32>} : memref<80x128xf32, #tpu.memory_space<vmem>>, vector<1x16xf32>,
      %swap3A_73 = vector.shape_cast %swap3A_72 : vector<1x16xf32> to vector<16xf32>
      %swap3A_74 = vector.shape_cast %broadcast_in_dim3A_70 : vector<16xf32> to vector<1x16xf32>
      tpu.vector_store %arg16[%swap3A, %swap3A_71], %swap3A_74 {strides = array<i32>} : memref<80x128xf32, #tpu.memory_space<vmem>>, vector<1x16xf32>,
      %broadcast_in_dim3A_75 = arith.constant 0.000000e+00 : f32
      %broadcast_in_dim3A_76 = vector.broadcast %broadcast_in_dim3A_75 : f32 to vector<16xf32>
      %swap3A_77 = arith.index_cast %scan3A_69 : i32 to index
      %swap3A_78 = arith.constant 16 : index
      %swap3A_79 = tpu.vector_load %arg16[%swap3A_77, %swap3A_78] {strides = array<i32>} : memref<80x128xf32, #tpu.memory_space<vmem>>, vector<1x16xf32>,
      %swap3A_80 = vector.shape_cast %swap3A_79 : vector<1x16xf32> to vector<16xf32>
      %swap3A_81 = vector.shape_cast %broadcast_in_dim3A_76 : vector<16xf32> to vector<1x16xf32>
      tpu.vector_store %arg16[%swap3A_77, %swap3A_78], %swap3A_81 {strides = array<i32>} : memref<80x128xf32, #tpu.memory_space<vmem>>, vector<1x16xf32>,
      %broadcast_in_dim3A_82 = arith.constant 0.000000e+00 : f32
      %broadcast_in_dim3A_83 = vector.broadcast %broadcast_in_dim3A_82 : f32 to vector<16xf32>
      %swap3A_84 = arith.index_cast %scan3A_69 : i32 to index
      %swap3A_85 = arith.constant 32 : index
      %swap3A_86 = tpu.vector_load %arg16[%swap3A_84, %swap3A_85] {strides = array<i32>} : memref<80x128xf32, #tpu.memory_space<vmem>>, vector<1x16xf32>,
      %swap3A_87 = vector.shape_cast %swap3A_86 : vector<1x16xf32> to vector<16xf32>
      %swap3A_88 = vector.shape_cast %broadcast_in_dim3A_83 : vector<16xf32> to vector<1x16xf32>
      tpu.vector_store %arg16[%swap3A_84, %swap3A_85], %swap3A_88 {strides = array<i32>} : memref<80x128xf32, #tpu.memory_space<vmem>>, vector<1x16xf32>,
      %broadcast_in_dim3A_89 = arith.constant 0.000000e+00 : f32
      %broadcast_in_dim3A_90 = vector.broadcast %broadcast_in_dim3A_89 : f32 to vector<16xf32>
      %swap3A_91 = arith.index_cast %scan3A_69 : i32 to index
      %swap3A_92 = arith.constant 48 : index
      %swap3A_93 = tpu.vector_load %arg16[%swap3A_91, %swap3A_92] {strides = array<i32>} : memref<80x128xf32, #tpu.memory_space<vmem>>, vector<1x16xf32>,
      %swap3A_94 = vector.shape_cast %swap3A_93 : vector<1x16xf32> to vector<16xf32>
      %swap3A_95 = vector.shape_cast %broadcast_in_dim3A_90 : vector<16xf32> to vector<1x16xf32>
      tpu.vector_store %arg16[%swap3A_91, %swap3A_92], %swap3A_95 {strides = array<i32>} : memref<80x128xf32, #tpu.memory_space<vmem>>, vector<1x16xf32>,
      %broadcast_in_dim3A_96 = arith.constant 0.000000e+00 : f32
      %broadcast_in_dim3A_97 = vector.broadcast %broadcast_in_dim3A_96 : f32 to vector<16xf32>
      %swap3A_98 = arith.index_cast %scan3A_69 : i32 to index
      %swap3A_99 = arith.constant 64 : index
      %swap3A_100 = tpu.vector_load %arg16[%swap3A_98, %swap3A_99] {strides = array<i32>} : memref<80x128xf32, #tpu.memory_space<vmem>>, vector<1x16xf32>,
      %swap3A_101 = vector.shape_cast %swap3A_100 : vector<1x16xf32> to vector<16xf32>
      %swap3A_102 = vector.shape_cast %broadcast_in_dim3A_97 : vector<16xf32> to vector<1x16xf32>
      tpu.vector_store %arg16[%swap3A_98, %swap3A_99], %swap3A_102 {strides = array<i32>} : memref<80x128xf32, #tpu.memory_space<vmem>>, vector<1x16xf32>,
      %broadcast_in_dim3A_103 = arith.constant 0.000000e+00 : f32
      %broadcast_in_dim3A_104 = vector.broadcast %broadcast_in_dim3A_103 : f32 to vector<16xf32>
      %swap3A_105 = arith.index_cast %scan3A_69 : i32 to index
      %swap3A_106 = arith.constant 80 : index
      %swap3A_107 = tpu.vector_load %arg16[%swap3A_105, %swap3A_106] {strides = array<i32>} : memref<80x128xf32, #tpu.memory_space<vmem>>, vector<1x16xf32>,
      %swap3A_108 = vector.shape_cast %swap3A_107 : vector<1x16xf32> to vector<16xf32>
      %swap3A_109 = vector.shape_cast %broadcast_in_dim3A_104 : vector<16xf32> to vector<1x16xf32>
      tpu.vector_store %arg16[%swap3A_105, %swap3A_106], %swap3A_109 {strides = array<i32>} : memref<80x128xf32, #tpu.memory_space<vmem>>, vector<1x16xf32>,
      %broadcast_in_dim3A_110 = arith.constant 0.000000e+00 : f32
      %broadcast_in_dim3A_111 = vector.broadcast %broadcast_in_dim3A_110 : f32 to vector<16xf32>
      %swap3A_112 = arith.index_cast %scan3A_69 : i32 to index
      %swap3A_113 = arith.constant 96 : index
      %swap3A_114 = tpu.vector_load %arg16[%swap3A_112, %swap3A_113] {strides = array<i32>} : memref<80x128xf32, #tpu.memory_space<vmem>>, vector<1x16xf32>,
      %swap3A_115 = vector.shape_cast %swap3A_114 : vector<1x16xf32> to vector<16xf32>
      %swap3A_116 = vector.shape_cast %broadcast_in_dim3A_111 : vector<16xf32> to vector<1x16xf32>
      tpu.vector_store %arg16[%swap3A_112, %swap3A_113], %swap3A_116 {strides = array<i32>} : memref<80x128xf32, #tpu.memory_space<vmem>>, vector<1x16xf32>,
      %broadcast_in_dim3A_117 = arith.constant 0.000000e+00 : f32
      %broadcast_in_dim3A_118 = vector.broadcast %broadcast_in_dim3A_117 : f32 to vector<16xf32>
      %swap3A_119 = arith.index_cast %scan3A_69 : i32 to index
      %swap3A_120 = arith.constant 112 : index
      %swap3A_121 = tpu.vector_load %arg16[%swap3A_119, %swap3A_120] {strides = array<i32>} : memref<80x128xf32, #tpu.memory_space<vmem>>, vector<1x16xf32>,
      %swap3A_122 = vector.shape_cast %swap3A_121 : vector<1x16xf32> to vector<16xf32>
      %swap3A_123 = vector.shape_cast %broadcast_in_dim3A_118 : vector<16xf32> to vector<1x16xf32>
      tpu.vector_store %arg16[%swap3A_119, %swap3A_120], %swap3A_123 {strides = array<i32>} : memref<80x128xf32, #tpu.memory_space<vmem>>, vector<1x16xf32>,
    }
    %scan3A_13 = arith.constant 80 : i32
    %scan3A_14 = arith.constant 0 : i32
    %scan3A_15 = arith.constant 8 : i32
    %scan3A_16 = arith.addi %scan3A_14, %scan3A_15 : i32
    %scan3A_17 = arith.constant 1 : i32
    scf.for %scan3A_69 = %scan3A_14 to %scan3A_16 step %scan3A_17  : i32 {
      %mul3A_70 = arith.constant 640 : i32
      %mul3A_71 = arith.muli %arg1, %mul3A_70 : i32
      %mul3A_72 = arith.constant 80 : i32
      %mul3A_73 = arith.muli %scan3A_69, %mul3A_72 : i32
      %add3A_74 = arith.addi %mul3A_71, %mul3A_73 : i32
      %dma_start3A_75 = arith.constant 0 : i32
      %dma_start3A_76 = tpu.memref_slice %arg18[%add3A_74, %dma_start3A_75] : memref<10240x128xf32, #tpu.memory_space<vmem_shared>> -> memref<80x128xf32, #tpu.memory_space<vmem_shared>>
      %dma_start3A_77 = arith.constant 0 : i32
      %dma_start3A_78 = tpu.memref_slice %arg18[%add3A_74, %dma_start3A_77] : memref<10240x128xf32, #tpu.memory_space<vmem_shared>> -> memref<80x128xf32, #tpu.memory_space<vmem_shared>>
      tpu.enqueue_dma source(%arg16 : memref<80x128xf32, #tpu.memory_space<vmem>>) target(%dma_start3A_78 : memref<80x128xf32, #tpu.memory_space<vmem_shared>>) target_semaphore(%arg28 : memref<!tpu.dma_semaphore, #tpu.memory_space<semaphore_mem>>)
    }
    %scan3A_18 = arith.constant 8 : i32
    %scan3A_19 = arith.constant 0 : i32
    %scan3A_20 = arith.constant 8 : i32
    %scan3A_21 = arith.addi %scan3A_19, %scan3A_20 : i32
    %scan3A_22 = arith.constant 1 : i32
    scf.for %scan3A_69 = %scan3A_19 to %scan3A_21 step %scan3A_22  : i32 {
      %mul3A_70 = arith.constant 640 : i32
      %mul3A_71 = arith.muli %arg1, %mul3A_70 : i32
      %mul3A_72 = arith.constant 80 : i32
      %mul3A_73 = arith.muli %scan3A_69, %mul3A_72 : i32
      %add3A_74 = arith.addi %mul3A_71, %mul3A_73 : i32
      %dma_wait3A_75 = arith.constant 0 : i32
      %dma_wait3A_76 = tpu.memref_slice %arg18[%add3A_74, %dma_wait3A_75] : memref<10240x128xf32, #tpu.memory_space<vmem_shared>> -> memref<80x128xf32, #tpu.memory_space<vmem_shared>>
      %dma_wait3A_77 = arith.constant 0 : i32
      %dma_wait3A_78 = tpu.memref_slice %arg18[%add3A_74, %dma_wait3A_77] : memref<10240x128xf32, #tpu.memory_space<vmem_shared>> -> memref<80x128xf32, #tpu.memory_space<vmem_shared>>
      tpu.wait_dma2 semaphore(%arg28 : memref<!tpu.dma_semaphore, #tpu.memory_space<semaphore_mem>>) src(%arg16 : memref<80x128xf32, #tpu.memory_space<vmem>>) dst(%dma_wait3A_78 : memref<80x128xf32, #tpu.memory_space<vmem_shared>>)
    }
    %scan3A_23 = arith.constant 8 : i32
    %add3A_24 = arith.constant 0 : i32
    %add3A_25 = arith.addi %mul3A_2, %add3A_24 : i32
    %dma_wait3A = tpu.memref_slice %arg2[%add3A_25] : memref<320000xi32, #tpu.memory_space<hbm>> -> memref<80xi32, #tpu.memory_space<hbm>>
    %dma_wait3A_26 = tpu.memref_slice %arg2[%add3A_25] : memref<320000xi32, #tpu.memory_space<hbm>> -> memref<80xi32, #tpu.memory_space<hbm>>
    tpu.wait_dma2 semaphore(%arg19 : memref<!tpu.dma_semaphore, #tpu.memory_space<semaphore_mem>>) src(%dma_wait3A_26 : memref<80xi32, #tpu.memory_space<hbm>>) dst(%arg6 : memref<80xi32, #tpu.memory_space<vmem>>)
    %add3A_27 = arith.constant 0 : i32
    %add3A_28 = arith.addi %mul3A_2, %add3A_27 : i32
    %dma_wait3A_29 = tpu.memref_slice %arg3[%add3A_28] : memref<320000xi32, #tpu.memory_space<hbm>> -> memref<80xi32, #tpu.memory_space<hbm>>
    %dma_wait3A_30 = tpu.memref_slice %arg3[%add3A_28] : memref<320000xi32, #tpu.memory_space<hbm>> -> memref<80xi32, #tpu.memory_space<hbm>>
    tpu.wait_dma2 semaphore(%arg19 : memref<!tpu.dma_semaphore, #tpu.memory_space<semaphore_mem>>) src(%dma_wait3A_30 : memref<80xi32, #tpu.memory_space<hbm>>) dst(%arg9 : memref<80xi32, #tpu.memory_space<vmem>>)
    %dma_start3A_31 = arith.constant 0 : i32
    %dma_start3A_32 = arith.constant 0 : i32
    %dma_start3A_33 = tpu.memref_slice %arg4[%dma_start3A_31, %dma_start3A_32] : memref<10240x128xf32, #tpu.memory_space<hbm>> -> memref<10240x128xf32, #tpu.memory_space<hbm>>
    tpu.enqueue_indirect_dma source(%dma_start3A_33 : memref<10240x128xf32, #tpu.memory_space<hbm>>) target(%arg15 : memref<80x128xf32, #tpu.memory_space<vmem>>) offsets(%arg6 : memref<80xi32, #tpu.memory_space<vmem>>) semaphore(%arg22 : memref<!tpu.dma_semaphore, #tpu.memory_space<semaphore_mem>>)
    %add3A_34 = arith.constant 80 : i32
    %add3A_35 = arith.addi %mul3A_2, %add3A_34 : i32
    %dma_start3A_36 = tpu.memref_slice %arg2[%add3A_35] : memref<320000xi32, #tpu.memory_space<hbm>> -> memref<80xi32, #tpu.memory_space<hbm>>
    %dma_start3A_37 = tpu.memref_slice %arg2[%add3A_35] : memref<320000xi32, #tpu.memory_space<hbm>> -> memref<80xi32, #tpu.memory_space<hbm>>
    tpu.enqueue_dma source(%dma_start3A_37 : memref<80xi32, #tpu.memory_space<hbm>>) target(%arg7 : memref<80xi32, #tpu.memory_space<vmem>>) target_semaphore(%arg20 : memref<!tpu.dma_semaphore, #tpu.memory_space<semaphore_mem>>)
    %add3A_38 = arith.constant 80 : i32
    %add3A_39 = arith.addi %mul3A_2, %add3A_38 : i32
    %dma_start3A_40 = tpu.memref_slice %arg3[%add3A_39] : memref<320000xi32, #tpu.memory_space<hbm>> -> memref<80xi32, #tpu.memory_space<hbm>>
    %dma_start3A_41 = tpu.memref_slice %arg3[%add3A_39] : memref<320000xi32, #tpu.memory_space<hbm>> -> memref<80xi32, #tpu.memory_space<hbm>>
    tpu.enqueue_dma source(%dma_start3A_41 : memref<80xi32, #tpu.memory_space<hbm>>) target(%arg10 : memref<80xi32, #tpu.memory_space<vmem>>) target_semaphore(%arg20 : memref<!tpu.dma_semaphore, #tpu.memory_space<semaphore_mem>>)
    %barrier3A = arith.constant 0 : index
    tpu.barrier barrier_id(%barrier3A)
    %scan3A_42 = arith.constant 0 : i32
    %scan3A_43 = arith.constant 125 : i32
    %scan3A_44 = arith.addi %scan3A_42, %scan3A_43 : i32
    %scan3A_45 = arith.constant 1 : i32
    scf.for %scan3A_69 = %scan3A_42 to %scan3A_44 step %scan3A_45  : i32 {
      %rem3A = arith.constant 3 : i32
      %rem3A_70 = arith.remsi %scan3A_69, %rem3A : i32
      %eq3A = arith.constant 0 : i32
      %eq3A_71 = arith.cmpi eq, %rem3A_70, %eq3A : i32
      %convert_element_type3A = arith.extui %eq3A_71 : i1 to i32
      %cond3A = arith.constant 0 : i32
      %cond3A_72 = arith.cmpi ne, %convert_element_type3A, %cond3A : i32
      scf.if %cond3A_72 {
        %add3A_83 = arith.constant 1 : i32
        %add3A_84 = arith.addi %scan3A_69, %add3A_83 : i32
        %min3A = arith.constant 124 : i32
        %min3A_85 = arith.minsi %add3A_84, %min3A : i32
        %add3A_86 = arith.constant 2 : i32
        %add3A_87 = arith.addi %scan3A_69, %add3A_86 : i32
        %min3A_88 = arith.constant 124 : i32
        %min3A_89 = arith.minsi %add3A_87, %min3A_88 : i32
        %mul3A_90 = arith.constant 80 : i32
        %mul3A_91 = arith.muli %min3A_85, %mul3A_90 : i32
        %add3A_92 = arith.addi %mul3A_2, %mul3A_91 : i32
        %dma_wait3A_93 = tpu.memref_slice %arg2[%add3A_92] : memref<320000xi32, #tpu.memory_space<hbm>> -> memref<80xi32, #tpu.memory_space<hbm>>
        %dma_wait3A_94 = tpu.memref_slice %arg2[%add3A_92] : memref<320000xi32, #tpu.memory_space<hbm>> -> memref<80xi32, #tpu.memory_space<hbm>>
        tpu.wait_dma2 semaphore(%arg20 : memref<!tpu.dma_semaphore, #tpu.memory_space<semaphore_mem>>) src(%dma_wait3A_94 : memref<80xi32, #tpu.memory_space<hbm>>) dst(%arg7 : memref<80xi32, #tpu.memory_space<vmem>>)
        %mul3A_95 = arith.constant 80 : i32
        %mul3A_96 = arith.muli %min3A_85, %mul3A_95 : i32
        %add3A_97 = arith.addi %mul3A_2, %mul3A_96 : i32
        %dma_wait3A_98 = tpu.memref_slice %arg3[%add3A_97] : memref<320000xi32, #tpu.memory_space<hbm>> -> memref<80xi32, #tpu.memory_space<hbm>>
        %dma_wait3A_99 = tpu.memref_slice %arg3[%add3A_97] : memref<320000xi32, #tpu.memory_space<hbm>> -> memref<80xi32, #tpu.memory_space<hbm>>
        tpu.wait_dma2 semaphore(%arg20 : memref<!tpu.dma_semaphore, #tpu.memory_space<semaphore_mem>>) src(%dma_wait3A_99 : memref<80xi32, #tpu.memory_space<hbm>>) dst(%arg10 : memref<80xi32, #tpu.memory_space<vmem>>)
        %ge3A = arith.constant 2 : i32
        %ge3A_100 = arith.cmpi sge, %scan3A_69, %ge3A : i32
        %convert_element_type3A_101 = arith.extui %ge3A_100 : i1 to i32
        %cond3A_102 = arith.constant 0 : i32
        %cond3A_103 = arith.cmpi ne, %convert_element_type3A_101, %cond3A_102 : i32
        scf.if %cond3A_103 {
          %dma_wait3A_156 = arith.constant 0 : i32
          %dma_wait3A_157 = arith.constant 0 : i32
          %dma_wait3A_158 = tpu.memref_slice %arg18[%dma_wait3A_156, %dma_wait3A_157] : memref<10240x128xf32, #tpu.memory_space<vmem_shared>> -> memref<10240x128xf32, #tpu.memory_space<vmem_shared>>
          tpu.wait_indirect_dma semaphore(%arg26 : memref<!tpu.dma_semaphore, #tpu.memory_space<semaphore_mem>>) src(%arg16 : memref<80x128xf32, #tpu.memory_space<vmem>>) dst(%dma_wait3A_158 : memref<10240x128xf32, #tpu.memory_space<vmem_shared>>)
        } else {
        }
        %dma_start3A_104 = arith.constant 0 : i32
        %dma_start3A_105 = arith.constant 0 : i32
        %dma_start3A_106 = tpu.memref_slice %arg4[%dma_start3A_104, %dma_start3A_105] : memref<10240x128xf32, #tpu.memory_space<hbm>> -> memref<10240x128xf32, #tpu.memory_space<hbm>>
        tpu.enqueue_indirect_dma source(%dma_start3A_106 : memref<10240x128xf32, #tpu.memory_space<hbm>>) target(%arg16 : memref<80x128xf32, #tpu.memory_space<vmem>>) offsets(%arg7 : memref<80xi32, #tpu.memory_space<vmem>>) semaphore(%arg23 : memref<!tpu.dma_semaphore, #tpu.memory_space<semaphore_mem>>)
        %dma_wait3A_107 = arith.constant 0 : i32
        %dma_wait3A_108 = arith.constant 0 : i32
        %dma_wait3A_109 = tpu.memref_slice %arg4[%dma_wait3A_107, %dma_wait3A_108] : memref<10240x128xf32, #tpu.memory_space<hbm>> -> memref<10240x128xf32, #tpu.memory_space<hbm>>
        tpu.wait_indirect_dma semaphore(%arg22 : memref<!tpu.dma_semaphore, #tpu.memory_space<semaphore_mem>>) src(%dma_wait3A_109 : memref<10240x128xf32, #tpu.memory_space<hbm>>) dst(%arg15 : memref<80x128xf32, #tpu.memory_space<vmem>>)
        %get3A = arith.constant 0 : index
        %get3A_110 = tpu.vector_load %arg9[%get3A] {strides = array<i32>} : memref<80xi32, #tpu.memory_space<vmem>>, vector<16xi32>,
        %get3A_111 = vector.shape_cast %get3A_110 : vector<16xi32> to vector<16xi32>
        %swap3A = arith.constant 0 : index
        %swap3A_112 = tpu.vector_load %arg12[%swap3A] {strides = array<i32>} : memref<80xi32, #tpu.memory_space<vmem>>, vector<16xi32>,
        %swap3A_113 = vector.shape_cast %swap3A_112 : vector<16xi32> to vector<16xi32>
        %swap3A_114 = vector.shape_cast %get3A_111 : vector<16xi32> to vector<16xi32>
        tpu.vector_store %arg12[%swap3A], %swap3A_114 {strides = array<i32>} : memref<80xi32, #tpu.memory_space<vmem>>, vector<16xi32>,
        %get3A_115 = arith.constant 16 : index
        %get3A_116 = tpu.vector_load %arg9[%get3A_115] {strides = array<i32>} : memref<80xi32, #tpu.memory_space<vmem>>, vector<16xi32>,
        %get3A_117 = vector.shape_cast %get3A_116 : vector<16xi32> to vector<16xi32>
        %swap3A_118 = arith.constant 16 : index
        %swap3A_119 = tpu.vector_load %arg12[%swap3A_118] {strides = array<i32>} : memref<80xi32, #tpu.memory_space<vmem>>, vector<16xi32>,
        %swap3A_120 = vector.shape_cast %swap3A_119 : vector<16xi32> to vector<16xi32>
        %swap3A_121 = vector.shape_cast %get3A_117 : vector<16xi32> to vector<16xi32>
        tpu.vector_store %arg12[%swap3A_118], %swap3A_121 {strides = array<i32>} : memref<80xi32, #tpu.memory_space<vmem>>, vector<16xi32>,
        %get3A_122 = arith.constant 32 : index
        %get3A_123 = tpu.vector_load %arg9[%get3A_122] {strides = array<i32>} : memref<80xi32, #tpu.memory_space<vmem>>, vector<16xi32>,
        %get3A_124 = vector.shape_cast %get3A_123 : vector<16xi32> to vector<16xi32>
        %swap3A_125 = arith.constant 32 : index
        %swap3A_126 = tpu.vector_load %arg12[%swap3A_125] {strides = array<i32>} : memref<80xi32, #tpu.memory_space<vmem>>, vector<16xi32>,
        %swap3A_127 = vector.shape_cast %swap3A_126 : vector<16xi32> to vector<16xi32>
        %swap3A_128 = vector.shape_cast %get3A_124 : vector<16xi32> to vector<16xi32>
        tpu.vector_store %arg12[%swap3A_125], %swap3A_128 {strides = array<i32>} : memref<80xi32, #tpu.memory_space<vmem>>, vector<16xi32>,
        %get3A_129 = arith.constant 48 : index
        %get3A_130 = tpu.vector_load %arg9[%get3A_129] {strides = array<i32>} : memref<80xi32, #tpu.memory_space<vmem>>, vector<16xi32>,
        %get3A_131 = vector.shape_cast %get3A_130 : vector<16xi32> to vector<16xi32>
        %swap3A_132 = arith.constant 48 : index
        %swap3A_133 = tpu.vector_load %arg12[%swap3A_132] {strides = array<i32>} : memref<80xi32, #tpu.memory_space<vmem>>, vector<16xi32>,
        %swap3A_134 = vector.shape_cast %swap3A_133 : vector<16xi32> to vector<16xi32>
        %swap3A_135 = vector.shape_cast %get3A_131 : vector<16xi32> to vector<16xi32>
        tpu.vector_store %arg12[%swap3A_132], %swap3A_135 {strides = array<i32>} : memref<80xi32, #tpu.memory_space<vmem>>, vector<16xi32>,
        %get3A_136 = arith.constant 64 : index
        %get3A_137 = tpu.vector_load %arg9[%get3A_136] {strides = array<i32>} : memref<80xi32, #tpu.memory_space<vmem>>, vector<16xi32>,
        %get3A_138 = vector.shape_cast %get3A_137 : vector<16xi32> to vector<16xi32>
        %swap3A_139 = arith.constant 64 : index
        %swap3A_140 = tpu.vector_load %arg12[%swap3A_139] {strides = array<i32>} : memref<80xi32, #tpu.memory_space<vmem>>, vector<16xi32>,
        %swap3A_141 = vector.shape_cast %swap3A_140 : vector<16xi32> to vector<16xi32>
        %swap3A_142 = vector.shape_cast %get3A_138 : vector<16xi32> to vector<16xi32>
        tpu.vector_store %arg12[%swap3A_139], %swap3A_142 {strides = array<i32>} : memref<80xi32, #tpu.memory_space<vmem>>, vector<16xi32>,
        %dma_start3A_143 = arith.constant 0 : i32
        %dma_start3A_144 = arith.constant 0 : i32
        %dma_start3A_145 = tpu.memref_slice %arg18[%dma_start3A_143, %dma_start3A_144] : memref<10240x128xf32, #tpu.memory_space<vmem_shared>> -> memref<10240x128xf32, #tpu.memory_space<vmem_shared>>
        tpu.enqueue_indirect_dma source(%arg15 : memref<80x128xf32, #tpu.memory_space<vmem>>) target(%dma_start3A_145 : memref<10240x128xf32, #tpu.memory_space<vmem_shared>>) offsets(%arg12 : memref<80xi32, #tpu.memory_space<vmem>>) semaphore(%arg25 : memref<!tpu.dma_semaphore, #tpu.memory_space<semaphore_mem>>) {add = true}
        %mul3A_146 = arith.constant 80 : i32
        %mul3A_147 = arith.muli %min3A_89, %mul3A_146 : i32
        %add3A_148 = arith.addi %mul3A_2, %mul3A_147 : i32
        %dma_start3A_149 = tpu.memref_slice %arg2[%add3A_148] : memref<320000xi32, #tpu.memory_space<hbm>> -> memref<80xi32, #tpu.memory_space<hbm>>
        %dma_start3A_150 = tpu.memref_slice %arg2[%add3A_148] : memref<320000xi32, #tpu.memory_space<hbm>> -> memref<80xi32, #tpu.memory_space<hbm>>
        tpu.enqueue_dma source(%dma_start3A_150 : memref<80xi32, #tpu.memory_space<hbm>>) target(%arg8 : memref<80xi32, #tpu.memory_space<vmem>>) target_semaphore(%arg21 : memref<!tpu.dma_semaphore, #tpu.memory_space<semaphore_mem>>)
        %mul3A_151 = arith.constant 80 : i32
        %mul3A_152 = arith.muli %min3A_89, %mul3A_151 : i32
        %add3A_153 = arith.addi %mul3A_2, %mul3A_152 : i32
        %dma_start3A_154 = tpu.memref_slice %arg3[%add3A_153] : memref<320000xi32, #tpu.memory_space<hbm>> -> memref<80xi32, #tpu.memory_space<hbm>>
        %dma_start3A_155 = tpu.memref_slice %arg3[%add3A_153] : memref<320000xi32, #tpu.memory_space<hbm>> -> memref<80xi32, #tpu.memory_space<hbm>>
        tpu.enqueue_dma source(%dma_start3A_155 : memref<80xi32, #tpu.memory_space<hbm>>) target(%arg11 : memref<80xi32, #tpu.memory_space<vmem>>) target_semaphore(%arg21 : memref<!tpu.dma_semaphore, #tpu.memory_space<semaphore_mem>>)
      } else {
      }
      %eq3A_73 = arith.constant 1 : i32
      %eq3A_74 = arith.cmpi eq, %rem3A_70, %eq3A_73 : i32
      %convert_element_type3A_75 = arith.extui %eq3A_74 : i1 to i32
      %cond3A_76 = arith.constant 0 : i32
      %cond3A_77 = arith.cmpi ne, %convert_element_type3A_75, %cond3A_76 : i32
      scf.if %cond3A_77 {
        %add3A_83 = arith.constant 1 : i32
        %add3A_84 = arith.addi %scan3A_69, %add3A_83 : i32
        %min3A = arith.constant 124 : i32
        %min3A_85 = arith.minsi %add3A_84, %min3A : i32
        %add3A_86 = arith.constant 2 : i32
        %add3A_87 = arith.addi %scan3A_69, %add3A_86 : i32
        %min3A_88 = arith.constant 124 : i32
        %min3A_89 = arith.minsi %add3A_87, %min3A_88 : i32
        %mul3A_90 = arith.constant 80 : i32
        %mul3A_91 = arith.muli %min3A_85, %mul3A_90 : i32
        %add3A_92 = arith.addi %mul3A_2, %mul3A_91 : i32
        %dma_wait3A_93 = tpu.memref_slice %arg2[%add3A_92] : memref<320000xi32, #tpu.memory_space<hbm>> -> memref<80xi32, #tpu.memory_space<hbm>>
        %dma_wait3A_94 = tpu.memref_slice %arg2[%add3A_92] : memref<320000xi32, #tpu.memory_space<hbm>> -> memref<80xi32, #tpu.memory_space<hbm>>
        tpu.wait_dma2 semaphore(%arg21 : memref<!tpu.dma_semaphore, #tpu.memory_space<semaphore_mem>>) src(%dma_wait3A_94 : memref<80xi32, #tpu.memory_space<hbm>>) dst(%arg8 : memref<80xi32, #tpu.memory_space<vmem>>)
        %mul3A_95 = arith.constant 80 : i32
        %mul3A_96 = arith.muli %min3A_85, %mul3A_95 : i32
        %add3A_97 = arith.addi %mul3A_2, %mul3A_96 : i32
        %dma_wait3A_98 = tpu.memref_slice %arg3[%add3A_97] : memref<320000xi32, #tpu.memory_space<hbm>> -> memref<80xi32, #tpu.memory_space<hbm>>
        %dma_wait3A_99 = tpu.memref_slice %arg3[%add3A_97] : memref<320000xi32, #tpu.memory_space<hbm>> -> memref<80xi32, #tpu.memory_space<hbm>>
        tpu.wait_dma2 semaphore(%arg21 : memref<!tpu.dma_semaphore, #tpu.memory_space<semaphore_mem>>) src(%dma_wait3A_99 : memref<80xi32, #tpu.memory_space<hbm>>) dst(%arg11 : memref<80xi32, #tpu.memory_space<vmem>>)
        %ge3A = arith.constant 2 : i32
        %ge3A_100 = arith.cmpi sge, %scan3A_69, %ge3A : i32
        %convert_element_type3A_101 = arith.extui %ge3A_100 : i1 to i32
        %cond3A_102 = arith.constant 0 : i32
        %cond3A_103 = arith.cmpi ne, %convert_element_type3A_101, %cond3A_102 : i32
        scf.if %cond3A_103 {
          %dma_wait3A_156 = arith.constant 0 : i32
          %dma_wait3A_157 = arith.constant 0 : i32
          %dma_wait3A_158 = tpu.memref_slice %arg18[%dma_wait3A_156, %dma_wait3A_157] : memref<10240x128xf32, #tpu.memory_space<vmem_shared>> -> memref<10240x128xf32, #tpu.memory_space<vmem_shared>>
          tpu.wait_indirect_dma semaphore(%arg27 : memref<!tpu.dma_semaphore, #tpu.memory_space<semaphore_mem>>) src(%arg17 : memref<80x128xf32, #tpu.memory_space<vmem>>) dst(%dma_wait3A_158 : memref<10240x128xf32, #tpu.memory_space<vmem_shared>>)
        } else {
        }
        %dma_start3A_104 = arith.constant 0 : i32
        %dma_start3A_105 = arith.constant 0 : i32
        %dma_start3A_106 = tpu.memref_slice %arg4[%dma_start3A_104, %dma_start3A_105] : memref<10240x128xf32, #tpu.memory_space<hbm>> -> memref<10240x128xf32, #tpu.memory_space<hbm>>
        tpu.enqueue_indirect_dma source(%dma_start3A_106 : memref<10240x128xf32, #tpu.memory_space<hbm>>) target(%arg17 : memref<80x128xf32, #tpu.memory_space<vmem>>) offsets(%arg8 : memref<80xi32, #tpu.memory_space<vmem>>) semaphore(%arg24 : memref<!tpu.dma_semaphore, #tpu.memory_space<semaphore_mem>>)
        %dma_wait3A_107 = arith.constant 0 : i32
        %dma_wait3A_108 = arith.constant 0 : i32
        %dma_wait3A_109 = tpu.memref_slice %arg4[%dma_wait3A_107, %dma_wait3A_108] : memref<10240x128xf32, #tpu.memory_space<hbm>> -> memref<10240x128xf32, #tpu.memory_space<hbm>>
        tpu.wait_indirect_dma semaphore(%arg23 : memref<!tpu.dma_semaphore, #tpu.memory_space<semaphore_mem>>) src(%dma_wait3A_109 : memref<10240x128xf32, #tpu.memory_space<hbm>>) dst(%arg16 : memref<80x128xf32, #tpu.memory_space<vmem>>)
        %get3A = arith.constant 0 : index
        %get3A_110 = tpu.vector_load %arg10[%get3A] {strides = array<i32>} : memref<80xi32, #tpu.memory_space<vmem>>, vector<16xi32>,
        %get3A_111 = vector.shape_cast %get3A_110 : vector<16xi32> to vector<16xi32>
        %swap3A = arith.constant 0 : index
        %swap3A_112 = tpu.vector_load %arg13[%swap3A] {strides = array<i32>} : memref<80xi32, #tpu.memory_space<vmem>>, vector<16xi32>,
        %swap3A_113 = vector.shape_cast %swap3A_112 : vector<16xi32> to vector<16xi32>
        %swap3A_114 = vector.shape_cast %get3A_111 : vector<16xi32> to vector<16xi32>
        tpu.vector_store %arg13[%swap3A], %swap3A_114 {strides = array<i32>} : memref<80xi32, #tpu.memory_space<vmem>>, vector<16xi32>,
        %get3A_115 = arith.constant 16 : index
        %get3A_116 = tpu.vector_load %arg10[%get3A_115] {strides = array<i32>} : memref<80xi32, #tpu.memory_space<vmem>>, vector<16xi32>,
        %get3A_117 = vector.shape_cast %get3A_116 : vector<16xi32> to vector<16xi32>
        %swap3A_118 = arith.constant 16 : index
        %swap3A_119 = tpu.vector_load %arg13[%swap3A_118] {strides = array<i32>} : memref<80xi32, #tpu.memory_space<vmem>>, vector<16xi32>,
        %swap3A_120 = vector.shape_cast %swap3A_119 : vector<16xi32> to vector<16xi32>
        %swap3A_121 = vector.shape_cast %get3A_117 : vector<16xi32> to vector<16xi32>
        tpu.vector_store %arg13[%swap3A_118], %swap3A_121 {strides = array<i32>} : memref<80xi32, #tpu.memory_space<vmem>>, vector<16xi32>,
        %get3A_122 = arith.constant 32 : index
        %get3A_123 = tpu.vector_load %arg10[%get3A_122] {strides = array<i32>} : memref<80xi32, #tpu.memory_space<vmem>>, vector<16xi32>,
        %get3A_124 = vector.shape_cast %get3A_123 : vector<16xi32> to vector<16xi32>
        %swap3A_125 = arith.constant 32 : index
        %swap3A_126 = tpu.vector_load %arg13[%swap3A_125] {strides = array<i32>} : memref<80xi32, #tpu.memory_space<vmem>>, vector<16xi32>,
        %swap3A_127 = vector.shape_cast %swap3A_126 : vector<16xi32> to vector<16xi32>
        %swap3A_128 = vector.shape_cast %get3A_124 : vector<16xi32> to vector<16xi32>
        tpu.vector_store %arg13[%swap3A_125], %swap3A_128 {strides = array<i32>} : memref<80xi32, #tpu.memory_space<vmem>>, vector<16xi32>,
        %get3A_129 = arith.constant 48 : index
        %get3A_130 = tpu.vector_load %arg10[%get3A_129] {strides = array<i32>} : memref<80xi32, #tpu.memory_space<vmem>>, vector<16xi32>,
        %get3A_131 = vector.shape_cast %get3A_130 : vector<16xi32> to vector<16xi32>
        %swap3A_132 = arith.constant 48 : index
        %swap3A_133 = tpu.vector_load %arg13[%swap3A_132] {strides = array<i32>} : memref<80xi32, #tpu.memory_space<vmem>>, vector<16xi32>,
        %swap3A_134 = vector.shape_cast %swap3A_133 : vector<16xi32> to vector<16xi32>
        %swap3A_135 = vector.shape_cast %get3A_131 : vector<16xi32> to vector<16xi32>
        tpu.vector_store %arg13[%swap3A_132], %swap3A_135 {strides = array<i32>} : memref<80xi32, #tpu.memory_space<vmem>>, vector<16xi32>,
        %get3A_136 = arith.constant 64 : index
        %get3A_137 = tpu.vector_load %arg10[%get3A_136] {strides = array<i32>} : memref<80xi32, #tpu.memory_space<vmem>>, vector<16xi32>,
        %get3A_138 = vector.shape_cast %get3A_137 : vector<16xi32> to vector<16xi32>
        %swap3A_139 = arith.constant 64 : index
        %swap3A_140 = tpu.vector_load %arg13[%swap3A_139] {strides = array<i32>} : memref<80xi32, #tpu.memory_space<vmem>>, vector<16xi32>,
        %swap3A_141 = vector.shape_cast %swap3A_140 : vector<16xi32> to vector<16xi32>
        %swap3A_142 = vector.shape_cast %get3A_138 : vector<16xi32> to vector<16xi32>
        tpu.vector_store %arg13[%swap3A_139], %swap3A_142 {strides = array<i32>} : memref<80xi32, #tpu.memory_space<vmem>>, vector<16xi32>,
        %dma_start3A_143 = arith.constant 0 : i32
        %dma_start3A_144 = arith.constant 0 : i32
        %dma_start3A_145 = tpu.memref_slice %arg18[%dma_start3A_143, %dma_start3A_144] : memref<10240x128xf32, #tpu.memory_space<vmem_shared>> -> memref<10240x128xf32, #tpu.memory_space<vmem_shared>>
        tpu.enqueue_indirect_dma source(%arg16 : memref<80x128xf32, #tpu.memory_space<vmem>>) target(%dma_start3A_145 : memref<10240x128xf32, #tpu.memory_space<vmem_shared>>) offsets(%arg13 : memref<80xi32, #tpu.memory_space<vmem>>) semaphore(%arg26 : memref<!tpu.dma_semaphore, #tpu.memory_space<semaphore_mem>>) {add = true}
        %mul3A_146 = arith.constant 80 : i32
        %mul3A_147 = arith.muli %min3A_89, %mul3A_146 : i32
        %add3A_148 = arith.addi %mul3A_2, %mul3A_147 : i32
        %dma_start3A_149 = tpu.memref_slice %arg2[%add3A_148] : memref<320000xi32, #tpu.memory_space<hbm>> -> memref<80xi32, #tpu.memory_space<hbm>>
        %dma_start3A_150 = tpu.memref_slice %arg2[%add3A_148] : memref<320000xi32, #tpu.memory_space<hbm>> -> memref<80xi32, #tpu.memory_space<hbm>>
        tpu.enqueue_dma source(%dma_start3A_150 : memref<80xi32, #tpu.memory_space<hbm>>) target(%arg6 : memref<80xi32, #tpu.memory_space<vmem>>) target_semaphore(%arg19 : memref<!tpu.dma_semaphore, #tpu.memory_space<semaphore_mem>>)
        %mul3A_151 = arith.constant 80 : i32
        %mul3A_152 = arith.muli %min3A_89, %mul3A_151 : i32
        %add3A_153 = arith.addi %mul3A_2, %mul3A_152 : i32
        %dma_start3A_154 = tpu.memref_slice %arg3[%add3A_153] : memref<320000xi32, #tpu.memory_space<hbm>> -> memref<80xi32, #tpu.memory_space<hbm>>
        %dma_start3A_155 = tpu.memref_slice %arg3[%add3A_153] : memref<320000xi32, #tpu.memory_space<hbm>> -> memref<80xi32, #tpu.memory_space<hbm>>
        tpu.enqueue_dma source(%dma_start3A_155 : memref<80xi32, #tpu.memory_space<hbm>>) target(%arg9 : memref<80xi32, #tpu.memory_space<vmem>>) target_semaphore(%arg19 : memref<!tpu.dma_semaphore, #tpu.memory_space<semaphore_mem>>)
      } else {
      }
      %eq3A_78 = arith.constant 2 : i32
      %eq3A_79 = arith.cmpi eq, %rem3A_70, %eq3A_78 : i32
      %convert_element_type3A_80 = arith.extui %eq3A_79 : i1 to i32
      %cond3A_81 = arith.constant 0 : i32
      %cond3A_82 = arith.cmpi ne, %convert_element_type3A_80, %cond3A_81 : i32
      scf.if %cond3A_82 {
        %add3A_83 = arith.constant 1 : i32
        %add3A_84 = arith.addi %scan3A_69, %add3A_83 : i32
        %min3A = arith.constant 124 : i32
        %min3A_85 = arith.minsi %add3A_84, %min3A : i32
        %add3A_86 = arith.constant 2 : i32
        %add3A_87 = arith.addi %scan3A_69, %add3A_86 : i32
        %min3A_88 = arith.constant 124 : i32
        %min3A_89 = arith.minsi %add3A_87, %min3A_88 : i32
        %mul3A_90 = arith.constant 80 : i32
        %mul3A_91 = arith.muli %min3A_85, %mul3A_90 : i32
        %add3A_92 = arith.addi %mul3A_2, %mul3A_91 : i32
        %dma_wait3A_93 = tpu.memref_slice %arg2[%add3A_92] : memref<320000xi32, #tpu.memory_space<hbm>> -> memref<80xi32, #tpu.memory_space<hbm>>
        %dma_wait3A_94 = tpu.memref_slice %arg2[%add3A_92] : memref<320000xi32, #tpu.memory_space<hbm>> -> memref<80xi32, #tpu.memory_space<hbm>>
        tpu.wait_dma2 semaphore(%arg19 : memref<!tpu.dma_semaphore, #tpu.memory_space<semaphore_mem>>) src(%dma_wait3A_94 : memref<80xi32, #tpu.memory_space<hbm>>) dst(%arg6 : memref<80xi32, #tpu.memory_space<vmem>>)
        %mul3A_95 = arith.constant 80 : i32
        %mul3A_96 = arith.muli %min3A_85, %mul3A_95 : i32
        %add3A_97 = arith.addi %mul3A_2, %mul3A_96 : i32
        %dma_wait3A_98 = tpu.memref_slice %arg3[%add3A_97] : memref<320000xi32, #tpu.memory_space<hbm>> -> memref<80xi32, #tpu.memory_space<hbm>>
        %dma_wait3A_99 = tpu.memref_slice %arg3[%add3A_97] : memref<320000xi32, #tpu.memory_space<hbm>> -> memref<80xi32, #tpu.memory_space<hbm>>
        tpu.wait_dma2 semaphore(%arg19 : memref<!tpu.dma_semaphore, #tpu.memory_space<semaphore_mem>>) src(%dma_wait3A_99 : memref<80xi32, #tpu.memory_space<hbm>>) dst(%arg9 : memref<80xi32, #tpu.memory_space<vmem>>)
        %ge3A = arith.constant 2 : i32
        %ge3A_100 = arith.cmpi sge, %scan3A_69, %ge3A : i32
        %convert_element_type3A_101 = arith.extui %ge3A_100 : i1 to i32
        %cond3A_102 = arith.constant 0 : i32
        %cond3A_103 = arith.cmpi ne, %convert_element_type3A_101, %cond3A_102 : i32
        scf.if %cond3A_103 {
          %dma_wait3A_156 = arith.constant 0 : i32
          %dma_wait3A_157 = arith.constant 0 : i32
          %dma_wait3A_158 = tpu.memref_slice %arg18[%dma_wait3A_156, %dma_wait3A_157] : memref<10240x128xf32, #tpu.memory_space<vmem_shared>> -> memref<10240x128xf32, #tpu.memory_space<vmem_shared>>
          tpu.wait_indirect_dma semaphore(%arg25 : memref<!tpu.dma_semaphore, #tpu.memory_space<semaphore_mem>>) src(%arg15 : memref<80x128xf32, #tpu.memory_space<vmem>>) dst(%dma_wait3A_158 : memref<10240x128xf32, #tpu.memory_space<vmem_shared>>)
        } else {
        }
        %dma_start3A_104 = arith.constant 0 : i32
        %dma_start3A_105 = arith.constant 0 : i32
        %dma_start3A_106 = tpu.memref_slice %arg4[%dma_start3A_104, %dma_start3A_105] : memref<10240x128xf32, #tpu.memory_space<hbm>> -> memref<10240x128xf32, #tpu.memory_space<hbm>>
        tpu.enqueue_indirect_dma source(%dma_start3A_106 : memref<10240x128xf32, #tpu.memory_space<hbm>>) target(%arg15 : memref<80x128xf32, #tpu.memory_space<vmem>>) offsets(%arg6 : memref<80xi32, #tpu.memory_space<vmem>>) semaphore(%arg22 : memref<!tpu.dma_semaphore, #tpu.memory_space<semaphore_mem>>)
        %dma_wait3A_107 = arith.constant 0 : i32
        %dma_wait3A_108 = arith.constant 0 : i32
        %dma_wait3A_109 = tpu.memref_slice %arg4[%dma_wait3A_107, %dma_wait3A_108] : memref<10240x128xf32, #tpu.memory_space<hbm>> -> memref<10240x128xf32, #tpu.memory_space<hbm>>
        tpu.wait_indirect_dma semaphore(%arg24 : memref<!tpu.dma_semaphore, #tpu.memory_space<semaphore_mem>>) src(%dma_wait3A_109 : memref<10240x128xf32, #tpu.memory_space<hbm>>) dst(%arg17 : memref<80x128xf32, #tpu.memory_space<vmem>>)
        %get3A = arith.constant 0 : index
        %get3A_110 = tpu.vector_load %arg11[%get3A] {strides = array<i32>} : memref<80xi32, #tpu.memory_space<vmem>>, vector<16xi32>,
        %get3A_111 = vector.shape_cast %get3A_110 : vector<16xi32> to vector<16xi32>
        %swap3A = arith.constant 0 : index
        %swap3A_112 = tpu.vector_load %arg14[%swap3A] {strides = array<i32>} : memref<80xi32, #tpu.memory_space<vmem>>, vector<16xi32>,
        %swap3A_113 = vector.shape_cast %swap3A_112 : vector<16xi32> to vector<16xi32>
        %swap3A_114 = vector.shape_cast %get3A_111 : vector<16xi32> to vector<16xi32>
        tpu.vector_store %arg14[%swap3A], %swap3A_114 {strides = array<i32>} : memref<80xi32, #tpu.memory_space<vmem>>, vector<16xi32>,
        %get3A_115 = arith.constant 16 : index
        %get3A_116 = tpu.vector_load %arg11[%get3A_115] {strides = array<i32>} : memref<80xi32, #tpu.memory_space<vmem>>, vector<16xi32>,
        %get3A_117 = vector.shape_cast %get3A_116 : vector<16xi32> to vector<16xi32>
        %swap3A_118 = arith.constant 16 : index
        %swap3A_119 = tpu.vector_load %arg14[%swap3A_118] {strides = array<i32>} : memref<80xi32, #tpu.memory_space<vmem>>, vector<16xi32>,
        %swap3A_120 = vector.shape_cast %swap3A_119 : vector<16xi32> to vector<16xi32>
        %swap3A_121 = vector.shape_cast %get3A_117 : vector<16xi32> to vector<16xi32>
        tpu.vector_store %arg14[%swap3A_118], %swap3A_121 {strides = array<i32>} : memref<80xi32, #tpu.memory_space<vmem>>, vector<16xi32>,
        %get3A_122 = arith.constant 32 : index
        %get3A_123 = tpu.vector_load %arg11[%get3A_122] {strides = array<i32>} : memref<80xi32, #tpu.memory_space<vmem>>, vector<16xi32>,
        %get3A_124 = vector.shape_cast %get3A_123 : vector<16xi32> to vector<16xi32>
        %swap3A_125 = arith.constant 32 : index
        %swap3A_126 = tpu.vector_load %arg14[%swap3A_125] {strides = array<i32>} : memref<80xi32, #tpu.memory_space<vmem>>, vector<16xi32>,
        %swap3A_127 = vector.shape_cast %swap3A_126 : vector<16xi32> to vector<16xi32>
        %swap3A_128 = vector.shape_cast %get3A_124 : vector<16xi32> to vector<16xi32>
        tpu.vector_store %arg14[%swap3A_125], %swap3A_128 {strides = array<i32>} : memref<80xi32, #tpu.memory_space<vmem>>, vector<16xi32>,
        %get3A_129 = arith.constant 48 : index
        %get3A_130 = tpu.vector_load %arg11[%get3A_129] {strides = array<i32>} : memref<80xi32, #tpu.memory_space<vmem>>, vector<16xi32>,
        %get3A_131 = vector.shape_cast %get3A_130 : vector<16xi32> to vector<16xi32>
        %swap3A_132 = arith.constant 48 : index
        %swap3A_133 = tpu.vector_load %arg14[%swap3A_132] {strides = array<i32>} : memref<80xi32, #tpu.memory_space<vmem>>, vector<16xi32>,
        %swap3A_134 = vector.shape_cast %swap3A_133 : vector<16xi32> to vector<16xi32>
        %swap3A_135 = vector.shape_cast %get3A_131 : vector<16xi32> to vector<16xi32>
        tpu.vector_store %arg14[%swap3A_132], %swap3A_135 {strides = array<i32>} : memref<80xi32, #tpu.memory_space<vmem>>, vector<16xi32>,
        %get3A_136 = arith.constant 64 : index
        %get3A_137 = tpu.vector_load %arg11[%get3A_136] {strides = array<i32>} : memref<80xi32, #tpu.memory_space<vmem>>, vector<16xi32>,
        %get3A_138 = vector.shape_cast %get3A_137 : vector<16xi32> to vector<16xi32>
        %swap3A_139 = arith.constant 64 : index
        %swap3A_140 = tpu.vector_load %arg14[%swap3A_139] {strides = array<i32>} : memref<80xi32, #tpu.memory_space<vmem>>, vector<16xi32>,
        %swap3A_141 = vector.shape_cast %swap3A_140 : vector<16xi32> to vector<16xi32>
        %swap3A_142 = vector.shape_cast %get3A_138 : vector<16xi32> to vector<16xi32>
        tpu.vector_store %arg14[%swap3A_139], %swap3A_142 {strides = array<i32>} : memref<80xi32, #tpu.memory_space<vmem>>, vector<16xi32>,
        %dma_start3A_143 = arith.constant 0 : i32
        %dma_start3A_144 = arith.constant 0 : i32
        %dma_start3A_145 = tpu.memref_slice %arg18[%dma_start3A_143, %dma_start3A_144] : memref<10240x128xf32, #tpu.memory_space<vmem_shared>> -> memref<10240x128xf32, #tpu.memory_space<vmem_shared>>
        tpu.enqueue_indirect_dma source(%arg17 : memref<80x128xf32, #tpu.memory_space<vmem>>) target(%dma_start3A_145 : memref<10240x128xf32, #tpu.memory_space<vmem_shared>>) offsets(%arg14 : memref<80xi32, #tpu.memory_space<vmem>>) semaphore(%arg27 : memref<!tpu.dma_semaphore, #tpu.memory_space<semaphore_mem>>) {add = true}
        %mul3A_146 = arith.constant 80 : i32
        %mul3A_147 = arith.muli %min3A_89, %mul3A_146 : i32
        %add3A_148 = arith.addi %mul3A_2, %mul3A_147 : i32
        %dma_start3A_149 = tpu.memref_slice %arg2[%add3A_148] : memref<320000xi32, #tpu.memory_space<hbm>> -> memref<80xi32, #tpu.memory_space<hbm>>
        %dma_start3A_150 = tpu.memref_slice %arg2[%add3A_148] : memref<320000xi32, #tpu.memory_space<hbm>> -> memref<80xi32, #tpu.memory_space<hbm>>
        tpu.enqueue_dma source(%dma_start3A_150 : memref<80xi32, #tpu.memory_space<hbm>>) target(%arg7 : memref<80xi32, #tpu.memory_space<vmem>>) target_semaphore(%arg20 : memref<!tpu.dma_semaphore, #tpu.memory_space<semaphore_mem>>)
        %mul3A_151 = arith.constant 80 : i32
        %mul3A_152 = arith.muli %min3A_89, %mul3A_151 : i32
        %add3A_153 = arith.addi %mul3A_2, %mul3A_152 : i32
        %dma_start3A_154 = tpu.memref_slice %arg3[%add3A_153] : memref<320000xi32, #tpu.memory_space<hbm>> -> memref<80xi32, #tpu.memory_space<hbm>>
        %dma_start3A_155 = tpu.memref_slice %arg3[%add3A_153] : memref<320000xi32, #tpu.memory_space<hbm>> -> memref<80xi32, #tpu.memory_space<hbm>>
        tpu.enqueue_dma source(%dma_start3A_155 : memref<80xi32, #tpu.memory_space<hbm>>) target(%arg10 : memref<80xi32, #tpu.memory_space<vmem>>) target_semaphore(%arg20 : memref<!tpu.dma_semaphore, #tpu.memory_space<semaphore_mem>>)
      } else {
      }
    }
    %scan3A_46 = arith.constant 125 : i32
    %dma_wait3A_47 = arith.constant 0 : i32
    %dma_wait3A_48 = arith.constant 0 : i32
    %dma_wait3A_49 = tpu.memref_slice %arg4[%dma_wait3A_47, %dma_wait3A_48] : memref<10240x128xf32, #tpu.memory_space<hbm>> -> memref<10240x128xf32, #tpu.memory_space<hbm>>
    tpu.wait_indirect_dma semaphore(%arg24 : memref<!tpu.dma_semaphore, #tpu.memory_space<semaphore_mem>>) src(%dma_wait3A_49 : memref<10240x128xf32, #tpu.memory_space<hbm>>) dst(%arg17 : memref<80x128xf32, #tpu.memory_space<vmem>>)
    %add3A_50 = arith.constant 9920 : i32
    %add3A_51 = arith.addi %mul3A_2, %add3A_50 : i32
    %dma_wait3A_52 = tpu.memref_slice %arg2[%add3A_51] : memref<320000xi32, #tpu.memory_space<hbm>> -> memref<80xi32, #tpu.memory_space<hbm>>
    %dma_wait3A_53 = tpu.memref_slice %arg2[%add3A_51] : memref<320000xi32, #tpu.memory_space<hbm>> -> memref<80xi32, #tpu.memory_space<hbm>>
    tpu.wait_dma2 semaphore(%arg19 : memref<!tpu.dma_semaphore, #tpu.memory_space<semaphore_mem>>) src(%dma_wait3A_53 : memref<80xi32, #tpu.memory_space<hbm>>) dst(%arg6 : memref<80xi32, #tpu.memory_space<vmem>>)
    %add3A_54 = arith.constant 9920 : i32
    %add3A_55 = arith.addi %mul3A_2, %add3A_54 : i32
    %dma_wait3A_56 = tpu.memref_slice %arg3[%add3A_55] : memref<320000xi32, #tpu.memory_space<hbm>> -> memref<80xi32, #tpu.memory_space<hbm>>
    %dma_wait3A_57 = tpu.memref_slice %arg3[%add3A_55] : memref<320000xi32, #tpu.memory_space<hbm>> -> memref<80xi32, #tpu.memory_space<hbm>>
    tpu.wait_dma2 semaphore(%arg19 : memref<!tpu.dma_semaphore, #tpu.memory_space<semaphore_mem>>) src(%dma_wait3A_57 : memref<80xi32, #tpu.memory_space<hbm>>) dst(%arg9 : memref<80xi32, #tpu.memory_space<vmem>>)
    %dma_wait3A_58 = arith.constant 0 : i32
    %dma_wait3A_59 = arith.constant 0 : i32
    %dma_wait3A_60 = tpu.memref_slice %arg18[%dma_wait3A_58, %dma_wait3A_59] : memref<10240x128xf32, #tpu.memory_space<vmem_shared>> -> memref<10240x128xf32, #tpu.memory_space<vmem_shared>>
    tpu.wait_indirect_dma semaphore(%arg25 : memref<!tpu.dma_semaphore, #tpu.memory_space<semaphore_mem>>) src(%arg15 : memref<80x128xf32, #tpu.memory_space<vmem>>) dst(%dma_wait3A_60 : memref<10240x128xf32, #tpu.memory_space<vmem_shared>>)
    %dma_wait3A_61 = arith.constant 0 : i32
    %dma_wait3A_62 = arith.constant 0 : i32
    %dma_wait3A_63 = tpu.memref_slice %arg18[%dma_wait3A_61, %dma_wait3A_62] : memref<10240x128xf32, #tpu.memory_space<vmem_shared>> -> memref<10240x128xf32, #tpu.memory_space<vmem_shared>>
    tpu.wait_indirect_dma semaphore(%arg26 : memref<!tpu.dma_semaphore, #tpu.memory_space<semaphore_mem>>) src(%arg16 : memref<80x128xf32, #tpu.memory_space<vmem>>) dst(%dma_wait3A_63 : memref<10240x128xf32, #tpu.memory_space<vmem_shared>>)
    %barrier3A_64 = arith.constant 0 : index
    tpu.barrier barrier_id(%barrier3A_64)
    %mul3A_65 = arith.constant 640 : i32
    %mul3A_66 = arith.muli %arg1, %mul3A_65 : i32
    %mul3A_67 = arith.constant 640 : i32
    %mul3A_68 = arith.muli %arg1, %mul3A_67 : i32
    "tpu.region"() ({
      %run_scoped3A = tpu.sem_alloc : memref<!tpu.dma_semaphore, #tpu.memory_space<semaphore_mem>>
      %dma_start3A_69 = arith.constant 0 : i32
      %dma_start3A_70 = arith.constant 0 : i32
      %dma_start3A_71 = tpu.memref_slice %arg5[%arg0, %dma_start3A_69, %dma_start3A_70] : memref<2x10240x128xf32, #tpu.memory_space<hbm>> -> memref<1x10240x128xf32, #tpu.memory_space<hbm>>
      %dma_start3A_72 = tpu.memref_squeeze %dma_start3A_71 : memref<1x10240x128xf32, #tpu.memory_space<hbm>> -> memref<10240x128xf32, #tpu.memory_space<hbm>>
      %dma_start3A_73 = arith.constant 0 : i32
      %dma_start3A_74 = tpu.memref_slice %dma_start3A_72[%mul3A_68, %dma_start3A_73] : memref<10240x128xf32, #tpu.memory_space<hbm>> -> memref<640x128xf32, #tpu.memory_space<hbm>>
      %dma_start3A_75 = arith.constant 0 : i32
      %dma_start3A_76 = tpu.memref_slice %arg18[%mul3A_66, %dma_start3A_75] : memref<10240x128xf32, #tpu.memory_space<vmem_shared>> -> memref<640x128xf32, #tpu.memory_space<vmem_shared>>
      tpu.enqueue_dma source(%dma_start3A_76 : memref<640x128xf32, #tpu.memory_space<vmem_shared>>) target(%dma_start3A_74 : memref<640x128xf32, #tpu.memory_space<hbm>>) target_semaphore(%run_scoped3A : memref<!tpu.dma_semaphore, #tpu.memory_space<semaphore_mem>>)
      %dma_wait3A_77 = arith.constant 0 : i32
      %dma_wait3A_78 = arith.constant 0 : i32
      %dma_wait3A_79 = tpu.memref_slice %arg5[%arg0, %dma_wait3A_77, %dma_wait3A_78] : memref<2x10240x128xf32, #tpu.memory_space<hbm>> -> memref<1x10240x128xf32, #tpu.memory_space<hbm>>
      %dma_wait3A_80 = tpu.memref_squeeze %dma_wait3A_79 : memref<1x10240x128xf32, #tpu.memory_space<hbm>> -> memref<10240x128xf32, #tpu.memory_space<hbm>>
      %dma_wait3A_81 = arith.constant 0 : i32
      %dma_wait3A_82 = tpu.memref_slice %dma_wait3A_80[%mul3A_68, %dma_wait3A_81] : memref<10240x128xf32, #tpu.memory_space<hbm>> -> memref<640x128xf32, #tpu.memory_space<hbm>>
      %dma_wait3A_83 = arith.constant 0 : i32
      %dma_wait3A_84 = tpu.memref_slice %arg18[%mul3A_66, %dma_wait3A_83] : memref<10240x128xf32, #tpu.memory_space<vmem_shared>> -> memref<640x128xf32, #tpu.memory_space<vmem_shared>>
      tpu.wait_dma2 semaphore(%run_scoped3A : memref<!tpu.dma_semaphore, #tpu.memory_space<semaphore_mem>>) src(%dma_wait3A_84 : memref<640x128xf32, #tpu.memory_space<vmem_shared>>) dst(%dma_wait3A_82 : memref<640x128xf32, #tpu.memory_space<hbm>>)
      tpu.yield
    }) : () -> ()
    return
  }
}

module attributes {stable_mosaic.version = 14 : i64} {
  func.func @_encode2_kernel(%arg0: i32, %arg1: memref<2560x16xf32, #tpu.memory_space<vmem>>, %arg2: memref<16x128xf32, #tpu.memory_space<vmem>>, %arg3: memref<1x128xf32, #tpu.memory_space<vmem>>, %arg4: memref<2048x128xf32, #tpu.memory_space<vmem>>, %arg5: memref<128x128xf32, #tpu.memory_space<vmem>>, %arg6: memref<1x128xf32, #tpu.memory_space<vmem>>, %arg7: memref<2560x128xf32, #tpu.memory_space<vmem>>, %arg8: memref<2048x128xf32, #tpu.memory_space<vmem>>) attributes {dimension_semantics = [#tpu.dimension_semantics<arbitrary>], iteration_bounds = array<i64: 130>, scalar_prefetch = 0 : i64, scratch_operands = 0 : i64, tpu.core_type = #tpu.core_type<tc>, window_params = [{transform_indices = @transform_0, window_bounds = array<i64: 2560, 16>}, {pipeline_mode = #tpu.pipeline_mode<synchronous>, transform_indices = @transform_1, window_bounds = array<i64: 16, 128>}, {pipeline_mode = #tpu.pipeline_mode<synchronous>, transform_indices = @transform_2, window_bounds = array<i64: 1, 128>}, {transform_indices = @transform_3, window_bounds = array<i64: 2048, 128>}, {pipeline_mode = #tpu.pipeline_mode<synchronous>, transform_indices = @transform_4, window_bounds = array<i64: 128, 128>}, {pipeline_mode = #tpu.pipeline_mode<synchronous>, transform_indices = @transform_5, window_bounds = array<i64: 1, 128>}, {transform_indices = @transform_6, window_bounds = array<i64: 2560, 128>}, {transform_indices = @transform_7, window_bounds = array<i64: 2048, 128>}]} {
    %lt3A = arith.constant 125 : i32
    %lt3A_0 = arith.cmpi slt, %arg0, %lt3A : i32
    %convert_element_type3A = arith.extui %lt3A_0 : i1 to i32
    %cond3A = arith.constant 0 : i32
    %cond3A_1 = arith.cmpi ne, %convert_element_type3A, %cond3A : i32
    scf.if %cond3A_1 {
      %get3A = arith.constant 0 : index
      %get3A_6 = arith.constant 0 : index
      %get3A_7 = vector.load %arg1[%get3A, %get3A_6] : memref<2560x16xf32, #tpu.memory_space<vmem>>, vector<2560x16xf32>
      %get3A_8 = arith.constant 0 : index
      %get3A_9 = arith.constant 0 : index
      %get3A_10 = vector.load %arg2[%get3A_8, %get3A_9] : memref<16x128xf32, #tpu.memory_space<vmem>>, vector<16x128xf32>
      %dot_general3A = arith.constant dense<0.000000e+00> : vector<2560x128xf32>
      %dot_general3A_11 = tpu.matmul %get3A_7, %get3A_10, %dot_general3A {dimension_numbers = #tpu.dot_dimension_numbers<[1], [0], [0], [1], [0, 0, 1, 1], [], []>, transpose_lhs_hint = false} : vector<2560x16xf32>, vector<16x128xf32>, vector<2560x128xf32> -> vector<2560x128xf32>
      %get3A_12 = arith.constant 0 : index
      %get3A_13 = arith.constant 0 : index
      %get3A_14 = vector.load %arg3[%get3A_12, %get3A_13] : memref<1x128xf32, #tpu.memory_space<vmem>>, vector<1x128xf32>
      %add3A = vector.broadcast %get3A_14 : vector<1x128xf32> to vector<2560x128xf32>
      %add3A_15 = arith.addf %dot_general3A_11, %add3A : vector<2560x128xf32>
      %max3A = arith.constant 0.000000e+00 : f32
      %max3A_16 = vector.broadcast %max3A : f32 to vector<2560x128xf32>
      %max3A_17 = arith.maximumf %add3A_15, %max3A_16 : vector<2560x128xf32>
      %swap3A = arith.constant 0 : index
      %swap3A_18 = arith.constant 0 : index
      %swap3A_19 = vector.load %arg7[%swap3A, %swap3A_18] : memref<2560x128xf32, #tpu.memory_space<vmem>>, vector<2560x128xf32>
      tpu.vector_store %arg7[%swap3A, %swap3A_18], %max3A_17 {strides = array<i32>} : memref<2560x128xf32, #tpu.memory_space<vmem>>, vector<2560x128xf32>,
    } else {
    }
    %ge3A = arith.constant 125 : i32
    %ge3A_2 = arith.cmpi sge, %arg0, %ge3A : i32
    %convert_element_type3A_3 = arith.extui %ge3A_2 : i1 to i32
    %cond3A_4 = arith.constant 0 : i32
    %cond3A_5 = arith.cmpi ne, %convert_element_type3A_3, %cond3A_4 : i32
    scf.if %cond3A_5 {
      %get3A = arith.constant 0 : index
      %get3A_6 = arith.constant 0 : index
      %get3A_7 = vector.load %arg4[%get3A, %get3A_6] : memref<2048x128xf32, #tpu.memory_space<vmem>>, vector<2048x128xf32>
      %get3A_8 = arith.constant 0 : index
      %get3A_9 = arith.constant 0 : index
      %get3A_10 = vector.load %arg5[%get3A_8, %get3A_9] : memref<128x128xf32, #tpu.memory_space<vmem>>, vector<128x128xf32>
      %dot_general3A = arith.constant dense<0.000000e+00> : vector<2048x128xf32>
      %dot_general3A_11 = tpu.matmul %get3A_7, %get3A_10, %dot_general3A {dimension_numbers = #tpu.dot_dimension_numbers<[1], [0], [0], [1], [0, 0, 1, 1], [], []>, transpose_lhs_hint = false} : vector<2048x128xf32>, vector<128x128xf32>, vector<2048x128xf32> -> vector<2048x128xf32>
      %get3A_12 = arith.constant 0 : index
      %get3A_13 = arith.constant 0 : index
      %get3A_14 = vector.load %arg6[%get3A_12, %get3A_13] : memref<1x128xf32, #tpu.memory_space<vmem>>, vector<1x128xf32>
      %add3A = vector.broadcast %get3A_14 : vector<1x128xf32> to vector<2048x128xf32>
      %add3A_15 = arith.addf %dot_general3A_11, %add3A : vector<2048x128xf32>
      %max3A = arith.constant 0.000000e+00 : f32
      %max3A_16 = vector.broadcast %max3A : f32 to vector<2048x128xf32>
      %max3A_17 = arith.maximumf %add3A_15, %max3A_16 : vector<2048x128xf32>
      %swap3A = arith.constant 0 : index
      %swap3A_18 = arith.constant 0 : index
      %swap3A_19 = vector.load %arg8[%swap3A, %swap3A_18] : memref<2048x128xf32, #tpu.memory_space<vmem>>, vector<2048x128xf32>
      tpu.vector_store %arg8[%swap3A, %swap3A_18], %max3A_17 {strides = array<i32>} : memref<2048x128xf32, #tpu.memory_space<vmem>>, vector<2048x128xf32>,
    } else {
    }
    return
  }
  func.func @transform_0(%arg0: i32) -> (i32, i32) {
    %min3A = arith.constant 124 : i32
    %min3A_0 = arith.minsi %arg0, %min3A : i32
    %c0_i32 = arith.constant 0 : i32
    %c0_i32_1 = arith.constant 0 : i32
    return %min3A_0, %c0_i32 : i32, i32
  }
  func.func @transform_1(%arg0: i32) -> (i32, i32) {
    %c0_i32 = arith.constant 0 : i32
    %c0_i32_0 = arith.constant 0 : i32
    %c0_i32_1 = arith.constant 0 : i32
    return %c0_i32, %c0_i32_0 : i32, i32
  }
  func.func @transform_2(%arg0: i32) -> (i32, i32) {
    %c0_i32 = arith.constant 0 : i32
    %c0_i32_0 = arith.constant 0 : i32
    %c0_i32_1 = arith.constant 0 : i32
    return %c0_i32, %c0_i32_0 : i32, i32
  }
  func.func @transform_3(%arg0: i32) -> (i32, i32) {
    %sub3A = arith.constant 125 : i32
    %sub3A_0 = arith.subi %arg0, %sub3A : i32
    %max3A = arith.constant 0 : i32
    %max3A_1 = arith.maxsi %sub3A_0, %max3A : i32
    %c0_i32 = arith.constant 0 : i32
    %c0_i32_2 = arith.constant 0 : i32
    return %max3A_1, %c0_i32 : i32, i32
  }
  func.func @transform_4(%arg0: i32) -> (i32, i32) {
    %c0_i32 = arith.constant 0 : i32
    %c0_i32_0 = arith.constant 0 : i32
    %c0_i32_1 = arith.constant 0 : i32
    return %c0_i32, %c0_i32_0 : i32, i32
  }
  func.func @transform_5(%arg0: i32) -> (i32, i32) {
    %c0_i32 = arith.constant 0 : i32
    %c0_i32_0 = arith.constant 0 : i32
    %c0_i32_1 = arith.constant 0 : i32
    return %c0_i32, %c0_i32_0 : i32, i32
  }
  func.func @transform_6(%arg0: i32) -> (i32, i32) {
    %min3A = arith.constant 124 : i32
    %min3A_0 = arith.minsi %arg0, %min3A : i32
    %c0_i32 = arith.constant 0 : i32
    %c0_i32_1 = arith.constant 0 : i32
    return %min3A_0, %c0_i32 : i32, i32
  }
  func.func @transform_7(%arg0: i32) -> (i32, i32) {
    %sub3A = arith.constant 125 : i32
    %sub3A_0 = arith.subi %arg0, %sub3A : i32
    %max3A = arith.constant 0 : i32
    %max3A_1 = arith.maxsi %sub3A_0, %max3A : i32
    %c0_i32 = arith.constant 0 : i32
    %c0_i32_2 = arith.constant 0 : i32
    return %max3A_1, %c0_i32 : i32, i32
  }
}

module attributes {stable_mosaic.version = 14 : i64} {
  func.func @_layer_kernel(%arg0: i32, %arg1: memref<2048x128xf32, #tpu.memory_space<vmem>>, %arg2: memref<2048x128xf32, #tpu.memory_space<vmem>>, %arg3: memref<2048x128xf32, #tpu.memory_space<vmem>>, %arg4: memref<2048x128xf32, #tpu.memory_space<vmem>>, %arg5: memref<2048x128xf32, #tpu.memory_space<vmem>>, %arg6: memref<128x128xf32, #tpu.memory_space<vmem>>, %arg7: memref<1x128xf32, #tpu.memory_space<vmem>>, %arg8: memref<128x128xf32, #tpu.memory_space<vmem>>, %arg9: memref<1x128xf32, #tpu.memory_space<vmem>>, %arg10: memref<2048x128xf32, #tpu.memory_space<vmem>>) attributes {dimension_semantics = [#tpu.dimension_semantics<arbitrary>], iteration_bounds = array<i64: 5>, scalar_prefetch = 0 : i64, scratch_operands = 0 : i64, tpu.core_type = #tpu.core_type<tc>, window_params = [{transform_indices = @transform_0, window_bounds = array<i64: 2048, 128>}, {transform_indices = @transform_1, window_bounds = array<i64: 2048, 128>}, {transform_indices = @transform_2, window_bounds = array<i64: 2048, 128>}, {transform_indices = @transform_3, window_bounds = array<i64: 2048, 128>}, {transform_indices = @transform_4, window_bounds = array<i64: 2048, 128>}, {pipeline_mode = #tpu.pipeline_mode<synchronous>, transform_indices = @transform_5, window_bounds = array<i64: 128, 128>}, {pipeline_mode = #tpu.pipeline_mode<synchronous>, transform_indices = @transform_6, window_bounds = array<i64: 1, 128>}, {pipeline_mode = #tpu.pipeline_mode<synchronous>, transform_indices = @transform_7, window_bounds = array<i64: 128, 128>}, {pipeline_mode = #tpu.pipeline_mode<synchronous>, transform_indices = @transform_8, window_bounds = array<i64: 1, 128>}, {transform_indices = @transform_9, window_bounds = array<i64: 2048, 128>}]} {
    %get3A = arith.constant 0 : index
    %get3A_0 = arith.constant 0 : index
    %get3A_1 = vector.load %arg1[%get3A, %get3A_0] : memref<2048x128xf32, #tpu.memory_space<vmem>>, vector<2048x128xf32>
    %mul3A = arith.constant 1.100000e+00 : f32
    %mul3A_2 = vector.broadcast %mul3A : f32 to vector<2048x128xf32>
    %mul3A_3 = arith.mulf %mul3A_2, %get3A_1 : vector<2048x128xf32>
    %get3A_4 = arith.constant 0 : index
    %get3A_5 = arith.constant 0 : index
    %get3A_6 = vector.load %arg2[%get3A_4, %get3A_5] : memref<2048x128xf32, #tpu.memory_space<vmem>>, vector<2048x128xf32>
    %add3A = arith.addf %mul3A_3, %get3A_6 : vector<2048x128xf32>
    %get3A_7 = arith.constant 0 : index
    %get3A_8 = arith.constant 0 : index
    %get3A_9 = vector.load %arg3[%get3A_7, %get3A_8] : memref<2048x128xf32, #tpu.memory_space<vmem>>, vector<2048x128xf32>
    %add3A_10 = arith.addf %add3A, %get3A_9 : vector<2048x128xf32>
    %get3A_11 = arith.constant 0 : index
    %get3A_12 = arith.constant 0 : index
    %get3A_13 = vector.load %arg4[%get3A_11, %get3A_12] : memref<2048x128xf32, #tpu.memory_space<vmem>>, vector<2048x128xf32>
    %add3A_14 = arith.addf %add3A_10, %get3A_13 : vector<2048x128xf32>
    %get3A_15 = arith.constant 0 : index
    %get3A_16 = arith.constant 0 : index
    %get3A_17 = vector.load %arg5[%get3A_15, %get3A_16] : memref<2048x128xf32, #tpu.memory_space<vmem>>, vector<2048x128xf32>
    %add3A_18 = arith.addf %add3A_14, %get3A_17 : vector<2048x128xf32>
    %get3A_19 = arith.constant 0 : index
    %get3A_20 = arith.constant 0 : index
    %get3A_21 = vector.load %arg6[%get3A_19, %get3A_20] : memref<128x128xf32, #tpu.memory_space<vmem>>, vector<128x128xf32>
    %dot_general3A = arith.constant dense<0.000000e+00> : vector<2048x128xf32>
    %dot_general3A_22 = tpu.matmul %add3A_18, %get3A_21, %dot_general3A {dimension_numbers = #tpu.dot_dimension_numbers<[1], [0], [0], [1], [0, 0, 1, 1], [], []>, transpose_lhs_hint = false} : vector<2048x128xf32>, vector<128x128xf32>, vector<2048x128xf32> -> vector<2048x128xf32>
    %get3A_23 = arith.constant 0 : index
    %get3A_24 = arith.constant 0 : index
    %get3A_25 = vector.load %arg7[%get3A_23, %get3A_24] : memref<1x128xf32, #tpu.memory_space<vmem>>, vector<1x128xf32>
    %add3A_26 = vector.broadcast %get3A_25 : vector<1x128xf32> to vector<2048x128xf32>
    %add3A_27 = arith.addf %dot_general3A_22, %add3A_26 : vector<2048x128xf32>
    %max3A = arith.constant 0.000000e+00 : f32
    %max3A_28 = vector.broadcast %max3A : f32 to vector<2048x128xf32>
    %max3A_29 = arith.maximumf %add3A_27, %max3A_28 : vector<2048x128xf32>
    %get3A_30 = arith.constant 0 : index
    %get3A_31 = arith.constant 0 : index
    %get3A_32 = vector.load %arg8[%get3A_30, %get3A_31] : memref<128x128xf32, #tpu.memory_space<vmem>>, vector<128x128xf32>
    %dot_general3A_33 = arith.constant dense<0.000000e+00> : vector<2048x128xf32>
    %dot_general3A_34 = tpu.matmul %max3A_29, %get3A_32, %dot_general3A_33 {dimension_numbers = #tpu.dot_dimension_numbers<[1], [0], [0], [1], [0, 0, 1, 1], [], []>, transpose_lhs_hint = false} : vector<2048x128xf32>, vector<128x128xf32>, vector<2048x128xf32> -> vector<2048x128xf32>
    %get3A_35 = arith.constant 0 : index
    %get3A_36 = arith.constant 0 : index
    %get3A_37 = vector.load %arg9[%get3A_35, %get3A_36] : memref<1x128xf32, #tpu.memory_space<vmem>>, vector<1x128xf32>
    %add3A_38 = vector.broadcast %get3A_37 : vector<1x128xf32> to vector<2048x128xf32>
    %add3A_39 = arith.addf %dot_general3A_34, %add3A_38 : vector<2048x128xf32>
    %max3A_40 = arith.constant 0.000000e+00 : f32
    %max3A_41 = vector.broadcast %max3A_40 : f32 to vector<2048x128xf32>
    %max3A_42 = arith.maximumf %add3A_39, %max3A_41 : vector<2048x128xf32>
    %swap3A = arith.constant 0 : index
    %swap3A_43 = arith.constant 0 : index
    %swap3A_44 = vector.load %arg10[%swap3A, %swap3A_43] : memref<2048x128xf32, #tpu.memory_space<vmem>>, vector<2048x128xf32>
    tpu.vector_store %arg10[%swap3A, %swap3A_43], %max3A_42 {strides = array<i32>} : memref<2048x128xf32, #tpu.memory_space<vmem>>, vector<2048x128xf32>,
    return
  }
  func.func @transform_0(%arg0: i32) -> (i32, i32) {
    %c0_i32 = arith.constant 0 : i32
    %c0_i32_0 = arith.constant 0 : i32
    return %arg0, %c0_i32 : i32, i32
  }
  func.func @transform_1(%arg0: i32) -> (i32, i32) {
    %c0_i32 = arith.constant 0 : i32
    %c0_i32_0 = arith.constant 0 : i32
    return %arg0, %c0_i32 : i32, i32
  }
  func.func @transform_2(%arg0: i32) -> (i32, i32) {
    %c0_i32 = arith.constant 0 : i32
    %c0_i32_0 = arith.constant 0 : i32
    return %arg0, %c0_i32 : i32, i32
  }
  func.func @transform_3(%arg0: i32) -> (i32, i32) {
    %c0_i32 = arith.constant 0 : i32
    %c0_i32_0 = arith.constant 0 : i32
    return %arg0, %c0_i32 : i32, i32
  }
  func.func @transform_4(%arg0: i32) -> (i32, i32) {
    %c0_i32 = arith.constant 0 : i32
    %c0_i32_0 = arith.constant 0 : i32
    return %arg0, %c0_i32 : i32, i32
  }
  func.func @transform_5(%arg0: i32) -> (i32, i32) {
    %c0_i32 = arith.constant 0 : i32
    %c0_i32_0 = arith.constant 0 : i32
    %c0_i32_1 = arith.constant 0 : i32
    return %c0_i32, %c0_i32_0 : i32, i32
  }
  func.func @transform_6(%arg0: i32) -> (i32, i32) {
    %c0_i32 = arith.constant 0 : i32
    %c0_i32_0 = arith.constant 0 : i32
    %c0_i32_1 = arith.constant 0 : i32
    return %c0_i32, %c0_i32_0 : i32, i32
  }
  func.func @transform_7(%arg0: i32) -> (i32, i32) {
    %c0_i32 = arith.constant 0 : i32
    %c0_i32_0 = arith.constant 0 : i32
    %c0_i32_1 = arith.constant 0 : i32
    return %c0_i32, %c0_i32_0 : i32, i32
  }
  func.func @transform_8(%arg0: i32) -> (i32, i32) {
    %c0_i32 = arith.constant 0 : i32
    %c0_i32_0 = arith.constant 0 : i32
    %c0_i32_1 = arith.constant 0 : i32
    return %c0_i32, %c0_i32_0 : i32, i32
  }
  func.func @transform_9(%arg0: i32) -> (i32, i32) {
    %c0_i32 = arith.constant 0 : i32
    %c0_i32_0 = arith.constant 0 : i32
    return %arg0, %c0_i32 : i32, i32
  }
}

module attributes {stable_mosaic.version = 14 : i64} {
  func.func @_final_kernel(%arg0: i32, %arg1: memref<2048x128xf32, #tpu.memory_space<vmem>>, %arg2: memref<1x1x2048xi32, #tpu.memory_space<vmem>>, %arg3: memref<1x128xf32, #tpu.memory_space<vmem>>, %arg4: memref<1x128xf32, #tpu.memory_space<vmem>>, %arg5: memref<128x32xf32, #tpu.memory_space<vmem>>, %arg6: memref<1x32xf32, #tpu.memory_space<vmem>>, %arg7: memref<32x16xf32, #tpu.memory_space<vmem>>, %arg8: memref<1x16xf32, #tpu.memory_space<vmem>>, %arg9: memref<16x1xf32, #tpu.memory_space<vmem>>, %arg10: memref<1x1xf32, #tpu.memory_space<vmem>>, %arg11: memref<2048x32xf32, #tpu.memory_space<vmem>>, %arg12: memref<64x1xf32, #tpu.memory_space<vmem>>, %arg13: memref<64x32xf32, #tpu.memory_space<vmem>>, %arg14: memref<64x1xf32, #tpu.memory_space<vmem>>) attributes {dimension_semantics = [#tpu.dimension_semantics<arbitrary>], iteration_bounds = array<i64: 5>, scalar_prefetch = 0 : i64, scratch_operands = 2 : i64, tpu.core_type = #tpu.core_type<tc>, window_params = [{transform_indices = @transform_0, window_bounds = array<i64: 2048, 128>}, {transform_indices = @transform_1, window_bounds = array<i64: 1, 1, 2048>}, {pipeline_mode = #tpu.pipeline_mode<synchronous>, transform_indices = @transform_2, window_bounds = array<i64: 1, 128>}, {pipeline_mode = #tpu.pipeline_mode<synchronous>, transform_indices = @transform_3, window_bounds = array<i64: 1, 128>}, {pipeline_mode = #tpu.pipeline_mode<synchronous>, transform_indices = @transform_4, window_bounds = array<i64: 128, 32>}, {pipeline_mode = #tpu.pipeline_mode<synchronous>, transform_indices = @transform_5, window_bounds = array<i64: 1, 32>}, {pipeline_mode = #tpu.pipeline_mode<synchronous>, transform_indices = @transform_6, window_bounds = array<i64: 32, 16>}, {pipeline_mode = #tpu.pipeline_mode<synchronous>, transform_indices = @transform_7, window_bounds = array<i64: 1, 16>}, {pipeline_mode = #tpu.pipeline_mode<synchronous>, transform_indices = @transform_8, window_bounds = array<i64: 16, 1>}, {pipeline_mode = #tpu.pipeline_mode<synchronous>, transform_indices = @transform_9, window_bounds = array<i64: 1, 1>}, {transform_indices = @transform_10, window_bounds = array<i64: 2048, 32>}, {pipeline_mode = #tpu.pipeline_mode<synchronous>, transform_indices = @transform_11, window_bounds = array<i64: 64, 1>}]} {
    %get3A = arith.constant 0 : index
    %get3A_0 = arith.constant 0 : index
    %get3A_1 = vector.load %arg1[%get3A, %get3A_0] : memref<2048x128xf32, #tpu.memory_space<vmem>>, vector<2048x128xf32>
    %reduce_sum3A = arith.constant dense<0.000000e+00> : vector<2048xf32>
    %reduce_sum3A_2 = vector.multi_reduction <add>, %get3A_1, %reduce_sum3A [1] : vector<2048x128xf32> to vector<2048xf32>
    %broadcast_in_dim3A = vector.shape_cast %reduce_sum3A_2 : vector<2048xf32> to vector<2048x1xf32>
    %div3A = arith.constant 1.280000e+02 : f32
    %div3A_3 = vector.broadcast %div3A : f32 to vector<2048x1xf32>
    %div3A_4 = arith.divf %broadcast_in_dim3A, %div3A_3 : vector<2048x1xf32>
    %square3A = arith.mulf %get3A_1, %get3A_1 : vector<2048x128xf32>
    %reduce_sum3A_5 = arith.constant dense<0.000000e+00> : vector<2048xf32>
    %reduce_sum3A_6 = vector.multi_reduction <add>, %square3A, %reduce_sum3A_5 [1] : vector<2048x128xf32> to vector<2048xf32>
    %broadcast_in_dim3A_7 = vector.shape_cast %reduce_sum3A_6 : vector<2048xf32> to vector<2048x1xf32>
    %div3A_8 = arith.constant 1.280000e+02 : f32
    %div3A_9 = vector.broadcast %div3A_8 : f32 to vector<2048x1xf32>
    %div3A_10 = arith.divf %broadcast_in_dim3A_7, %div3A_9 : vector<2048x1xf32>
    %square3A_11 = arith.mulf %div3A_4, %div3A_4 : vector<2048x1xf32>
    %sub3A = arith.subf %div3A_10, %square3A_11 : vector<2048x1xf32>
    %sub3A_12 = vector.broadcast %div3A_4 : vector<2048x1xf32> to vector<2048x128xf32>
    %sub3A_13 = arith.subf %get3A_1, %sub3A_12 : vector<2048x128xf32>
    %add3A = arith.constant 9.99999974E-6 : f32
    %add3A_14 = vector.broadcast %add3A : f32 to vector<2048x1xf32>
    %add3A_15 = arith.addf %sub3A, %add3A_14 : vector<2048x1xf32>
    %rsqrt3A = math.rsqrt %add3A_15 : vector<2048x1xf32>
    %mul3A = vector.broadcast %rsqrt3A : vector<2048x1xf32> to vector<2048x128xf32>
    %mul3A_16 = arith.mulf %sub3A_13, %mul3A : vector<2048x128xf32>
    %get3A_17 = arith.constant 0 : index
    %get3A_18 = arith.constant 0 : index
    %get3A_19 = vector.load %arg3[%get3A_17, %get3A_18] : memref<1x128xf32, #tpu.memory_space<vmem>>, vector<1x128xf32>
    %mul3A_20 = vector.broadcast %get3A_19 : vector<1x128xf32> to vector<2048x128xf32>
    %mul3A_21 = arith.mulf %mul3A_16, %mul3A_20 : vector<2048x128xf32>
    %get3A_22 = arith.constant 0 : index
    %get3A_23 = arith.constant 0 : index
    %get3A_24 = vector.load %arg4[%get3A_22, %get3A_23] : memref<1x128xf32, #tpu.memory_space<vmem>>, vector<1x128xf32>
    %add3A_25 = vector.broadcast %get3A_24 : vector<1x128xf32> to vector<2048x128xf32>
    %add3A_26 = arith.addf %mul3A_21, %add3A_25 : vector<2048x128xf32>
    %get3A_27 = arith.constant 0 : index
    %get3A_28 = arith.constant 0 : index
    %get3A_29 = vector.load %arg5[%get3A_27, %get3A_28] : memref<128x32xf32, #tpu.memory_space<vmem>>, vector<128x32xf32>
    %dot_general3A = arith.constant dense<0.000000e+00> : vector<2048x32xf32>
    %dot_general3A_30 = tpu.matmul %add3A_26, %get3A_29, %dot_general3A {dimension_numbers = #tpu.dot_dimension_numbers<[1], [0], [0], [1], [0, 0, 1, 1], [], []>, transpose_lhs_hint = false} : vector<2048x128xf32>, vector<128x32xf32>, vector<2048x32xf32> -> vector<2048x32xf32>
    %get3A_31 = arith.constant 0 : index
    %get3A_32 = arith.constant 0 : index
    %get3A_33 = vector.load %arg6[%get3A_31, %get3A_32] : memref<1x32xf32, #tpu.memory_space<vmem>>, vector<1x32xf32>
    %add3A_34 = vector.broadcast %get3A_33 : vector<1x32xf32> to vector<2048x32xf32>
    %add3A_35 = arith.addf %dot_general3A_30, %add3A_34 : vector<2048x32xf32>
    %max3A = arith.constant 0.000000e+00 : f32
    %max3A_36 = vector.broadcast %max3A : f32 to vector<2048x32xf32>
    %max3A_37 = arith.maximumf %add3A_35, %max3A_36 : vector<2048x32xf32>
    %swap3A = arith.constant 0 : index
    %swap3A_38 = arith.constant 0 : index
    %swap3A_39 = vector.load %arg11[%swap3A, %swap3A_38] : memref<2048x32xf32, #tpu.memory_space<vmem>>, vector<2048x32xf32>
    tpu.vector_store %arg11[%swap3A, %swap3A_38], %max3A_37 {strides = array<i32>} : memref<2048x32xf32, #tpu.memory_space<vmem>>, vector<2048x32xf32>,
    %get3A_40 = arith.constant 0 : index
    %get3A_41 = arith.constant 0 : index
    %get3A_42 = arith.constant 0 : index
    %get3A_43 = vector.load %arg2[%get3A_40, %get3A_41, %get3A_42] : memref<1x1x2048xi32, #tpu.memory_space<vmem>>, vector<1x1x2048xi32>
    %get3A_44 = vector.shape_cast %get3A_43 : vector<1x1x2048xi32> to vector<1x2048xi32>
    %iota3A = tpu.iota {dimensions = array<i32: 0>} : vector<64x2048xi32>
    %eq3A = vector.broadcast %get3A_44 : vector<1x2048xi32> to vector<64x2048xi32>
    %eq3A_45 = arith.cmpi eq, %iota3A, %eq3A : vector<64x2048xi32>
    %convert_element_type3A = arith.extui %eq3A_45 : vector<64x2048xi1> to vector<64x2048xi32>
    %convert_element_type3A_46 = arith.sitofp %convert_element_type3A : vector<64x2048xi32> to vector<64x2048xf32>
    %eq3A_47 = arith.constant 0 : i32
    %eq3A_48 = arith.cmpi eq, %arg0, %eq3A_47 : i32
    %convert_element_type3A_49 = arith.extui %eq3A_48 : i1 to i32
    %cond3A = arith.constant 0 : i32
    %cond3A_50 = arith.cmpi ne, %convert_element_type3A_49, %cond3A : i32
    scf.if %cond3A_50 {
      %broadcast_in_dim3A_75 = arith.constant 0.000000e+00 : f32
      %broadcast_in_dim3A_76 = vector.broadcast %broadcast_in_dim3A_75 : f32 to vector<64x32xf32>
      %swap3A_77 = arith.constant 0 : index
      %swap3A_78 = arith.constant 0 : index
      %swap3A_79 = vector.load %arg13[%swap3A_77, %swap3A_78] : memref<64x32xf32, #tpu.memory_space<vmem>>, vector<64x32xf32>
      tpu.vector_store %arg13[%swap3A_77, %swap3A_78], %broadcast_in_dim3A_76 {strides = array<i32>} : memref<64x32xf32, #tpu.memory_space<vmem>>, vector<64x32xf32>,
      %broadcast_in_dim3A_80 = arith.constant 0.000000e+00 : f32
      %broadcast_in_dim3A_81 = vector.broadcast %broadcast_in_dim3A_80 : f32 to vector<64x1xf32>
      %swap3A_82 = arith.constant 0 : index
      %swap3A_83 = arith.constant 0 : index
      %swap3A_84 = vector.load %arg14[%swap3A_82, %swap3A_83] : memref<64x1xf32, #tpu.memory_space<vmem>>, vector<64x1xf32>
      tpu.vector_store %arg14[%swap3A_82, %swap3A_83], %broadcast_in_dim3A_81 {strides = array<i32>} : memref<64x1xf32, #tpu.memory_space<vmem>>, vector<64x1xf32>,
    } else {
    }
    %get3A_51 = arith.constant 0 : index
    %get3A_52 = arith.constant 0 : index
    %get3A_53 = vector.load %arg13[%get3A_51, %get3A_52] : memref<64x32xf32, #tpu.memory_space<vmem>>, vector<64x32xf32>
    %dot_general3A_54 = arith.constant dense<0.000000e+00> : vector<64x32xf32>
    %dot_general3A_55 = tpu.matmul %convert_element_type3A_46, %max3A_37, %dot_general3A_54 {dimension_numbers = #tpu.dot_dimension_numbers<[1], [0], [0], [1], [0, 0, 1, 1], [], []>, transpose_lhs_hint = false} : vector<64x2048xf32>, vector<2048x32xf32>, vector<64x32xf32> -> vector<64x32xf32>
    %add3A_56 = arith.addf %get3A_53, %dot_general3A_55 : vector<64x32xf32>
    %swap3A_57 = arith.constant 0 : index
    %swap3A_58 = arith.constant 0 : index
    %swap3A_59 = vector.load %arg13[%swap3A_57, %swap3A_58] : memref<64x32xf32, #tpu.memory_space<vmem>>, vector<64x32xf32>
    tpu.vector_store %arg13[%swap3A_57, %swap3A_58], %add3A_56 {strides = array<i32>} : memref<64x32xf32, #tpu.memory_space<vmem>>, vector<64x32xf32>,
    %get3A_60 = arith.constant 0 : index
    %get3A_61 = arith.constant 0 : index
    %get3A_62 = vector.load %arg14[%get3A_60, %get3A_61] : memref<64x1xf32, #tpu.memory_space<vmem>>, vector<64x1xf32>
    %reduce_sum3A_63 = arith.constant dense<0.000000e+00> : vector<64xf32>
    %reduce_sum3A_64 = vector.multi_reduction <add>, %convert_element_type3A_46, %reduce_sum3A_63 [1] : vector<64x2048xf32> to vector<64xf32>
    %broadcast_in_dim3A_65 = vector.shape_cast %reduce_sum3A_64 : vector<64xf32> to vector<64x1xf32>
    %add3A_66 = arith.addf %get3A_62, %broadcast_in_dim3A_65 : vector<64x1xf32>
    %swap3A_67 = arith.constant 0 : index
    %swap3A_68 = arith.constant 0 : index
    %swap3A_69 = vector.load %arg14[%swap3A_67, %swap3A_68] : memref<64x1xf32, #tpu.memory_space<vmem>>, vector<64x1xf32>
    tpu.vector_store %arg14[%swap3A_67, %swap3A_68], %add3A_66 {strides = array<i32>} : memref<64x1xf32, #tpu.memory_space<vmem>>, vector<64x1xf32>,
    %eq3A_70 = arith.constant 4 : i32
    %eq3A_71 = arith.cmpi eq, %arg0, %eq3A_70 : i32
    %convert_element_type3A_72 = arith.extui %eq3A_71 : i1 to i32
    %cond3A_73 = arith.constant 0 : i32
    %cond3A_74 = arith.cmpi ne, %convert_element_type3A_72, %cond3A_73 : i32
    scf.if %cond3A_74 {
      %get3A_75 = arith.constant 0 : index
      %get3A_76 = arith.constant 0 : index
      %get3A_77 = vector.load %arg13[%get3A_75, %get3A_76] : memref<64x32xf32, #tpu.memory_space<vmem>>, vector<64x32xf32>
      %get3A_78 = arith.constant 0 : index
      %get3A_79 = arith.constant 0 : index
      %get3A_80 = vector.load %arg14[%get3A_78, %get3A_79] : memref<64x1xf32, #tpu.memory_space<vmem>>, vector<64x1xf32>
      %max3A_81 = arith.constant 1.000000e+00 : f32
      %max3A_82 = vector.broadcast %max3A_81 : f32 to vector<64x1xf32>
      %max3A_83 = arith.maximumf %get3A_80, %max3A_82 : vector<64x1xf32>
      %div3A_84 = vector.broadcast %max3A_83 : vector<64x1xf32> to vector<64x32xf32>
      %div3A_85 = arith.divf %get3A_77, %div3A_84 : vector<64x32xf32>
      %get3A_86 = arith.constant 0 : index
      %get3A_87 = arith.constant 0 : index
      %get3A_88 = vector.load %arg7[%get3A_86, %get3A_87] : memref<32x16xf32, #tpu.memory_space<vmem>>, vector<32x16xf32>
      %dot_general3A_89 = arith.constant dense<0.000000e+00> : vector<64x16xf32>
      %dot_general3A_90 = tpu.matmul %div3A_85, %get3A_88, %dot_general3A_89 {dimension_numbers = #tpu.dot_dimension_numbers<[1], [0], [0], [1], [0, 0, 1, 1], [], []>, transpose_lhs_hint = false} : vector<64x32xf32>, vector<32x16xf32>, vector<64x16xf32> -> vector<64x16xf32>
      %get3A_91 = arith.constant 0 : index
      %get3A_92 = arith.constant 0 : index
      %get3A_93 = vector.load %arg8[%get3A_91, %get3A_92] : memref<1x16xf32, #tpu.memory_space<vmem>>, vector<1x16xf32>
      %add3A_94 = vector.broadcast %get3A_93 : vector<1x16xf32> to vector<64x16xf32>
      %add3A_95 = arith.addf %dot_general3A_90, %add3A_94 : vector<64x16xf32>
      %max3A_96 = arith.constant 0.000000e+00 : f32
      %max3A_97 = vector.broadcast %max3A_96 : f32 to vector<64x16xf32>
      %max3A_98 = arith.maximumf %add3A_95, %max3A_97 : vector<64x16xf32>
      %get3A_99 = arith.constant 0 : index
      %get3A_100 = arith.constant 0 : index
      %get3A_101 = vector.load %arg9[%get3A_99, %get3A_100] : memref<16x1xf32, #tpu.memory_space<vmem>>, vector<16x1xf32>
      %dot_general3A_102 = arith.constant dense<0.000000e+00> : vector<64x1xf32>
      %dot_general3A_103 = tpu.matmul %max3A_98, %get3A_101, %dot_general3A_102 {dimension_numbers = #tpu.dot_dimension_numbers<[1], [0], [0], [1], [0, 0, 1, 1], [], []>, transpose_lhs_hint = false} : vector<64x16xf32>, vector<16x1xf32>, vector<64x1xf32> -> vector<64x1xf32>
      %get3A_104 = arith.constant 0 : index
      %get3A_105 = arith.constant 0 : index
      %get3A_106 = vector.load %arg10[%get3A_104, %get3A_105] : memref<1x1xf32, #tpu.memory_space<vmem>>, vector<1x1xf32>
      %add3A_107 = vector.broadcast %get3A_106 : vector<1x1xf32> to vector<64x1xf32>
      %add3A_108 = arith.addf %dot_general3A_103, %add3A_107 : vector<64x1xf32>
      %swap3A_109 = arith.constant 0 : index
      %swap3A_110 = arith.constant 0 : index
      %swap3A_111 = vector.load %arg12[%swap3A_109, %swap3A_110] : memref<64x1xf32, #tpu.memory_space<vmem>>, vector<64x1xf32>
      tpu.vector_store %arg12[%swap3A_109, %swap3A_110], %add3A_108 {strides = array<i32>} : memref<64x1xf32, #tpu.memory_space<vmem>>, vector<64x1xf32>,
    } else {
    }
    return
  }
  func.func @transform_0(%arg0: i32) -> (i32, i32) {
    %c0_i32 = arith.constant 0 : i32
    %c0_i32_0 = arith.constant 0 : i32
    return %arg0, %c0_i32 : i32, i32
  }
  func.func @transform_1(%arg0: i32) -> (i32, i32, i32) {
    %c0_i32 = arith.constant 0 : i32
    %c0_i32_0 = arith.constant 0 : i32
    %c0_i32_1 = arith.constant 0 : i32
    return %arg0, %c0_i32, %c0_i32_0 : i32, i32, i32
  }
  func.func @transform_2(%arg0: i32) -> (i32, i32) {
    %c0_i32 = arith.constant 0 : i32
    %c0_i32_0 = arith.constant 0 : i32
    %c0_i32_1 = arith.constant 0 : i32
    return %c0_i32, %c0_i32_0 : i32, i32
  }
  func.func @transform_3(%arg0: i32) -> (i32, i32) {
    %c0_i32 = arith.constant 0 : i32
    %c0_i32_0 = arith.constant 0 : i32
    %c0_i32_1 = arith.constant 0 : i32
    return %c0_i32, %c0_i32_0 : i32, i32
  }
  func.func @transform_4(%arg0: i32) -> (i32, i32) {
    %c0_i32 = arith.constant 0 : i32
    %c0_i32_0 = arith.constant 0 : i32
    %c0_i32_1 = arith.constant 0 : i32
    return %c0_i32, %c0_i32_0 : i32, i32
  }
  func.func @transform_5(%arg0: i32) -> (i32, i32) {
    %c0_i32 = arith.constant 0 : i32
    %c0_i32_0 = arith.constant 0 : i32
    %c0_i32_1 = arith.constant 0 : i32
    return %c0_i32, %c0_i32_0 : i32, i32
  }
  func.func @transform_6(%arg0: i32) -> (i32, i32) {
    %c0_i32 = arith.constant 0 : i32
    %c0_i32_0 = arith.constant 0 : i32
    %c0_i32_1 = arith.constant 0 : i32
    return %c0_i32, %c0_i32_0 : i32, i32
  }
  func.func @transform_7(%arg0: i32) -> (i32, i32) {
    %c0_i32 = arith.constant 0 : i32
    %c0_i32_0 = arith.constant 0 : i32
    %c0_i32_1 = arith.constant 0 : i32
    return %c0_i32, %c0_i32_0 : i32, i32
  }
  func.func @transform_8(%arg0: i32) -> (i32, i32) {
    %c0_i32 = arith.constant 0 : i32
    %c0_i32_0 = arith.constant 0 : i32
    %c0_i32_1 = arith.constant 0 : i32
    return %c0_i32, %c0_i32_0 : i32, i32
  }
  func.func @transform_9(%arg0: i32) -> (i32, i32) {
    %c0_i32 = arith.constant 0 : i32
    %c0_i32_0 = arith.constant 0 : i32
    %c0_i32_1 = arith.constant 0 : i32
    return %c0_i32, %c0_i32_0 : i32, i32
  }
  func.func @transform_10(%arg0: i32) -> (i32, i32) {
    %c0_i32 = arith.constant 0 : i32
    %c0_i32_0 = arith.constant 0 : i32
    return %arg0, %c0_i32 : i32, i32
  }
  func.func @transform_11(%arg0: i32) -> (i32, i32) {
    %c0_i32 = arith.constant 0 : i32
    %c0_i32_0 = arith.constant 0 : i32
    %c0_i32_1 = arith.constant 0 : i32
    return %c0_i32, %c0_i32_0 : i32, i32
  }
}

</mosaic_0001>

<sc_bundles>
// kernel: kernel.11.cloned.1.call-start
scs
__scs_entry_jumppad:
0x0: {  	(pc) =	sbr.rel $0x88, $3  }
0x1: {  	(tag) =	ssettag $0x0;
	lr =	simm.s32 $0x1  }
0x2: {  	[smem:$0x3F8B] =	sst lr;
	_ =	strace $0xD0000000  }
0x3: {  	_ = 	snop  }
0x4: {  	_ = 	snop  }
0x5: {  	_ = 	snop  }
0x6: {  	_ = 	snop  }
0x7: {  	_ = 	snop  }
__scs_overlays_trampoline_lowered:
0x8: {  	[smem:$0x3F9A] =	sst s0  }
0x9: {  	[smem:$0x3F9B] =	sst s1  }
0xa: {  	[smem:$0x3F9C] =	sst s2  }
0xb: {  	[smem:$0x3F9D] =	sst s3  }
0xc: {  	[smem:$0x3F9E] =	sst s4  }
0xd: {  	[smem:$0x3F9F] =	sst s5  }
0xe: {  	[smem:$0x3FA0] =	sst s6  }
0xf: {  	[smem:$0x3FA1] =	sst s7  }
0x10: {  	[smem:$0x3FA2] =	sst s8  }
0x11: {  	[smem:$0x3FA3] =	sst s9;
	s0 =	simm.s32 @!p0 $0x0  }
0x12: {  	s1 =	sld [smem:$0x3F89];
	s0 =	simm.s32 @p0 $0x1  }
0x13: {  	[smem:$0x3FA4] =	sst s0;
	s0 =	simm.s32 @!p1 $0x0  }
0x14: {  	s2 =	sld [smem:$0x3F88];
	s0 =	simm.s32 @p1 $0x1  }
0x15: {  	[smem:$0x3FA5] =	sst s0;
	s0 =	simm.s32 @!p2 $0x0  }
0x16: {  	s3 =	sld [smem:$0x3FDB];
	s0 =	simm.s32 @p2 $0x1  }
0x17: {  	s4 =	simm.s32 $0x1BF5;
	[smem:$0x3FA7] =	sst s0  }
0x18: {  	s0 =	sld [smem:$0x3F8A];
	_ =	swait.ge [sflag:s4], $0x0  }
0x19: {  	s7 =	sld [smem:$0x3F8B]  }
0x1a: {  	s8 =	sadd.s32 $0xFFFFE003, lr  }
0x1b: {  	s9 =	sadd.s32 $0xFFFFFEF7, lr;
	s5 =	simm.s32 $0xFFFFFFFF;
	p2 =	slt.u32 s8, $0xFFFFF086  }
0x1c: {  	p1 =	slt.u32 s9, $0xF7A;
	s5 =	simm.s32 @!p2 $0x0  }
0x1d: {  	s5 =	simm.s32 @p1 $0x1;
	p0 =	seq.s32 s7, s2  }
0x1e: {  	s7 =	smul.u32 @!p0 $0xF7A, s2;
	p2 =	seq.s32 @!p0 s5, $0x0  }
0x1f: {  	s9 =	smul.u32 $0xF7A, s1;
	s8 =	simm.s32 @!p0 $0x1BF5;
	p2 =	por !p2, p0  }
0x20: {  	[sflag:s8] =	ssyncset.s32 @!p0 $0xFFFFF086;
	s6 =	sadd.s32 @!p0 s3, s7;
	s7 =	simm.s32 @!p0 $0x108  }
0x21: {  	s3 =	sadd.s32 s3, s9;
	s6 =	sadd.s32 @!p0 $0x88, s6;
	s7 =	simm.s32 @p2 $0x1082  }
0x22: {  	[simem:s7], [sflag:s8] =	dma.local @!p0 [hbm:s6], $0xF7A  }
0x23: {  	s9 =	sor.u32 $0xD0000000, s2;
	s6 =	simm.s32 $0x108;
	_ =	swait.ge @!p0 [sflag:s8], $0x0  }
0x24: {  	s3 =	sadd.s32 $0x88, s3;
	s6 =	simm.s32 @!p1 $0x1082;
	[sflag:s4] =	ssyncset.s32 $0xFFFFF086  }
0x25: {  	[simem:s6], [sflag:s4] =	dma.local [hbm:s3], $0xF7A  }
0x26: {  	[smem:$0x3F8B] =	sst s1;
	(tag) =	ssettag s2;
	_ =	strace s9  }
0x27: {  	s1 =	sld [smem:$0x3F9B]  }
0x28: {  	s2 =	sld [smem:$0x3F9C]  }
0x29: {  	s4 =	sld [smem:$0x3F9E]  }
0x2a: {  	p0 =	seq.s32 s5, $0x0;
	s5 =	sld [smem:$0x3F9F]  }
0x2b: {  	s6 =	sld [smem:$0x3FA0]  }
0x2c: {  	s7 =	sld [smem:$0x3FA1]  }
0x2d: {  	s3 =	simm.s32 $0x108;
	s8 =	sld [smem:$0x3FA2]  }
0x2e: {  	s3 =	simm.s32 @!p0 $0x1082;
	s9 =	sld [smem:$0x3FA3]  }
0x2f: {  	lr =	sadd.s32 s0, s3;
	s0 =	sld [smem:$0x3F9A]  }
0x30: {  	s3 =	sld [smem:$0x3F9D]  }
0x31: {  	[smem:$0x3FA6] =	sst s10  }
0x32: {  	s10 =	sld [smem:$0x3FA4];
	_ =	sdelay $0x3  }
0x33: {  	p0 =	seq.s32 s10, $0x1;
	s10 =	sld [smem:$0x3FA6];
	_ =	sdelay $0x3  }
0x34: {  	[smem:$0x3FA6] =	sst s10  }
0x35: {  	s10 =	sld [smem:$0x3FA5];
	_ =	sdelay $0x3  }
0x36: {  	p1 =	seq.s32 s10, $0x1;
	s10 =	sld [smem:$0x3FA6];
	_ =	sdelay $0x3  }
0x37: {  	[smem:$0x3FA6] =	sst s10  }
0x38: {  	s10 =	sld [smem:$0x3FA7]  }
0x39: {  	_ = 	snop;
	(pc) =	sbr.ind lr, $3  }
0x3a: {  	_ = 	snop  }
0x3b: {  	_ = 	snop  }
0x3c: {  	p2 =	seq.s32 s10, $0x1;
	s10 =	sld [smem:$0x3FA6]  }
0x3d: {  	_ =	shalt  }
0x3e: {  	_ =	shalt  }
0x3f: {  	_ =	shalt  }
0x40: {  	_ =	shalt  }
0x41: {  	_ =	shalt  }
0x42: {  	_ =	shalt  }
0x43: {  	_ =	shalt  }
0x44: {  	_ =	shalt  }
0x45: {  	_ =	shalt  }
0x46: {  	_ =	shalt  }
0x47: {  	_ =	shalt  }
0x48: {  	_ =	shalt  }
0x49: {  	_ =	shalt  }
0x4a: {  	_ =	shalt  }
0x4b: {  	_ =	shalt  }
0x4c: {  	_ =	shalt  }
0x4d: {  	_ =	shalt  }
0x4e: {  	_ =	shalt  }
0x4f: {  	_ =	shalt  }
0x50: {  	_ =	shalt  }
0x51: {  	_ =	shalt  }
0x52: {  	_ =	shalt  }
0x53: {  	_ =	shalt  }
0x54: {  	_ =	shalt  }
0x55: {  	_ =	shalt  }
0x56: {  	_ =	shalt  }
0x57: {  	_ =	shalt  }
0x58: {  	_ =	shalt  }
0x59: {  	_ =	shalt  }
0x5a: {  	_ =	shalt  }
0x5b: {  	_ =	shalt  }
0x5c: {  	_ =	shalt  }
0x5d: {  	_ =	shalt  }
0x5e: {  	_ =	shalt  }
0x5f: {  	_ =	shalt  }
0x60: {  	_ =	shalt  }
0x61: {  	_ =	shalt  }
0x62: {  	_ =	shalt  }
0x63: {  	_ =	shalt  }
0x64: {  	_ =	shalt  }
0x65: {  	_ =	shalt  }
0x66: {  	_ =	shalt  }
0x67: {  	_ =	shalt  }
0x68: {  	_ =	shalt  }
0x69: {  	_ =	shalt  }
0x6a: {  	_ =	shalt  }
0x6b: {  	_ =	shalt  }
0x6c: {  	_ =	shalt  }
0x6d: {  	_ =	shalt  }
0x6e: {  	_ =	shalt  }
0x6f: {  	_ =	shalt  }
0x70: {  	_ =	shalt  }
0x71: {  	_ =	shalt  }
0x72: {  	_ =	shalt  }
0x73: {  	_ =	shalt  }
0x74: {  	_ =	shalt  }
0x75: {  	_ =	shalt  }
0x76: {  	_ =	shalt  }
0x77: {  	_ =	shalt  }
0x78: {  	_ =	shalt  }
0x79: {  	_ =	shalt  }
0x7a: {  	_ =	shalt  }
0x7b: {  	_ =	shalt  }
0x7c: {  	_ =	shalt  }
0x7d: {  	_ =	shalt  }
0x7e: {  	_ =	shalt  }
0x7f: {  	_ =	shalt  }
0x80: {  	_ =	shalt  }
0x81: {  	_ =	shalt  }
0x82: {  	_ =	shalt  }
0x83: {  	_ =	shalt  }
0x84: {  	_ =	shalt  }
0x85: {  	_ =	shalt  }
0x86: {  	_ =	shalt  }
0x87: {  	_ =	shalt  }
.Lfunc_end0:
.L_simem_size_0:
called_computation_lowered:
.L_overlay_start_0:
0x88: {  	s2 =	sld [smem:$0x3FD9]  }
0x89: {  	s3 =	sld [smem:$0x3FFE];
	_ =	sdelay $0x1  }
0x8a: {  	s1 =	srdreg.scid  }
0x8b: {  	s0 =	sand.u32 $0x1, s1  }
0x8c: {  	s14 =	sshll.u32 s0, $0xA;
	s2 =	sadd.s32 s3, s2  }
0x8d: {  	s2 =	sadd.s32 s2, s14  }
0x8e: {  	[smem:$0x3FB2] =	sst s2  }
0x8f: {  	_ = 	snop  }
0x90: {  	s2 =	sld [smem:$0x3FD0];
	_ =	sdelay $0x2  }
0x91: {  	s15 =	simm.s32 $0xB;
	s4 =	simm.s32 $0x10  }
0x92: {  	[smem:s4], [sflag:s15] =	dma.local [hbm:s2], $0x1  }
0x93: {  	_ =	swait.eq [sflag:s15], $0x1  }
0x94: {  	[sflag:s15] =	ssyncset.done $0x0  }
0x95: {  	[sflag:s15] =	ssyncadd.s32 $0xFFFFFFFF  }
0x96: {  	s16 =	sld [smem:$0x10];
	(tm) =	ssettm $0x1  }
0x97: {  	s17 =	sld [smem:$0x3FFB];
	_ =	sdelay $0x3  }
0x98: {  	_ =	strace s17  }
0x99: {  	s3 =	sld [smem:$0x3FFC];
	_ =	sdelay $0x3  }
0x9a: {  	_ =	strace s3  }
0x9b: {  	s3 =	sld [smem:$0x3FFD];
	_ =	sdelay $0x3  }
0x9c: {  	_ =	strace s3  }
0x9d: {  	_ =	strace $0x8FFFFFFF  }
0x9e: {  	s18 =	sld [smem:$0x3FDB];
	_ =	sdelay $0x1  }
0x9f: {  	s19 =	simm.s32 $_scs_section_size  }
0xa0: {  	s5 =	simm.s32 $_size__tile_overlayer_lowered;
	s6 =	simm.s32 $_tile_overlayer_lowered  }
0xa1: {  	s22 =	simm.s32 $0x1BFF;
	s21 =	sshll.u32 s6, $0x1;
	s3 =	sadd.s32 s19, s18  }
0xa2: {  	s7 =	simm.s32 $0x0;
	s20 =	sshll.u32 s5, $0x1;
	s5 =	sadd.s32 s21, s3  }
0xa3: {  	[timem:s7], [sflag:s22] =	dma.local [hbm:s5], s20  }
0xa4: {  	_ =	swait.ge [sflag:s22], s20  }
0xa5: {  	s4 =	ssub.s32 $0x0, s20;
	[sflag:s22] =	ssyncset.done $0x0  }
0xa6: {  	[sflag:s22] =	ssyncadd.s32 s4;
	_ =	sdelay $0x1  }
0xa7: {  	s23 =	simm.s32 $0x1B8B  }
0xa8: {  	_ =	swait.ge [sflag:s23], $0x1  }
0xa9: {  	[sflag:s23] =	ssyncset.done $0x0  }
0xaa: {  	s25 =	simm.s32 $0x1B8E;
	s24 =	sld [smem:$0x3FFE];
	[sflag:s23] =	ssyncadd.s32 $0xFFFFFFFF  }
0xab: {  	s26 =	simm.s32 $execute0_lowered;
	[smem:$0x3FD2] =	sst s25  }
0xac: {  	s5 =	sshll.u32 s26, $0x1;
	_ =	strace $0x80000046;
	[dreg:$0x1] =	wrdreg $0xFFFFFFFF  }
0xad: {  	s28 =	simm.s32 $_size_execute0_lowered;
	s3 =	sadd.s32 s3, s5;
	[dreg:$0x0] =	wrdreg $0x0  }
0xae: {  	s5 =	sshll.u32 s28, $0x1;
	[dreg:$0x2] =	wrdreg s3  }
0xaf: {  	[dreg:$0x3] =	wrdreg s5  }
0xb0: {  	[dreg:$0x4] =	wrdreg $0xC0  }
0xb1: {  	_ =	task [dreg:s7], $0x5FFFF  }
0xb2: {  	[dreg:$0x1] =	wrdreg $0xFFFFFFFF  }
0xb3: {  	[dreg:$0x0] =	wrdreg $0x60  }
0xb4: {  	[dreg:$0x2] =	wrdreg s16  }
0xb5: {  	[dreg:$0x3] =	wrdreg s24  }
0xb6: {  	[dreg:$0x4] =	wrdreg $0x7B000  }
0xb7: {  	[dreg:$0x5] =	wrdreg $0x9  }
0xb8: {  	_ =	task.clear_ibuf [dreg:s7], $0x6FFFF;
	_ =	strace $0x90000046  }
0xb9: {  	s29 =	simm.s32 $0x9;
	_ =	strace $0x80000048  }
0xba: {  	_ =	swait.ge [sflag:s29], $0x1  }
0xbb: {  	[sflag:s29] =	ssyncadd.s32 $0xFFFFFFFF  }
0xbc: {  	_ =	strace $0x90000048  }
0xbd: {  	_ =	sfence  }
0xbe: {  	s30 =	sld [smem:$0x0];
	_ =	sdelay $0x2  }
0xbf: {  	s31 =	sshll.u32 s1, $0xD;
	s1 =	sshrl.u32 s1, $0x2  }
0xc0: {  	s3 =	sand.u32 $0x4000, s31;
	s1 =	sadd.s32 s1, s30  }
0xc1: {  	s0 =	sor.u32 s3, s0;
	s1 =	sshll.u32 s1, $0x11  }
0xc2: {  	s0 =	sor.u32 s1, s0  }
0xc3: {  	s0 =	sadd.s32 $0x8F2B, s0  }
0xc4: {  	[sflag:s0] =	ssyncadd.remote.s32 $0x1  }
0xc5: {  	_ =	sfence.sel $0xFFFF  }
0xc6: {  	[dreg:$0x0] =	wrdreg $0xFFFFFFFF;
	(pc) =	sbr.abs _section_cstart, $3  }
0xc7: {  	[dreg:$0x1] =	wrdreg $0xFFFFFFFF  }
0xc8: {  	_ =	task.clear_ibuf [dreg:s7], $0x2FFFF;
	_ =	strace $0x9FFFFFFF  }
0xc9: {  	(tm) =	ssettm $0x7FFFFFFF  }
tec
execute0_lowered:
.L_overlay_start_1:
0x0: {  	(tag) =	ssettag $0x1  }
0x1: {  	s1 =	rddreg [dreg:$0x0]  }
0x2: {  	s0 =	rddreg [dreg:$0x1]  }
0x3: {  	s2 =	rddreg [dreg:$0x2];
	s3 =	srdreg.scid  }
0x4: {  	s4 =	simm.s32 $0x0;
	s12 =	stileid.u32;
	s28 =	simm.s32 $0x6  }
0x5: {  	s29 =	simm.s32 $0x50;
	s30 =	simm.s32 $0x280;
	s31 =	simm.s32 $0x5300  }
0x6: {  	s13 =	simm.s32 $0x4;
	s14 =	simm.s32 $0x180;
	s11 =	smul.u32 $0x50000, s12  }
0x7: {  	s3 =	sand.u32 $0x1, s3;
	[smem:$0x7FF] =	sst s4;
	s19 =	smul.u32 $0x2800, s12  }
0x8: {  	s5 =	sshll.u32 s3, $0x4;
	s6 =	smul.u32 $0x28000, s3;
	s3 =	ssub.s32 $0x2, s3  }
0x9: {  	_ =	strace $0x80000047;
	s7 =	sor.u32 s12, s5;
	s9 =	sshrl.u32 s3, $0x1  }
0xa: {  	s5 =	sadd.s32 $0x4F1800, s0;
	s18 =	sshrl.u32 s11, $0x2;
	s3 =	ssub.s32 s3, s9  }
0xb: {  	s12 =	simm.s32 $0x2;
	s11 =	sadd.s32 s18, s2;
	s3 =	smax.u32 s3, $0x1  }
0xc: {  	s8 =	smul.u32 $0x2710, s7;
	s20 =	sadd.s32 $0x2800, s11;
	[dreg:$0x7] =	wrdreg s3  }
0xd: {  	s0 =	sadd.s32 s6, s0;
	s21 =	sadd.s32 $0x5000, s11;
	[dreg:$0x8] =	wrdreg s20  }
0xe: {  	s7 =	smul.u32 $0x27100, s7;
	s22 =	sadd.s32 $0x7800, s11;
	[dreg:$0x9] =	wrdreg s21  }
0xf: {  	s9 =	simm.s32 $0x200;
	s23 =	sadd.s32 $0xA000, s11;
	[dreg:$0xa] =	wrdreg s22  }
0x10: {  	s0 =	sadd.s32 $0x2DA00, s0;
	s24 =	sadd.s32 $0xC800, s11;
	[dreg:$0xb] =	wrdreg s23  }
0x11: {  	s25 =	sadd.s32 $0xF000, s11;
	s26 =	sadd.s32 $0x11800, s11;
	[dreg:$0xc] =	wrdreg s24  }
0x12: {  	s10 =	sshrl.u32 s8, $0x3;
	s6 =	sadd.s32 $0x50, s8;
	[dreg:$0xd] =	wrdreg s25  }
0x13: {  	s7 =	sadd.s32 s5, s7;
	[dreg:$0xe] =	wrdreg s26;
	s20 =	simm.s32 $0x2B00  }
0x14: {  	s21 =	simm.s32 $0xA;
	s22 =	simm.s32 $0x1;
	s23 =	simm.s32 $0x300  }
0x15: {  	s0 =	sadd.s32 s19, s0;
	s25 =	simm.s32 $0x80;
	s26 =	simm.s32 $0x7  }
.Ltmp0:
0x16: {  	s3 =	simm.s32 $0xB;
	s15 =	sadd.s32 s1, s10;
	(pc) =	sbr.rel .LBB2_1-.Ltmp0, $4  }
0x17: {  	s16 =	sshrl.u32 s6, $0x3;
	[dreg:$0x5] =	wrdreg s7;
	s10 =	sadd.s32 $0xA0, s8  }
0x18: {  	[dreg:$0xf] =	wrdreg s0;
	s0 =	simm.s32 $0x8;
	s7 =	simm.s32 $0x3  }
0x19: {  	s8 =	simm.s32 $0x5;
	[dreg:$0x4] =	wrdreg s15;
	s17 =	sadd.s32 s1, s16  }
0x1a: {  	v0 =	vimm.f32 $0.0e+00;
	s15 =	simm.s32 $0x100;
	s16 =	simm.s32 $0x0;
	[dreg:$0x6] =	wrdreg s17  }
.LBB2_10:
0x1b: {  	_ =	swait.ge [sflag:s28], $0x2800  }
0x1c: {  	[sflag:s28] =	ssyncset.done $0x0  }
0x1d: {  	[sflag:s28] =	ssyncadd.s32 $0xFFFFD800  }
0x1e: {  	_ =	swait.ge [sflag:s22], $0x50  }
0x1f: {  	[sflag:s22] =	ssyncset.done $0x0  }
0x20: {  	[sflag:s22] =	ssyncadd.s32 $0xFFFFFFB0  }
0x21: {  	_ =	swait.ge [sflag:s26], $0x2800  }
0x22: {  	[sflag:s26] =	ssyncset.done $0x0  }
0x23: {  	[sflag:s26] =	ssyncadd.s32 $0xFFFFD800  }
0x24: {  	_ =	swait.ge [sflag:s0], $0x2800  }
0x25: {  	[sflag:s0] =	ssyncset.done $0x0  }
0x26: {  	s17 =	stileid.u32;
	[sflag:s0] =	ssyncadd.s32 $0xFFFFD800  }
0x27: {  	s17 =	sshll.u32 s17, $0x6;
	[bflag:$0x0] =	sbarrier.arrive $0xFFFF  }
0x28: {  	s18 =	sshrl.u32 s11, $0x3;
	s17 =	sor.u32 $0x1C0B, s17;
	s19 =	rddreg [dreg:$0xf]  }
0x29: {  	[hbm:s19], [sflag:s17] =	dma.local [spmem:s18], $0x2800  }
0x2a: {  	_ =	swait.ge [sflag:s3], $0x2800  }
0x2b: {  	s16 =	sadd.s32 $0x1, s16;
	s24 =	rddreg [dreg:$0x7]  }
0x2c: {  	p0 =	sne.s32 s16, s24  }
.Ltmp1:
0x2d: {  	_ = 	snop;
	(pc) =	sbr.rel @!p0 .LBB2_11-.Ltmp1, $3  }
0x2e: {  	_ =	sdelay $0x1  }
0x2f: {  	[sflag:s3] =	ssyncset.done $0x0  }
0x30: {  	[sflag:s3] =	ssyncadd.s32 $0xFFFFD800  }
.LBB2_1:
0x31: {  	s17 =	rddreg [dreg:$0x4]  }
0x32: {  	[tilespmem:s4], [sflag:$0x1] =	stream.linear.gather [hbm4b:s17+s4], $0x50, $0x38;
	[tilespmem:$0x1BB00] =	vst v63  }
0x33: {  	s18 =	simm.s32 $0x200;
	s17 =	simm.s32 $0x0  }
.LBB2_2:
0x34: {  	p0 =	sne.s32 s18, $0x9E00;
	[tilespmem:s17+$0x2B70] =	vst v0  }
0x35: {  	[tilespmem:s17+$0x2B00] =	vst v0  }
0x36: {  	[tilespmem:s17+$0x2B10] =	vst v0  }
.Ltmp2:
0x37: {  	[tilespmem:s17+$0x2B20] =	vst v0;
	(pc) =	sbr.rel @p0 .LBB2_2-.Ltmp2, $4  }
0x38: {  	[tilespmem:s17+$0x2B30] =	vst v0  }
0x39: {  	[tilespmem:s17+$0x2B40] =	vst v0  }
0x3a: {  	[tilespmem:s17+$0x2B50] =	vst v0  }
0x3b: {  	[tilespmem:s17+$0x2B60] =	vst v0;
	s17 =	sshra.s32 s18, $0x2;
	s18 =	sadd.s32 $0x200, s18  }
0x3c: {  	[tilespmem:s17+$0x2B70] =	vst v0  }
0x3d: {  	[tilespmem:s17+$0x2B00] =	vst v0  }
0x3e: {  	[tilespmem:s17+$0x2B10] =	vst v0  }
0x3f: {  	[tilespmem:s17+$0x2B20] =	vst v0  }
0x40: {  	[tilespmem:s17+$0x2B30] =	vst v0  }
0x41: {  	[tilespmem:s17+$0x2B40] =	vst v0  }
0x42: {  	[tilespmem:s17+$0x2B50] =	vst v0  }
0x43: {  	[tilespmem:s17+$0x2B60] =	vst v0  }
0x44: {  	[spmem:s11] =	stream.linear.scatter [tilespmem:s20], [sflag:$0xA], $0x2800, $0x38;
	[tilespmem:$0x1BB00] =	vst v63  }
0x45: {  	s19 =	rddreg [dreg:$0x8]  }
0x46: {  	[spmem:s19] =	stream.linear.scatter [tilespmem:s20], [sflag:$0xA], $0x2800, $0x38;
	[tilespmem:$0x1BB00] =	vst v63  }
0x47: {  	s24 =	rddreg [dreg:$0x9]  }
0x48: {  	[spmem:s24] =	stream.linear.scatter [tilespmem:s20], [sflag:$0xA], $0x2800, $0x38;
	[tilespmem:$0x1BB00] =	vst v63  }
0x49: {  	s18 =	rddreg [dreg:$0xa]  }
0x4a: {  	[spmem:s18] =	stream.linear.scatter [tilespmem:s20], [sflag:$0xA], $0x2800, $0x38;
	[tilespmem:$0x1BB00] =	vst v63  }
0x4b: {  	s19 =	rddreg [dreg:$0xb]  }
0x4c: {  	[spmem:s19] =	stream.linear.scatter [tilespmem:s20], [sflag:$0xA], $0x2800, $0x38;
	[tilespmem:$0x1BB00] =	vst v63  }
0x4d: {  	s24 =	rddreg [dreg:$0xc]  }
0x4e: {  	[spmem:s24] =	stream.linear.scatter [tilespmem:s20], [sflag:$0xA], $0x2800, $0x38;
	[tilespmem:$0x1BB00] =	vst v63  }
0x4f: {  	s18 =	rddreg [dreg:$0xd]  }
0x50: {  	[spmem:s18] =	stream.linear.scatter [tilespmem:s20], [sflag:$0xA], $0x2800, $0x38;
	[tilespmem:$0x1BB00] =	vst v63  }
0x51: {  	s19 =	rddreg [dreg:$0xe]  }
0x52: {  	[spmem:s19] =	stream.linear.scatter [tilespmem:s20], [sflag:$0xA], $0x2800, $0x38;
	[tilespmem:$0x1BB00] =	vst v63  }
0x53: {  	_ =	swait.ge [sflag:s21], $0x2800  }
0x54: {  	[sflag:s21] =	ssyncset.done $0x0  }
0x55: {  	[sflag:s21] =	ssyncadd.s32 $0xFFFFD800  }
0x56: {  	_ =	swait.ge [sflag:s21], $0x2800  }
0x57: {  	[sflag:s21] =	ssyncset.done $0x0  }
0x58: {  	[sflag:s21] =	ssyncadd.s32 $0xFFFFD800  }
0x59: {  	_ =	swait.ge [sflag:s21], $0x2800  }
0x5a: {  	[sflag:s21] =	ssyncset.done $0x0  }
0x5b: {  	[sflag:s21] =	ssyncadd.s32 $0xFFFFD800  }
0x5c: {  	_ =	swait.ge [sflag:s21], $0x2800  }
0x5d: {  	[sflag:s21] =	ssyncset.done $0x0  }
0x5e: {  	[sflag:s21] =	ssyncadd.s32 $0xFFFFD800  }
0x5f: {  	_ =	swait.ge [sflag:s21], $0x2800  }
0x60: {  	[sflag:s21] =	ssyncset.done $0x0  }
0x61: {  	[sflag:s21] =	ssyncadd.s32 $0xFFFFD800  }
0x62: {  	_ =	swait.ge [sflag:s21], $0x2800  }
0x63: {  	[sflag:s21] =	ssyncset.done $0x0  }
0x64: {  	[sflag:s21] =	ssyncadd.s32 $0xFFFFD800  }
0x65: {  	_ =	swait.ge [sflag:s21], $0x2800  }
0x66: {  	[sflag:s21] =	ssyncset.done $0x0  }
0x67: {  	[sflag:s21] =	ssyncadd.s32 $0xFFFFD800  }
0x68: {  	_ =	swait.ge [sflag:s21], $0x2800  }
0x69: {  	[sflag:s21] =	ssyncset.done $0x0  }
0x6a: {  	[sflag:s21] =	ssyncadd.s32 $0xFFFFD800  }
0x6b: {  	_ =	swait.ge [sflag:s22], $0x50  }
0x6c: {  	[sflag:s22] =	ssyncset.done $0x0  }
0x6d: {  	s17 =	simm.s32 $0x0;
	s18 =	rddreg [dreg:$0x5];
	[sflag:s22] =	ssyncadd.s32 $0xFFFFFFB0  }
0x6e: {  	[tilespmem:s23], [sflag:$0x4] =	stream.linear.gather [hbm4b:s18+s17], $0x2800, $0x38;
	[tilespmem:$0x1BB00] =	vst v63  }
.Ltmp3:
0x6f: {  	_ = 	snop;
	(pc) =	sbr.rel .LBB2_4-.Ltmp3, $3  }
0x70: {  	s24 =	rddreg [dreg:$0x6]  }
0x71: {  	[tilespmem:s25], [sflag:$0x2] =	stream.linear.gather [hbm4b:s24+s17], $0x50, $0x38;
	[tilespmem:$0x1BB00] =	vst v63  }
0x72: {  	[bflag:$0x0] =	sbarrier.arrive $0xFFFF;
	_ =	sdelay $0x1  }
.LBB2_8:
0x73: {  	_ =	swait.ge [sflag:s22], $0x50  }
0x74: {  	[sflag:s22] =	ssyncset.done $0x0  }
0x75: {  	[sflag:s22] =	ssyncadd.s32 $0xFFFFFFB0  }
0x76: {  	_ =	swait.ge [sflag:s26], $0x2800  }
0x77: {  	s19 =	sshll.u32 s19, $0x4;
	[sflag:s26] =	ssyncset.done $0x0  }
0x78: {  	s19 =	sadd.s32 s5, s19;
	[sflag:s26] =	ssyncadd.s32 $0xFFFFD800  }
0x79: {  	[tilespmem:s23], [sflag:$0x4] =	stream.linear.gather [hbm4b:s19+s4], $0x2800, $0x38;
	[tilespmem:$0x1BB00] =	vst v63  }
0x7a: {  	_ =	swait.ge [sflag:s28], $0x2800  }
0x7b: {  	[sflag:s28] =	ssyncset.done $0x0  }
0x7c: {  	[sflag:s28] =	ssyncadd.s32 $0xFFFFD800  }
0x7d: {  	v1 =	vld [tilespmem:$0x100]  }
0x7e: {  	v2 =	vld [tilespmem:$0x110]  }
0x7f: {  	v3 =	vld [tilespmem:$0x120]  }
0x80: {  	v4 =	vld [tilespmem:$0x130]  }
0x81: {  	v5 =	vld [tilespmem:$0x140]  }
0x82: {  	[tilespmem:$0x280] =	vst v1  }
0x83: {  	s18 =	smul.u32 $0x50, s18;
	[tilespmem:$0x290] =	vst v2  }
0x84: {  	[tilespmem:$0x2A0] =	vst v3  }
0x85: {  	s18 =	sadd.s32 s18, s10;
	[tilespmem:$0x2B0] =	vst v4  }
0x86: {  	s18 =	sshrl.u32 s18, $0x3;
	[tilespmem:$0x2C0] =	vst v5  }
0x87: {  	[spmem:s2] =	stream.indirect.scatter.add.f32 [tilespmem:s31], [sflag:$0x9], $0x80, s30, s29, $0xb8;
	[tilespmem:$0x1BB00] =	vst v63  }
0x88: {  	s18 =	sadd.s32 s1, s18  }
0x89: {  	[tilespmem:s25], [sflag:$0x2] =	stream.linear.gather [hbm4b:s18+s4], $0x50, $0x38;
	[tilespmem:$0x1BB00] =	vst v63  }
.LBB2_9:
0x8a: {  	s17 =	sadd.s32 $0x1, s17  }
0x8b: {  	p0 =	sne.s32 s17, $0x7D  }
.Ltmp4:
0x8c: {  	_ = 	snop;
	(pc) =	sbr.rel @!p0 .LBB2_10-.Ltmp4, $1  }
0x8d: {  	_ =	sdelay $0x3  }
.LBB2_4:
0x8e: {  	s18 =	smul.u32 $0xAB, s17;
	_ =	sdelay $0x1  }
0x8f: {  	s18 =	sshrl.u32 s18, $0x9  }
0x90: {  	s18 =	sand.u32 $0x7F, s18  }
0x91: {  	s18 =	smul.u32 $0x3, s18;
	_ =	sdelay $0x1  }
0x92: {  	s18 =	ssub.s32 s17, s18  }
0x93: {  	s24 =	sand.u32 $0xFF, s18  }
0x94: {  	p0 =	seq.s32 s24, $0x2  }
.Ltmp5:
0x95: {  	_ = 	snop;
	(pc) =	sbr.rel @p0 .LBB2_8-.Ltmp5, $3  }
0x96: {  	s19 =	smin.u32 s17, $0x7B  }
0x97: {  	s19 =	smul.u32 $0x50, s19;
	_ =	sdelay $0x1  }
0x98: {  	s19 =	sadd.s32 s19, s6;
	s18 =	smin.u32 s17, $0x7A  }
0x99: {  	p0 =	seq.s32 s24, $0x1  }
.Ltmp6:
0x9a: {  	_ = 	snop;
	(pc) =	sbr.rel @!p0 .LBB2_6-.Ltmp6, $1  }
0x9b: {  	_ =	sdelay $0x3  }
0x9c: {  	_ =	swait.ge [sflag:s7], $0x50  }
0x9d: {  	p0 =	slt.u32 s17, $0x2;
	[sflag:s7] =	ssyncset.done $0x0  }
0x9e: {  	s24 =	simm.s32 @!p0 $0x9;
	[sflag:s7] =	ssyncadd.s32 $0xFFFFFFB0  }
0x9f: {  	_ =	swait.ge @!p0 [sflag:s24], $0x2800  }
0xa0: {  	s19 =	sshll.u32 s19, $0x4;
	[sflag:s24] =	ssyncset.done @!p0 $0x0  }
0xa1: {  	s19 =	sadd.s32 s5, s19;
	[sflag:s24] =	ssyncadd.s32 @!p0 $0xFFFFD800  }
0xa2: {  	[tilespmem:s31], [sflag:$0x6] =	stream.linear.gather [hbm4b:s19+s4], $0x2800, $0x38;
	[tilespmem:$0x1BB00] =	vst v63  }
0xa3: {  	_ =	swait.ge [sflag:s8], $0x2800  }
0xa4: {  	[sflag:s8] =	ssyncset.done $0x0  }
0xa5: {  	[sflag:s8] =	ssyncadd.s32 $0xFFFFD800  }
0xa6: {  	v1 =	vld [tilespmem:$0x80]  }
0xa7: {  	v2 =	vld [tilespmem:$0x90]  }
0xa8: {  	v3 =	vld [tilespmem:$0xA0]  }
0xa9: {  	v4 =	vld [tilespmem:$0xB0]  }
0xaa: {  	v5 =	vld [tilespmem:$0xC0]  }
0xab: {  	[tilespmem:$0x200] =	vst v1  }
0xac: {  	s18 =	smul.u32 $0x50, s18;
	[tilespmem:$0x210] =	vst v2  }
0xad: {  	[tilespmem:$0x220] =	vst v3  }
.Ltmp7:
0xae: {  	s18 =	sadd.s32 s18, s10;
	[tilespmem:$0x230] =	vst v4;
	(pc) =	sbr.rel .LBB2_9-.Ltmp7, $4  }
0xaf: {  	s18 =	sshrl.u32 s18, $0x3;
	[tilespmem:$0x240] =	vst v5  }
0xb0: {  	[spmem:s2] =	stream.indirect.scatter.add.f32 [tilespmem:s20], [sflag:$0x8], $0x80, s9, s29, $0xb8;
	[tilespmem:$0x1BB00] =	vst v63  }
0xb1: {  	s18 =	sadd.s32 s1, s18  }
0xb2: {  	[tilespmem:s4], [sflag:$0x1] =	stream.linear.gather [hbm4b:s18+s4], $0x50, $0x38;
	[tilespmem:$0x1BB00] =	vst v63  }
.LBB2_6:
0xb3: {  	_ =	swait.ge [sflag:s12], $0x50  }
0xb4: {  	p0 =	slt.u32 s17, $0x2;
	[sflag:s12] =	ssyncset.done $0x0  }
0xb5: {  	s24 =	simm.s32 @!p0 $0x8;
	[sflag:s12] =	ssyncadd.s32 $0xFFFFFFB0  }
0xb6: {  	_ =	swait.ge @!p0 [sflag:s24], $0x2800  }
0xb7: {  	s19 =	sshll.u32 s19, $0x4;
	[sflag:s24] =	ssyncset.done @!p0 $0x0  }
0xb8: {  	s19 =	sadd.s32 s5, s19;
	[sflag:s24] =	ssyncadd.s32 @!p0 $0xFFFFD800  }
0xb9: {  	[tilespmem:s20], [sflag:$0x5] =	stream.linear.gather [hbm4b:s19+s4], $0x2800, $0x38;
	[tilespmem:$0x1BB00] =	vst v63  }
0xba: {  	_ =	swait.ge [sflag:s13], $0x2800  }
0xbb: {  	[sflag:s13] =	ssyncset.done $0x0  }
0xbc: {  	[sflag:s13] =	ssyncadd.s32 $0xFFFFD800  }
0xbd: {  	v1 =	vld [tilespmem:$0x0]  }
0xbe: {  	v2 =	vld [tilespmem:$0x10]  }
0xbf: {  	v3 =	vld [tilespmem:$0x20]  }
0xc0: {  	v4 =	vld [tilespmem:$0x30]  }
0xc1: {  	v5 =	vld [tilespmem:$0x40]  }
0xc2: {  	[tilespmem:$0x180] =	vst v1  }
0xc3: {  	s18 =	smul.u32 $0x50, s18;
	[tilespmem:$0x190] =	vst v2  }
0xc4: {  	[tilespmem:$0x1A0] =	vst v3  }
.Ltmp8:
0xc5: {  	s18 =	sadd.s32 s18, s10;
	[tilespmem:$0x1B0] =	vst v4;
	(pc) =	sbr.rel .LBB2_9-.Ltmp8, $4  }
0xc6: {  	s18 =	sshrl.u32 s18, $0x3;
	[tilespmem:$0x1C0] =	vst v5  }
0xc7: {  	[spmem:s2] =	stream.indirect.scatter.add.f32 [tilespmem:s23], [sflag:$0x7], $0x80, s14, s29, $0xb8;
	[tilespmem:$0x1BB00] =	vst v63  }
0xc8: {  	s18 =	sadd.s32 s1, s18  }
0xc9: {  	[tilespmem:s15], [sflag:$0x3] =	stream.linear.gather [hbm4b:s18+s4], $0x50, $0x38;
	[tilespmem:$0x1BB00] =	vst v63  }
.LBB2_11:
0xca: {  	_ =	sfence.sel $0x180000  }
0xcb: {  	[bflag:$0x0] =	sbarrier.arrive $0xFFFF  }
0xcc: {  	_ =	strace $0x90000047  }
0xcd: {  	s0 =	stileid.u32;
	[bflag:$0x2] =	sbarrier.arrive $0xFFFF  }
0xce: {  	p0 =	sne.s32 s0, $0x0;
	s0 =	rddreg [dreg:$0x3]  }
0xcf: {  	s0 =	sadd.s32 @!p0 $0x100000, s0  }
0xd0: {  	[sflag:s0] =	ssyncadd.tile.s32 @!p0 $0x1;
	_ =	shalt  }
.Lfunc_end2:
_tile_overlayer_lowered:
.L_overlay_start_2:
0xd1: {  	(tag) =	ssettag $0x2  }
0xd2: {  	s0 =	rddreg [dreg:$0x0];
	s2 =	stileid.u32  }
0xd3: {  	s1 =	rddreg [dreg:$0x1];
	p0 =	sne.s32 s2, $0x0  }
0xd4: {  	s3 =	rddreg [dreg:$0x2];
	[bflag:$0x3] =	sbarrier.arrive $0xFFFF;
	s2 =	simm.s32 @!p0 $0x1C0B  }
0xd5: {  	[timem:s3], [sflag:s2] =	dma.local @!p0 [hbm:s0], s1  }
0xd6: {  	s0 =	simm.s32 @!p0 $0xB  }
0xd7: {  	_ =	swait.ge @!p0 [sflag:s0], s1  }
0xd8: {  	s1 =	ssub.s32 @!p0 $0x0, s1;
	[sflag:s0] =	ssyncset.done @!p0 $0x0  }
0xd9: {  	[sflag:s0] =	ssyncadd.s32 @!p0 s1  }
0xda: {  	[bflag:$0x3] =	sbarrier.arrive $0xFFFF  }
0xdb: {  	_ =	shalt  }

// kernel: kernel.14.cloned.1.call-start
scs
__scs_entry_jumppad:
0x0: {  	(pc) =	sbr.rel $0x88, $3  }
0x1: {  	(tag) =	ssettag $0x0;
	lr =	simm.s32 $0x1  }
0x2: {  	[smem:$0x3F8B] =	sst lr;
	_ =	strace $0xD0000000  }
0x3: {  	_ = 	snop  }
0x4: {  	_ = 	snop  }
0x5: {  	_ = 	snop  }
0x6: {  	_ = 	snop  }
0x7: {  	_ = 	snop  }
__scs_overlays_trampoline_lowered:
0x8: {  	[smem:$0x3F9A] =	sst s0  }
0x9: {  	[smem:$0x3F9B] =	sst s1  }
0xa: {  	[smem:$0x3F9C] =	sst s2  }
0xb: {  	[smem:$0x3F9D] =	sst s3  }
0xc: {  	[smem:$0x3F9E] =	sst s4  }
0xd: {  	[smem:$0x3F9F] =	sst s5  }
0xe: {  	[smem:$0x3FA0] =	sst s6  }
0xf: {  	[smem:$0x3FA1] =	sst s7  }
0x10: {  	[smem:$0x3FA2] =	sst s8  }
0x11: {  	[smem:$0x3FA3] =	sst s9;
	s0 =	simm.s32 @!p0 $0x0  }
0x12: {  	s1 =	sld [smem:$0x3F89];
	s0 =	simm.s32 @p0 $0x1  }
0x13: {  	[smem:$0x3FA4] =	sst s0;
	s0 =	simm.s32 @!p1 $0x0  }
0x14: {  	s2 =	sld [smem:$0x3F88];
	s0 =	simm.s32 @p1 $0x1  }
0x15: {  	[smem:$0x3FA5] =	sst s0;
	s0 =	simm.s32 @!p2 $0x0  }
0x16: {  	s3 =	sld [smem:$0x3FDB];
	s0 =	simm.s32 @p2 $0x1  }
0x17: {  	s4 =	simm.s32 $0x1BF5;
	[smem:$0x3FA7] =	sst s0  }
0x18: {  	s0 =	sld [smem:$0x3F8A];
	_ =	swait.ge [sflag:s4], $0x0  }
0x19: {  	s7 =	sld [smem:$0x3F8B]  }
0x1a: {  	s8 =	sadd.s32 $0xFFFFE003, lr  }
0x1b: {  	s9 =	sadd.s32 $0xFFFFFEF7, lr;
	s5 =	simm.s32 $0xFFFFFFFF;
	p2 =	slt.u32 s8, $0xFFFFF086  }
0x1c: {  	p1 =	slt.u32 s9, $0xF7A;
	s5 =	simm.s32 @!p2 $0x0  }
0x1d: {  	s5 =	simm.s32 @p1 $0x1;
	p0 =	seq.s32 s7, s2  }
0x1e: {  	s7 =	smul.u32 @!p0 $0xF7A, s2;
	p2 =	seq.s32 @!p0 s5, $0x0  }
0x1f: {  	s9 =	smul.u32 $0xF7A, s1;
	s8 =	simm.s32 @!p0 $0x1BF5;
	p2 =	por !p2, p0  }
0x20: {  	[sflag:s8] =	ssyncset.s32 @!p0 $0xFFFFF086;
	s6 =	sadd.s32 @!p0 s3, s7;
	s7 =	simm.s32 @!p0 $0x108  }
0x21: {  	s3 =	sadd.s32 s3, s9;
	s6 =	sadd.s32 @!p0 $0x88, s6;
	s7 =	simm.s32 @p2 $0x1082  }
0x22: {  	[simem:s7], [sflag:s8] =	dma.local @!p0 [hbm:s6], $0xF7A  }
0x23: {  	s9 =	sor.u32 $0xD0000000, s2;
	s6 =	simm.s32 $0x108;
	_ =	swait.ge @!p0 [sflag:s8], $0x0  }
0x24: {  	s3 =	sadd.s32 $0x88, s3;
	s6 =	simm.s32 @!p1 $0x1082;
	[sflag:s4] =	ssyncset.s32 $0xFFFFF086  }
0x25: {  	[simem:s6], [sflag:s4] =	dma.local [hbm:s3], $0xF7A  }
0x26: {  	[smem:$0x3F8B] =	sst s1;
	(tag) =	ssettag s2;
	_ =	strace s9  }
0x27: {  	s1 =	sld [smem:$0x3F9B]  }
0x28: {  	s2 =	sld [smem:$0x3F9C]  }
0x29: {  	s4 =	sld [smem:$0x3F9E]  }
0x2a: {  	p0 =	seq.s32 s5, $0x0;
	s5 =	sld [smem:$0x3F9F]  }
0x2b: {  	s6 =	sld [smem:$0x3FA0]  }
0x2c: {  	s7 =	sld [smem:$0x3FA1]  }
0x2d: {  	s3 =	simm.s32 $0x108;
	s8 =	sld [smem:$0x3FA2]  }
0x2e: {  	s3 =	simm.s32 @!p0 $0x1082;
	s9 =	sld [smem:$0x3FA3]  }
0x2f: {  	lr =	sadd.s32 s0, s3;
	s0 =	sld [smem:$0x3F9A]  }
0x30: {  	s3 =	sld [smem:$0x3F9D]  }
0x31: {  	[smem:$0x3FA6] =	sst s10  }
0x32: {  	s10 =	sld [smem:$0x3FA4];
	_ =	sdelay $0x3  }
0x33: {  	p0 =	seq.s32 s10, $0x1;
	s10 =	sld [smem:$0x3FA6];
	_ =	sdelay $0x3  }
0x34: {  	[smem:$0x3FA6] =	sst s10  }
0x35: {  	s10 =	sld [smem:$0x3FA5];
	_ =	sdelay $0x3  }
0x36: {  	p1 =	seq.s32 s10, $0x1;
	s10 =	sld [smem:$0x3FA6];
	_ =	sdelay $0x3  }
0x37: {  	[smem:$0x3FA6] =	sst s10  }
0x38: {  	s10 =	sld [smem:$0x3FA7]  }
0x39: {  	_ = 	snop;
	(pc) =	sbr.ind lr, $3  }
0x3a: {  	_ = 	snop  }
0x3b: {  	_ = 	snop  }
0x3c: {  	p2 =	seq.s32 s10, $0x1;
	s10 =	sld [smem:$0x3FA6]  }
0x3d: {  	_ =	shalt  }
0x3e: {  	_ =	shalt  }
0x3f: {  	_ =	shalt  }
0x40: {  	_ =	shalt  }
0x41: {  	_ =	shalt  }
0x42: {  	_ =	shalt  }
0x43: {  	_ =	shalt  }
0x44: {  	_ =	shalt  }
0x45: {  	_ =	shalt  }
0x46: {  	_ =	shalt  }
0x47: {  	_ =	shalt  }
0x48: {  	_ =	shalt  }
0x49: {  	_ =	shalt  }
0x4a: {  	_ =	shalt  }
0x4b: {  	_ =	shalt  }
0x4c: {  	_ =	shalt  }
0x4d: {  	_ =	shalt  }
0x4e: {  	_ =	shalt  }
0x4f: {  	_ =	shalt  }
0x50: {  	_ =	shalt  }
0x51: {  	_ =	shalt  }
0x52: {  	_ =	shalt  }
0x53: {  	_ =	shalt  }
0x54: {  	_ =	shalt  }
0x55: {  	_ =	shalt  }
0x56: {  	_ =	shalt  }
0x57: {  	_ =	shalt  }
0x58: {  	_ =	shalt  }
0x59: {  	_ =	shalt  }
0x5a: {  	_ =	shalt  }
0x5b: {  	_ =	shalt  }
0x5c: {  	_ =	shalt  }
0x5d: {  	_ =	shalt  }
0x5e: {  	_ =	shalt  }
0x5f: {  	_ =	shalt  }
0x60: {  	_ =	shalt  }
0x61: {  	_ =	shalt  }
0x62: {  	_ =	shalt  }
0x63: {  	_ =	shalt  }
0x64: {  	_ =	shalt  }
0x65: {  	_ =	shalt  }
0x66: {  	_ =	shalt  }
0x67: {  	_ =	shalt  }
0x68: {  	_ =	shalt  }
0x69: {  	_ =	shalt  }
0x6a: {  	_ =	shalt  }
0x6b: {  	_ =	shalt  }
0x6c: {  	_ =	shalt  }
0x6d: {  	_ =	shalt  }
0x6e: {  	_ =	shalt  }
0x6f: {  	_ =	shalt  }
0x70: {  	_ =	shalt  }
0x71: {  	_ =	shalt  }
0x72: {  	_ =	shalt  }
0x73: {  	_ =	shalt  }
0x74: {  	_ =	shalt  }
0x75: {  	_ =	shalt  }
0x76: {  	_ =	shalt  }
0x77: {  	_ =	shalt  }
0x78: {  	_ =	shalt  }
0x79: {  	_ =	shalt  }
0x7a: {  	_ =	shalt  }
0x7b: {  	_ =	shalt  }
0x7c: {  	_ =	shalt  }
0x7d: {  	_ =	shalt  }
0x7e: {  	_ =	shalt  }
0x7f: {  	_ =	shalt  }
0x80: {  	_ =	shalt  }
0x81: {  	_ =	shalt  }
0x82: {  	_ =	shalt  }
0x83: {  	_ =	shalt  }
0x84: {  	_ =	shalt  }
0x85: {  	_ =	shalt  }
0x86: {  	_ =	shalt  }
0x87: {  	_ =	shalt  }
.Lfunc_end0:
.L_simem_size_0:
called_computation.1_lowered:
.L_overlay_start_0:
0x88: {  	s2 =	sld [smem:$0x3FD9]  }
0x89: {  	s3 =	sld [smem:$0x3FFE];
	_ =	sdelay $0x1  }
0x8a: {  	s1 =	srdreg.scid  }
0x8b: {  	s0 =	sand.u32 $0x1, s1  }
0x8c: {  	s15 =	sshll.u32 s0, $0xA;
	s2 =	sadd.s32 s3, s2  }
0x8d: {  	s2 =	sadd.s32 s2, s15  }
0x8e: {  	[smem:$0x3FB2] =	sst s2  }
0x8f: {  	_ = 	snop  }
0x90: {  	s2 =	sld [smem:$0x3FD0];
	_ =	sdelay $0x2  }
0x91: {  	s16 =	simm.s32 $0xB;
	s4 =	simm.s32 $0x10  }
0x92: {  	[smem:s4], [sflag:s16] =	dma.local [hbm:s2], $0x1  }
0x93: {  	_ =	swait.eq [sflag:s16], $0x1  }
0x94: {  	[sflag:s16] =	ssyncset.done $0x0  }
0x95: {  	[sflag:s16] =	ssyncadd.s32 $0xFFFFFFFF  }
0x96: {  	s17 =	sld [smem:$0x10];
	(tm) =	ssettm $0x1  }
0x97: {  	s18 =	sld [smem:$0x3FFB];
	_ =	sdelay $0x3  }
0x98: {  	_ =	strace s18  }
0x99: {  	s2 =	sld [smem:$0x3FFC];
	_ =	sdelay $0x3  }
0x9a: {  	_ =	strace s2  }
0x9b: {  	s2 =	sld [smem:$0x3FFD];
	_ =	sdelay $0x3  }
0x9c: {  	_ =	strace s2  }
0x9d: {  	_ =	strace $0x8FFFFFFF  }
0x9e: {  	s19 =	sld [smem:$0x3FDB];
	_ =	sdelay $0x1  }
0x9f: {  	s20 =	simm.s32 $_scs_section_size  }
0xa0: {  	s5 =	simm.s32 $_size__tile_overlayer_lowered;
	s6 =	simm.s32 $_tile_overlayer_lowered  }
0xa1: {  	s7 =	simm.s32 $0x1BFF;
	s21 =	sshll.u32 s6, $0x1;
	s4 =	sadd.s32 s20, s19  }
0xa2: {  	s22 =	simm.s32 $0x0;
	s5 =	sshll.u32 s5, $0x1;
	s6 =	sadd.s32 s21, s4  }
0xa3: {  	[timem:s22], [sflag:s7] =	dma.local [hbm:s6], s5  }
0xa4: {  	_ =	swait.ge [sflag:s7], s5  }
0xa5: {  	s5 =	ssub.s32 $0x0, s5;
	[sflag:s7] =	ssyncset.done $0x0  }
0xa6: {  	[sflag:s7] =	ssyncadd.s32 s5;
	_ =	sdelay $0x1  }
0xa7: {  	s23 =	simm.s32 $0x1B8B  }
0xa8: {  	_ =	swait.ge [sflag:s23], $0x1  }
0xa9: {  	[sflag:s23] =	ssyncset.done $0x0  }
0xaa: {  	[sflag:s23] =	ssyncadd.s32 $0xFFFFFFFF  }
0xab: {  	s5 =	sld [smem:$0x0]  }
0xac: {  	s6 =	sand.u32 $0xFFFFFFFE, s1  }
0xad: {  	p0 =	sne.s32 s1, s6  }
0xae: {  	s6 =	sshll.u32 @p0 s6, $0xE  }
0xaf: {  	s6 =	sadd.s32 @p0 $0x11B8D, s6;
	s7 =	sshll.u32 @p0 s5, $0x11  }
0xb0: {  	s6 =	sor.u32 @p0 s7, s6  }
0xb1: {  	[sflag:s6] =	ssyncadd.remote.s32 @p0 $0x1;
	_ =	sdelay $0x1  }
0xb2: {  	s6 =	simm.s32 @p0 $0x1B8D  }
0xb3: {  	_ =	swait.eq @p0 [sflag:s6], $0x1  }
0xb4: {  	[sflag:s6] =	ssyncadd.s32 @p0 $0xFFFFFFFF  }
0xb5: {  	s7 =	sshll.u32 @!p0 s1, $0xE  }
0xb6: {  	s7 =	sor.u32 @!p0 $0x4000, s7;
	s6 =	simm.s32 @!p0 $0x1B8D  }
0xb7: {  	s5 =	sshll.u32 @!p0 s5, $0x11;
	s7 =	sadd.s32 @!p0 $0x11B8D, s7;
	_ =	swait.eq @!p0 [sflag:s6], $0x1  }
0xb8: {  	s5 =	sor.u32 @!p0 s5, s7;
	[sflag:s6] =	ssyncadd.s32 @!p0 $0xFFFFFFFF  }
0xb9: {  	s25 =	simm.s32 $0x1B8E;
	s24 =	sld [smem:$0x3FFE];
	[sflag:s5] =	ssyncadd.remote.s32 @!p0 $0x1  }
0xba: {  	s26 =	simm.s32 $execute0_lowered;
	[smem:$0x3FD2] =	sst s25  }
0xbb: {  	s6 =	sshll.u32 s26, $0x1;
	_ =	strace $0x80000049;
	[dreg:$0x1] =	wrdreg $0xFFFFFFFF  }
0xbc: {  	s28 =	simm.s32 $_size_execute0_lowered;
	s4 =	sadd.s32 s4, s6;
	[dreg:$0x0] =	wrdreg $0x0  }
0xbd: {  	s6 =	sshll.u32 s28, $0x1;
	[dreg:$0x2] =	wrdreg s4  }
0xbe: {  	[dreg:$0x3] =	wrdreg s6  }
0xbf: {  	[dreg:$0x4] =	wrdreg $0xC0  }
0xc0: {  	_ =	task [dreg:s22], $0x5FFFF  }
0xc1: {  	[dreg:$0x1] =	wrdreg $0xFFFFFFFF  }
0xc2: {  	[dreg:$0x0] =	wrdreg $0x60  }
0xc3: {  	[dreg:$0x2] =	wrdreg s24  }
0xc4: {  	[dreg:$0x3] =	wrdreg s17  }
0xc5: {  	[dreg:$0x4] =	wrdreg $0x7C800  }
0xc6: {  	[dreg:$0x5] =	wrdreg $0xA  }
0xc7: {  	_ =	task.clear_ibuf [dreg:s22], $0x6FFFF;
	_ =	strace $0x90000049  }
0xc8: {  	s29 =	simm.s32 $0xA;
	_ =	strace $0x8000004B  }
0xc9: {  	_ =	swait.ge [sflag:s29], $0x1  }
0xca: {  	[sflag:s29] =	ssyncadd.s32 $0xFFFFFFFF  }
0xcb: {  	_ =	strace $0x9000004B  }
0xcc: {  	_ =	sfence  }
0xcd: {  	s30 =	sld [smem:$0x0];
	_ =	sdelay $0x2  }
0xce: {  	s31 =	sshll.u32 s1, $0xD;
	s1 =	sshrl.u32 s1, $0x2  }
0xcf: {  	s4 =	sand.u32 $0x4000, s31;
	s1 =	sadd.s32 s1, s30  }
0xd0: {  	s0 =	sor.u32 s4, s0;
	s1 =	sshll.u32 s1, $0x11  }
0xd1: {  	s0 =	sor.u32 s1, s0  }
0xd2: {  	s0 =	sadd.s32 $0x8F2B, s0  }
0xd3: {  	[sflag:s0] =	ssyncadd.remote.s32 $0x1  }
0xd4: {  	_ =	sfence.sel $0xFFFF  }
0xd5: {  	[dreg:$0x0] =	wrdreg $0xFFFFFFFF;
	(pc) =	sbr.abs _section_cstart, $3  }
0xd6: {  	[dreg:$0x1] =	wrdreg $0xFFFFFFFF  }
0xd7: {  	_ =	task.clear_ibuf [dreg:s22], $0x2FFFF;
	_ =	strace $0x9FFFFFFF  }
0xd8: {  	(tm) =	ssettm $0x7FFFFFFF  }
0xd9: {  	_ =	shalt  }
tec
execute0_lowered:
.L_overlay_start_1:
0x0: {  	(tag) =	ssettag $0x1  }
0x1: {  	s0 =	rddreg [dreg:$0x0]  }
0x2: {  	s1 =	rddreg [dreg:$0x1]  }
0x3: {  	s2 =	rddreg [dreg:$0x2]  }
0x4: {  	s3 =	srdreg.scid;
	s4 =	simm.s32 $0x0;
	s10 =	stileid.u32  }
0x5: {  	s28 =	simm.s32 $0x480;
	s29 =	simm.s32 $0x80;
	s30 =	simm.s32 $0x200  }
0x6: {  	s31 =	simm.s32 $0x7;
	s13 =	simm.s32 $0x100;
	s9 =	smul.u32 $0x50000, s10  }
0x7: {  	s3 =	sand.u32 $0x1, s3;
	[smem:$0x7FF] =	sst s4;
	s19 =	smul.u32 $0x2800, s10  }
0x8: {  	s5 =	sshll.u32 s3, $0x4;
	s7 =	smul.u32 $0x28000, s3;
	s3 =	ssub.s32 $0x2, s3  }
0x9: {  	_ =	strace $0x8000004A;
	s6 =	sor.u32 s10, s5;
	s14 =	sshrl.u32 s3, $0x1  }
0xa: {  	s5 =	sadd.s32 $0x4E7A00, s0;
	s18 =	sshrl.u32 s9, $0x2;
	s3 =	ssub.s32 s3, s14  }
0xb: {  	s10 =	simm.s32 $0x3;
	s12 =	sadd.s32 s18, s2;
	s3 =	smax.u32 s3, $0x1  }
0xc: {  	s8 =	smul.u32 $0x2710, s6;
	s20 =	sadd.s32 $0x2800, s12;
	[dreg:$0x8] =	wrdreg s3  }
0xd: {  	s6 =	sadd.s32 $0x5A00, s0;
	s21 =	sadd.s32 $0x5000, s12;
	[dreg:$0x9] =	wrdreg s20  }
0xe: {  	s0 =	sadd.s32 s7, s0;
	s22 =	sadd.s32 $0x7800, s12;
	[dreg:$0xa] =	wrdreg s21  }
0xf: {  	s14 =	simm.s32 $0x5;
	s23 =	sadd.s32 $0xA000, s12;
	[dreg:$0xb] =	wrdreg s22  }
0x10: {  	s18 =	simm.s32 $0x300;
	s24 =	sadd.s32 $0xC800, s12;
	[dreg:$0xc] =	wrdreg s23  }
0x11: {  	s0 =	sadd.s32 $0x7DA00, s0;
	s25 =	sadd.s32 $0xF000, s12;
	[dreg:$0xd] =	wrdreg s24  }
0x12: {  	s26 =	sadd.s32 $0x11800, s12;
	s15 =	sshrl.u32 s8, $0x3;
	[dreg:$0xe] =	wrdreg s25  }
0x13: {  	[dreg:$0xf] =	wrdreg s26;
	s21 =	simm.s32 $0x180;
	s22 =	simm.s32 $0x2C80  }
0x14: {  	s23 =	simm.s32 $0xA;
	s0 =	sadd.s32 s19, s0;
	s25 =	simm.s32 $0x1  }
0x15: {  	s26 =	simm.s32 $0x50;
	s3 =	simm.s32 $0x400;
	s19 =	simm.s32 $0x280  }
0x16: {  	s20 =	simm.s32 $0x0;
	s11 =	sadd.s32 s5, s15;
	s16 =	sadd.s32 s1, s15  }
.Ltmp0:
0x17: {  	s7 =	sadd.s32 $0xA, s15;
	[dreg:$0x10] =	wrdreg s0;
	(pc) =	sbr.rel .LBB2_1-.Ltmp0, $4  }
0x18: {  	s0 =	simm.s32 $0x6;
	s15 =	simm.s32 $0x380;
	[dreg:$0x4] =	wrdreg s11  }
0x19: {  	[dreg:$0x5] =	wrdreg s16;
	s17 =	sadd.s32 s5, s7;
	s7 =	sadd.s32 s1, s7  }
0x1a: {  	s11 =	sadd.s32 $0xA0, s8;
	s16 =	simm.s32 $0x2;
	[dreg:$0x6] =	wrdreg s17  }
0x1b: {  	v0 =	vimm.f32 $0.0e+00;
	[dreg:$0x7] =	wrdreg s7;
	s7 =	simm.s32 $0x5480;
	s17 =	simm.s32 $0x4  }
.LBB2_10:
0x1c: {  	_ =	swait.ge [sflag:s0], $0x2800  }
0x1d: {  	[sflag:s0] =	ssyncset.done $0x0  }
0x1e: {  	[sflag:s0] =	ssyncadd.s32 $0xFFFFD800  }
0x1f: {  	_ =	swait.ge [sflag:s25], $0x50  }
0x20: {  	[sflag:s25] =	ssyncset.done $0x0  }
0x21: {  	[sflag:s25] =	ssyncadd.s32 $0xFFFFFFB0  }
0x22: {  	_ =	swait.ge [sflag:s25], $0x50  }
0x23: {  	[sflag:s25] =	ssyncset.done $0x0  }
0x24: {  	[sflag:s25] =	ssyncadd.s32 $0xFFFFFFB0  }
0x25: {  	_ =	swait.ge [sflag:s31], $0x2800  }
0x26: {  	[sflag:s31] =	ssyncset.done $0x0  }
0x27: {  	s8 =	simm.s32 $0x8;
	[sflag:s31] =	ssyncadd.s32 $0xFFFFD800  }
0x28: {  	_ =	swait.ge [sflag:s8], $0x2800  }
0x29: {  	[sflag:s8] =	ssyncset.done $0x0  }
0x2a: {  	s9 =	stileid.u32;
	[sflag:s8] =	ssyncadd.s32 $0xFFFFD800  }
0x2b: {  	s8 =	sshll.u32 s9, $0x6;
	[bflag:$0x0] =	sbarrier.arrive $0xFFFF  }
0x2c: {  	s9 =	sshrl.u32 s12, $0x3;
	s8 =	sor.u32 $0x1C0B, s8;
	s24 =	rddreg [dreg:$0x10]  }
0x2d: {  	[hbm:s24], [sflag:s8] =	dma.local [spmem:s9], $0x2800  }
0x2e: {  	s9 =	simm.s32 $0xB  }
0x2f: {  	_ =	swait.ge [sflag:s9], $0x2800  }
0x30: {  	s20 =	sadd.s32 $0x1, s20;
	s24 =	rddreg [dreg:$0x8]  }
0x31: {  	p0 =	sne.s32 s20, s24  }
.Ltmp1:
0x32: {  	_ = 	snop;
	(pc) =	sbr.rel @!p0 .LBB2_11-.Ltmp1, $3  }
0x33: {  	_ =	sdelay $0x1  }
0x34: {  	[sflag:s9] =	ssyncset.done $0x0  }
0x35: {  	[sflag:s9] =	ssyncadd.s32 $0xFFFFD800  }
.LBB2_1:
0x36: {  	s8 =	rddreg [dreg:$0x4]  }
0x37: {  	[tilespmem:s4], [sflag:$0x1] =	stream.linear.gather [hbm4b:s8+s4], $0x50, $0x38;
	[tilespmem:$0x1BC80] =	vst v63  }
0x38: {  	s24 =	rddreg [dreg:$0x5]  }
0x39: {  	[tilespmem:s21], [sflag:$0x1] =	stream.linear.gather [hbm4b:s24+s4], $0x50, $0x38;
	[tilespmem:$0x1BC80] =	vst v63  }
0x3a: {  	s8 =	simm.s32 $0x0;
	s24 =	simm.s32 $0x200  }
.LBB2_2:
0x3b: {  	p0 =	sne.s32 s24, $0x9E00;
	[tilespmem:s8+$0x2CF0] =	vst v0  }
0x3c: {  	[tilespmem:s8+$0x2C80] =	vst v0  }
0x3d: {  	[tilespmem:s8+$0x2C90] =	vst v0  }
.Ltmp2:
0x3e: {  	[tilespmem:s8+$0x2CA0] =	vst v0;
	(pc) =	sbr.rel @p0 .LBB2_2-.Ltmp2, $4  }
0x3f: {  	[tilespmem:s8+$0x2CB0] =	vst v0  }
0x40: {  	[tilespmem:s8+$0x2CC0] =	vst v0  }
0x41: {  	[tilespmem:s8+$0x2CD0] =	vst v0  }
0x42: {  	[tilespmem:s8+$0x2CE0] =	vst v0;
	s8 =	sshra.s32 s24, $0x2;
	s24 =	sadd.s32 $0x200, s24  }
0x43: {  	[tilespmem:s8+$0x2CF0] =	vst v0  }
0x44: {  	[tilespmem:s8+$0x2C80] =	vst v0  }
0x45: {  	[tilespmem:s8+$0x2C90] =	vst v0  }
0x46: {  	[tilespmem:s8+$0x2CA0] =	vst v0  }
0x47: {  	[tilespmem:s8+$0x2CB0] =	vst v0  }
0x48: {  	[tilespmem:s8+$0x2CC0] =	vst v0  }
0x49: {  	[tilespmem:s8+$0x2CD0] =	vst v0  }
0x4a: {  	[tilespmem:s8+$0x2CE0] =	vst v0  }
0x4b: {  	[spmem:s12] =	stream.linear.scatter [tilespmem:s22], [sflag:$0xA], $0x2800, $0x38;
	[tilespmem:$0x1BC80] =	vst v63  }
0x4c: {  	s24 =	rddreg [dreg:$0x9]  }
0x4d: {  	[spmem:s24] =	stream.linear.scatter [tilespmem:s22], [sflag:$0xA], $0x2800, $0x38;
	[tilespmem:$0x1BC80] =	vst v63  }
0x4e: {  	s9 =	rddreg [dreg:$0xa]  }
0x4f: {  	[spmem:s9] =	stream.linear.scatter [tilespmem:s22], [sflag:$0xA], $0x2800, $0x38;
	[tilespmem:$0x1BC80] =	vst v63  }
0x50: {  	s24 =	rddreg [dreg:$0xb]  }
0x51: {  	[spmem:s24] =	stream.linear.scatter [tilespmem:s22], [sflag:$0xA], $0x2800, $0x38;
	[tilespmem:$0x1BC80] =	vst v63  }
0x52: {  	s9 =	rddreg [dreg:$0xc]  }
0x53: {  	[spmem:s9] =	stream.linear.scatter [tilespmem:s22], [sflag:$0xA], $0x2800, $0x38;
	[tilespmem:$0x1BC80] =	vst v63  }
0x54: {  	s24 =	rddreg [dreg:$0xd]  }
0x55: {  	[spmem:s24] =	stream.linear.scatter [tilespmem:s22], [sflag:$0xA], $0x2800, $0x38;
	[tilespmem:$0x1BC80] =	vst v63  }
0x56: {  	s9 =	rddreg [dreg:$0xe]  }
0x57: {  	[spmem:s9] =	stream.linear.scatter [tilespmem:s22], [sflag:$0xA], $0x2800, $0x38;
	[tilespmem:$0x1BC80] =	vst v63  }
0x58: {  	s24 =	rddreg [dreg:$0xf]  }
0x59: {  	[spmem:s24] =	stream.linear.scatter [tilespmem:s22], [sflag:$0xA], $0x2800, $0x38;
	[tilespmem:$0x1BC80] =	vst v63  }
0x5a: {  	_ =	swait.ge [sflag:s23], $0x2800  }
0x5b: {  	[sflag:s23] =	ssyncset.done $0x0  }
0x5c: {  	[sflag:s23] =	ssyncadd.s32 $0xFFFFD800  }
0x5d: {  	_ =	swait.ge [sflag:s23], $0x2800  }
0x5e: {  	[sflag:s23] =	ssyncset.done $0x0  }
0x5f: {  	[sflag:s23] =	ssyncadd.s32 $0xFFFFD800  }
0x60: {  	_ =	swait.ge [sflag:s23], $0x2800  }
0x61: {  	[sflag:s23] =	ssyncset.done $0x0  }
0x62: {  	[sflag:s23] =	ssyncadd.s32 $0xFFFFD800  }
0x63: {  	_ =	swait.ge [sflag:s23], $0x2800  }
0x64: {  	[sflag:s23] =	ssyncset.done $0x0  }
0x65: {  	[sflag:s23] =	ssyncadd.s32 $0xFFFFD800  }
0x66: {  	_ =	swait.ge [sflag:s23], $0x2800  }
0x67: {  	[sflag:s23] =	ssyncset.done $0x0  }
0x68: {  	[sflag:s23] =	ssyncadd.s32 $0xFFFFD800  }
0x69: {  	_ =	swait.ge [sflag:s23], $0x2800  }
0x6a: {  	[sflag:s23] =	ssyncset.done $0x0  }
0x6b: {  	[sflag:s23] =	ssyncadd.s32 $0xFFFFD800  }
0x6c: {  	_ =	swait.ge [sflag:s23], $0x2800  }
0x6d: {  	[sflag:s23] =	ssyncset.done $0x0  }
0x6e: {  	[sflag:s23] =	ssyncadd.s32 $0xFFFFD800  }
0x6f: {  	_ =	swait.ge [sflag:s23], $0x2800  }
0x70: {  	[sflag:s23] =	ssyncset.done $0x0  }
0x71: {  	[sflag:s23] =	ssyncadd.s32 $0xFFFFD800  }
0x72: {  	_ =	swait.ge [sflag:s25], $0x50  }
0x73: {  	[sflag:s25] =	ssyncset.done $0x0  }
0x74: {  	[sflag:s25] =	ssyncadd.s32 $0xFFFFFFB0  }
0x75: {  	_ =	swait.ge [sflag:s25], $0x50  }
0x76: {  	[sflag:s25] =	ssyncset.done $0x0  }
0x77: {  	s24 =	simm.s32 $0x0;
	[sflag:s25] =	ssyncadd.s32 $0xFFFFFFB0  }
0x78: {  	[tilespmem:s28], [sflag:$0x4] =	stream.indirect.gather [hbm4b:s6+s26], $0x80, s24, s26, $0xb8;
	[tilespmem:$0x1BC80] =	vst v63  }
0x79: {  	s9 =	rddreg [dreg:$0x6]  }
0x7a: {  	[tilespmem:s29], [sflag:$0x2] =	stream.linear.gather [hbm4b:s9+s24], $0x50, $0x38;
	[tilespmem:$0x1BC80] =	vst v63  }
.Ltmp3:
0x7b: {  	_ = 	snop;
	(pc) =	sbr.rel .LBB2_4-.Ltmp3, $3  }
0x7c: {  	s9 =	rddreg [dreg:$0x7]  }
0x7d: {  	[tilespmem:s30], [sflag:$0x2] =	stream.linear.gather [hbm4b:s9+s24], $0x50, $0x38;
	[tilespmem:$0x1BC80] =	vst v63  }
0x7e: {  	[bflag:$0x0] =	sbarrier.arrive $0xFFFF;
	_ =	sdelay $0x1  }
.LBB2_8:
0x7f: {  	_ =	swait.ge [sflag:s25], $0x50  }
0x80: {  	[sflag:s25] =	ssyncset.done $0x0  }
0x81: {  	[sflag:s25] =	ssyncadd.s32 $0xFFFFFFB0  }
0x82: {  	_ =	swait.ge [sflag:s25], $0x50  }
0x83: {  	[sflag:s25] =	ssyncset.done $0x0  }
0x84: {  	[sflag:s25] =	ssyncadd.s32 $0xFFFFFFB0  }
0x85: {  	_ =	swait.ge [sflag:s31], $0x2800  }
0x86: {  	[sflag:s31] =	ssyncset.done $0x0  }
0x87: {  	[sflag:s31] =	ssyncadd.s32 $0xFFFFD800  }
0x88: {  	[tilespmem:s28], [sflag:$0x4] =	stream.indirect.gather [hbm4b:s6+s26], $0x80, s4, s26, $0xb8;
	[tilespmem:$0x1BC80] =	vst v63  }
0x89: {  	_ =	swait.ge [sflag:s0], $0x2800  }
0x8a: {  	[sflag:s0] =	ssyncset.done $0x0  }
0x8b: {  	[sflag:s0] =	ssyncadd.s32 $0xFFFFD800  }
0x8c: {  	v1 =	vld [tilespmem:$0x280]  }
0x8d: {  	v2 =	vld [tilespmem:$0x290]  }
0x8e: {  	v3 =	vld [tilespmem:$0x2A0]  }
0x8f: {  	v4 =	vld [tilespmem:$0x2B0]  }
0x90: {  	v5 =	vld [tilespmem:$0x2C0]  }
0x91: {  	[tilespmem:$0x400] =	vst v1  }
0x92: {  	s8 =	smul.u32 $0x50, s8;
	[tilespmem:$0x410] =	vst v2  }
0x93: {  	[tilespmem:$0x420] =	vst v3  }
0x94: {  	s8 =	sadd.s32 s8, s11;
	[tilespmem:$0x430] =	vst v4  }
0x95: {  	s8 =	sshrl.u32 s8, $0x3;
	[tilespmem:$0x440] =	vst v5  }
0x96: {  	[spmem:s2] =	stream.indirect.scatter.add.f32 [tilespmem:s7], [sflag:$0x9], $0x80, s3, s26, $0xb8;
	[tilespmem:$0x1BC80] =	vst v63  }
0x97: {  	s9 =	sadd.s32 s5, s8  }
0x98: {  	[tilespmem:s29], [sflag:$0x2] =	stream.linear.gather [hbm4b:s9+s4], $0x50, $0x38;
	[tilespmem:$0x1BC80] =	vst v63  }
0x99: {  	s8 =	sadd.s32 s1, s8  }
0x9a: {  	[tilespmem:s30], [sflag:$0x2] =	stream.linear.gather [hbm4b:s8+s4], $0x50, $0x38;
	[tilespmem:$0x1BC80] =	vst v63  }
.LBB2_9:
0x9b: {  	s24 =	sadd.s32 $0x1, s24  }
0x9c: {  	p0 =	sne.s32 s24, $0x7D  }
.Ltmp4:
0x9d: {  	_ = 	snop;
	(pc) =	sbr.rel @!p0 .LBB2_10-.Ltmp4, $1  }
0x9e: {  	_ =	sdelay $0x3  }
.LBB2_4:
0x9f: {  	s8 =	smul.u32 $0xAB, s24;
	_ =	sdelay $0x1  }
0xa0: {  	s8 =	sshrl.u32 s8, $0x9  }
0xa1: {  	s8 =	sand.u32 $0x7F, s8  }
0xa2: {  	s8 =	smul.u32 $0x3, s8;
	_ =	sdelay $0x1  }
0xa3: {  	s8 =	ssub.s32 s24, s8  }
0xa4: {  	s9 =	sand.u32 $0xFF, s8  }
0xa5: {  	p0 =	seq.s32 s9, $0x2  }
.Ltmp5:
0xa6: {  	_ = 	snop;
	(pc) =	sbr.rel @p0 .LBB2_8-.Ltmp5, $2  }
0xa7: {  	_ =	sdelay $0x2  }
0xa8: {  	s8 =	smin.u32 s24, $0x7A  }
0xa9: {  	p0 =	seq.s32 s9, $0x1  }
.Ltmp6:
0xaa: {  	_ = 	snop;
	(pc) =	sbr.rel @!p0 .LBB2_6-.Ltmp6, $1  }
0xab: {  	_ =	sdelay $0x3  }
0xac: {  	_ =	swait.ge [sflag:s10], $0x50  }
0xad: {  	[sflag:s10] =	ssyncset.done $0x0  }
0xae: {  	[sflag:s10] =	ssyncadd.s32 $0xFFFFFFB0  }
0xaf: {  	_ =	swait.ge [sflag:s10], $0x50  }
0xb0: {  	p0 =	slt.u32 s24, $0x2;
	[sflag:s10] =	ssyncset.done $0x0  }
0xb1: {  	s9 =	simm.s32 @!p0 $0x9;
	[sflag:s10] =	ssyncadd.s32 $0xFFFFFFB0  }
0xb2: {  	_ =	swait.ge @!p0 [sflag:s9], $0x2800  }
0xb3: {  	[sflag:s9] =	ssyncset.done @!p0 $0x0  }
0xb4: {  	[sflag:s9] =	ssyncadd.s32 @!p0 $0xFFFFD800  }
0xb5: {  	[tilespmem:s7], [sflag:$0x6] =	stream.indirect.gather [hbm4b:s6+s26], $0x80, s13, s26, $0xb8;
	[tilespmem:$0x1BC80] =	vst v63  }
0xb6: {  	_ =	swait.ge [sflag:s14], $0x2800  }
0xb7: {  	[sflag:s14] =	ssyncset.done $0x0  }
0xb8: {  	[sflag:s14] =	ssyncadd.s32 $0xFFFFD800  }
0xb9: {  	v1 =	vld [tilespmem:$0x200]  }
0xba: {  	v2 =	vld [tilespmem:$0x210]  }
0xbb: {  	v3 =	vld [tilespmem:$0x220]  }
0xbc: {  	v4 =	vld [tilespmem:$0x230]  }
0xbd: {  	v5 =	vld [tilespmem:$0x240]  }
0xbe: {  	[tilespmem:$0x380] =	vst v1  }
0xbf: {  	[tilespmem:$0x390] =	vst v2  }
0xc0: {  	s8 =	smul.u32 $0x50, s8;
	[tilespmem:$0x3A0] =	vst v3  }
0xc1: {  	[tilespmem:$0x3B0] =	vst v4  }
0xc2: {  	s8 =	sadd.s32 s8, s11;
	[tilespmem:$0x3C0] =	vst v5  }
0xc3: {  	[spmem:s2] =	stream.indirect.scatter.add.f32 [tilespmem:s22], [sflag:$0x8], $0x80, s15, s26, $0xb8;
	[tilespmem:$0x1BC80] =	vst v63  }
.Ltmp7:
0xc4: {  	s8 =	sshrl.u32 s8, $0x3;
	(pc) =	sbr.rel .LBB2_9-.Ltmp7, $4  }
0xc5: {  	s9 =	sadd.s32 s5, s8  }
0xc6: {  	[tilespmem:s4], [sflag:$0x1] =	stream.linear.gather [hbm4b:s9+s4], $0x50, $0x38;
	[tilespmem:$0x1BC80] =	vst v63  }
0xc7: {  	s8 =	sadd.s32 s1, s8  }
0xc8: {  	[tilespmem:s21], [sflag:$0x1] =	stream.linear.gather [hbm4b:s8+s4], $0x50, $0x38;
	[tilespmem:$0x1BC80] =	vst v63  }
.LBB2_6:
0xc9: {  	_ =	swait.ge [sflag:s16], $0x50  }
0xca: {  	[sflag:s16] =	ssyncset.done $0x0  }
0xcb: {  	[sflag:s16] =	ssyncadd.s32 $0xFFFFFFB0  }
0xcc: {  	_ =	swait.ge [sflag:s16], $0x50  }
0xcd: {  	p0 =	slt.u32 s24, $0x2;
	[sflag:s16] =	ssyncset.done $0x0  }
0xce: {  	s9 =	simm.s32 @!p0 $0x8;
	[sflag:s16] =	ssyncadd.s32 $0xFFFFFFB0  }
0xcf: {  	_ =	swait.ge @!p0 [sflag:s9], $0x2800  }
0xd0: {  	[sflag:s9] =	ssyncset.done @!p0 $0x0  }
0xd1: {  	[sflag:s9] =	ssyncadd.s32 @!p0 $0xFFFFD800  }
0xd2: {  	[tilespmem:s22], [sflag:$0x5] =	stream.indirect.gather [hbm4b:s6+s26], $0x80, s29, s26, $0xb8;
	[tilespmem:$0x1BC80] =	vst v63  }
0xd3: {  	_ =	swait.ge [sflag:s17], $0x2800  }
0xd4: {  	[sflag:s17] =	ssyncset.done $0x0  }
0xd5: {  	[sflag:s17] =	ssyncadd.s32 $0xFFFFD800  }
0xd6: {  	v1 =	vld [tilespmem:$0x180]  }
0xd7: {  	v2 =	vld [tilespmem:$0x190]  }
0xd8: {  	v3 =	vld [tilespmem:$0x1A0]  }
0xd9: {  	v4 =	vld [tilespmem:$0x1B0]  }
0xda: {  	v5 =	vld [tilespmem:$0x1C0]  }
0xdb: {  	[tilespmem:$0x300] =	vst v1  }
0xdc: {  	[tilespmem:$0x310] =	vst v2  }
0xdd: {  	s8 =	smul.u32 $0x50, s8;
	[tilespmem:$0x320] =	vst v3  }
0xde: {  	[tilespmem:$0x330] =	vst v4  }
0xdf: {  	s8 =	sadd.s32 s8, s11;
	[tilespmem:$0x340] =	vst v5  }
0xe0: {  	[spmem:s2] =	stream.indirect.scatter.add.f32 [tilespmem:s28], [sflag:$0x7], $0x80, s18, s26, $0xb8;
	[tilespmem:$0x1BC80] =	vst v63  }
.Ltmp8:
0xe1: {  	s8 =	sshrl.u32 s8, $0x3;
	(pc) =	sbr.rel .LBB2_9-.Ltmp8, $4  }
0xe2: {  	s9 =	sadd.s32 s5, s8  }
0xe3: {  	[tilespmem:s13], [sflag:$0x3] =	stream.linear.gather [hbm4b:s9+s4], $0x50, $0x38;
	[tilespmem:$0x1BC80] =	vst v63  }
0xe4: {  	s8 =	sadd.s32 s1, s8  }
0xe5: {  	[tilespmem:s19], [sflag:$0x3] =	stream.linear.gather [hbm4b:s8+s4], $0x50, $0x38;
	[tilespmem:$0x1BC80] =	vst v63  }
.LBB2_11:
0xe6: {  	_ =	sfence.sel $0x180000  }
0xe7: {  	[bflag:$0x0] =	sbarrier.arrive $0xFFFF  }
0xe8: {  	_ =	strace $0x9000004A  }
0xe9: {  	s0 =	stileid.u32;
	[bflag:$0x2] =	sbarrier.arrive $0xFFFF  }
0xea: {  	p0 =	sne.s32 s0, $0x0;
	s0 =	rddreg [dreg:$0x3]  }
0xeb: {  	s0 =	sadd.s32 @!p0 $0x100000, s0  }
0xec: {  	[sflag:s0] =	ssyncadd.tile.s32 @!p0 $0x1;
	_ =	shalt  }
.Lfunc_end2:
_tile_overlayer_lowered:
.L_overlay_start_2:
0xed: {  	(tag) =	ssettag $0x2  }
0xee: {  	s0 =	rddreg [dreg:$0x0];
	s2 =	stileid.u32  }
0xef: {  	s1 =	rddreg [dreg:$0x1];
	p0 =	sne.s32 s2, $0x0  }
0xf0: {  	s3 =	rddreg [dreg:$0x2];
	[bflag:$0x3] =	sbarrier.arrive $0xFFFF;
	s2 =	simm.s32 @!p0 $0x1C0B  }
0xf1: {  	[timem:s3], [sflag:s2] =	dma.local @!p0 [hbm:s0], s1  }
0xf2: {  	s0 =	simm.s32 @!p0 $0xB  }
0xf3: {  	_ =	swait.ge @!p0 [sflag:s0], s1  }
0xf4: {  	s1 =	ssub.s32 @!p0 $0x0, s1;
	[sflag:s0] =	ssyncset.done @!p0 $0x0  }
0xf5: {  	[sflag:s0] =	ssyncadd.s32 @!p0 s1  }
0xf6: {  	[bflag:$0x3] =	sbarrier.arrive $0xFFFF  }
0xf7: {  	_ =	shalt  }

// kernel: kernel.17.cloned.1.call-start
scs
__scs_entry_jumppad:
0x0: {  	(pc) =	sbr.rel $0x88, $3  }
0x1: {  	(tag) =	ssettag $0x0;
	lr =	simm.s32 $0x1  }
0x2: {  	[smem:$0x3F8B] =	sst lr;
	_ =	strace $0xD0000000  }
0x3: {  	_ = 	snop  }
0x4: {  	_ = 	snop  }
0x5: {  	_ = 	snop  }
0x6: {  	_ = 	snop  }
0x7: {  	_ = 	snop  }
__scs_overlays_trampoline_lowered:
0x8: {  	[smem:$0x3F9A] =	sst s0  }
0x9: {  	[smem:$0x3F9B] =	sst s1  }
0xa: {  	[smem:$0x3F9C] =	sst s2  }
0xb: {  	[smem:$0x3F9D] =	sst s3  }
0xc: {  	[smem:$0x3F9E] =	sst s4  }
0xd: {  	[smem:$0x3F9F] =	sst s5  }
0xe: {  	[smem:$0x3FA0] =	sst s6  }
0xf: {  	[smem:$0x3FA1] =	sst s7  }
0x10: {  	[smem:$0x3FA2] =	sst s8  }
0x11: {  	[smem:$0x3FA3] =	sst s9;
	s0 =	simm.s32 @!p0 $0x0  }
0x12: {  	s1 =	sld [smem:$0x3F89];
	s0 =	simm.s32 @p0 $0x1  }
0x13: {  	[smem:$0x3FA4] =	sst s0;
	s0 =	simm.s32 @!p1 $0x0  }
0x14: {  	s2 =	sld [smem:$0x3F88];
	s0 =	simm.s32 @p1 $0x1  }
0x15: {  	[smem:$0x3FA5] =	sst s0;
	s0 =	simm.s32 @!p2 $0x0  }
0x16: {  	s3 =	sld [smem:$0x3FDB];
	s0 =	simm.s32 @p2 $0x1  }
0x17: {  	s4 =	simm.s32 $0x1BF5;
	[smem:$0x3FA7] =	sst s0  }
0x18: {  	s0 =	sld [smem:$0x3F8A];
	_ =	swait.ge [sflag:s4], $0x0  }
0x19: {  	s7 =	sld [smem:$0x3F8B]  }
0x1a: {  	s8 =	sadd.s32 $0xFFFFE003, lr  }
0x1b: {  	s9 =	sadd.s32 $0xFFFFFEF7, lr;
	s5 =	simm.s32 $0xFFFFFFFF;
	p2 =	slt.u32 s8, $0xFFFFF086  }
0x1c: {  	p1 =	slt.u32 s9, $0xF7A;
	s5 =	simm.s32 @!p2 $0x0  }
0x1d: {  	s5 =	simm.s32 @p1 $0x1;
	p0 =	seq.s32 s7, s2  }
0x1e: {  	s7 =	smul.u32 @!p0 $0xF7A, s2;
	p2 =	seq.s32 @!p0 s5, $0x0  }
0x1f: {  	s9 =	smul.u32 $0xF7A, s1;
	s8 =	simm.s32 @!p0 $0x1BF5;
	p2 =	por !p2, p0  }
0x20: {  	[sflag:s8] =	ssyncset.s32 @!p0 $0xFFFFF086;
	s6 =	sadd.s32 @!p0 s3, s7;
	s7 =	simm.s32 @!p0 $0x108  }
0x21: {  	s3 =	sadd.s32 s3, s9;
	s6 =	sadd.s32 @!p0 $0x88, s6;
	s7 =	simm.s32 @p2 $0x1082  }
0x22: {  	[simem:s7], [sflag:s8] =	dma.local @!p0 [hbm:s6], $0xF7A  }
0x23: {  	s9 =	sor.u32 $0xD0000000, s2;
	s6 =	simm.s32 $0x108;
	_ =	swait.ge @!p0 [sflag:s8], $0x0  }
0x24: {  	s3 =	sadd.s32 $0x88, s3;
	s6 =	simm.s32 @!p1 $0x1082;
	[sflag:s4] =	ssyncset.s32 $0xFFFFF086  }
0x25: {  	[simem:s6], [sflag:s4] =	dma.local [hbm:s3], $0xF7A  }
0x26: {  	[smem:$0x3F8B] =	sst s1;
	(tag) =	ssettag s2;
	_ =	strace s9  }
0x27: {  	s1 =	sld [smem:$0x3F9B]  }
0x28: {  	s2 =	sld [smem:$0x3F9C]  }
0x29: {  	s4 =	sld [smem:$0x3F9E]  }
0x2a: {  	p0 =	seq.s32 s5, $0x0;
	s5 =	sld [smem:$0x3F9F]  }
0x2b: {  	s6 =	sld [smem:$0x3FA0]  }
0x2c: {  	s7 =	sld [smem:$0x3FA1]  }
0x2d: {  	s3 =	simm.s32 $0x108;
	s8 =	sld [smem:$0x3FA2]  }
0x2e: {  	s3 =	simm.s32 @!p0 $0x1082;
	s9 =	sld [smem:$0x3FA3]  }
0x2f: {  	lr =	sadd.s32 s0, s3;
	s0 =	sld [smem:$0x3F9A]  }
0x30: {  	s3 =	sld [smem:$0x3F9D]  }
0x31: {  	[smem:$0x3FA6] =	sst s10  }
0x32: {  	s10 =	sld [smem:$0x3FA4];
	_ =	sdelay $0x3  }
0x33: {  	p0 =	seq.s32 s10, $0x1;
	s10 =	sld [smem:$0x3FA6];
	_ =	sdelay $0x3  }
0x34: {  	[smem:$0x3FA6] =	sst s10  }
0x35: {  	s10 =	sld [smem:$0x3FA5];
	_ =	sdelay $0x3  }
0x36: {  	p1 =	seq.s32 s10, $0x1;
	s10 =	sld [smem:$0x3FA6];
	_ =	sdelay $0x3  }
0x37: {  	[smem:$0x3FA6] =	sst s10  }
0x38: {  	s10 =	sld [smem:$0x3FA7]  }
0x39: {  	_ = 	snop;
	(pc) =	sbr.ind lr, $3  }
0x3a: {  	_ = 	snop  }
0x3b: {  	_ = 	snop  }
0x3c: {  	p2 =	seq.s32 s10, $0x1;
	s10 =	sld [smem:$0x3FA6]  }
0x3d: {  	_ =	shalt  }
0x3e: {  	_ =	shalt  }
0x3f: {  	_ =	shalt  }
0x40: {  	_ =	shalt  }
0x41: {  	_ =	shalt  }
0x42: {  	_ =	shalt  }
0x43: {  	_ =	shalt  }
0x44: {  	_ =	shalt  }
0x45: {  	_ =	shalt  }
0x46: {  	_ =	shalt  }
0x47: {  	_ =	shalt  }
0x48: {  	_ =	shalt  }
0x49: {  	_ =	shalt  }
0x4a: {  	_ =	shalt  }
0x4b: {  	_ =	shalt  }
0x4c: {  	_ =	shalt  }
0x4d: {  	_ =	shalt  }
0x4e: {  	_ =	shalt  }
0x4f: {  	_ =	shalt  }
0x50: {  	_ =	shalt  }
0x51: {  	_ =	shalt  }
0x52: {  	_ =	shalt  }
0x53: {  	_ =	shalt  }
0x54: {  	_ =	shalt  }
0x55: {  	_ =	shalt  }
0x56: {  	_ =	shalt  }
0x57: {  	_ =	shalt  }
0x58: {  	_ =	shalt  }
0x59: {  	_ =	shalt  }
0x5a: {  	_ =	shalt  }
0x5b: {  	_ =	shalt  }
0x5c: {  	_ =	shalt  }
0x5d: {  	_ =	shalt  }
0x5e: {  	_ =	shalt  }
0x5f: {  	_ =	shalt  }
0x60: {  	_ =	shalt  }
0x61: {  	_ =	shalt  }
0x62: {  	_ =	shalt  }
0x63: {  	_ =	shalt  }
0x64: {  	_ =	shalt  }
0x65: {  	_ =	shalt  }
0x66: {  	_ =	shalt  }
0x67: {  	_ =	shalt  }
0x68: {  	_ =	shalt  }
0x69: {  	_ =	shalt  }
0x6a: {  	_ =	shalt  }
0x6b: {  	_ =	shalt  }
0x6c: {  	_ =	shalt  }
0x6d: {  	_ =	shalt  }
0x6e: {  	_ =	shalt  }
0x6f: {  	_ =	shalt  }
0x70: {  	_ =	shalt  }
0x71: {  	_ =	shalt  }
0x72: {  	_ =	shalt  }
0x73: {  	_ =	shalt  }
0x74: {  	_ =	shalt  }
0x75: {  	_ =	shalt  }
0x76: {  	_ =	shalt  }
0x77: {  	_ =	shalt  }
0x78: {  	_ =	shalt  }
0x79: {  	_ =	shalt  }
0x7a: {  	_ =	shalt  }
0x7b: {  	_ =	shalt  }
0x7c: {  	_ =	shalt  }
0x7d: {  	_ =	shalt  }
0x7e: {  	_ =	shalt  }
0x7f: {  	_ =	shalt  }
0x80: {  	_ =	shalt  }
0x81: {  	_ =	shalt  }
0x82: {  	_ =	shalt  }
0x83: {  	_ =	shalt  }
0x84: {  	_ =	shalt  }
0x85: {  	_ =	shalt  }
0x86: {  	_ =	shalt  }
0x87: {  	_ =	shalt  }
.Lfunc_end0:
.L_simem_size_0:
called_computation.2_lowered:
.L_overlay_start_0:
0x88: {  	s2 =	sld [smem:$0x3FD9]  }
0x89: {  	s3 =	sld [smem:$0x3FFE];
	_ =	sdelay $0x1  }
0x8a: {  	s1 =	srdreg.scid  }
0x8b: {  	s0 =	sand.u32 $0x1, s1  }
0x8c: {  	s14 =	sshll.u32 s0, $0xA;
	s2 =	sadd.s32 s3, s2  }
0x8d: {  	s2 =	sadd.s32 s2, s14  }
0x8e: {  	[smem:$0x3FB2] =	sst s2  }
0x8f: {  	_ = 	snop  }
0x90: {  	s2 =	sld [smem:$0x3FD0];
	_ =	sdelay $0x2  }
0x91: {  	s15 =	simm.s32 $0xB;
	s4 =	simm.s32 $0x10  }
0x92: {  	[smem:s4], [sflag:s15] =	dma.local [hbm:s2], $0x1  }
0x93: {  	_ =	swait.eq [sflag:s15], $0x1  }
0x94: {  	[sflag:s15] =	ssyncset.done $0x0  }
0x95: {  	[sflag:s15] =	ssyncadd.s32 $0xFFFFFFFF  }
0x96: {  	s16 =	sld [smem:$0x10];
	(tm) =	ssettm $0x1  }
0x97: {  	s17 =	sld [smem:$0x3FFB];
	_ =	sdelay $0x3  }
0x98: {  	_ =	strace s17  }
0x99: {  	s3 =	sld [smem:$0x3FFC];
	_ =	sdelay $0x3  }
0x9a: {  	_ =	strace s3  }
0x9b: {  	s3 =	sld [smem:$0x3FFD];
	_ =	sdelay $0x3  }
0x9c: {  	_ =	strace s3  }
0x9d: {  	_ =	strace $0x8FFFFFFF  }
0x9e: {  	s18 =	sld [smem:$0x3FDB];
	_ =	sdelay $0x1  }
0x9f: {  	s19 =	simm.s32 $_scs_section_size  }
0xa0: {  	s5 =	simm.s32 $_size__tile_overlayer_lowered;
	s6 =	simm.s32 $_tile_overlayer_lowered  }
0xa1: {  	s22 =	simm.s32 $0x1BFF;
	s21 =	sshll.u32 s6, $0x1;
	s3 =	sadd.s32 s19, s18  }
0xa2: {  	s7 =	simm.s32 $0x0;
	s20 =	sshll.u32 s5, $0x1;
	s5 =	sadd.s32 s21, s3  }
0xa3: {  	[timem:s7], [sflag:s22] =	dma.local [hbm:s5], s20  }
0xa4: {  	_ =	swait.ge [sflag:s22], s20  }
0xa5: {  	s4 =	ssub.s32 $0x0, s20;
	[sflag:s22] =	ssyncset.done $0x0  }
0xa6: {  	[sflag:s22] =	ssyncadd.s32 s4;
	_ =	sdelay $0x1  }
0xa7: {  	s23 =	simm.s32 $0x1B8B  }
0xa8: {  	_ =	swait.ge [sflag:s23], $0x1  }
0xa9: {  	[sflag:s23] =	ssyncset.done $0x0  }
0xaa: {  	s25 =	simm.s32 $0x1B8E;
	s24 =	sld [smem:$0x3FFE];
	[sflag:s23] =	ssyncadd.s32 $0xFFFFFFFF  }
0xab: {  	s26 =	simm.s32 $execute0_lowered;
	[smem:$0x3FD2] =	sst s25  }
0xac: {  	s5 =	sshll.u32 s26, $0x1;
	_ =	strace $0x8000004C;
	[dreg:$0x1] =	wrdreg $0xFFFFFFFF  }
0xad: {  	s28 =	simm.s32 $_size_execute0_lowered;
	s3 =	sadd.s32 s3, s5;
	[dreg:$0x0] =	wrdreg $0x0  }
0xae: {  	s5 =	sshll.u32 s28, $0x1;
	[dreg:$0x2] =	wrdreg s3  }
0xaf: {  	[dreg:$0x3] =	wrdreg s5  }
0xb0: {  	[dreg:$0x4] =	wrdreg $0xC0  }
0xb1: {  	_ =	task [dreg:s7], $0x5FFFF  }
0xb2: {  	[dreg:$0x1] =	wrdreg $0xFFFFFFFF  }
0xb3: {  	[dreg:$0x0] =	wrdreg $0x60  }
0xb4: {  	[dreg:$0x2] =	wrdreg s24  }
0xb5: {  	[dreg:$0x3] =	wrdreg s16  }
0xb6: {  	[dreg:$0x4] =	wrdreg $0x7C800  }
0xb7: {  	[dreg:$0x5] =	wrdreg $0x9  }
0xb8: {  	_ =	task.clear_ibuf [dreg:s7], $0x6FFFF;
	_ =	strace $0x9000004C  }
0xb9: {  	s29 =	simm.s32 $0x9;
	_ =	strace $0x8000004E  }
0xba: {  	_ =	swait.ge [sflag:s29], $0x1  }
0xbb: {  	[sflag:s29] =	ssyncadd.s32 $0xFFFFFFFF  }
0xbc: {  	_ =	strace $0x9000004E  }
0xbd: {  	_ =	sfence  }
0xbe: {  	s30 =	sld [smem:$0x0];
	_ =	sdelay $0x2  }
0xbf: {  	s31 =	sshll.u32 s1, $0xD;
	s1 =	sshrl.u32 s1, $0x2  }
0xc0: {  	s3 =	sand.u32 $0x4000, s31;
	s1 =	sadd.s32 s1, s30  }
0xc1: {  	s0 =	sor.u32 s3, s0;
	s1 =	sshll.u32 s1, $0x11  }
0xc2: {  	s0 =	sor.u32 s1, s0  }
0xc3: {  	s0 =	sadd.s32 $0x8F2B, s0  }
0xc4: {  	[sflag:s0] =	ssyncadd.remote.s32 $0x1  }
0xc5: {  	_ =	sfence.sel $0xFFFF  }
0xc6: {  	[dreg:$0x0] =	wrdreg $0xFFFFFFFF;
	(pc) =	sbr.abs _section_cstart, $3  }
0xc7: {  	[dreg:$0x1] =	wrdreg $0xFFFFFFFF  }
0xc8: {  	_ =	task.clear_ibuf [dreg:s7], $0x2FFFF;
	_ =	strace $0x9FFFFFFF  }
0xc9: {  	(tm) =	ssettm $0x7FFFFFFF  }
tec
execute0_lowered:
.L_overlay_start_1:
0x0: {  	(tag) =	ssettag $0x1  }
0x1: {  	s0 =	rddreg [dreg:$0x0]  }
0x2: {  	s1 =	rddreg [dreg:$0x1]  }
0x3: {  	s2 =	rddreg [dreg:$0x2]  }
0x4: {  	s3 =	srdreg.scid;
	s4 =	simm.s32 $0x0;
	s10 =	stileid.u32  }
0x5: {  	s28 =	simm.s32 $0x480;
	s29 =	simm.s32 $0x80;
	s30 =	simm.s32 $0x200  }
0x6: {  	s31 =	simm.s32 $0x7;
	s13 =	simm.s32 $0x100;
	s9 =	smul.u32 $0x50000, s10  }
0x7: {  	s3 =	sand.u32 $0x1, s3;
	[smem:$0x7FF] =	sst s4;
	s19 =	smul.u32 $0x2800, s10  }
0x8: {  	s5 =	sshll.u32 s3, $0x4;
	s7 =	smul.u32 $0x28000, s3;
	s3 =	ssub.s32 $0x2, s3  }
0x9: {  	_ =	strace $0x8000004D;
	s6 =	sor.u32 s10, s5;
	s14 =	sshrl.u32 s3, $0x1  }
0xa: {  	s5 =	sadd.s32 $0x4E7A00, s0;
	s18 =	sshrl.u32 s9, $0x2;
	s3 =	ssub.s32 s3, s14  }
0xb: {  	s10 =	simm.s32 $0x3;
	s12 =	sadd.s32 s18, s2;
	s3 =	smax.u32 s3, $0x1  }
0xc: {  	s8 =	smul.u32 $0x2710, s6;
	s20 =	sadd.s32 $0x2800, s12;
	[dreg:$0x8] =	wrdreg s3  }
0xd: {  	s6 =	sadd.s32 $0x5A00, s0;
	s21 =	sadd.s32 $0x5000, s12;
	[dreg:$0x9] =	wrdreg s20  }
0xe: {  	s0 =	sadd.s32 s7, s0;
	s22 =	sadd.s32 $0x7800, s12;
	[dreg:$0xa] =	wrdreg s21  }
0xf: {  	s14 =	simm.s32 $0x5;
	s23 =	sadd.s32 $0xA000, s12;
	[dreg:$0xb] =	wrdreg s22  }
0x10: {  	s18 =	simm.s32 $0x300;
	s24 =	sadd.s32 $0xC800, s12;
	[dreg:$0xc] =	wrdreg s23  }
0x11: {  	s0 =	sadd.s32 $0x2DA00, s0;
	s25 =	sadd.s32 $0xF000, s12;
	[dreg:$0xd] =	wrdreg s24  }
0x12: {  	s26 =	sadd.s32 $0x11800, s12;
	s15 =	sshrl.u32 s8, $0x3;
	[dreg:$0xe] =	wrdreg s25  }
0x13: {  	[dreg:$0xf] =	wrdreg s26;
	s21 =	simm.s32 $0x180;
	s22 =	simm.s32 $0x2C80  }
0x14: {  	s23 =	simm.s32 $0xA;
	s0 =	sadd.s32 s19, s0;
	s25 =	simm.s32 $0x1  }
0x15: {  	s26 =	simm.s32 $0x50;
	s3 =	simm.s32 $0x400;
	s19 =	simm.s32 $0x280  }
0x16: {  	s20 =	simm.s32 $0x0;
	s11 =	sadd.s32 s5, s15;
	s16 =	sadd.s32 s1, s15  }
.Ltmp0:
0x17: {  	s7 =	sadd.s32 $0xA, s15;
	[dreg:$0x10] =	wrdreg s0;
	(pc) =	sbr.rel .LBB2_1-.Ltmp0, $4  }
0x18: {  	s0 =	simm.s32 $0x6;
	s15 =	simm.s32 $0x380;
	[dreg:$0x4] =	wrdreg s11  }
0x19: {  	[dreg:$0x5] =	wrdreg s16;
	s17 =	sadd.s32 s5, s7;
	s7 =	sadd.s32 s1, s7  }
0x1a: {  	s11 =	sadd.s32 $0xA0, s8;
	s16 =	simm.s32 $0x2;
	[dreg:$0x6] =	wrdreg s17  }
0x1b: {  	v0 =	vimm.f32 $0.0e+00;
	[dreg:$0x7] =	wrdreg s7;
	s7 =	simm.s32 $0x5480;
	s17 =	simm.s32 $0x4  }
.LBB2_10:
0x1c: {  	_ =	swait.ge [sflag:s0], $0x2800  }
0x1d: {  	[sflag:s0] =	ssyncset.done $0x0  }
0x1e: {  	[sflag:s0] =	ssyncadd.s32 $0xFFFFD800  }
0x1f: {  	_ =	swait.ge [sflag:s25], $0x50  }
0x20: {  	[sflag:s25] =	ssyncset.done $0x0  }
0x21: {  	[sflag:s25] =	ssyncadd.s32 $0xFFFFFFB0  }
0x22: {  	_ =	swait.ge [sflag:s25], $0x50  }
0x23: {  	[sflag:s25] =	ssyncset.done $0x0  }
0x24: {  	[sflag:s25] =	ssyncadd.s32 $0xFFFFFFB0  }
0x25: {  	_ =	swait.ge [sflag:s31], $0x2800  }
0x26: {  	[sflag:s31] =	ssyncset.done $0x0  }
0x27: {  	s8 =	simm.s32 $0x8;
	[sflag:s31] =	ssyncadd.s32 $0xFFFFD800  }
0x28: {  	_ =	swait.ge [sflag:s8], $0x2800  }
0x29: {  	[sflag:s8] =	ssyncset.done $0x0  }
0x2a: {  	s9 =	stileid.u32;
	[sflag:s8] =	ssyncadd.s32 $0xFFFFD800  }
0x2b: {  	s8 =	sshll.u32 s9, $0x6;
	[bflag:$0x0] =	sbarrier.arrive $0xFFFF  }
0x2c: {  	s9 =	sshrl.u32 s12, $0x3;
	s8 =	sor.u32 $0x1C0B, s8;
	s24 =	rddreg [dreg:$0x10]  }
0x2d: {  	[hbm:s24], [sflag:s8] =	dma.local [spmem:s9], $0x2800  }
0x2e: {  	s9 =	simm.s32 $0xB  }
0x2f: {  	_ =	swait.ge [sflag:s9], $0x2800  }
0x30: {  	s20 =	sadd.s32 $0x1, s20;
	s24 =	rddreg [dreg:$0x8]  }
0x31: {  	p0 =	sne.s32 s20, s24  }
.Ltmp1:
0x32: {  	_ = 	snop;
	(pc) =	sbr.rel @!p0 .LBB2_11-.Ltmp1, $3  }
0x33: {  	_ =	sdelay $0x1  }
0x34: {  	[sflag:s9] =	ssyncset.done $0x0  }
0x35: {  	[sflag:s9] =	ssyncadd.s32 $0xFFFFD800  }
.LBB2_1:
0x36: {  	s8 =	rddreg [dreg:$0x4]  }
0x37: {  	[tilespmem:s4], [sflag:$0x1] =	stream.linear.gather [hbm4b:s8+s4], $0x50, $0x38;
	[tilespmem:$0x1BC80] =	vst v63  }
0x38: {  	s24 =	rddreg [dreg:$0x5]  }
0x39: {  	[tilespmem:s21], [sflag:$0x1] =	stream.linear.gather [hbm4b:s24+s4], $0x50, $0x38;
	[tilespmem:$0x1BC80] =	vst v63  }
0x3a: {  	s8 =	simm.s32 $0x0;
	s24 =	simm.s32 $0x200  }
.LBB2_2:
0x3b: {  	p0 =	sne.s32 s24, $0x9E00;
	[tilespmem:s8+$0x2CF0] =	vst v0  }
0x3c: {  	[tilespmem:s8+$0x2C80] =	vst v0  }
0x3d: {  	[tilespmem:s8+$0x2C90] =	vst v0  }
.Ltmp2:
0x3e: {  	[tilespmem:s8+$0x2CA0] =	vst v0;
	(pc) =	sbr.rel @p0 .LBB2_2-.Ltmp2, $4  }
0x3f: {  	[tilespmem:s8+$0x2CB0] =	vst v0  }
0x40: {  	[tilespmem:s8+$0x2CC0] =	vst v0  }
0x41: {  	[tilespmem:s8+$0x2CD0] =	vst v0  }
0x42: {  	[tilespmem:s8+$0x2CE0] =	vst v0;
	s8 =	sshra.s32 s24, $0x2;
	s24 =	sadd.s32 $0x200, s24  }
0x43: {  	[tilespmem:s8+$0x2CF0] =	vst v0  }
0x44: {  	[tilespmem:s8+$0x2C80] =	vst v0  }
0x45: {  	[tilespmem:s8+$0x2C90] =	vst v0  }
0x46: {  	[tilespmem:s8+$0x2CA0] =	vst v0  }
0x47: {  	[tilespmem:s8+$0x2CB0] =	vst v0  }
0x48: {  	[tilespmem:s8+$0x2CC0] =	vst v0  }
0x49: {  	[tilespmem:s8+$0x2CD0] =	vst v0  }
0x4a: {  	[tilespmem:s8+$0x2CE0] =	vst v0  }
0x4b: {  	[spmem:s12] =	stream.linear.scatter [tilespmem:s22], [sflag:$0xA], $0x2800, $0x38;
	[tilespmem:$0x1BC80] =	vst v63  }
0x4c: {  	s24 =	rddreg [dreg:$0x9]  }
0x4d: {  	[spmem:s24] =	stream.linear.scatter [tilespmem:s22], [sflag:$0xA], $0x2800, $0x38;
	[tilespmem:$0x1BC80] =	vst v63  }
0x4e: {  	s9 =	rddreg [dreg:$0xa]  }
0x4f: {  	[spmem:s9] =	stream.linear.scatter [tilespmem:s22], [sflag:$0xA], $0x2800, $0x38;
	[tilespmem:$0x1BC80] =	vst v63  }
0x50: {  	s24 =	rddreg [dreg:$0xb]  }
0x51: {  	[spmem:s24] =	stream.linear.scatter [tilespmem:s22], [sflag:$0xA], $0x2800, $0x38;
	[tilespmem:$0x1BC80] =	vst v63  }
0x52: {  	s9 =	rddreg [dreg:$0xc]  }
0x53: {  	[spmem:s9] =	stream.linear.scatter [tilespmem:s22], [sflag:$0xA], $0x2800, $0x38;
	[tilespmem:$0x1BC80] =	vst v63  }
0x54: {  	s24 =	rddreg [dreg:$0xd]  }
0x55: {  	[spmem:s24] =	stream.linear.scatter [tilespmem:s22], [sflag:$0xA], $0x2800, $0x38;
	[tilespmem:$0x1BC80] =	vst v63  }
0x56: {  	s9 =	rddreg [dreg:$0xe]  }
0x57: {  	[spmem:s9] =	stream.linear.scatter [tilespmem:s22], [sflag:$0xA], $0x2800, $0x38;
	[tilespmem:$0x1BC80] =	vst v63  }
0x58: {  	s24 =	rddreg [dreg:$0xf]  }
0x59: {  	[spmem:s24] =	stream.linear.scatter [tilespmem:s22], [sflag:$0xA], $0x2800, $0x38;
	[tilespmem:$0x1BC80] =	vst v63  }
0x5a: {  	_ =	swait.ge [sflag:s23], $0x2800  }
0x5b: {  	[sflag:s23] =	ssyncset.done $0x0  }
0x5c: {  	[sflag:s23] =	ssyncadd.s32 $0xFFFFD800  }
0x5d: {  	_ =	swait.ge [sflag:s23], $0x2800  }
0x5e: {  	[sflag:s23] =	ssyncset.done $0x0  }
0x5f: {  	[sflag:s23] =	ssyncadd.s32 $0xFFFFD800  }
0x60: {  	_ =	swait.ge [sflag:s23], $0x2800  }
0x61: {  	[sflag:s23] =	ssyncset.done $0x0  }
0x62: {  	[sflag:s23] =	ssyncadd.s32 $0xFFFFD800  }
0x63: {  	_ =	swait.ge [sflag:s23], $0x2800  }
0x64: {  	[sflag:s23] =	ssyncset.done $0x0  }
0x65: {  	[sflag:s23] =	ssyncadd.s32 $0xFFFFD800  }
0x66: {  	_ =	swait.ge [sflag:s23], $0x2800  }
0x67: {  	[sflag:s23] =	ssyncset.done $0x0  }
0x68: {  	[sflag:s23] =	ssyncadd.s32 $0xFFFFD800  }
0x69: {  	_ =	swait.ge [sflag:s23], $0x2800  }
0x6a: {  	[sflag:s23] =	ssyncset.done $0x0  }
0x6b: {  	[sflag:s23] =	ssyncadd.s32 $0xFFFFD800  }
0x6c: {  	_ =	swait.ge [sflag:s23], $0x2800  }
0x6d: {  	[sflag:s23] =	ssyncset.done $0x0  }
0x6e: {  	[sflag:s23] =	ssyncadd.s32 $0xFFFFD800  }
0x6f: {  	_ =	swait.ge [sflag:s23], $0x2800  }
0x70: {  	[sflag:s23] =	ssyncset.done $0x0  }
0x71: {  	[sflag:s23] =	ssyncadd.s32 $0xFFFFD800  }
0x72: {  	_ =	swait.ge [sflag:s25], $0x50  }
0x73: {  	[sflag:s25] =	ssyncset.done $0x0  }
0x74: {  	[sflag:s25] =	ssyncadd.s32 $0xFFFFFFB0  }
0x75: {  	_ =	swait.ge [sflag:s25], $0x50  }
0x76: {  	[sflag:s25] =	ssyncset.done $0x0  }
0x77: {  	s24 =	simm.s32 $0x0;
	[sflag:s25] =	ssyncadd.s32 $0xFFFFFFB0  }
0x78: {  	[tilespmem:s28], [sflag:$0x4] =	stream.indirect.gather [hbm4b:s6+s26], $0x80, s24, s26, $0xb8;
	[tilespmem:$0x1BC80] =	vst v63  }
0x79: {  	s9 =	rddreg [dreg:$0x6]  }
0x7a: {  	[tilespmem:s29], [sflag:$0x2] =	stream.linear.gather [hbm4b:s9+s24], $0x50, $0x38;
	[tilespmem:$0x1BC80] =	vst v63  }
.Ltmp3:
0x7b: {  	_ = 	snop;
	(pc) =	sbr.rel .LBB2_4-.Ltmp3, $3  }
0x7c: {  	s9 =	rddreg [dreg:$0x7]  }
0x7d: {  	[tilespmem:s30], [sflag:$0x2] =	stream.linear.gather [hbm4b:s9+s24], $0x50, $0x38;
	[tilespmem:$0x1BC80] =	vst v63  }
0x7e: {  	[bflag:$0x0] =	sbarrier.arrive $0xFFFF;
	_ =	sdelay $0x1  }
.LBB2_8:
0x7f: {  	_ =	swait.ge [sflag:s25], $0x50  }
0x80: {  	[sflag:s25] =	ssyncset.done $0x0  }
0x81: {  	[sflag:s25] =	ssyncadd.s32 $0xFFFFFFB0  }
0x82: {  	_ =	swait.ge [sflag:s25], $0x50  }
0x83: {  	[sflag:s25] =	ssyncset.done $0x0  }
0x84: {  	[sflag:s25] =	ssyncadd.s32 $0xFFFFFFB0  }
0x85: {  	_ =	swait.ge [sflag:s31], $0x2800  }
0x86: {  	[sflag:s31] =	ssyncset.done $0x0  }
0x87: {  	[sflag:s31] =	ssyncadd.s32 $0xFFFFD800  }
0x88: {  	[tilespmem:s28], [sflag:$0x4] =	stream.indirect.gather [hbm4b:s6+s26], $0x80, s4, s26, $0xb8;
	[tilespmem:$0x1BC80] =	vst v63  }
0x89: {  	_ =	swait.ge [sflag:s0], $0x2800  }
0x8a: {  	[sflag:s0] =	ssyncset.done $0x0  }
0x8b: {  	[sflag:s0] =	ssyncadd.s32 $0xFFFFD800  }
0x8c: {  	v1 =	vld [tilespmem:$0x280]  }
0x8d: {  	v2 =	vld [tilespmem:$0x290]  }
0x8e: {  	v3 =	vld [tilespmem:$0x2A0]  }
0x8f: {  	v4 =	vld [tilespmem:$0x2B0]  }
0x90: {  	v5 =	vld [tilespmem:$0x2C0]  }
0x91: {  	[tilespmem:$0x400] =	vst v1  }
0x92: {  	s8 =	smul.u32 $0x50, s8;
	[tilespmem:$0x410] =	vst v2  }
0x93: {  	[tilespmem:$0x420] =	vst v3  }
0x94: {  	s8 =	sadd.s32 s8, s11;
	[tilespmem:$0x430] =	vst v4  }
0x95: {  	s8 =	sshrl.u32 s8, $0x3;
	[tilespmem:$0x440] =	vst v5  }
0x96: {  	[spmem:s2] =	stream.indirect.scatter.add.f32 [tilespmem:s7], [sflag:$0x9], $0x80, s3, s26, $0xb8;
	[tilespmem:$0x1BC80] =	vst v63  }
0x97: {  	s9 =	sadd.s32 s5, s8  }
0x98: {  	[tilespmem:s29], [sflag:$0x2] =	stream.linear.gather [hbm4b:s9+s4], $0x50, $0x38;
	[tilespmem:$0x1BC80] =	vst v63  }
0x99: {  	s8 =	sadd.s32 s1, s8  }
0x9a: {  	[tilespmem:s30], [sflag:$0x2] =	stream.linear.gather [hbm4b:s8+s4], $0x50, $0x38;
	[tilespmem:$0x1BC80] =	vst v63  }
.LBB2_9:
0x9b: {  	s24 =	sadd.s32 $0x1, s24  }
0x9c: {  	p0 =	sne.s32 s24, $0x7D  }
.Ltmp4:
0x9d: {  	_ = 	snop;
	(pc) =	sbr.rel @!p0 .LBB2_10-.Ltmp4, $1  }
0x9e: {  	_ =	sdelay $0x3  }
.LBB2_4:
0x9f: {  	s8 =	smul.u32 $0xAB, s24;
	_ =	sdelay $0x1  }
0xa0: {  	s8 =	sshrl.u32 s8, $0x9  }
0xa1: {  	s8 =	sand.u32 $0x7F, s8  }
0xa2: {  	s8 =	smul.u32 $0x3, s8;
	_ =	sdelay $0x1  }
0xa3: {  	s8 =	ssub.s32 s24, s8  }
0xa4: {  	s9 =	sand.u32 $0xFF, s8  }
0xa5: {  	p0 =	seq.s32 s9, $0x2  }
.Ltmp5:
0xa6: {  	_ = 	snop;
	(pc) =	sbr.rel @p0 .LBB2_8-.Ltmp5, $2  }
0xa7: {  	_ =	sdelay $0x2  }
0xa8: {  	s8 =	smin.u32 s24, $0x7A  }
0xa9: {  	p0 =	seq.s32 s9, $0x1  }
.Ltmp6:
0xaa: {  	_ = 	snop;
	(pc) =	sbr.rel @!p0 .LBB2_6-.Ltmp6, $1  }
0xab: {  	_ =	sdelay $0x3  }
0xac: {  	_ =	swait.ge [sflag:s10], $0x50  }
0xad: {  	[sflag:s10] =	ssyncset.done $0x0  }
0xae: {  	[sflag:s10] =	ssyncadd.s32 $0xFFFFFFB0  }
0xaf: {  	_ =	swait.ge [sflag:s10], $0x50  }
0xb0: {  	p0 =	slt.u32 s24, $0x2;
	[sflag:s10] =	ssyncset.done $0x0  }
0xb1: {  	s9 =	simm.s32 @!p0 $0x9;
	[sflag:s10] =	ssyncadd.s32 $0xFFFFFFB0  }
0xb2: {  	_ =	swait.ge @!p0 [sflag:s9], $0x2800  }
0xb3: {  	[sflag:s9] =	ssyncset.done @!p0 $0x0  }
0xb4: {  	[sflag:s9] =	ssyncadd.s32 @!p0 $0xFFFFD800  }
0xb5: {  	[tilespmem:s7], [sflag:$0x6] =	stream.indirect.gather [hbm4b:s6+s26], $0x80, s13, s26, $0xb8;
	[tilespmem:$0x1BC80] =	vst v63  }
0xb6: {  	_ =	swait.ge [sflag:s14], $0x2800  }
0xb7: {  	[sflag:s14] =	ssyncset.done $0x0  }
0xb8: {  	[sflag:s14] =	ssyncadd.s32 $0xFFFFD800  }
0xb9: {  	v1 =	vld [tilespmem:$0x200]  }
0xba: {  	v2 =	vld [tilespmem:$0x210]  }
0xbb: {  	v3 =	vld [tilespmem:$0x220]  }
0xbc: {  	v4 =	vld [tilespmem:$0x230]  }
0xbd: {  	v5 =	vld [tilespmem:$0x240]  }
0xbe: {  	[tilespmem:$0x380] =	vst v1  }
0xbf: {  	[tilespmem:$0x390] =	vst v2  }
0xc0: {  	s8 =	smul.u32 $0x50, s8;
	[tilespmem:$0x3A0] =	vst v3  }
0xc1: {  	[tilespmem:$0x3B0] =	vst v4  }
0xc2: {  	s8 =	sadd.s32 s8, s11;
	[tilespmem:$0x3C0] =	vst v5  }
0xc3: {  	[spmem:s2] =	stream.indirect.scatter.add.f32 [tilespmem:s22], [sflag:$0x8], $0x80, s15, s26, $0xb8;
	[tilespmem:$0x1BC80] =	vst v63  }
.Ltmp7:
0xc4: {  	s8 =	sshrl.u32 s8, $0x3;
	(pc) =	sbr.rel .LBB2_9-.Ltmp7, $4  }
0xc5: {  	s9 =	sadd.s32 s5, s8  }
0xc6: {  	[tilespmem:s4], [sflag:$0x1] =	stream.linear.gather [hbm4b:s9+s4], $0x50, $0x38;
	[tilespmem:$0x1BC80] =	vst v63  }
0xc7: {  	s8 =	sadd.s32 s1, s8  }
0xc8: {  	[tilespmem:s21], [sflag:$0x1] =	stream.linear.gather [hbm4b:s8+s4], $0x50, $0x38;
	[tilespmem:$0x1BC80] =	vst v63  }
.LBB2_6:
0xc9: {  	_ =	swait.ge [sflag:s16], $0x50  }
0xca: {  	[sflag:s16] =	ssyncset.done $0x0  }
0xcb: {  	[sflag:s16] =	ssyncadd.s32 $0xFFFFFFB0  }
0xcc: {  	_ =	swait.ge [sflag:s16], $0x50  }
0xcd: {  	p0 =	slt.u32 s24, $0x2;
	[sflag:s16] =	ssyncset.done $0x0  }
0xce: {  	s9 =	simm.s32 @!p0 $0x8;
	[sflag:s16] =	ssyncadd.s32 $0xFFFFFFB0  }
0xcf: {  	_ =	swait.ge @!p0 [sflag:s9], $0x2800  }
0xd0: {  	[sflag:s9] =	ssyncset.done @!p0 $0x0  }
0xd1: {  	[sflag:s9] =	ssyncadd.s32 @!p0 $0xFFFFD800  }
0xd2: {  	[tilespmem:s22], [sflag:$0x5] =	stream.indirect.gather [hbm4b:s6+s26], $0x80, s29, s26, $0xb8;
	[tilespmem:$0x1BC80] =	vst v63  }
0xd3: {  	_ =	swait.ge [sflag:s17], $0x2800  }
0xd4: {  	[sflag:s17] =	ssyncset.done $0x0  }
0xd5: {  	[sflag:s17] =	ssyncadd.s32 $0xFFFFD800  }
0xd6: {  	v1 =	vld [tilespmem:$0x180]  }
0xd7: {  	v2 =	vld [tilespmem:$0x190]  }
0xd8: {  	v3 =	vld [tilespmem:$0x1A0]  }
0xd9: {  	v4 =	vld [tilespmem:$0x1B0]  }
0xda: {  	v5 =	vld [tilespmem:$0x1C0]  }
0xdb: {  	[tilespmem:$0x300] =	vst v1  }
0xdc: {  	[tilespmem:$0x310] =	vst v2  }
0xdd: {  	s8 =	smul.u32 $0x50, s8;
	[tilespmem:$0x320] =	vst v3  }
0xde: {  	[tilespmem:$0x330] =	vst v4  }
0xdf: {  	s8 =	sadd.s32 s8, s11;
	[tilespmem:$0x340] =	vst v5  }
0xe0: {  	[spmem:s2] =	stream.indirect.scatter.add.f32 [tilespmem:s28], [sflag:$0x7], $0x80, s18, s26, $0xb8;
	[tilespmem:$0x1BC80] =	vst v63  }
.Ltmp8:
0xe1: {  	s8 =	sshrl.u32 s8, $0x3;
	(pc) =	sbr.rel .LBB2_9-.Ltmp8, $4  }
0xe2: {  	s9 =	sadd.s32 s5, s8  }
0xe3: {  	[tilespmem:s13], [sflag:$0x3] =	stream.linear.gather [hbm4b:s9+s4], $0x50, $0x38;
	[tilespmem:$0x1BC80] =	vst v63  }
0xe4: {  	s8 =	sadd.s32 s1, s8  }
0xe5: {  	[tilespmem:s19], [sflag:$0x3] =	stream.linear.gather [hbm4b:s8+s4], $0x50, $0x38;
	[tilespmem:$0x1BC80] =	vst v63  }
.LBB2_11:
0xe6: {  	_ =	sfence.sel $0x180000  }
0xe7: {  	[bflag:$0x0] =	sbarrier.arrive $0xFFFF  }
0xe8: {  	_ =	strace $0x9000004D  }
0xe9: {  	s0 =	stileid.u32;
	[bflag:$0x2] =	sbarrier.arrive $0xFFFF  }
0xea: {  	p0 =	sne.s32 s0, $0x0;
	s0 =	rddreg [dreg:$0x3]  }
0xeb: {  	s0 =	sadd.s32 @!p0 $0x100000, s0  }
0xec: {  	[sflag:s0] =	ssyncadd.tile.s32 @!p0 $0x1;
	_ =	shalt  }
.Lfunc_end2:
_tile_overlayer_lowered:
.L_overlay_start_2:
0xed: {  	(tag) =	ssettag $0x2  }
0xee: {  	s0 =	rddreg [dreg:$0x0];
	s2 =	stileid.u32  }
0xef: {  	s1 =	rddreg [dreg:$0x1];
	p0 =	sne.s32 s2, $0x0  }
0xf0: {  	s3 =	rddreg [dreg:$0x2];
	[bflag:$0x3] =	sbarrier.arrive $0xFFFF;
	s2 =	simm.s32 @!p0 $0x1C0B  }
0xf1: {  	[timem:s3], [sflag:s2] =	dma.local @!p0 [hbm:s0], s1  }
0xf2: {  	s0 =	simm.s32 @!p0 $0xB  }
0xf3: {  	_ =	swait.ge @!p0 [sflag:s0], s1  }
0xf4: {  	s1 =	ssub.s32 @!p0 $0x0, s1;
	[sflag:s0] =	ssyncset.done @!p0 $0x0  }
0xf5: {  	[sflag:s0] =	ssyncadd.s32 @!p0 s1  }
0xf6: {  	[bflag:$0x3] =	sbarrier.arrive $0xFFFF  }
0xf7: {  	_ =	shalt  }

// kernel: kernel.20.cloned.1.call-start
scs
__scs_entry_jumppad:
0x0: {  	(pc) =	sbr.rel $0x88, $3  }
0x1: {  	(tag) =	ssettag $0x0;
	lr =	simm.s32 $0x1  }
0x2: {  	[smem:$0x3F8B] =	sst lr;
	_ =	strace $0xD0000000  }
0x3: {  	_ = 	snop  }
0x4: {  	_ = 	snop  }
0x5: {  	_ = 	snop  }
0x6: {  	_ = 	snop  }
0x7: {  	_ = 	snop  }
__scs_overlays_trampoline_lowered:
0x8: {  	[smem:$0x3F9A] =	sst s0  }
0x9: {  	[smem:$0x3F9B] =	sst s1  }
0xa: {  	[smem:$0x3F9C] =	sst s2  }
0xb: {  	[smem:$0x3F9D] =	sst s3  }
0xc: {  	[smem:$0x3F9E] =	sst s4  }
0xd: {  	[smem:$0x3F9F] =	sst s5  }
0xe: {  	[smem:$0x3FA0] =	sst s6  }
0xf: {  	[smem:$0x3FA1] =	sst s7  }
0x10: {  	[smem:$0x3FA2] =	sst s8  }
0x11: {  	[smem:$0x3FA3] =	sst s9;
	s0 =	simm.s32 @!p0 $0x0  }
0x12: {  	s1 =	sld [smem:$0x3F89];
	s0 =	simm.s32 @p0 $0x1  }
0x13: {  	[smem:$0x3FA4] =	sst s0;
	s0 =	simm.s32 @!p1 $0x0  }
0x14: {  	s2 =	sld [smem:$0x3F88];
	s0 =	simm.s32 @p1 $0x1  }
0x15: {  	[smem:$0x3FA5] =	sst s0;
	s0 =	simm.s32 @!p2 $0x0  }
0x16: {  	s3 =	sld [smem:$0x3FDB];
	s0 =	simm.s32 @p2 $0x1  }
0x17: {  	s4 =	simm.s32 $0x1BF5;
	[smem:$0x3FA7] =	sst s0  }
0x18: {  	s0 =	sld [smem:$0x3F8A];
	_ =	swait.ge [sflag:s4], $0x0  }
0x19: {  	s7 =	sld [smem:$0x3F8B]  }
0x1a: {  	s8 =	sadd.s32 $0xFFFFE003, lr  }
0x1b: {  	s9 =	sadd.s32 $0xFFFFFEF7, lr;
	s5 =	simm.s32 $0xFFFFFFFF;
	p2 =	slt.u32 s8, $0xFFFFF086  }
0x1c: {  	p1 =	slt.u32 s9, $0xF7A;
	s5 =	simm.s32 @!p2 $0x0  }
0x1d: {  	s5 =	simm.s32 @p1 $0x1;
	p0 =	seq.s32 s7, s2  }
0x1e: {  	s7 =	smul.u32 @!p0 $0xF7A, s2;
	p2 =	seq.s32 @!p0 s5, $0x0  }
0x1f: {  	s9 =	smul.u32 $0xF7A, s1;
	s8 =	simm.s32 @!p0 $0x1BF5;
	p2 =	por !p2, p0  }
0x20: {  	[sflag:s8] =	ssyncset.s32 @!p0 $0xFFFFF086;
	s6 =	sadd.s32 @!p0 s3, s7;
	s7 =	simm.s32 @!p0 $0x108  }
0x21: {  	s3 =	sadd.s32 s3, s9;
	s6 =	sadd.s32 @!p0 $0x88, s6;
	s7 =	simm.s32 @p2 $0x1082  }
0x22: {  	[simem:s7], [sflag:s8] =	dma.local @!p0 [hbm:s6], $0xF7A  }
0x23: {  	s9 =	sor.u32 $0xD0000000, s2;
	s6 =	simm.s32 $0x108;
	_ =	swait.ge @!p0 [sflag:s8], $0x0  }
0x24: {  	s3 =	sadd.s32 $0x88, s3;
	s6 =	simm.s32 @!p1 $0x1082;
	[sflag:s4] =	ssyncset.s32 $0xFFFFF086  }
0x25: {  	[simem:s6], [sflag:s4] =	dma.local [hbm:s3], $0xF7A  }
0x26: {  	[smem:$0x3F8B] =	sst s1;
	(tag) =	ssettag s2;
	_ =	strace s9  }
0x27: {  	s1 =	sld [smem:$0x3F9B]  }
0x28: {  	s2 =	sld [smem:$0x3F9C]  }
0x29: {  	s4 =	sld [smem:$0x3F9E]  }
0x2a: {  	p0 =	seq.s32 s5, $0x0;
	s5 =	sld [smem:$0x3F9F]  }
0x2b: {  	s6 =	sld [smem:$0x3FA0]  }
0x2c: {  	s7 =	sld [smem:$0x3FA1]  }
0x2d: {  	s3 =	simm.s32 $0x108;
	s8 =	sld [smem:$0x3FA2]  }
0x2e: {  	s3 =	simm.s32 @!p0 $0x1082;
	s9 =	sld [smem:$0x3FA3]  }
0x2f: {  	lr =	sadd.s32 s0, s3;
	s0 =	sld [smem:$0x3F9A]  }
0x30: {  	s3 =	sld [smem:$0x3F9D]  }
0x31: {  	[smem:$0x3FA6] =	sst s10  }
0x32: {  	s10 =	sld [smem:$0x3FA4];
	_ =	sdelay $0x3  }
0x33: {  	p0 =	seq.s32 s10, $0x1;
	s10 =	sld [smem:$0x3FA6];
	_ =	sdelay $0x3  }
0x34: {  	[smem:$0x3FA6] =	sst s10  }
0x35: {  	s10 =	sld [smem:$0x3FA5];
	_ =	sdelay $0x3  }
0x36: {  	p1 =	seq.s32 s10, $0x1;
	s10 =	sld [smem:$0x3FA6];
	_ =	sdelay $0x3  }
0x37: {  	[smem:$0x3FA6] =	sst s10  }
0x38: {  	s10 =	sld [smem:$0x3FA7]  }
0x39: {  	_ = 	snop;
	(pc) =	sbr.ind lr, $3  }
0x3a: {  	_ = 	snop  }
0x3b: {  	_ = 	snop  }
0x3c: {  	p2 =	seq.s32 s10, $0x1;
	s10 =	sld [smem:$0x3FA6]  }
0x3d: {  	_ =	shalt  }
0x3e: {  	_ =	shalt  }
0x3f: {  	_ =	shalt  }
0x40: {  	_ =	shalt  }
0x41: {  	_ =	shalt  }
0x42: {  	_ =	shalt  }
0x43: {  	_ =	shalt  }
0x44: {  	_ =	shalt  }
0x45: {  	_ =	shalt  }
0x46: {  	_ =	shalt  }
0x47: {  	_ =	shalt  }
0x48: {  	_ =	shalt  }
0x49: {  	_ =	shalt  }
0x4a: {  	_ =	shalt  }
0x4b: {  	_ =	shalt  }
0x4c: {  	_ =	shalt  }
0x4d: {  	_ =	shalt  }
0x4e: {  	_ =	shalt  }
0x4f: {  	_ =	shalt  }
0x50: {  	_ =	shalt  }
0x51: {  	_ =	shalt  }
0x52: {  	_ =	shalt  }
0x53: {  	_ =	shalt  }
0x54: {  	_ =	shalt  }
0x55: {  	_ =	shalt  }
0x56: {  	_ =	shalt  }
0x57: {  	_ =	shalt  }
0x58: {  	_ =	shalt  }
0x59: {  	_ =	shalt  }
0x5a: {  	_ =	shalt  }
0x5b: {  	_ =	shalt  }
0x5c: {  	_ =	shalt  }
0x5d: {  	_ =	shalt  }
0x5e: {  	_ =	shalt  }
0x5f: {  	_ =	shalt  }
0x60: {  	_ =	shalt  }
0x61: {  	_ =	shalt  }
0x62: {  	_ =	shalt  }
0x63: {  	_ =	shalt  }
0x64: {  	_ =	shalt  }
0x65: {  	_ =	shalt  }
0x66: {  	_ =	shalt  }
0x67: {  	_ =	shalt  }
0x68: {  	_ =	shalt  }
0x69: {  	_ =	shalt  }
0x6a: {  	_ =	shalt  }
0x6b: {  	_ =	shalt  }
0x6c: {  	_ =	shalt  }
0x6d: {  	_ =	shalt  }
0x6e: {  	_ =	shalt  }
0x6f: {  	_ =	shalt  }
0x70: {  	_ =	shalt  }
0x71: {  	_ =	shalt  }
0x72: {  	_ =	shalt  }
0x73: {  	_ =	shalt  }
0x74: {  	_ =	shalt  }
0x75: {  	_ =	shalt  }
0x76: {  	_ =	shalt  }
0x77: {  	_ =	shalt  }
0x78: {  	_ =	shalt  }
0x79: {  	_ =	shalt  }
0x7a: {  	_ =	shalt  }
0x7b: {  	_ =	shalt  }
0x7c: {  	_ =	shalt  }
0x7d: {  	_ =	shalt  }
0x7e: {  	_ =	shalt  }
0x7f: {  	_ =	shalt  }
0x80: {  	_ =	shalt  }
0x81: {  	_ =	shalt  }
0x82: {  	_ =	shalt  }
0x83: {  	_ =	shalt  }
0x84: {  	_ =	shalt  }
0x85: {  	_ =	shalt  }
0x86: {  	_ =	shalt  }
0x87: {  	_ =	shalt  }
.Lfunc_end0:
.L_simem_size_0:
called_computation.3_lowered:
.L_overlay_start_0:
0x88: {  	s2 =	sld [smem:$0x3FD9]  }
0x89: {  	s3 =	sld [smem:$0x3FFE];
	_ =	sdelay $0x1  }
0x8a: {  	s1 =	srdreg.scid  }
0x8b: {  	s0 =	sand.u32 $0x1, s1  }
0x8c: {  	s14 =	sshll.u32 s0, $0xA;
	s2 =	sadd.s32 s3, s2  }
0x8d: {  	s2 =	sadd.s32 s2, s14  }
0x8e: {  	[smem:$0x3FB2] =	sst s2  }
0x8f: {  	_ = 	snop  }
0x90: {  	s2 =	sld [smem:$0x3FD0];
	_ =	sdelay $0x2  }
0x91: {  	s15 =	simm.s32 $0xB;
	s4 =	simm.s32 $0x10  }
0x92: {  	[smem:s4], [sflag:s15] =	dma.local [hbm:s2], $0x1  }
0x93: {  	_ =	swait.eq [sflag:s15], $0x1  }
0x94: {  	[sflag:s15] =	ssyncset.done $0x0  }
0x95: {  	[sflag:s15] =	ssyncadd.s32 $0xFFFFFFFF  }
0x96: {  	s16 =	sld [smem:$0x10];
	(tm) =	ssettm $0x1  }
0x97: {  	s17 =	sld [smem:$0x3FFB];
	_ =	sdelay $0x3  }
0x98: {  	_ =	strace s17  }
0x99: {  	s3 =	sld [smem:$0x3FFC];
	_ =	sdelay $0x3  }
0x9a: {  	_ =	strace s3  }
0x9b: {  	s3 =	sld [smem:$0x3FFD];
	_ =	sdelay $0x3  }
0x9c: {  	_ =	strace s3  }
0x9d: {  	_ =	strace $0x8FFFFFFF  }
0x9e: {  	s18 =	sld [smem:$0x3FDB];
	_ =	sdelay $0x1  }
0x9f: {  	s19 =	simm.s32 $_scs_section_size  }
0xa0: {  	s5 =	simm.s32 $_size__tile_overlayer_lowered;
	s6 =	simm.s32 $_tile_overlayer_lowered  }
0xa1: {  	s22 =	simm.s32 $0x1BFF;
	s21 =	sshll.u32 s6, $0x1;
	s3 =	sadd.s32 s19, s18  }
0xa2: {  	s7 =	simm.s32 $0x0;
	s20 =	sshll.u32 s5, $0x1;
	s5 =	sadd.s32 s21, s3  }
0xa3: {  	[timem:s7], [sflag:s22] =	dma.local [hbm:s5], s20  }
0xa4: {  	_ =	swait.ge [sflag:s22], s20  }
0xa5: {  	s4 =	ssub.s32 $0x0, s20;
	[sflag:s22] =	ssyncset.done $0x0  }
0xa6: {  	[sflag:s22] =	ssyncadd.s32 s4;
	_ =	sdelay $0x1  }
0xa7: {  	s23 =	simm.s32 $0x1B8B  }
0xa8: {  	_ =	swait.ge [sflag:s23], $0x1  }
0xa9: {  	[sflag:s23] =	ssyncset.done $0x0  }
0xaa: {  	s25 =	simm.s32 $0x1B8E;
	s24 =	sld [smem:$0x3FFE];
	[sflag:s23] =	ssyncadd.s32 $0xFFFFFFFF  }
0xab: {  	s26 =	simm.s32 $execute0_lowered;
	[smem:$0x3FD2] =	sst s25  }
0xac: {  	s5 =	sshll.u32 s26, $0x1;
	_ =	strace $0x8000004F;
	[dreg:$0x1] =	wrdreg $0xFFFFFFFF  }
0xad: {  	s28 =	simm.s32 $_size_execute0_lowered;
	s3 =	sadd.s32 s3, s5;
	[dreg:$0x0] =	wrdreg $0x0  }
0xae: {  	s5 =	sshll.u32 s28, $0x1;
	[dreg:$0x2] =	wrdreg s3  }
0xaf: {  	[dreg:$0x3] =	wrdreg s5  }
0xb0: {  	[dreg:$0x4] =	wrdreg $0xC0  }
0xb1: {  	_ =	task [dreg:s7], $0x5FFFF  }
0xb2: {  	[dreg:$0x1] =	wrdreg $0xFFFFFFFF  }
0xb3: {  	[dreg:$0x0] =	wrdreg $0x60  }
0xb4: {  	[dreg:$0x2] =	wrdreg s24  }
0xb5: {  	[dreg:$0x3] =	wrdreg s16  }
0xb6: {  	[dreg:$0x4] =	wrdreg $0x7C800  }
0xb7: {  	[dreg:$0x5] =	wrdreg $0x9  }
0xb8: {  	_ =	task.clear_ibuf [dreg:s7], $0x6FFFF;
	_ =	strace $0x9000004F  }
0xb9: {  	s29 =	simm.s32 $0x9;
	_ =	strace $0x80000051  }
0xba: {  	_ =	swait.ge [sflag:s29], $0x1  }
0xbb: {  	[sflag:s29] =	ssyncadd.s32 $0xFFFFFFFF  }
0xbc: {  	_ =	strace $0x90000051  }
0xbd: {  	_ =	sfence  }
0xbe: {  	s30 =	sld [smem:$0x0];
	_ =	sdelay $0x2  }
0xbf: {  	s31 =	sshll.u32 s1, $0xD;
	s1 =	sshrl.u32 s1, $0x2  }
0xc0: {  	s3 =	sand.u32 $0x4000, s31;
	s1 =	sadd.s32 s1, s30  }
0xc1: {  	s0 =	sor.u32 s3, s0;
	s1 =	sshll.u32 s1, $0x11  }
0xc2: {  	s0 =	sor.u32 s1, s0  }
0xc3: {  	s0 =	sadd.s32 $0x8F2B, s0  }
0xc4: {  	[sflag:s0] =	ssyncadd.remote.s32 $0x1  }
0xc5: {  	_ =	sfence.sel $0xFFFF  }
0xc6: {  	[dreg:$0x0] =	wrdreg $0xFFFFFFFF;
	(pc) =	sbr.abs _section_cstart, $3  }
0xc7: {  	[dreg:$0x1] =	wrdreg $0xFFFFFFFF  }
0xc8: {  	_ =	task.clear_ibuf [dreg:s7], $0x2FFFF;
	_ =	strace $0x9FFFFFFF  }
0xc9: {  	(tm) =	ssettm $0x7FFFFFFF  }
tec
execute0_lowered:
.L_overlay_start_1:
0x0: {  	(tag) =	ssettag $0x1  }
0x1: {  	s0 =	rddreg [dreg:$0x0]  }
0x2: {  	s1 =	rddreg [dreg:$0x1]  }
0x3: {  	s2 =	rddreg [dreg:$0x2]  }
0x4: {  	s3 =	srdreg.scid;
	s4 =	simm.s32 $0x0;
	s10 =	stileid.u32  }
0x5: {  	s28 =	simm.s32 $0x480;
	s29 =	simm.s32 $0x80;
	s30 =	simm.s32 $0x200  }
0x6: {  	s31 =	simm.s32 $0x7;
	s13 =	simm.s32 $0x100;
	s9 =	smul.u32 $0x50000, s10  }
0x7: {  	s3 =	sand.u32 $0x1, s3;
	[smem:$0x7FF] =	sst s4;
	s19 =	smul.u32 $0x2800, s10  }
0x8: {  	s5 =	sshll.u32 s3, $0x4;
	s7 =	smul.u32 $0x28000, s3;
	s3 =	ssub.s32 $0x2, s3  }
0x9: {  	_ =	strace $0x80000050;
	s6 =	sor.u32 s10, s5;
	s14 =	sshrl.u32 s3, $0x1  }
0xa: {  	s5 =	sadd.s32 $0x4E7A00, s0;
	s18 =	sshrl.u32 s9, $0x2;
	s3 =	ssub.s32 s3, s14  }
0xb: {  	s10 =	simm.s32 $0x3;
	s12 =	sadd.s32 s18, s2;
	s3 =	smax.u32 s3, $0x1  }
0xc: {  	s8 =	smul.u32 $0x2710, s6;
	s20 =	sadd.s32 $0x2800, s12;
	[dreg:$0x8] =	wrdreg s3  }
0xd: {  	s6 =	sadd.s32 $0x5A00, s0;
	s21 =	sadd.s32 $0x5000, s12;
	[dreg:$0x9] =	wrdreg s20  }
0xe: {  	s0 =	sadd.s32 s7, s0;
	s22 =	sadd.s32 $0x7800, s12;
	[dreg:$0xa] =	wrdreg s21  }
0xf: {  	s14 =	simm.s32 $0x5;
	s23 =	sadd.s32 $0xA000, s12;
	[dreg:$0xb] =	wrdreg s22  }
0x10: {  	s18 =	simm.s32 $0x300;
	s24 =	sadd.s32 $0xC800, s12;
	[dreg:$0xc] =	wrdreg s23  }
0x11: {  	s0 =	sadd.s32 $0x2DA00, s0;
	s25 =	sadd.s32 $0xF000, s12;
	[dreg:$0xd] =	wrdreg s24  }
0x12: {  	s26 =	sadd.s32 $0x11800, s12;
	s15 =	sshrl.u32 s8, $0x3;
	[dreg:$0xe] =	wrdreg s25  }
0x13: {  	[dreg:$0xf] =	wrdreg s26;
	s21 =	simm.s32 $0x180;
	s22 =	simm.s32 $0x2C80  }
0x14: {  	s23 =	simm.s32 $0xA;
	s0 =	sadd.s32 s19, s0;
	s25 =	simm.s32 $0x1  }
0x15: {  	s26 =	simm.s32 $0x50;
	s3 =	simm.s32 $0x400;
	s19 =	simm.s32 $0x280  }
0x16: {  	s20 =	simm.s32 $0x0;
	s11 =	sadd.s32 s5, s15;
	s16 =	sadd.s32 s1, s15  }
.Ltmp0:
0x17: {  	s7 =	sadd.s32 $0xA, s15;
	[dreg:$0x10] =	wrdreg s0;
	(pc) =	sbr.rel .LBB2_1-.Ltmp0, $4  }
0x18: {  	s0 =	simm.s32 $0x6;
	s15 =	simm.s32 $0x380;
	[dreg:$0x4] =	wrdreg s11  }
0x19: {  	[dreg:$0x5] =	wrdreg s16;
	s17 =	sadd.s32 s5, s7;
	s7 =	sadd.s32 s1, s7  }
0x1a: {  	s11 =	sadd.s32 $0xA0, s8;
	s16 =	simm.s32 $0x2;
	[dreg:$0x6] =	wrdreg s17  }
0x1b: {  	v0 =	vimm.f32 $0.0e+00;
	[dreg:$0x7] =	wrdreg s7;
	s7 =	simm.s32 $0x5480;
	s17 =	simm.s32 $0x4  }
.LBB2_10:
0x1c: {  	_ =	swait.ge [sflag:s0], $0x2800  }
0x1d: {  	[sflag:s0] =	ssyncset.done $0x0  }
0x1e: {  	[sflag:s0] =	ssyncadd.s32 $0xFFFFD800  }
0x1f: {  	_ =	swait.ge [sflag:s25], $0x50  }
0x20: {  	[sflag:s25] =	ssyncset.done $0x0  }
0x21: {  	[sflag:s25] =	ssyncadd.s32 $0xFFFFFFB0  }
0x22: {  	_ =	swait.ge [sflag:s25], $0x50  }
0x23: {  	[sflag:s25] =	ssyncset.done $0x0  }
0x24: {  	[sflag:s25] =	ssyncadd.s32 $0xFFFFFFB0  }
0x25: {  	_ =	swait.ge [sflag:s31], $0x2800  }
0x26: {  	[sflag:s31] =	ssyncset.done $0x0  }
0x27: {  	s8 =	simm.s32 $0x8;
	[sflag:s31] =	ssyncadd.s32 $0xFFFFD800  }
0x28: {  	_ =	swait.ge [sflag:s8], $0x2800  }
0x29: {  	[sflag:s8] =	ssyncset.done $0x0  }
0x2a: {  	s9 =	stileid.u32;
	[sflag:s8] =	ssyncadd.s32 $0xFFFFD800  }
0x2b: {  	s8 =	sshll.u32 s9, $0x6;
	[bflag:$0x0] =	sbarrier.arrive $0xFFFF  }
0x2c: {  	s9 =	sshrl.u32 s12, $0x3;
	s8 =	sor.u32 $0x1C0B, s8;
	s24 =	rddreg [dreg:$0x10]  }
0x2d: {  	[hbm:s24], [sflag:s8] =	dma.local [spmem:s9], $0x2800  }
0x2e: {  	s9 =	simm.s32 $0xB  }
0x2f: {  	_ =	swait.ge [sflag:s9], $0x2800  }
0x30: {  	s20 =	sadd.s32 $0x1, s20;
	s24 =	rddreg [dreg:$0x8]  }
0x31: {  	p0 =	sne.s32 s20, s24  }
.Ltmp1:
0x32: {  	_ = 	snop;
	(pc) =	sbr.rel @!p0 .LBB2_11-.Ltmp1, $3  }
0x33: {  	_ =	sdelay $0x1  }
0x34: {  	[sflag:s9] =	ssyncset.done $0x0  }
0x35: {  	[sflag:s9] =	ssyncadd.s32 $0xFFFFD800  }
.LBB2_1:
0x36: {  	s8 =	rddreg [dreg:$0x4]  }
0x37: {  	[tilespmem:s4], [sflag:$0x1] =	stream.linear.gather [hbm4b:s8+s4], $0x50, $0x38;
	[tilespmem:$0x1BC80] =	vst v63  }
0x38: {  	s24 =	rddreg [dreg:$0x5]  }
0x39: {  	[tilespmem:s21], [sflag:$0x1] =	stream.linear.gather [hbm4b:s24+s4], $0x50, $0x38;
	[tilespmem:$0x1BC80] =	vst v63  }
0x3a: {  	s8 =	simm.s32 $0x0;
	s24 =	simm.s32 $0x200  }
.LBB2_2:
0x3b: {  	p0 =	sne.s32 s24, $0x9E00;
	[tilespmem:s8+$0x2CF0] =	vst v0  }
0x3c: {  	[tilespmem:s8+$0x2C80] =	vst v0  }
0x3d: {  	[tilespmem:s8+$0x2C90] =	vst v0  }
.Ltmp2:
0x3e: {  	[tilespmem:s8+$0x2CA0] =	vst v0;
	(pc) =	sbr.rel @p0 .LBB2_2-.Ltmp2, $4  }
0x3f: {  	[tilespmem:s8+$0x2CB0] =	vst v0  }
0x40: {  	[tilespmem:s8+$0x2CC0] =	vst v0  }
0x41: {  	[tilespmem:s8+$0x2CD0] =	vst v0  }
0x42: {  	[tilespmem:s8+$0x2CE0] =	vst v0;
	s8 =	sshra.s32 s24, $0x2;
	s24 =	sadd.s32 $0x200, s24  }
0x43: {  	[tilespmem:s8+$0x2CF0] =	vst v0  }
0x44: {  	[tilespmem:s8+$0x2C80] =	vst v0  }
0x45: {  	[tilespmem:s8+$0x2C90] =	vst v0  }
0x46: {  	[tilespmem:s8+$0x2CA0] =	vst v0  }
0x47: {  	[tilespmem:s8+$0x2CB0] =	vst v0  }
0x48: {  	[tilespmem:s8+$0x2CC0] =	vst v0  }
0x49: {  	[tilespmem:s8+$0x2CD0] =	vst v0  }
0x4a: {  	[tilespmem:s8+$0x2CE0] =	vst v0  }
0x4b: {  	[spmem:s12] =	stream.linear.scatter [tilespmem:s22], [sflag:$0xA], $0x2800, $0x38;
	[tilespmem:$0x1BC80] =	vst v63  }
0x4c: {  	s24 =	rddreg [dreg:$0x9]  }
0x4d: {  	[spmem:s24] =	stream.linear.scatter [tilespmem:s22], [sflag:$0xA], $0x2800, $0x38;
	[tilespmem:$0x1BC80] =	vst v63  }
0x4e: {  	s9 =	rddreg [dreg:$0xa]  }
0x4f: {  	[spmem:s9] =	stream.linear.scatter [tilespmem:s22], [sflag:$0xA], $0x2800, $0x38;
	[tilespmem:$0x1BC80] =	vst v63  }
0x50: {  	s24 =	rddreg [dreg:$0xb]  }
0x51: {  	[spmem:s24] =	stream.linear.scatter [tilespmem:s22], [sflag:$0xA], $0x2800, $0x38;
	[tilespmem:$0x1BC80] =	vst v63  }
0x52: {  	s9 =	rddreg [dreg:$0xc]  }
0x53: {  	[spmem:s9] =	stream.linear.scatter [tilespmem:s22], [sflag:$0xA], $0x2800, $0x38;
	[tilespmem:$0x1BC80] =	vst v63  }
0x54: {  	s24 =	rddreg [dreg:$0xd]  }
0x55: {  	[spmem:s24] =	stream.linear.scatter [tilespmem:s22], [sflag:$0xA], $0x2800, $0x38;
	[tilespmem:$0x1BC80] =	vst v63  }
0x56: {  	s9 =	rddreg [dreg:$0xe]  }
0x57: {  	[spmem:s9] =	stream.linear.scatter [tilespmem:s22], [sflag:$0xA], $0x2800, $0x38;
	[tilespmem:$0x1BC80] =	vst v63  }
0x58: {  	s24 =	rddreg [dreg:$0xf]  }
0x59: {  	[spmem:s24] =	stream.linear.scatter [tilespmem:s22], [sflag:$0xA], $0x2800, $0x38;
	[tilespmem:$0x1BC80] =	vst v63  }
0x5a: {  	_ =	swait.ge [sflag:s23], $0x2800  }
0x5b: {  	[sflag:s23] =	ssyncset.done $0x0  }
0x5c: {  	[sflag:s23] =	ssyncadd.s32 $0xFFFFD800  }
0x5d: {  	_ =	swait.ge [sflag:s23], $0x2800  }
0x5e: {  	[sflag:s23] =	ssyncset.done $0x0  }
0x5f: {  	[sflag:s23] =	ssyncadd.s32 $0xFFFFD800  }
0x60: {  	_ =	swait.ge [sflag:s23], $0x2800  }
0x61: {  	[sflag:s23] =	ssyncset.done $0x0  }
0x62: {  	[sflag:s23] =	ssyncadd.s32 $0xFFFFD800  }
0x63: {  	_ =	swait.ge [sflag:s23], $0x2800  }
0x64: {  	[sflag:s23] =	ssyncset.done $0x0  }
0x65: {  	[sflag:s23] =	ssyncadd.s32 $0xFFFFD800  }
0x66: {  	_ =	swait.ge [sflag:s23], $0x2800  }
0x67: {  	[sflag:s23] =	ssyncset.done $0x0  }
0x68: {  	[sflag:s23] =	ssyncadd.s32 $0xFFFFD800  }
0x69: {  	_ =	swait.ge [sflag:s23], $0x2800  }
0x6a: {  	[sflag:s23] =	ssyncset.done $0x0  }
0x6b: {  	[sflag:s23] =	ssyncadd.s32 $0xFFFFD800  }
0x6c: {  	_ =	swait.ge [sflag:s23], $0x2800  }
0x6d: {  	[sflag:s23] =	ssyncset.done $0x0  }
0x6e: {  	[sflag:s23] =	ssyncadd.s32 $0xFFFFD800  }
0x6f: {  	_ =	swait.ge [sflag:s23], $0x2800  }
0x70: {  	[sflag:s23] =	ssyncset.done $0x0  }
0x71: {  	[sflag:s23] =	ssyncadd.s32 $0xFFFFD800  }
0x72: {  	_ =	swait.ge [sflag:s25], $0x50  }
0x73: {  	[sflag:s25] =	ssyncset.done $0x0  }
0x74: {  	[sflag:s25] =	ssyncadd.s32 $0xFFFFFFB0  }
0x75: {  	_ =	swait.ge [sflag:s25], $0x50  }
0x76: {  	[sflag:s25] =	ssyncset.done $0x0  }
0x77: {  	s24 =	simm.s32 $0x0;
	[sflag:s25] =	ssyncadd.s32 $0xFFFFFFB0  }
0x78: {  	[tilespmem:s28], [sflag:$0x4] =	stream.indirect.gather [hbm4b:s6+s26], $0x80, s24, s26, $0xb8;
	[tilespmem:$0x1BC80] =	vst v63  }
0x79: {  	s9 =	rddreg [dreg:$0x6]  }
0x7a: {  	[tilespmem:s29], [sflag:$0x2] =	stream.linear.gather [hbm4b:s9+s24], $0x50, $0x38;
	[tilespmem:$0x1BC80] =	vst v63  }
.Ltmp3:
0x7b: {  	_ = 	snop;
	(pc) =	sbr.rel .LBB2_4-.Ltmp3, $3  }
0x7c: {  	s9 =	rddreg [dreg:$0x7]  }
0x7d: {  	[tilespmem:s30], [sflag:$0x2] =	stream.linear.gather [hbm4b:s9+s24], $0x50, $0x38;
	[tilespmem:$0x1BC80] =	vst v63  }
0x7e: {  	[bflag:$0x0] =	sbarrier.arrive $0xFFFF;
	_ =	sdelay $0x1  }
.LBB2_8:
0x7f: {  	_ =	swait.ge [sflag:s25], $0x50  }
0x80: {  	[sflag:s25] =	ssyncset.done $0x0  }
0x81: {  	[sflag:s25] =	ssyncadd.s32 $0xFFFFFFB0  }
0x82: {  	_ =	swait.ge [sflag:s25], $0x50  }
0x83: {  	[sflag:s25] =	ssyncset.done $0x0  }
0x84: {  	[sflag:s25] =	ssyncadd.s32 $0xFFFFFFB0  }
0x85: {  	_ =	swait.ge [sflag:s31], $0x2800  }
0x86: {  	[sflag:s31] =	ssyncset.done $0x0  }
0x87: {  	[sflag:s31] =	ssyncadd.s32 $0xFFFFD800  }
0x88: {  	[tilespmem:s28], [sflag:$0x4] =	stream.indirect.gather [hbm4b:s6+s26], $0x80, s4, s26, $0xb8;
	[tilespmem:$0x1BC80] =	vst v63  }
0x89: {  	_ =	swait.ge [sflag:s0], $0x2800  }
0x8a: {  	[sflag:s0] =	ssyncset.done $0x0  }
0x8b: {  	[sflag:s0] =	ssyncadd.s32 $0xFFFFD800  }
0x8c: {  	v1 =	vld [tilespmem:$0x280]  }
0x8d: {  	v2 =	vld [tilespmem:$0x290]  }
0x8e: {  	v3 =	vld [tilespmem:$0x2A0]  }
0x8f: {  	v4 =	vld [tilespmem:$0x2B0]  }
0x90: {  	v5 =	vld [tilespmem:$0x2C0]  }
0x91: {  	[tilespmem:$0x400] =	vst v1  }
0x92: {  	s8 =	smul.u32 $0x50, s8;
	[tilespmem:$0x410] =	vst v2  }
0x93: {  	[tilespmem:$0x420] =	vst v3  }
0x94: {  	s8 =	sadd.s32 s8, s11;
	[tilespmem:$0x430] =	vst v4  }
0x95: {  	s8 =	sshrl.u32 s8, $0x3;
	[tilespmem:$0x440] =	vst v5  }
0x96: {  	[spmem:s2] =	stream.indirect.scatter.add.f32 [tilespmem:s7], [sflag:$0x9], $0x80, s3, s26, $0xb8;
	[tilespmem:$0x1BC80] =	vst v63  }
0x97: {  	s9 =	sadd.s32 s5, s8  }
0x98: {  	[tilespmem:s29], [sflag:$0x2] =	stream.linear.gather [hbm4b:s9+s4], $0x50, $0x38;
	[tilespmem:$0x1BC80] =	vst v63  }
0x99: {  	s8 =	sadd.s32 s1, s8  }
0x9a: {  	[tilespmem:s30], [sflag:$0x2] =	stream.linear.gather [hbm4b:s8+s4], $0x50, $0x38;
	[tilespmem:$0x1BC80] =	vst v63  }
.LBB2_9:
0x9b: {  	s24 =	sadd.s32 $0x1, s24  }
0x9c: {  	p0 =	sne.s32 s24, $0x7D  }
.Ltmp4:
0x9d: {  	_ = 	snop;
	(pc) =	sbr.rel @!p0 .LBB2_10-.Ltmp4, $1  }
0x9e: {  	_ =	sdelay $0x3  }
.LBB2_4:
0x9f: {  	s8 =	smul.u32 $0xAB, s24;
	_ =	sdelay $0x1  }
0xa0: {  	s8 =	sshrl.u32 s8, $0x9  }
0xa1: {  	s8 =	sand.u32 $0x7F, s8  }
0xa2: {  	s8 =	smul.u32 $0x3, s8;
	_ =	sdelay $0x1  }
0xa3: {  	s8 =	ssub.s32 s24, s8  }
0xa4: {  	s9 =	sand.u32 $0xFF, s8  }
0xa5: {  	p0 =	seq.s32 s9, $0x2  }
.Ltmp5:
0xa6: {  	_ = 	snop;
	(pc) =	sbr.rel @p0 .LBB2_8-.Ltmp5, $2  }
0xa7: {  	_ =	sdelay $0x2  }
0xa8: {  	s8 =	smin.u32 s24, $0x7A  }
0xa9: {  	p0 =	seq.s32 s9, $0x1  }
.Ltmp6:
0xaa: {  	_ = 	snop;
	(pc) =	sbr.rel @!p0 .LBB2_6-.Ltmp6, $1  }
0xab: {  	_ =	sdelay $0x3  }
0xac: {  	_ =	swait.ge [sflag:s10], $0x50  }
0xad: {  	[sflag:s10] =	ssyncset.done $0x0  }
0xae: {  	[sflag:s10] =	ssyncadd.s32 $0xFFFFFFB0  }
0xaf: {  	_ =	swait.ge [sflag:s10], $0x50  }
0xb0: {  	p0 =	slt.u32 s24, $0x2;
	[sflag:s10] =	ssyncset.done $0x0  }
0xb1: {  	s9 =	simm.s32 @!p0 $0x9;
	[sflag:s10] =	ssyncadd.s32 $0xFFFFFFB0  }
0xb2: {  	_ =	swait.ge @!p0 [sflag:s9], $0x2800  }
0xb3: {  	[sflag:s9] =	ssyncset.done @!p0 $0x0  }
0xb4: {  	[sflag:s9] =	ssyncadd.s32 @!p0 $0xFFFFD800  }
0xb5: {  	[tilespmem:s7], [sflag:$0x6] =	stream.indirect.gather [hbm4b:s6+s26], $0x80, s13, s26, $0xb8;
	[tilespmem:$0x1BC80] =	vst v63  }
0xb6: {  	_ =	swait.ge [sflag:s14], $0x2800  }
0xb7: {  	[sflag:s14] =	ssyncset.done $0x0  }
0xb8: {  	[sflag:s14] =	ssyncadd.s32 $0xFFFFD800  }
0xb9: {  	v1 =	vld [tilespmem:$0x200]  }
0xba: {  	v2 =	vld [tilespmem:$0x210]  }
0xbb: {  	v3 =	vld [tilespmem:$0x220]  }
0xbc: {  	v4 =	vld [tilespmem:$0x230]  }
0xbd: {  	v5 =	vld [tilespmem:$0x240]  }
0xbe: {  	[tilespmem:$0x380] =	vst v1  }
0xbf: {  	[tilespmem:$0x390] =	vst v2  }
0xc0: {  	s8 =	smul.u32 $0x50, s8;
	[tilespmem:$0x3A0] =	vst v3  }
0xc1: {  	[tilespmem:$0x3B0] =	vst v4  }
0xc2: {  	s8 =	sadd.s32 s8, s11;
	[tilespmem:$0x3C0] =	vst v5  }
0xc3: {  	[spmem:s2] =	stream.indirect.scatter.add.f32 [tilespmem:s22], [sflag:$0x8], $0x80, s15, s26, $0xb8;
	[tilespmem:$0x1BC80] =	vst v63  }
.Ltmp7:
0xc4: {  	s8 =	sshrl.u32 s8, $0x3;
	(pc) =	sbr.rel .LBB2_9-.Ltmp7, $4  }
0xc5: {  	s9 =	sadd.s32 s5, s8  }
0xc6: {  	[tilespmem:s4], [sflag:$0x1] =	stream.linear.gather [hbm4b:s9+s4], $0x50, $0x38;
	[tilespmem:$0x1BC80] =	vst v63  }
0xc7: {  	s8 =	sadd.s32 s1, s8  }
0xc8: {  	[tilespmem:s21], [sflag:$0x1] =	stream.linear.gather [hbm4b:s8+s4], $0x50, $0x38;
	[tilespmem:$0x1BC80] =	vst v63  }
.LBB2_6:
0xc9: {  	_ =	swait.ge [sflag:s16], $0x50  }
0xca: {  	[sflag:s16] =	ssyncset.done $0x0  }
0xcb: {  	[sflag:s16] =	ssyncadd.s32 $0xFFFFFFB0  }
0xcc: {  	_ =	swait.ge [sflag:s16], $0x50  }
0xcd: {  	p0 =	slt.u32 s24, $0x2;
	[sflag:s16] =	ssyncset.done $0x0  }
0xce: {  	s9 =	simm.s32 @!p0 $0x8;
	[sflag:s16] =	ssyncadd.s32 $0xFFFFFFB0  }
0xcf: {  	_ =	swait.ge @!p0 [sflag:s9], $0x2800  }
0xd0: {  	[sflag:s9] =	ssyncset.done @!p0 $0x0  }
0xd1: {  	[sflag:s9] =	ssyncadd.s32 @!p0 $0xFFFFD800  }
0xd2: {  	[tilespmem:s22], [sflag:$0x5] =	stream.indirect.gather [hbm4b:s6+s26], $0x80, s29, s26, $0xb8;
	[tilespmem:$0x1BC80] =	vst v63  }
0xd3: {  	_ =	swait.ge [sflag:s17], $0x2800  }
0xd4: {  	[sflag:s17] =	ssyncset.done $0x0  }
0xd5: {  	[sflag:s17] =	ssyncadd.s32 $0xFFFFD800  }
0xd6: {  	v1 =	vld [tilespmem:$0x180]  }
0xd7: {  	v2 =	vld [tilespmem:$0x190]  }
0xd8: {  	v3 =	vld [tilespmem:$0x1A0]  }
0xd9: {  	v4 =	vld [tilespmem:$0x1B0]  }
0xda: {  	v5 =	vld [tilespmem:$0x1C0]  }
0xdb: {  	[tilespmem:$0x300] =	vst v1  }
0xdc: {  	[tilespmem:$0x310] =	vst v2  }
0xdd: {  	s8 =	smul.u32 $0x50, s8;
	[tilespmem:$0x320] =	vst v3  }
0xde: {  	[tilespmem:$0x330] =	vst v4  }
0xdf: {  	s8 =	sadd.s32 s8, s11;
	[tilespmem:$0x340] =	vst v5  }
0xe0: {  	[spmem:s2] =	stream.indirect.scatter.add.f32 [tilespmem:s28], [sflag:$0x7], $0x80, s18, s26, $0xb8;
	[tilespmem:$0x1BC80] =	vst v63  }
.Ltmp8:
0xe1: {  	s8 =	sshrl.u32 s8, $0x3;
	(pc) =	sbr.rel .LBB2_9-.Ltmp8, $4  }
0xe2: {  	s9 =	sadd.s32 s5, s8  }
0xe3: {  	[tilespmem:s13], [sflag:$0x3] =	stream.linear.gather [hbm4b:s9+s4], $0x50, $0x38;
	[tilespmem:$0x1BC80] =	vst v63  }
0xe4: {  	s8 =	sadd.s32 s1, s8  }
0xe5: {  	[tilespmem:s19], [sflag:$0x3] =	stream.linear.gather [hbm4b:s8+s4], $0x50, $0x38;
	[tilespmem:$0x1BC80] =	vst v63  }
.LBB2_11:
0xe6: {  	_ =	sfence.sel $0x180000  }
0xe7: {  	[bflag:$0x0] =	sbarrier.arrive $0xFFFF  }
0xe8: {  	_ =	strace $0x90000050  }
0xe9: {  	s0 =	stileid.u32;
	[bflag:$0x2] =	sbarrier.arrive $0xFFFF  }
0xea: {  	p0 =	sne.s32 s0, $0x0;
	s0 =	rddreg [dreg:$0x3]  }
0xeb: {  	s0 =	sadd.s32 @!p0 $0x100000, s0  }
0xec: {  	[sflag:s0] =	ssyncadd.tile.s32 @!p0 $0x1;
	_ =	shalt  }
.Lfunc_end2:
_tile_overlayer_lowered:
.L_overlay_start_2:
0xed: {  	(tag) =	ssettag $0x2  }
0xee: {  	s0 =	rddreg [dreg:$0x0];
	s2 =	stileid.u32  }
0xef: {  	s1 =	rddreg [dreg:$0x1];
	p0 =	sne.s32 s2, $0x0  }
0xf0: {  	s3 =	rddreg [dreg:$0x2];
	[bflag:$0x3] =	sbarrier.arrive $0xFFFF;
	s2 =	simm.s32 @!p0 $0x1C0B  }
0xf1: {  	[timem:s3], [sflag:s2] =	dma.local @!p0 [hbm:s0], s1  }
0xf2: {  	s0 =	simm.s32 @!p0 $0xB  }
0xf3: {  	_ =	swait.ge @!p0 [sflag:s0], s1  }
0xf4: {  	s1 =	ssub.s32 @!p0 $0x0, s1;
	[sflag:s0] =	ssyncset.done @!p0 $0x0  }
0xf5: {  	[sflag:s0] =	ssyncadd.s32 @!p0 s1  }
0xf6: {  	[bflag:$0x3] =	sbarrier.arrive $0xFFFF  }
0xf7: {  	_ =	shalt  }

</sc_bundles>
